<compile_context>
chip_gen: v7x
topology: tpu7x:2x2x1
jax: 0.10.2.dev20260603
libtpu: 0.0.44.dev20260713+nightly
codegen_flags: <defaults>
</compile_context>

<pallas_src>
import functools

import jax
import jax.numpy as jnp
from jax import lax
from jax.experimental import pallas as pl
from jax.experimental.pallas import tpu as pltpu
from jax.experimental.pallas import tpu_sc as plsc

_N = 10000
_E = 320000
_D = 128
_H = 128

_NPAD = 10240
_NC = 2
_NS = 16
_NW = _NC * _NS
_CH = 64
_CPW = 160
_G = 16
_NG = _CPW // _G
_EPW = _CH * _CPW
_EPAD = _NW * _EPW
_RPS = _NPAD // _NS
_RB = 1024

_mesh = plsc.VectorSubcoreMesh(core_axis_name="c", subcore_axis_name="s")


def _make_agg(gather):
  def body(table, srcm, dstm, zeros, out, src_v, dst_v, rows_a, rows_b,
           rows_c, rows_d, acc_sh, sem_a, sem_b, sem_c, sem_d, sem_e):
    rows_v = rows_a
    c = lax.axis_index("c")
    s = lax.axis_index("s")
    w = s * _NC + c

    pltpu.sync_copy(zeros.at[pl.ds(0, _CH)], rows_v)

    def zstep(t, carry):
      pltpu.sync_copy(rows_v, acc_sh.at[pl.ds(s * _RPS + t * _CH, _CH)])
      return carry

    lax.fori_loop(0, _RPS // _CH, zstep, 0)
    plsc.subcore_barrier()

    if not gather:
      pltpu.sync_copy(table.at[pl.ds(0, _CH)], rows_v)

    def group(g, carry):
      base = w * _CPW + g * _G
      if gather:
        pltpu.sync_copy(srcm.at[pl.ds(base, _G)], src_v)
      pltpu.sync_copy(dstm.at[pl.ds(base, _G)], dst_v)

      if gather:
        bufs = (rows_a, rows_b, rows_c, rows_d)
        gsems = (sem_a, sem_b, sem_c, sem_d)
        hg = [None] * _G
        hs = [None] * _G
        for j in range(2):
          hg[j] = pltpu.async_copy(
              table.at[src_v.at[j]], bufs[j % 4], gsems[j % 4])
        for j in range(_G):
          if j + 2 < _G:
            hg[j + 2] = pltpu.async_copy(
                table.at[src_v.at[j + 2]], bufs[(j + 2) % 4], gsems[(j + 2) % 4])
          hg[j].wait()
          if j >= 1:
            hs[j - 1].wait()
          hs[j] = pltpu.async_copy(
              bufs[j % 4], acc_sh.at[dst_v.at[j]], sem_e, add=True)
        hs[_G - 1].wait()
      else:
        for j in range(_G):
          pltpu.sync_copy(rows_v, acc_sh.at[dst_v.at[j]], add=True)
      return carry

    lax.fori_loop(0, _NG, group, 0)
    plsc.subcore_barrier()

    def wstep(t, carry):
      r = s * _RPS + t * _CH
      pltpu.sync_copy(acc_sh.at[pl.ds(r, _CH)], rows_v)
      pltpu.sync_copy(rows_v, out.at[c, pl.ds(r, _CH)])
      return carry

    lax.fori_loop(0, _RPS // _CH, wstep, 0)

  return functools.partial(
      pl.kernel, mesh=_mesh,
      out_type=jax.ShapeDtypeStruct((_NC, _NPAD, _D), jnp.float32),
      scratch_types=[
          pltpu.VMEM((_G, _CH), jnp.int32),
          pltpu.VMEM((_G, _CH), jnp.int32),
          pltpu.VMEM((_CH, _D), jnp.float32),
          pltpu.VMEM((_CH, _D), jnp.float32),
          pltpu.VMEM((_CH, _D), jnp.float32),
          pltpu.VMEM((_CH, _D), jnp.float32),
          pltpu.VMEM_SHARED((_NPAD, _D), jnp.float32),
          pltpu.SemaphoreType.DMA,
          pltpu.SemaphoreType.DMA,
          pltpu.SemaphoreType.DMA,
          pltpu.SemaphoreType.DMA,
          pltpu.SemaphoreType.DMA,
      ])(body)


_agg = _make_agg(True)
_deg_pass = _make_agg(False)


def _mm(x, w):
  def body(x_ref, w_ref, o_ref):
    o_ref[...] = jnp.dot(x_ref[...], w_ref[...],
                         preferred_element_type=jnp.float32)
  return pl.pallas_call(
      body,
      grid=(_NPAD // _RB,),
      in_specs=[pl.BlockSpec((_RB, _D), lambda i: (i, 0)),
                pl.BlockSpec((_D, _H), lambda i: (0, 0))],
      out_specs=pl.BlockSpec((_RB, _H), lambda i: (i, 0)),
      out_shape=jax.ShapeDtypeStruct((_NPAD, _H), jnp.float32),
  )(x, w)


def _combine_relu_mm(p, deg, b, w):
  def body(p_ref, d_ref, b_ref, w_ref, o_ref):
    ps = p_ref[0] + p_ref[1]
    dg = jnp.maximum(d_ref[0, :, 0:1] + d_ref[1, :, 0:1], 1.0)
    h = jnp.maximum(ps / dg + b_ref[...], 0.0)
    o_ref[...] = jnp.dot(h, w_ref[...], preferred_element_type=jnp.float32)
  return pl.pallas_call(
      body,
      grid=(_NPAD // _RB,),
      in_specs=[pl.BlockSpec((_NC, _RB, _H), lambda i: (0, i, 0)),
                pl.BlockSpec((_NC, _RB, _H), lambda i: (0, i, 0)),
                pl.BlockSpec((1, _H), lambda i: (0, 0)),
                pl.BlockSpec((_H, _H), lambda i: (0, 0))],
      out_specs=pl.BlockSpec((_RB, _H), lambda i: (i, 0)),
      out_shape=jax.ShapeDtypeStruct((_NPAD, _H), jnp.float32),
  )(p, deg, b, w)


def _combine_bias(p, deg, b):
  def body(p_ref, d_ref, b_ref, o_ref):
    ps = p_ref[0] + p_ref[1]
    dg = jnp.maximum(d_ref[0, :, 0:1] + d_ref[1, :, 0:1], 1.0)
    o_ref[...] = ps / dg + b_ref[...]
  return pl.pallas_call(
      body,
      grid=(_NPAD // _RB,),
      in_specs=[pl.BlockSpec((_NC, _RB, _H), lambda i: (0, i, 0)),
                pl.BlockSpec((_NC, _RB, _H), lambda i: (0, i, 0)),
                pl.BlockSpec((1, _H), lambda i: (0, 0))],
      out_specs=pl.BlockSpec((_RB, _H), lambda i: (i, 0)),
      out_shape=jax.ShapeDtypeStruct((_NPAD, _H), jnp.float32),
  )(p, deg, b)


def kernel(x, edge_index, W1, b1, W2, b2):
  pad_e = _EPAD - _E
  pad_idx = (_N + jnp.arange(pad_e, dtype=jnp.int32) % (_NPAD - _N))
  srcm = jnp.concatenate([edge_index[0], pad_idx]).reshape(_EPAD // _CH, _CH)
  dstm = jnp.concatenate([edge_index[1], pad_idx]).reshape(_EPAD // _CH, _CH)
  x_pad = jnp.pad(x, ((0, _NPAD - _N), (0, 0)))
  zeros = jnp.zeros((_NPAD, _D), jnp.float32)
  ones_tbl = jnp.ones((_CH, _D), jnp.float32)
  b1r = b1.reshape(1, _H)
  b2r = b2.reshape(1, _H)

  y1 = _mm(x_pad, W1)
  deg = _deg_pass(ones_tbl, srcm, dstm, zeros)
  p1 = _agg(y1, srcm, dstm, zeros)
  y2 = _combine_relu_mm(p1, deg, b1r, W2)
  p2 = _agg(y2, srcm, dstm, zeros)
  return _combine_bias(p2, deg, b2r)[:_N]

# --- scband reference (transcript-rebuilt; emitter-appended) ---
"""Pipeline reference for scband-encoder-7791070675513 (READ-ONLY COPY).

The authoritative reference and input builder live on the scoring server;
editing this copy changes nothing except your own understanding.
"""

import jax, jax.numpy as jnp
import numpy as np

N = 10000
E = 320000
D = 128
H = 128


def setup_inputs(seed: int = 0) -> dict:
    key = jax.random.key(seed)
    k1, k2, k3, k4 = jax.random.split(key, 4)
    x = jax.random.normal(k1, (N, D), dtype=jnp.float32)
    edge_index = jax.random.randint(k2, (2, E), 0, N, dtype=jnp.int32)
    # GCN encoder params: n_layers=2 -> two linear layers (hidden + output, both width n_hidden)
    W1 = jax.random.normal(k3, (D, H), dtype=jnp.float32) * (1.0 / np.sqrt(D))
    b1 = jnp.zeros((H,), dtype=jnp.float32)
    W2 = jax.random.normal(k4, (H, H), dtype=jnp.float32) * (1.0 / np.sqrt(H))
    b2 = jnp.zeros((H,), dtype=jnp.float32)
    return {"x": x, "edge_index": edge_index, "W1": W1, "b1": b1, "W2": W2, "b2": b2}


def reference(x, edge_index, W1, b1, W2, b2):
    # Encoder.forward with corrupt=False, infer=False: features = MiniBatchGCNSampling(nf)
    # GCN sampling layer: h_dst = act(Linear(mean_{src in N(dst)} h_src))
    src = edge_index[0]
    dst = edge_index[1]
    ones = jnp.ones((E,), dtype=jnp.float32)
    deg = jax.ops.segment_sum(ones, dst, num_segments=N)
    deg = jnp.maximum(deg, 1.0)[:, None]
    # layer 1 (hidden, relu activation)
    msg = jnp.take(x, src, axis=0)
    agg = jax.ops.segment_sum(msg, dst, num_segments=N) / deg
    h = jax.nn.relu(agg @ W1 + b1)
    # layer 2 (output projection to n_classes=n_hidden, no activation)
    msg = jnp.take(h, src, axis=0)
    agg = jax.ops.segment_sum(msg, dst, num_segments=N) / deg
    out = agg @ W2 + b2
    return out

if __name__ == "__main__":
    import jax
    _d = setup_inputs()
    print(jax.jit(kernel)(*tuple(_d.values())))

</pallas_src>

<mosaic_0001>
#map = affine_map<(d0, d1) -> (0, 0)>
#map1 = affine_map<(d0, d1) -> (0, 0, 0)>
module attributes {stable_mosaic.version = 14 : i64} {
  func.func @body(%arg0: i32, %arg1: i32, %arg2: memref<10240x128xf32, #tpu.memory_space<hbm>>, %arg3: memref<5120x64xi32, #tpu.memory_space<hbm>>, %arg4: memref<5120x64xi32, #tpu.memory_space<hbm>>, %arg5: memref<10240x128xf32, #tpu.memory_space<hbm>>, %arg6: memref<2x10240x128xf32, #tpu.memory_space<hbm>>, %arg7: memref<16x64xi32, #tpu.memory_space<vmem>>, %arg8: memref<16x64xi32, #tpu.memory_space<vmem>>, %arg9: memref<64x128xf32, #tpu.memory_space<vmem>>, %arg10: memref<64x128xf32, #tpu.memory_space<vmem>>, %arg11: memref<64x128xf32, #tpu.memory_space<vmem>>, %arg12: memref<64x128xf32, #tpu.memory_space<vmem>>, %arg13: memref<10240x128xf32, #tpu.memory_space<vmem_shared>>, %arg14: memref<!tpu.dma_semaphore, #tpu.memory_space<semaphore_mem>>, %arg15: memref<!tpu.dma_semaphore, #tpu.memory_space<semaphore_mem>>, %arg16: memref<!tpu.dma_semaphore, #tpu.memory_space<semaphore_mem>>, %arg17: memref<!tpu.dma_semaphore, #tpu.memory_space<semaphore_mem>>, %arg18: memref<!tpu.dma_semaphore, #tpu.memory_space<semaphore_mem>>) attributes {dimension_semantics = [#tpu.dimension_semantics<core_parallel>, #tpu.dimension_semantics<subcore_parallel>], iteration_bounds = array<i64: 2, 16>, scalar_prefetch = 0 : i64, scratch_operands = 12 : i64, tpu.core_type = #tpu.core_type<sc_vector_subcore>, window_params = [{transform_indices = #map}, {transform_indices = #map}, {transform_indices = #map}, {transform_indices = #map}, {transform_indices = #map1}]} {
    %mul3A = arith.constant 2 : i32
    %mul3A_0 = arith.muli %arg1, %mul3A : i32
    %add3A = arith.addi %mul3A_0, %arg0 : i32
    "tpu.region"() ({
      %run_scoped3A = tpu.sem_alloc : memref<!tpu.dma_semaphore, #tpu.memory_space<semaphore_mem>>
      %dma_start3A = arith.constant 0 : i32
      %dma_start3A_19 = arith.constant 0 : i32
      %dma_start3A_20 = tpu.memref_slice %arg5[%dma_start3A, %dma_start3A_19] : memref<10240x128xf32, #tpu.memory_space<hbm>> -> memref<64x128xf32, #tpu.memory_space<hbm>>
      %dma_start3A_21 = arith.constant 0 : i32
      %dma_start3A_22 = arith.constant 0 : i32
      %dma_start3A_23 = tpu.memref_slice %arg5[%dma_start3A_21, %dma_start3A_22] : memref<10240x128xf32, #tpu.memory_space<hbm>> -> memref<64x128xf32, #tpu.memory_space<hbm>>
      tpu.enqueue_dma source(%dma_start3A_23 : memref<64x128xf32, #tpu.memory_space<hbm>>) target(%arg9 : memref<64x128xf32, #tpu.memory_space<vmem>>) target_semaphore(%run_scoped3A : memref<!tpu.dma_semaphore, #tpu.memory_space<semaphore_mem>>)
      %dma_wait3A = arith.constant 0 : i32
      %dma_wait3A_24 = arith.constant 0 : i32
      %dma_wait3A_25 = tpu.memref_slice %arg5[%dma_wait3A, %dma_wait3A_24] : memref<10240x128xf32, #tpu.memory_space<hbm>> -> memref<64x128xf32, #tpu.memory_space<hbm>>
      %dma_wait3A_26 = arith.constant 0 : i32
      %dma_wait3A_27 = arith.constant 0 : i32
      %dma_wait3A_28 = tpu.memref_slice %arg5[%dma_wait3A_26, %dma_wait3A_27] : memref<10240x128xf32, #tpu.memory_space<hbm>> -> memref<64x128xf32, #tpu.memory_space<hbm>>
      tpu.wait_dma2 semaphore(%run_scoped3A : memref<!tpu.dma_semaphore, #tpu.memory_space<semaphore_mem>>) src(%dma_wait3A_28 : memref<64x128xf32, #tpu.memory_space<hbm>>) dst(%arg9 : memref<64x128xf32, #tpu.memory_space<vmem>>)
      tpu.yield
    }) : () -> ()
    %scan3A = arith.constant 0 : i32
    %scan3A_1 = arith.constant 0 : i32
    %scan3A_2 = arith.constant 10 : i32
    %scan3A_3 = arith.addi %scan3A_1, %scan3A_2 : i32
    %scan3A_4 = arith.constant 1 : i32
    scf.for %scan3A_19 = %scan3A_1 to %scan3A_3 step %scan3A_4  : i32 {
      %mul3A_20 = arith.constant 640 : i32
      %mul3A_21 = arith.muli %arg1, %mul3A_20 : i32
      %mul3A_22 = arith.constant 64 : i32
      %mul3A_23 = arith.muli %scan3A_19, %mul3A_22 : i32
      %add3A_24 = arith.addi %mul3A_21, %mul3A_23 : i32
      "tpu.region"() ({
        %run_scoped3A = tpu.sem_alloc : memref<!tpu.dma_semaphore, #tpu.memory_space<semaphore_mem>>
        %dma_start3A = arith.constant 0 : i32
        %dma_start3A_25 = tpu.memref_slice %arg13[%add3A_24, %dma_start3A] : memref<10240x128xf32, #tpu.memory_space<vmem_shared>> -> memref<64x128xf32, #tpu.memory_space<vmem_shared>>
        %dma_start3A_26 = arith.constant 0 : i32
        %dma_start3A_27 = tpu.memref_slice %arg13[%add3A_24, %dma_start3A_26] : memref<10240x128xf32, #tpu.memory_space<vmem_shared>> -> memref<64x128xf32, #tpu.memory_space<vmem_shared>>
        tpu.enqueue_dma source(%arg9 : memref<64x128xf32, #tpu.memory_space<vmem>>) target(%dma_start3A_27 : memref<64x128xf32, #tpu.memory_space<vmem_shared>>) target_semaphore(%run_scoped3A : memref<!tpu.dma_semaphore, #tpu.memory_space<semaphore_mem>>)
        %dma_wait3A = arith.constant 0 : i32
        %dma_wait3A_28 = tpu.memref_slice %arg13[%add3A_24, %dma_wait3A] : memref<10240x128xf32, #tpu.memory_space<vmem_shared>> -> memref<64x128xf32, #tpu.memory_space<vmem_shared>>
        %dma_wait3A_29 = arith.constant 0 : i32
        %dma_wait3A_30 = tpu.memref_slice %arg13[%add3A_24, %dma_wait3A_29] : memref<10240x128xf32, #tpu.memory_space<vmem_shared>> -> memref<64x128xf32, #tpu.memory_space<vmem_shared>>
        tpu.wait_dma2 semaphore(%run_scoped3A : memref<!tpu.dma_semaphore, #tpu.memory_space<semaphore_mem>>) src(%arg9 : memref<64x128xf32, #tpu.memory_space<vmem>>) dst(%dma_wait3A_30 : memref<64x128xf32, #tpu.memory_space<vmem_shared>>)
        tpu.yield
      }) : () -> ()
    }
    %scan3A_5 = arith.constant 10 : i32
    %barrier3A = arith.constant 0 : index
    tpu.barrier barrier_id(%barrier3A)
    %scan3A_6 = arith.constant 0 : i32
    %scan3A_7 = arith.constant 0 : i32
    %scan3A_8 = arith.constant 10 : i32
    %scan3A_9 = arith.addi %scan3A_7, %scan3A_8 : i32
    %scan3A_10 = arith.constant 1 : i32
    scf.for %scan3A_19 = %scan3A_7 to %scan3A_9 step %scan3A_10  : i32 {
      %mul3A_20 = arith.constant 160 : i32
      %mul3A_21 = arith.muli %add3A, %mul3A_20 : i32
      %mul3A_22 = arith.constant 16 : i32
      %mul3A_23 = arith.muli %scan3A_19, %mul3A_22 : i32
      %add3A_24 = arith.addi %mul3A_21, %mul3A_23 : i32
      "tpu.region"() ({
        %run_scoped3A = tpu.sem_alloc : memref<!tpu.dma_semaphore, #tpu.memory_space<semaphore_mem>>
        %dma_start3A_471 = arith.constant 0 : i32
        %dma_start3A_472 = tpu.memref_slice %arg3[%add3A_24, %dma_start3A_471] : memref<5120x64xi32, #tpu.memory_space<hbm>> -> memref<16x64xi32, #tpu.memory_space<hbm>>
        %dma_start3A_473 = arith.constant 0 : i32
        %dma_start3A_474 = tpu.memref_slice %arg3[%add3A_24, %dma_start3A_473] : memref<5120x64xi32, #tpu.memory_space<hbm>> -> memref<16x64xi32, #tpu.memory_space<hbm>>
        tpu.enqueue_dma source(%dma_start3A_474 : memref<16x64xi32, #tpu.memory_space<hbm>>) target(%arg7 : memref<16x64xi32, #tpu.memory_space<vmem>>) target_semaphore(%run_scoped3A : memref<!tpu.dma_semaphore, #tpu.memory_space<semaphore_mem>>)
        %dma_wait3A_475 = arith.constant 0 : i32
        %dma_wait3A_476 = tpu.memref_slice %arg3[%add3A_24, %dma_wait3A_475] : memref<5120x64xi32, #tpu.memory_space<hbm>> -> memref<16x64xi32, #tpu.memory_space<hbm>>
        %dma_wait3A_477 = arith.constant 0 : i32
        %dma_wait3A_478 = tpu.memref_slice %arg3[%add3A_24, %dma_wait3A_477] : memref<5120x64xi32, #tpu.memory_space<hbm>> -> memref<16x64xi32, #tpu.memory_space<hbm>>
        tpu.wait_dma2 semaphore(%run_scoped3A : memref<!tpu.dma_semaphore, #tpu.memory_space<semaphore_mem>>) src(%dma_wait3A_478 : memref<16x64xi32, #tpu.memory_space<hbm>>) dst(%arg7 : memref<16x64xi32, #tpu.memory_space<vmem>>)
        tpu.yield
      }) : () -> ()
      "tpu.region"() ({
        %run_scoped3A = tpu.sem_alloc : memref<!tpu.dma_semaphore, #tpu.memory_space<semaphore_mem>>
        %dma_start3A_471 = arith.constant 0 : i32
        %dma_start3A_472 = tpu.memref_slice %arg4[%add3A_24, %dma_start3A_471] : memref<5120x64xi32, #tpu.memory_space<hbm>> -> memref<16x64xi32, #tpu.memory_space<hbm>>
        %dma_start3A_473 = arith.constant 0 : i32
        %dma_start3A_474 = tpu.memref_slice %arg4[%add3A_24, %dma_start3A_473] : memref<5120x64xi32, #tpu.memory_space<hbm>> -> memref<16x64xi32, #tpu.memory_space<hbm>>
        tpu.enqueue_dma source(%dma_start3A_474 : memref<16x64xi32, #tpu.memory_space<hbm>>) target(%arg8 : memref<16x64xi32, #tpu.memory_space<vmem>>) target_semaphore(%run_scoped3A : memref<!tpu.dma_semaphore, #tpu.memory_space<semaphore_mem>>)
        %dma_wait3A_475 = arith.constant 0 : i32
        %dma_wait3A_476 = tpu.memref_slice %arg4[%add3A_24, %dma_wait3A_475] : memref<5120x64xi32, #tpu.memory_space<hbm>> -> memref<16x64xi32, #tpu.memory_space<hbm>>
        %dma_wait3A_477 = arith.constant 0 : i32
        %dma_wait3A_478 = tpu.memref_slice %arg4[%add3A_24, %dma_wait3A_477] : memref<5120x64xi32, #tpu.memory_space<hbm>> -> memref<16x64xi32, #tpu.memory_space<hbm>>
        tpu.wait_dma2 semaphore(%run_scoped3A : memref<!tpu.dma_semaphore, #tpu.memory_space<semaphore_mem>>) src(%dma_wait3A_478 : memref<16x64xi32, #tpu.memory_space<hbm>>) dst(%arg8 : memref<16x64xi32, #tpu.memory_space<vmem>>)
        tpu.yield
      }) : () -> ()
      %dma_start3A = arith.constant 0 : i32
      %dma_start3A_25 = arith.constant 0 : i32
      %dma_start3A_26 = tpu.memref_slice %arg7[%dma_start3A, %dma_start3A_25] : memref<16x64xi32, #tpu.memory_space<vmem>> -> memref<1x64xi32, #tpu.memory_space<vmem>>
      %dma_start3A_27 = tpu.memref_squeeze %dma_start3A_26 : memref<1x64xi32, #tpu.memory_space<vmem>> -> memref<64xi32, #tpu.memory_space<vmem>>
      %dma_start3A_28 = arith.constant 0 : i32
      %dma_start3A_29 = arith.constant 0 : i32
      %dma_start3A_30 = tpu.memref_slice %arg2[%dma_start3A_28, %dma_start3A_29] : memref<10240x128xf32, #tpu.memory_space<hbm>> -> memref<10240x128xf32, #tpu.memory_space<hbm>>
      tpu.enqueue_indirect_dma source(%dma_start3A_30 : memref<10240x128xf32, #tpu.memory_space<hbm>>) target(%arg9 : memref<64x128xf32, #tpu.memory_space<vmem>>) offsets(%dma_start3A_27 : memref<64xi32, #tpu.memory_space<vmem>>) semaphore(%arg14 : memref<!tpu.dma_semaphore, #tpu.memory_space<semaphore_mem>>)
      %dma_start3A_31 = arith.constant 1 : i32
      %dma_start3A_32 = arith.constant 0 : i32
      %dma_start3A_33 = tpu.memref_slice %arg7[%dma_start3A_31, %dma_start3A_32] : memref<16x64xi32, #tpu.memory_space<vmem>> -> memref<1x64xi32, #tpu.memory_space<vmem>>
      %dma_start3A_34 = tpu.memref_squeeze %dma_start3A_33 : memref<1x64xi32, #tpu.memory_space<vmem>> -> memref<64xi32, #tpu.memory_space<vmem>>
      %dma_start3A_35 = arith.constant 0 : i32
      %dma_start3A_36 = arith.constant 0 : i32
      %dma_start3A_37 = tpu.memref_slice %arg2[%dma_start3A_35, %dma_start3A_36] : memref<10240x128xf32, #tpu.memory_space<hbm>> -> memref<10240x128xf32, #tpu.memory_space<hbm>>
      tpu.enqueue_indirect_dma source(%dma_start3A_37 : memref<10240x128xf32, #tpu.memory_space<hbm>>) target(%arg10 : memref<64x128xf32, #tpu.memory_space<vmem>>) offsets(%dma_start3A_34 : memref<64xi32, #tpu.memory_space<vmem>>) semaphore(%arg15 : memref<!tpu.dma_semaphore, #tpu.memory_space<semaphore_mem>>)
      %dma_start3A_38 = arith.constant 2 : i32
      %dma_start3A_39 = arith.constant 0 : i32
      %dma_start3A_40 = tpu.memref_slice %arg7[%dma_start3A_38, %dma_start3A_39] : memref<16x64xi32, #tpu.memory_space<vmem>> -> memref<1x64xi32, #tpu.memory_space<vmem>>
      %dma_start3A_41 = tpu.memref_squeeze %dma_start3A_40 : memref<1x64xi32, #tpu.memory_space<vmem>> -> memref<64xi32, #tpu.memory_space<vmem>>
      %dma_start3A_42 = arith.constant 0 : i32
      %dma_start3A_43 = arith.constant 0 : i32
      %dma_start3A_44 = tpu.memref_slice %arg2[%dma_start3A_42, %dma_start3A_43] : memref<10240x128xf32, #tpu.memory_space<hbm>> -> memref<10240x128xf32, #tpu.memory_space<hbm>>
      tpu.enqueue_indirect_dma source(%dma_start3A_44 : memref<10240x128xf32, #tpu.memory_space<hbm>>) target(%arg11 : memref<64x128xf32, #tpu.memory_space<vmem>>) offsets(%dma_start3A_41 : memref<64xi32, #tpu.memory_space<vmem>>) semaphore(%arg16 : memref<!tpu.dma_semaphore, #tpu.memory_space<semaphore_mem>>)
      %dma_wait3A = arith.constant 0 : i32
      %dma_wait3A_45 = arith.constant 0 : i32
      %dma_wait3A_46 = tpu.memref_slice %arg7[%dma_wait3A, %dma_wait3A_45] : memref<16x64xi32, #tpu.memory_space<vmem>> -> memref<1x64xi32, #tpu.memory_space<vmem>>
      %dma_wait3A_47 = tpu.memref_squeeze %dma_wait3A_46 : memref<1x64xi32, #tpu.memory_space<vmem>> -> memref<64xi32, #tpu.memory_space<vmem>>
      %dma_wait3A_48 = arith.constant 0 : i32
      %dma_wait3A_49 = arith.constant 0 : i32
      %dma_wait3A_50 = tpu.memref_slice %arg2[%dma_wait3A_48, %dma_wait3A_49] : memref<10240x128xf32, #tpu.memory_space<hbm>> -> memref<10240x128xf32, #tpu.memory_space<hbm>>
      tpu.wait_indirect_dma semaphore(%arg14 : memref<!tpu.dma_semaphore, #tpu.memory_space<semaphore_mem>>) src(%dma_wait3A_50 : memref<10240x128xf32, #tpu.memory_space<hbm>>) dst(%arg9 : memref<64x128xf32, #tpu.memory_space<vmem>>)
      %dma_start3A_51 = arith.constant 0 : i32
      %dma_start3A_52 = arith.constant 0 : i32
      %dma_start3A_53 = tpu.memref_slice %arg8[%dma_start3A_51, %dma_start3A_52] : memref<16x64xi32, #tpu.memory_space<vmem>> -> memref<1x64xi32, #tpu.memory_space<vmem>>
      %dma_start3A_54 = tpu.memref_squeeze %dma_start3A_53 : memref<1x64xi32, #tpu.memory_space<vmem>> -> memref<64xi32, #tpu.memory_space<vmem>>
      %dma_start3A_55 = arith.constant 0 : i32
      %dma_start3A_56 = arith.constant 0 : i32
      %dma_start3A_57 = tpu.memref_slice %arg13[%dma_start3A_55, %dma_start3A_56] : memref<10240x128xf32, #tpu.memory_space<vmem_shared>> -> memref<10240x128xf32, #tpu.memory_space<vmem_shared>>
      tpu.enqueue_indirect_dma source(%arg9 : memref<64x128xf32, #tpu.memory_space<vmem>>) target(%dma_start3A_57 : memref<10240x128xf32, #tpu.memory_space<vmem_shared>>) offsets(%dma_start3A_54 : memref<64xi32, #tpu.memory_space<vmem>>) semaphore(%arg18 : memref<!tpu.dma_semaphore, #tpu.memory_space<semaphore_mem>>) {add = true}
      %dma_start3A_58 = arith.constant 3 : i32
      %dma_start3A_59 = arith.constant 0 : i32
      %dma_start3A_60 = tpu.memref_slice %arg7[%dma_start3A_58, %dma_start3A_59] : memref<16x64xi32, #tpu.memory_space<vmem>> -> memref<1x64xi32, #tpu.memory_space<vmem>>
      %dma_start3A_61 = tpu.memref_squeeze %dma_start3A_60 : memref<1x64xi32, #tpu.memory_space<vmem>> -> memref<64xi32, #tpu.memory_space<vmem>>
      %dma_start3A_62 = arith.constant 0 : i32
      %dma_start3A_63 = arith.constant 0 : i32
      %dma_start3A_64 = tpu.memref_slice %arg2[%dma_start3A_62, %dma_start3A_63] : memref<10240x128xf32, #tpu.memory_space<hbm>> -> memref<10240x128xf32, #tpu.memory_space<hbm>>
      tpu.enqueue_indirect_dma source(%dma_start3A_64 : memref<10240x128xf32, #tpu.memory_space<hbm>>) target(%arg12 : memref<64x128xf32, #tpu.memory_space<vmem>>) offsets(%dma_start3A_61 : memref<64xi32, #tpu.memory_space<vmem>>) semaphore(%arg17 : memref<!tpu.dma_semaphore, #tpu.memory_space<semaphore_mem>>)
      %dma_wait3A_65 = arith.constant 1 : i32
      %dma_wait3A_66 = arith.constant 0 : i32
      %dma_wait3A_67 = tpu.memref_slice %arg7[%dma_wait3A_65, %dma_wait3A_66] : memref<16x64xi32, #tpu.memory_space<vmem>> -> memref<1x64xi32, #tpu.memory_space<vmem>>
      %dma_wait3A_68 = tpu.memref_squeeze %dma_wait3A_67 : memref<1x64xi32, #tpu.memory_space<vmem>> -> memref<64xi32, #tpu.memory_space<vmem>>
      %dma_wait3A_69 = arith.constant 0 : i32
      %dma_wait3A_70 = arith.constant 0 : i32
      %dma_wait3A_71 = tpu.memref_slice %arg2[%dma_wait3A_69, %dma_wait3A_70] : memref<10240x128xf32, #tpu.memory_space<hbm>> -> memref<10240x128xf32, #tpu.memory_space<hbm>>
      tpu.wait_indirect_dma semaphore(%arg15 : memref<!tpu.dma_semaphore, #tpu.memory_space<semaphore_mem>>) src(%dma_wait3A_71 : memref<10240x128xf32, #tpu.memory_space<hbm>>) dst(%arg10 : memref<64x128xf32, #tpu.memory_space<vmem>>)
      %dma_wait3A_72 = arith.constant 0 : i32
      %dma_wait3A_73 = arith.constant 0 : i32
      %dma_wait3A_74 = tpu.memref_slice %arg8[%dma_wait3A_72, %dma_wait3A_73] : memref<16x64xi32, #tpu.memory_space<vmem>> -> memref<1x64xi32, #tpu.memory_space<vmem>>
      %dma_wait3A_75 = tpu.memref_squeeze %dma_wait3A_74 : memref<1x64xi32, #tpu.memory_space<vmem>> -> memref<64xi32, #tpu.memory_space<vmem>>
      %dma_wait3A_76 = arith.constant 0 : i32
      %dma_wait3A_77 = arith.constant 0 : i32
      %dma_wait3A_78 = tpu.memref_slice %arg13[%dma_wait3A_76, %dma_wait3A_77] : memref<10240x128xf32, #tpu.memory_space<vmem_shared>> -> memref<10240x128xf32, #tpu.memory_space<vmem_shared>>
      tpu.wait_indirect_dma semaphore(%arg18 : memref<!tpu.dma_semaphore, #tpu.memory_space<semaphore_mem>>) src(%arg9 : memref<64x128xf32, #tpu.memory_space<vmem>>) dst(%dma_wait3A_78 : memref<10240x128xf32, #tpu.memory_space<vmem_shared>>)
      %dma_start3A_79 = arith.constant 1 : i32
      %dma_start3A_80 = arith.constant 0 : i32
      %dma_start3A_81 = tpu.memref_slice %arg8[%dma_start3A_79, %dma_start3A_80] : memref<16x64xi32, #tpu.memory_space<vmem>> -> memref<1x64xi32, #tpu.memory_space<vmem>>
      %dma_start3A_82 = tpu.memref_squeeze %dma_start3A_81 : memref<1x64xi32, #tpu.memory_space<vmem>> -> memref<64xi32, #tpu.memory_space<vmem>>
      %dma_start3A_83 = arith.constant 0 : i32
      %dma_start3A_84 = arith.constant 0 : i32
      %dma_start3A_85 = tpu.memref_slice %arg13[%dma_start3A_83, %dma_start3A_84] : memref<10240x128xf32, #tpu.memory_space<vmem_shared>> -> memref<10240x128xf32, #tpu.memory_space<vmem_shared>>
      tpu.enqueue_indirect_dma source(%arg10 : memref<64x128xf32, #tpu.memory_space<vmem>>) target(%dma_start3A_85 : memref<10240x128xf32, #tpu.memory_space<vmem_shared>>) offsets(%dma_start3A_82 : memref<64xi32, #tpu.memory_space<vmem>>) semaphore(%arg18 : memref<!tpu.dma_semaphore, #tpu.memory_space<semaphore_mem>>) {add = true}
      %dma_start3A_86 = arith.constant 4 : i32
      %dma_start3A_87 = arith.constant 0 : i32
      %dma_start3A_88 = tpu.memref_slice %arg7[%dma_start3A_86, %dma_start3A_87] : memref<16x64xi32, #tpu.memory_space<vmem>> -> memref<1x64xi32, #tpu.memory_space<vmem>>
      %dma_start3A_89 = tpu.memref_squeeze %dma_start3A_88 : memref<1x64xi32, #tpu.memory_space<vmem>> -> memref<64xi32, #tpu.memory_space<vmem>>
      %dma_start3A_90 = arith.constant 0 : i32
      %dma_start3A_91 = arith.constant 0 : i32
      %dma_start3A_92 = tpu.memref_slice %arg2[%dma_start3A_90, %dma_start3A_91] : memref<10240x128xf32, #tpu.memory_space<hbm>> -> memref<10240x128xf32, #tpu.memory_space<hbm>>
      tpu.enqueue_indirect_dma source(%dma_start3A_92 : memref<10240x128xf32, #tpu.memory_space<hbm>>) target(%arg9 : memref<64x128xf32, #tpu.memory_space<vmem>>) offsets(%dma_start3A_89 : memref<64xi32, #tpu.memory_space<vmem>>) semaphore(%arg14 : memref<!tpu.dma_semaphore, #tpu.memory_space<semaphore_mem>>)
      %dma_wait3A_93 = arith.constant 2 : i32
      %dma_wait3A_94 = arith.constant 0 : i32
      %dma_wait3A_95 = tpu.memref_slice %arg7[%dma_wait3A_93, %dma_wait3A_94] : memref<16x64xi32, #tpu.memory_space<vmem>> -> memref<1x64xi32, #tpu.memory_space<vmem>>
      %dma_wait3A_96 = tpu.memref_squeeze %dma_wait3A_95 : memref<1x64xi32, #tpu.memory_space<vmem>> -> memref<64xi32, #tpu.memory_space<vmem>>
      %dma_wait3A_97 = arith.constant 0 : i32
      %dma_wait3A_98 = arith.constant 0 : i32
      %dma_wait3A_99 = tpu.memref_slice %arg2[%dma_wait3A_97, %dma_wait3A_98] : memref<10240x128xf32, #tpu.memory_space<hbm>> -> memref<10240x128xf32, #tpu.memory_space<hbm>>
      tpu.wait_indirect_dma semaphore(%arg16 : memref<!tpu.dma_semaphore, #tpu.memory_space<semaphore_mem>>) src(%dma_wait3A_99 : memref<10240x128xf32, #tpu.memory_space<hbm>>) dst(%arg11 : memref<64x128xf32, #tpu.memory_space<vmem>>)
      %dma_wait3A_100 = arith.constant 1 : i32
      %dma_wait3A_101 = arith.constant 0 : i32
      %dma_wait3A_102 = tpu.memref_slice %arg8[%dma_wait3A_100, %dma_wait3A_101] : memref<16x64xi32, #tpu.memory_space<vmem>> -> memref<1x64xi32, #tpu.memory_space<vmem>>
      %dma_wait3A_103 = tpu.memref_squeeze %dma_wait3A_102 : memref<1x64xi32, #tpu.memory_space<vmem>> -> memref<64xi32, #tpu.memory_space<vmem>>
      %dma_wait3A_104 = arith.constant 0 : i32
      %dma_wait3A_105 = arith.constant 0 : i32
      %dma_wait3A_106 = tpu.memref_slice %arg13[%dma_wait3A_104, %dma_wait3A_105] : memref<10240x128xf32, #tpu.memory_space<vmem_shared>> -> memref<10240x128xf32, #tpu.memory_space<vmem_shared>>
      tpu.wait_indirect_dma semaphore(%arg18 : memref<!tpu.dma_semaphore, #tpu.memory_space<semaphore_mem>>) src(%arg10 : memref<64x128xf32, #tpu.memory_space<vmem>>) dst(%dma_wait3A_106 : memref<10240x128xf32, #tpu.memory_space<vmem_shared>>)
      %dma_start3A_107 = arith.constant 2 : i32
      %dma_start3A_108 = arith.constant 0 : i32
      %dma_start3A_109 = tpu.memref_slice %arg8[%dma_start3A_107, %dma_start3A_108] : memref<16x64xi32, #tpu.memory_space<vmem>> -> memref<1x64xi32, #tpu.memory_space<vmem>>
      %dma_start3A_110 = tpu.memref_squeeze %dma_start3A_109 : memref<1x64xi32, #tpu.memory_space<vmem>> -> memref<64xi32, #tpu.memory_space<vmem>>
      %dma_start3A_111 = arith.constant 0 : i32
      %dma_start3A_112 = arith.constant 0 : i32
      %dma_start3A_113 = tpu.memref_slice %arg13[%dma_start3A_111, %dma_start3A_112] : memref<10240x128xf32, #tpu.memory_space<vmem_shared>> -> memref<10240x128xf32, #tpu.memory_space<vmem_shared>>
      tpu.enqueue_indirect_dma source(%arg11 : memref<64x128xf32, #tpu.memory_space<vmem>>) target(%dma_start3A_113 : memref<10240x128xf32, #tpu.memory_space<vmem_shared>>) offsets(%dma_start3A_110 : memref<64xi32, #tpu.memory_space<vmem>>) semaphore(%arg18 : memref<!tpu.dma_semaphore, #tpu.memory_space<semaphore_mem>>) {add = true}
      %dma_start3A_114 = arith.constant 5 : i32
      %dma_start3A_115 = arith.constant 0 : i32
      %dma_start3A_116 = tpu.memref_slice %arg7[%dma_start3A_114, %dma_start3A_115] : memref<16x64xi32, #tpu.memory_space<vmem>> -> memref<1x64xi32, #tpu.memory_space<vmem>>
      %dma_start3A_117 = tpu.memref_squeeze %dma_start3A_116 : memref<1x64xi32, #tpu.memory_space<vmem>> -> memref<64xi32, #tpu.memory_space<vmem>>
      %dma_start3A_118 = arith.constant 0 : i32
      %dma_start3A_119 = arith.constant 0 : i32
      %dma_start3A_120 = tpu.memref_slice %arg2[%dma_start3A_118, %dma_start3A_119] : memref<10240x128xf32, #tpu.memory_space<hbm>> -> memref<10240x128xf32, #tpu.memory_space<hbm>>
      tpu.enqueue_indirect_dma source(%dma_start3A_120 : memref<10240x128xf32, #tpu.memory_space<hbm>>) target(%arg10 : memref<64x128xf32, #tpu.memory_space<vmem>>) offsets(%dma_start3A_117 : memref<64xi32, #tpu.memory_space<vmem>>) semaphore(%arg15 : memref<!tpu.dma_semaphore, #tpu.memory_space<semaphore_mem>>)
      %dma_wait3A_121 = arith.constant 3 : i32
      %dma_wait3A_122 = arith.constant 0 : i32
      %dma_wait3A_123 = tpu.memref_slice %arg7[%dma_wait3A_121, %dma_wait3A_122] : memref<16x64xi32, #tpu.memory_space<vmem>> -> memref<1x64xi32, #tpu.memory_space<vmem>>
      %dma_wait3A_124 = tpu.memref_squeeze %dma_wait3A_123 : memref<1x64xi32, #tpu.memory_space<vmem>> -> memref<64xi32, #tpu.memory_space<vmem>>
      %dma_wait3A_125 = arith.constant 0 : i32
      %dma_wait3A_126 = arith.constant 0 : i32
      %dma_wait3A_127 = tpu.memref_slice %arg2[%dma_wait3A_125, %dma_wait3A_126] : memref<10240x128xf32, #tpu.memory_space<hbm>> -> memref<10240x128xf32, #tpu.memory_space<hbm>>
      tpu.wait_indirect_dma semaphore(%arg17 : memref<!tpu.dma_semaphore, #tpu.memory_space<semaphore_mem>>) src(%dma_wait3A_127 : memref<10240x128xf32, #tpu.memory_space<hbm>>) dst(%arg12 : memref<64x128xf32, #tpu.memory_space<vmem>>)
      %dma_wait3A_128 = arith.constant 2 : i32
      %dma_wait3A_129 = arith.constant 0 : i32
      %dma_wait3A_130 = tpu.memref_slice %arg8[%dma_wait3A_128, %dma_wait3A_129] : memref<16x64xi32, #tpu.memory_space<vmem>> -> memref<1x64xi32, #tpu.memory_space<vmem>>
      %dma_wait3A_131 = tpu.memref_squeeze %dma_wait3A_130 : memref<1x64xi32, #tpu.memory_space<vmem>> -> memref<64xi32, #tpu.memory_space<vmem>>
      %dma_wait3A_132 = arith.constant 0 : i32
      %dma_wait3A_133 = arith.constant 0 : i32
      %dma_wait3A_134 = tpu.memref_slice %arg13[%dma_wait3A_132, %dma_wait3A_133] : memref<10240x128xf32, #tpu.memory_space<vmem_shared>> -> memref<10240x128xf32, #tpu.memory_space<vmem_shared>>
      tpu.wait_indirect_dma semaphore(%arg18 : memref<!tpu.dma_semaphore, #tpu.memory_space<semaphore_mem>>) src(%arg11 : memref<64x128xf32, #tpu.memory_space<vmem>>) dst(%dma_wait3A_134 : memref<10240x128xf32, #tpu.memory_space<vmem_shared>>)
      %dma_start3A_135 = arith.constant 3 : i32
      %dma_start3A_136 = arith.constant 0 : i32
      %dma_start3A_137 = tpu.memref_slice %arg8[%dma_start3A_135, %dma_start3A_136] : memref<16x64xi32, #tpu.memory_space<vmem>> -> memref<1x64xi32, #tpu.memory_space<vmem>>
      %dma_start3A_138 = tpu.memref_squeeze %dma_start3A_137 : memref<1x64xi32, #tpu.memory_space<vmem>> -> memref<64xi32, #tpu.memory_space<vmem>>
      %dma_start3A_139 = arith.constant 0 : i32
      %dma_start3A_140 = arith.constant 0 : i32
      %dma_start3A_141 = tpu.memref_slice %arg13[%dma_start3A_139, %dma_start3A_140] : memref<10240x128xf32, #tpu.memory_space<vmem_shared>> -> memref<10240x128xf32, #tpu.memory_space<vmem_shared>>
      tpu.enqueue_indirect_dma source(%arg12 : memref<64x128xf32, #tpu.memory_space<vmem>>) target(%dma_start3A_141 : memref<10240x128xf32, #tpu.memory_space<vmem_shared>>) offsets(%dma_start3A_138 : memref<64xi32, #tpu.memory_space<vmem>>) semaphore(%arg18 : memref<!tpu.dma_semaphore, #tpu.memory_space<semaphore_mem>>) {add = true}
      %dma_start3A_142 = arith.constant 6 : i32
      %dma_start3A_143 = arith.constant 0 : i32
      %dma_start3A_144 = tpu.memref_slice %arg7[%dma_start3A_142, %dma_start3A_143] : memref<16x64xi32, #tpu.memory_space<vmem>> -> memref<1x64xi32, #tpu.memory_space<vmem>>
      %dma_start3A_145 = tpu.memref_squeeze %dma_start3A_144 : memref<1x64xi32, #tpu.memory_space<vmem>> -> memref<64xi32, #tpu.memory_space<vmem>>
      %dma_start3A_146 = arith.constant 0 : i32
      %dma_start3A_147 = arith.constant 0 : i32
      %dma_start3A_148 = tpu.memref_slice %arg2[%dma_start3A_146, %dma_start3A_147] : memref<10240x128xf32, #tpu.memory_space<hbm>> -> memref<10240x128xf32, #tpu.memory_space<hbm>>
      tpu.enqueue_indirect_dma source(%dma_start3A_148 : memref<10240x128xf32, #tpu.memory_space<hbm>>) target(%arg11 : memref<64x128xf32, #tpu.memory_space<vmem>>) offsets(%dma_start3A_145 : memref<64xi32, #tpu.memory_space<vmem>>) semaphore(%arg16 : memref<!tpu.dma_semaphore, #tpu.memory_space<semaphore_mem>>)
      %dma_wait3A_149 = arith.constant 4 : i32
      %dma_wait3A_150 = arith.constant 0 : i32
      %dma_wait3A_151 = tpu.memref_slice %arg7[%dma_wait3A_149, %dma_wait3A_150] : memref<16x64xi32, #tpu.memory_space<vmem>> -> memref<1x64xi32, #tpu.memory_space<vmem>>
      %dma_wait3A_152 = tpu.memref_squeeze %dma_wait3A_151 : memref<1x64xi32, #tpu.memory_space<vmem>> -> memref<64xi32, #tpu.memory_space<vmem>>
      %dma_wait3A_153 = arith.constant 0 : i32
      %dma_wait3A_154 = arith.constant 0 : i32
      %dma_wait3A_155 = tpu.memref_slice %arg2[%dma_wait3A_153, %dma_wait3A_154] : memref<10240x128xf32, #tpu.memory_space<hbm>> -> memref<10240x128xf32, #tpu.memory_space<hbm>>
      tpu.wait_indirect_dma semaphore(%arg14 : memref<!tpu.dma_semaphore, #tpu.memory_space<semaphore_mem>>) src(%dma_wait3A_155 : memref<10240x128xf32, #tpu.memory_space<hbm>>) dst(%arg9 : memref<64x128xf32, #tpu.memory_space<vmem>>)
      %dma_wait3A_156 = arith.constant 3 : i32
      %dma_wait3A_157 = arith.constant 0 : i32
      %dma_wait3A_158 = tpu.memref_slice %arg8[%dma_wait3A_156, %dma_wait3A_157] : memref<16x64xi32, #tpu.memory_space<vmem>> -> memref<1x64xi32, #tpu.memory_space<vmem>>
      %dma_wait3A_159 = tpu.memref_squeeze %dma_wait3A_158 : memref<1x64xi32, #tpu.memory_space<vmem>> -> memref<64xi32, #tpu.memory_space<vmem>>
      %dma_wait3A_160 = arith.constant 0 : i32
      %dma_wait3A_161 = arith.constant 0 : i32
      %dma_wait3A_162 = tpu.memref_slice %arg13[%dma_wait3A_160, %dma_wait3A_161] : memref<10240x128xf32, #tpu.memory_space<vmem_shared>> -> memref<10240x128xf32, #tpu.memory_space<vmem_shared>>
      tpu.wait_indirect_dma semaphore(%arg18 : memref<!tpu.dma_semaphore, #tpu.memory_space<semaphore_mem>>) src(%arg12 : memref<64x128xf32, #tpu.memory_space<vmem>>) dst(%dma_wait3A_162 : memref<10240x128xf32, #tpu.memory_space<vmem_shared>>)
      %dma_start3A_163 = arith.constant 4 : i32
      %dma_start3A_164 = arith.constant 0 : i32
      %dma_start3A_165 = tpu.memref_slice %arg8[%dma_start3A_163, %dma_start3A_164] : memref<16x64xi32, #tpu.memory_space<vmem>> -> memref<1x64xi32, #tpu.memory_space<vmem>>
      %dma_start3A_166 = tpu.memref_squeeze %dma_start3A_165 : memref<1x64xi32, #tpu.memory_space<vmem>> -> memref<64xi32, #tpu.memory_space<vmem>>
      %dma_start3A_167 = arith.constant 0 : i32
      %dma_start3A_168 = arith.constant 0 : i32
      %dma_start3A_169 = tpu.memref_slice %arg13[%dma_start3A_167, %dma_start3A_168] : memref<10240x128xf32, #tpu.memory_space<vmem_shared>> -> memref<10240x128xf32, #tpu.memory_space<vmem_shared>>
      tpu.enqueue_indirect_dma source(%arg9 : memref<64x128xf32, #tpu.memory_space<vmem>>) target(%dma_start3A_169 : memref<10240x128xf32, #tpu.memory_space<vmem_shared>>) offsets(%dma_start3A_166 : memref<64xi32, #tpu.memory_space<vmem>>) semaphore(%arg18 : memref<!tpu.dma_semaphore, #tpu.memory_space<semaphore_mem>>) {add = true}
      %dma_start3A_170 = arith.constant 7 : i32
      %dma_start3A_171 = arith.constant 0 : i32
      %dma_start3A_172 = tpu.memref_slice %arg7[%dma_start3A_170, %dma_start3A_171] : memref<16x64xi32, #tpu.memory_space<vmem>> -> memref<1x64xi32, #tpu.memory_space<vmem>>
      %dma_start3A_173 = tpu.memref_squeeze %dma_start3A_172 : memref<1x64xi32, #tpu.memory_space<vmem>> -> memref<64xi32, #tpu.memory_space<vmem>>
      %dma_start3A_174 = arith.constant 0 : i32
      %dma_start3A_175 = arith.constant 0 : i32
      %dma_start3A_176 = tpu.memref_slice %arg2[%dma_start3A_174, %dma_start3A_175] : memref<10240x128xf32, #tpu.memory_space<hbm>> -> memref<10240x128xf32, #tpu.memory_space<hbm>>
      tpu.enqueue_indirect_dma source(%dma_start3A_176 : memref<10240x128xf32, #tpu.memory_space<hbm>>) target(%arg12 : memref<64x128xf32, #tpu.memory_space<vmem>>) offsets(%dma_start3A_173 : memref<64xi32, #tpu.memory_space<vmem>>) semaphore(%arg17 : memref<!tpu.dma_semaphore, #tpu.memory_space<semaphore_mem>>)
      %dma_wait3A_177 = arith.constant 5 : i32
      %dma_wait3A_178 = arith.constant 0 : i32
      %dma_wait3A_179 = tpu.memref_slice %arg7[%dma_wait3A_177, %dma_wait3A_178] : memref<16x64xi32, #tpu.memory_space<vmem>> -> memref<1x64xi32, #tpu.memory_space<vmem>>
      %dma_wait3A_180 = tpu.memref_squeeze %dma_wait3A_179 : memref<1x64xi32, #tpu.memory_space<vmem>> -> memref<64xi32, #tpu.memory_space<vmem>>
      %dma_wait3A_181 = arith.constant 0 : i32
      %dma_wait3A_182 = arith.constant 0 : i32
      %dma_wait3A_183 = tpu.memref_slice %arg2[%dma_wait3A_181, %dma_wait3A_182] : memref<10240x128xf32, #tpu.memory_space<hbm>> -> memref<10240x128xf32, #tpu.memory_space<hbm>>
      tpu.wait_indirect_dma semaphore(%arg15 : memref<!tpu.dma_semaphore, #tpu.memory_space<semaphore_mem>>) src(%dma_wait3A_183 : memref<10240x128xf32, #tpu.memory_space<hbm>>) dst(%arg10 : memref<64x128xf32, #tpu.memory_space<vmem>>)
      %dma_wait3A_184 = arith.constant 4 : i32
      %dma_wait3A_185 = arith.constant 0 : i32
      %dma_wait3A_186 = tpu.memref_slice %arg8[%dma_wait3A_184, %dma_wait3A_185] : memref<16x64xi32, #tpu.memory_space<vmem>> -> memref<1x64xi32, #tpu.memory_space<vmem>>
      %dma_wait3A_187 = tpu.memref_squeeze %dma_wait3A_186 : memref<1x64xi32, #tpu.memory_space<vmem>> -> memref<64xi32, #tpu.memory_space<vmem>>
      %dma_wait3A_188 = arith.constant 0 : i32
      %dma_wait3A_189 = arith.constant 0 : i32
      %dma_wait3A_190 = tpu.memref_slice %arg13[%dma_wait3A_188, %dma_wait3A_189] : memref<10240x128xf32, #tpu.memory_space<vmem_shared>> -> memref<10240x128xf32, #tpu.memory_space<vmem_shared>>
      tpu.wait_indirect_dma semaphore(%arg18 : memref<!tpu.dma_semaphore, #tpu.memory_space<semaphore_mem>>) src(%arg9 : memref<64x128xf32, #tpu.memory_space<vmem>>) dst(%dma_wait3A_190 : memref<10240x128xf32, #tpu.memory_space<vmem_shared>>)
      %dma_start3A_191 = arith.constant 5 : i32
      %dma_start3A_192 = arith.constant 0 : i32
      %dma_start3A_193 = tpu.memref_slice %arg8[%dma_start3A_191, %dma_start3A_192] : memref<16x64xi32, #tpu.memory_space<vmem>> -> memref<1x64xi32, #tpu.memory_space<vmem>>
      %dma_start3A_194 = tpu.memref_squeeze %dma_start3A_193 : memref<1x64xi32, #tpu.memory_space<vmem>> -> memref<64xi32, #tpu.memory_space<vmem>>
      %dma_start3A_195 = arith.constant 0 : i32
      %dma_start3A_196 = arith.constant 0 : i32
      %dma_start3A_197 = tpu.memref_slice %arg13[%dma_start3A_195, %dma_start3A_196] : memref<10240x128xf32, #tpu.memory_space<vmem_shared>> -> memref<10240x128xf32, #tpu.memory_space<vmem_shared>>
      tpu.enqueue_indirect_dma source(%arg10 : memref<64x128xf32, #tpu.memory_space<vmem>>) target(%dma_start3A_197 : memref<10240x128xf32, #tpu.memory_space<vmem_shared>>) offsets(%dma_start3A_194 : memref<64xi32, #tpu.memory_space<vmem>>) semaphore(%arg18 : memref<!tpu.dma_semaphore, #tpu.memory_space<semaphore_mem>>) {add = true}
      %dma_start3A_198 = arith.constant 8 : i32
      %dma_start3A_199 = arith.constant 0 : i32
      %dma_start3A_200 = tpu.memref_slice %arg7[%dma_start3A_198, %dma_start3A_199] : memref<16x64xi32, #tpu.memory_space<vmem>> -> memref<1x64xi32, #tpu.memory_space<vmem>>
      %dma_start3A_201 = tpu.memref_squeeze %dma_start3A_200 : memref<1x64xi32, #tpu.memory_space<vmem>> -> memref<64xi32, #tpu.memory_space<vmem>>
      %dma_start3A_202 = arith.constant 0 : i32
      %dma_start3A_203 = arith.constant 0 : i32
      %dma_start3A_204 = tpu.memref_slice %arg2[%dma_start3A_202, %dma_start3A_203] : memref<10240x128xf32, #tpu.memory_space<hbm>> -> memref<10240x128xf32, #tpu.memory_space<hbm>>
      tpu.enqueue_indirect_dma source(%dma_start3A_204 : memref<10240x128xf32, #tpu.memory_space<hbm>>) target(%arg9 : memref<64x128xf32, #tpu.memory_space<vmem>>) offsets(%dma_start3A_201 : memref<64xi32, #tpu.memory_space<vmem>>) semaphore(%arg14 : memref<!tpu.dma_semaphore, #tpu.memory_space<semaphore_mem>>)
      %dma_wait3A_205 = arith.constant 6 : i32
      %dma_wait3A_206 = arith.constant 0 : i32
      %dma_wait3A_207 = tpu.memref_slice %arg7[%dma_wait3A_205, %dma_wait3A_206] : memref<16x64xi32, #tpu.memory_space<vmem>> -> memref<1x64xi32, #tpu.memory_space<vmem>>
      %dma_wait3A_208 = tpu.memref_squeeze %dma_wait3A_207 : memref<1x64xi32, #tpu.memory_space<vmem>> -> memref<64xi32, #tpu.memory_space<vmem>>
      %dma_wait3A_209 = arith.constant 0 : i32
      %dma_wait3A_210 = arith.constant 0 : i32
      %dma_wait3A_211 = tpu.memref_slice %arg2[%dma_wait3A_209, %dma_wait3A_210] : memref<10240x128xf32, #tpu.memory_space<hbm>> -> memref<10240x128xf32, #tpu.memory_space<hbm>>
      tpu.wait_indirect_dma semaphore(%arg16 : memref<!tpu.dma_semaphore, #tpu.memory_space<semaphore_mem>>) src(%dma_wait3A_211 : memref<10240x128xf32, #tpu.memory_space<hbm>>) dst(%arg11 : memref<64x128xf32, #tpu.memory_space<vmem>>)
      %dma_wait3A_212 = arith.constant 5 : i32
      %dma_wait3A_213 = arith.constant 0 : i32
      %dma_wait3A_214 = tpu.memref_slice %arg8[%dma_wait3A_212, %dma_wait3A_213] : memref<16x64xi32, #tpu.memory_space<vmem>> -> memref<1x64xi32, #tpu.memory_space<vmem>>
      %dma_wait3A_215 = tpu.memref_squeeze %dma_wait3A_214 : memref<1x64xi32, #tpu.memory_space<vmem>> -> memref<64xi32, #tpu.memory_space<vmem>>
      %dma_wait3A_216 = arith.constant 0 : i32
      %dma_wait3A_217 = arith.constant 0 : i32
      %dma_wait3A_218 = tpu.memref_slice %arg13[%dma_wait3A_216, %dma_wait3A_217] : memref<10240x128xf32, #tpu.memory_space<vmem_shared>> -> memref<10240x128xf32, #tpu.memory_space<vmem_shared>>
      tpu.wait_indirect_dma semaphore(%arg18 : memref<!tpu.dma_semaphore, #tpu.memory_space<semaphore_mem>>) src(%arg10 : memref<64x128xf32, #tpu.memory_space<vmem>>) dst(%dma_wait3A_218 : memref<10240x128xf32, #tpu.memory_space<vmem_shared>>)
      %dma_start3A_219 = arith.constant 6 : i32
      %dma_start3A_220 = arith.constant 0 : i32
      %dma_start3A_221 = tpu.memref_slice %arg8[%dma_start3A_219, %dma_start3A_220] : memref<16x64xi32, #tpu.memory_space<vmem>> -> memref<1x64xi32, #tpu.memory_space<vmem>>
      %dma_start3A_222 = tpu.memref_squeeze %dma_start3A_221 : memref<1x64xi32, #tpu.memory_space<vmem>> -> memref<64xi32, #tpu.memory_space<vmem>>
      %dma_start3A_223 = arith.constant 0 : i32
      %dma_start3A_224 = arith.constant 0 : i32
      %dma_start3A_225 = tpu.memref_slice %arg13[%dma_start3A_223, %dma_start3A_224] : memref<10240x128xf32, #tpu.memory_space<vmem_shared>> -> memref<10240x128xf32, #tpu.memory_space<vmem_shared>>
      tpu.enqueue_indirect_dma source(%arg11 : memref<64x128xf32, #tpu.memory_space<vmem>>) target(%dma_start3A_225 : memref<10240x128xf32, #tpu.memory_space<vmem_shared>>) offsets(%dma_start3A_222 : memref<64xi32, #tpu.memory_space<vmem>>) semaphore(%arg18 : memref<!tpu.dma_semaphore, #tpu.memory_space<semaphore_mem>>) {add = true}
      %dma_start3A_226 = arith.constant 9 : i32
      %dma_start3A_227 = arith.constant 0 : i32
      %dma_start3A_228 = tpu.memref_slice %arg7[%dma_start3A_226, %dma_start3A_227] : memref<16x64xi32, #tpu.memory_space<vmem>> -> memref<1x64xi32, #tpu.memory_space<vmem>>
      %dma_start3A_229 = tpu.memref_squeeze %dma_start3A_228 : memref<1x64xi32, #tpu.memory_space<vmem>> -> memref<64xi32, #tpu.memory_space<vmem>>
      %dma_start3A_230 = arith.constant 0 : i32
      %dma_start3A_231 = arith.constant 0 : i32
      %dma_start3A_232 = tpu.memref_slice %arg2[%dma_start3A_230, %dma_start3A_231] : memref<10240x128xf32, #tpu.memory_space<hbm>> -> memref<10240x128xf32, #tpu.memory_space<hbm>>
      tpu.enqueue_indirect_dma source(%dma_start3A_232 : memref<10240x128xf32, #tpu.memory_space<hbm>>) target(%arg10 : memref<64x128xf32, #tpu.memory_space<vmem>>) offsets(%dma_start3A_229 : memref<64xi32, #tpu.memory_space<vmem>>) semaphore(%arg15 : memref<!tpu.dma_semaphore, #tpu.memory_space<semaphore_mem>>)
      %dma_wait3A_233 = arith.constant 7 : i32
      %dma_wait3A_234 = arith.constant 0 : i32
      %dma_wait3A_235 = tpu.memref_slice %arg7[%dma_wait3A_233, %dma_wait3A_234] : memref<16x64xi32, #tpu.memory_space<vmem>> -> memref<1x64xi32, #tpu.memory_space<vmem>>
      %dma_wait3A_236 = tpu.memref_squeeze %dma_wait3A_235 : memref<1x64xi32, #tpu.memory_space<vmem>> -> memref<64xi32, #tpu.memory_space<vmem>>
      %dma_wait3A_237 = arith.constant 0 : i32
      %dma_wait3A_238 = arith.constant 0 : i32
      %dma_wait3A_239 = tpu.memref_slice %arg2[%dma_wait3A_237, %dma_wait3A_238] : memref<10240x128xf32, #tpu.memory_space<hbm>> -> memref<10240x128xf32, #tpu.memory_space<hbm>>
      tpu.wait_indirect_dma semaphore(%arg17 : memref<!tpu.dma_semaphore, #tpu.memory_space<semaphore_mem>>) src(%dma_wait3A_239 : memref<10240x128xf32, #tpu.memory_space<hbm>>) dst(%arg12 : memref<64x128xf32, #tpu.memory_space<vmem>>)
      %dma_wait3A_240 = arith.constant 6 : i32
      %dma_wait3A_241 = arith.constant 0 : i32
      %dma_wait3A_242 = tpu.memref_slice %arg8[%dma_wait3A_240, %dma_wait3A_241] : memref<16x64xi32, #tpu.memory_space<vmem>> -> memref<1x64xi32, #tpu.memory_space<vmem>>
      %dma_wait3A_243 = tpu.memref_squeeze %dma_wait3A_242 : memref<1x64xi32, #tpu.memory_space<vmem>> -> memref<64xi32, #tpu.memory_space<vmem>>
      %dma_wait3A_244 = arith.constant 0 : i32
      %dma_wait3A_245 = arith.constant 0 : i32
      %dma_wait3A_246 = tpu.memref_slice %arg13[%dma_wait3A_244, %dma_wait3A_245] : memref<10240x128xf32, #tpu.memory_space<vmem_shared>> -> memref<10240x128xf32, #tpu.memory_space<vmem_shared>>
      tpu.wait_indirect_dma semaphore(%arg18 : memref<!tpu.dma_semaphore, #tpu.memory_space<semaphore_mem>>) src(%arg11 : memref<64x128xf32, #tpu.memory_space<vmem>>) dst(%dma_wait3A_246 : memref<10240x128xf32, #tpu.memory_space<vmem_shared>>)
      %dma_start3A_247 = arith.constant 7 : i32
      %dma_start3A_248 = arith.constant 0 : i32
      %dma_start3A_249 = tpu.memref_slice %arg8[%dma_start3A_247, %dma_start3A_248] : memref<16x64xi32, #tpu.memory_space<vmem>> -> memref<1x64xi32, #tpu.memory_space<vmem>>
      %dma_start3A_250 = tpu.memref_squeeze %dma_start3A_249 : memref<1x64xi32, #tpu.memory_space<vmem>> -> memref<64xi32, #tpu.memory_space<vmem>>
      %dma_start3A_251 = arith.constant 0 : i32
      %dma_start3A_252 = arith.constant 0 : i32
      %dma_start3A_253 = tpu.memref_slice %arg13[%dma_start3A_251, %dma_start3A_252] : memref<10240x128xf32, #tpu.memory_space<vmem_shared>> -> memref<10240x128xf32, #tpu.memory_space<vmem_shared>>
      tpu.enqueue_indirect_dma source(%arg12 : memref<64x128xf32, #tpu.memory_space<vmem>>) target(%dma_start3A_253 : memref<10240x128xf32, #tpu.memory_space<vmem_shared>>) offsets(%dma_start3A_250 : memref<64xi32, #tpu.memory_space<vmem>>) semaphore(%arg18 : memref<!tpu.dma_semaphore, #tpu.memory_space<semaphore_mem>>) {add = true}
      %dma_start3A_254 = arith.constant 10 : i32
      %dma_start3A_255 = arith.constant 0 : i32
      %dma_start3A_256 = tpu.memref_slice %arg7[%dma_start3A_254, %dma_start3A_255] : memref<16x64xi32, #tpu.memory_space<vmem>> -> memref<1x64xi32, #tpu.memory_space<vmem>>
      %dma_start3A_257 = tpu.memref_squeeze %dma_start3A_256 : memref<1x64xi32, #tpu.memory_space<vmem>> -> memref<64xi32, #tpu.memory_space<vmem>>
      %dma_start3A_258 = arith.constant 0 : i32
      %dma_start3A_259 = arith.constant 0 : i32
      %dma_start3A_260 = tpu.memref_slice %arg2[%dma_start3A_258, %dma_start3A_259] : memref<10240x128xf32, #tpu.memory_space<hbm>> -> memref<10240x128xf32, #tpu.memory_space<hbm>>
      tpu.enqueue_indirect_dma source(%dma_start3A_260 : memref<10240x128xf32, #tpu.memory_space<hbm>>) target(%arg11 : memref<64x128xf32, #tpu.memory_space<vmem>>) offsets(%dma_start3A_257 : memref<64xi32, #tpu.memory_space<vmem>>) semaphore(%arg16 : memref<!tpu.dma_semaphore, #tpu.memory_space<semaphore_mem>>)
      %dma_wait3A_261 = arith.constant 8 : i32
      %dma_wait3A_262 = arith.constant 0 : i32
      %dma_wait3A_263 = tpu.memref_slice %arg7[%dma_wait3A_261, %dma_wait3A_262] : memref<16x64xi32, #tpu.memory_space<vmem>> -> memref<1x64xi32, #tpu.memory_space<vmem>>
      %dma_wait3A_264 = tpu.memref_squeeze %dma_wait3A_263 : memref<1x64xi32, #tpu.memory_space<vmem>> -> memref<64xi32, #tpu.memory_space<vmem>>
      %dma_wait3A_265 = arith.constant 0 : i32
      %dma_wait3A_266 = arith.constant 0 : i32
      %dma_wait3A_267 = tpu.memref_slice %arg2[%dma_wait3A_265, %dma_wait3A_266] : memref<10240x128xf32, #tpu.memory_space<hbm>> -> memref<10240x128xf32, #tpu.memory_space<hbm>>
      tpu.wait_indirect_dma semaphore(%arg14 : memref<!tpu.dma_semaphore, #tpu.memory_space<semaphore_mem>>) src(%dma_wait3A_267 : memref<10240x128xf32, #tpu.memory_space<hbm>>) dst(%arg9 : memref<64x128xf32, #tpu.memory_space<vmem>>)
      %dma_wait3A_268 = arith.constant 7 : i32
      %dma_wait3A_269 = arith.constant 0 : i32
      %dma_wait3A_270 = tpu.memref_slice %arg8[%dma_wait3A_268, %dma_wait3A_269] : memref<16x64xi32, #tpu.memory_space<vmem>> -> memref<1x64xi32, #tpu.memory_space<vmem>>
      %dma_wait3A_271 = tpu.memref_squeeze %dma_wait3A_270 : memref<1x64xi32, #tpu.memory_space<vmem>> -> memref<64xi32, #tpu.memory_space<vmem>>
      %dma_wait3A_272 = arith.constant 0 : i32
      %dma_wait3A_273 = arith.constant 0 : i32
      %dma_wait3A_274 = tpu.memref_slice %arg13[%dma_wait3A_272, %dma_wait3A_273] : memref<10240x128xf32, #tpu.memory_space<vmem_shared>> -> memref<10240x128xf32, #tpu.memory_space<vmem_shared>>
      tpu.wait_indirect_dma semaphore(%arg18 : memref<!tpu.dma_semaphore, #tpu.memory_space<semaphore_mem>>) src(%arg12 : memref<64x128xf32, #tpu.memory_space<vmem>>) dst(%dma_wait3A_274 : memref<10240x128xf32, #tpu.memory_space<vmem_shared>>)
      %dma_start3A_275 = arith.constant 8 : i32
      %dma_start3A_276 = arith.constant 0 : i32
      %dma_start3A_277 = tpu.memref_slice %arg8[%dma_start3A_275, %dma_start3A_276] : memref<16x64xi32, #tpu.memory_space<vmem>> -> memref<1x64xi32, #tpu.memory_space<vmem>>
      %dma_start3A_278 = tpu.memref_squeeze %dma_start3A_277 : memref<1x64xi32, #tpu.memory_space<vmem>> -> memref<64xi32, #tpu.memory_space<vmem>>
      %dma_start3A_279 = arith.constant 0 : i32
      %dma_start3A_280 = arith.constant 0 : i32
      %dma_start3A_281 = tpu.memref_slice %arg13[%dma_start3A_279, %dma_start3A_280] : memref<10240x128xf32, #tpu.memory_space<vmem_shared>> -> memref<10240x128xf32, #tpu.memory_space<vmem_shared>>
      tpu.enqueue_indirect_dma source(%arg9 : memref<64x128xf32, #tpu.memory_space<vmem>>) target(%dma_start3A_281 : memref<10240x128xf32, #tpu.memory_space<vmem_shared>>) offsets(%dma_start3A_278 : memref<64xi32, #tpu.memory_space<vmem>>) semaphore(%arg18 : memref<!tpu.dma_semaphore, #tpu.memory_space<semaphore_mem>>) {add = true}
      %dma_start3A_282 = arith.constant 11 : i32
      %dma_start3A_283 = arith.constant 0 : i32
      %dma_start3A_284 = tpu.memref_slice %arg7[%dma_start3A_282, %dma_start3A_283] : memref<16x64xi32, #tpu.memory_space<vmem>> -> memref<1x64xi32, #tpu.memory_space<vmem>>
      %dma_start3A_285 = tpu.memref_squeeze %dma_start3A_284 : memref<1x64xi32, #tpu.memory_space<vmem>> -> memref<64xi32, #tpu.memory_space<vmem>>
      %dma_start3A_286 = arith.constant 0 : i32
      %dma_start3A_287 = arith.constant 0 : i32
      %dma_start3A_288 = tpu.memref_slice %arg2[%dma_start3A_286, %dma_start3A_287] : memref<10240x128xf32, #tpu.memory_space<hbm>> -> memref<10240x128xf32, #tpu.memory_space<hbm>>
      tpu.enqueue_indirect_dma source(%dma_start3A_288 : memref<10240x128xf32, #tpu.memory_space<hbm>>) target(%arg12 : memref<64x128xf32, #tpu.memory_space<vmem>>) offsets(%dma_start3A_285 : memref<64xi32, #tpu.memory_space<vmem>>) semaphore(%arg17 : memref<!tpu.dma_semaphore, #tpu.memory_space<semaphore_mem>>)
      %dma_wait3A_289 = arith.constant 9 : i32
      %dma_wait3A_290 = arith.constant 0 : i32
      %dma_wait3A_291 = tpu.memref_slice %arg7[%dma_wait3A_289, %dma_wait3A_290] : memref<16x64xi32, #tpu.memory_space<vmem>> -> memref<1x64xi32, #tpu.memory_space<vmem>>
      %dma_wait3A_292 = tpu.memref_squeeze %dma_wait3A_291 : memref<1x64xi32, #tpu.memory_space<vmem>> -> memref<64xi32, #tpu.memory_space<vmem>>
      %dma_wait3A_293 = arith.constant 0 : i32
      %dma_wait3A_294 = arith.constant 0 : i32
      %dma_wait3A_295 = tpu.memref_slice %arg2[%dma_wait3A_293, %dma_wait3A_294] : memref<10240x128xf32, #tpu.memory_space<hbm>> -> memref<10240x128xf32, #tpu.memory_space<hbm>>
      tpu.wait_indirect_dma semaphore(%arg15 : memref<!tpu.dma_semaphore, #tpu.memory_space<semaphore_mem>>) src(%dma_wait3A_295 : memref<10240x128xf32, #tpu.memory_space<hbm>>) dst(%arg10 : memref<64x128xf32, #tpu.memory_space<vmem>>)
      %dma_wait3A_296 = arith.constant 8 : i32
      %dma_wait3A_297 = arith.constant 0 : i32
      %dma_wait3A_298 = tpu.memref_slice %arg8[%dma_wait3A_296, %dma_wait3A_297] : memref<16x64xi32, #tpu.memory_space<vmem>> -> memref<1x64xi32, #tpu.memory_space<vmem>>
      %dma_wait3A_299 = tpu.memref_squeeze %dma_wait3A_298 : memref<1x64xi32, #tpu.memory_space<vmem>> -> memref<64xi32, #tpu.memory_space<vmem>>
      %dma_wait3A_300 = arith.constant 0 : i32
      %dma_wait3A_301 = arith.constant 0 : i32
      %dma_wait3A_302 = tpu.memref_slice %arg13[%dma_wait3A_300, %dma_wait3A_301] : memref<10240x128xf32, #tpu.memory_space<vmem_shared>> -> memref<10240x128xf32, #tpu.memory_space<vmem_shared>>
      tpu.wait_indirect_dma semaphore(%arg18 : memref<!tpu.dma_semaphore, #tpu.memory_space<semaphore_mem>>) src(%arg9 : memref<64x128xf32, #tpu.memory_space<vmem>>) dst(%dma_wait3A_302 : memref<10240x128xf32, #tpu.memory_space<vmem_shared>>)
      %dma_start3A_303 = arith.constant 9 : i32
      %dma_start3A_304 = arith.constant 0 : i32
      %dma_start3A_305 = tpu.memref_slice %arg8[%dma_start3A_303, %dma_start3A_304] : memref<16x64xi32, #tpu.memory_space<vmem>> -> memref<1x64xi32, #tpu.memory_space<vmem>>
      %dma_start3A_306 = tpu.memref_squeeze %dma_start3A_305 : memref<1x64xi32, #tpu.memory_space<vmem>> -> memref<64xi32, #tpu.memory_space<vmem>>
      %dma_start3A_307 = arith.constant 0 : i32
      %dma_start3A_308 = arith.constant 0 : i32
      %dma_start3A_309 = tpu.memref_slice %arg13[%dma_start3A_307, %dma_start3A_308] : memref<10240x128xf32, #tpu.memory_space<vmem_shared>> -> memref<10240x128xf32, #tpu.memory_space<vmem_shared>>
      tpu.enqueue_indirect_dma source(%arg10 : memref<64x128xf32, #tpu.memory_space<vmem>>) target(%dma_start3A_309 : memref<10240x128xf32, #tpu.memory_space<vmem_shared>>) offsets(%dma_start3A_306 : memref<64xi32, #tpu.memory_space<vmem>>) semaphore(%arg18 : memref<!tpu.dma_semaphore, #tpu.memory_space<semaphore_mem>>) {add = true}
      %dma_start3A_310 = arith.constant 12 : i32
      %dma_start3A_311 = arith.constant 0 : i32
      %dma_start3A_312 = tpu.memref_slice %arg7[%dma_start3A_310, %dma_start3A_311] : memref<16x64xi32, #tpu.memory_space<vmem>> -> memref<1x64xi32, #tpu.memory_space<vmem>>
      %dma_start3A_313 = tpu.memref_squeeze %dma_start3A_312 : memref<1x64xi32, #tpu.memory_space<vmem>> -> memref<64xi32, #tpu.memory_space<vmem>>
      %dma_start3A_314 = arith.constant 0 : i32
      %dma_start3A_315 = arith.constant 0 : i32
      %dma_start3A_316 = tpu.memref_slice %arg2[%dma_start3A_314, %dma_start3A_315] : memref<10240x128xf32, #tpu.memory_space<hbm>> -> memref<10240x128xf32, #tpu.memory_space<hbm>>
      tpu.enqueue_indirect_dma source(%dma_start3A_316 : memref<10240x128xf32, #tpu.memory_space<hbm>>) target(%arg9 : memref<64x128xf32, #tpu.memory_space<vmem>>) offsets(%dma_start3A_313 : memref<64xi32, #tpu.memory_space<vmem>>) semaphore(%arg14 : memref<!tpu.dma_semaphore, #tpu.memory_space<semaphore_mem>>)
      %dma_wait3A_317 = arith.constant 10 : i32
      %dma_wait3A_318 = arith.constant 0 : i32
      %dma_wait3A_319 = tpu.memref_slice %arg7[%dma_wait3A_317, %dma_wait3A_318] : memref<16x64xi32, #tpu.memory_space<vmem>> -> memref<1x64xi32, #tpu.memory_space<vmem>>
      %dma_wait3A_320 = tpu.memref_squeeze %dma_wait3A_319 : memref<1x64xi32, #tpu.memory_space<vmem>> -> memref<64xi32, #tpu.memory_space<vmem>>
      %dma_wait3A_321 = arith.constant 0 : i32
      %dma_wait3A_322 = arith.constant 0 : i32
      %dma_wait3A_323 = tpu.memref_slice %arg2[%dma_wait3A_321, %dma_wait3A_322] : memref<10240x128xf32, #tpu.memory_space<hbm>> -> memref<10240x128xf32, #tpu.memory_space<hbm>>
      tpu.wait_indirect_dma semaphore(%arg16 : memref<!tpu.dma_semaphore, #tpu.memory_space<semaphore_mem>>) src(%dma_wait3A_323 : memref<10240x128xf32, #tpu.memory_space<hbm>>) dst(%arg11 : memref<64x128xf32, #tpu.memory_space<vmem>>)
      %dma_wait3A_324 = arith.constant 9 : i32
      %dma_wait3A_325 = arith.constant 0 : i32
      %dma_wait3A_326 = tpu.memref_slice %arg8[%dma_wait3A_324, %dma_wait3A_325] : memref<16x64xi32, #tpu.memory_space<vmem>> -> memref<1x64xi32, #tpu.memory_space<vmem>>
      %dma_wait3A_327 = tpu.memref_squeeze %dma_wait3A_326 : memref<1x64xi32, #tpu.memory_space<vmem>> -> memref<64xi32, #tpu.memory_space<vmem>>
      %dma_wait3A_328 = arith.constant 0 : i32
      %dma_wait3A_329 = arith.constant 0 : i32
      %dma_wait3A_330 = tpu.memref_slice %arg13[%dma_wait3A_328, %dma_wait3A_329] : memref<10240x128xf32, #tpu.memory_space<vmem_shared>> -> memref<10240x128xf32, #tpu.memory_space<vmem_shared>>
      tpu.wait_indirect_dma semaphore(%arg18 : memref<!tpu.dma_semaphore, #tpu.memory_space<semaphore_mem>>) src(%arg10 : memref<64x128xf32, #tpu.memory_space<vmem>>) dst(%dma_wait3A_330 : memref<10240x128xf32, #tpu.memory_space<vmem_shared>>)
      %dma_start3A_331 = arith.constant 10 : i32
      %dma_start3A_332 = arith.constant 0 : i32
      %dma_start3A_333 = tpu.memref_slice %arg8[%dma_start3A_331, %dma_start3A_332] : memref<16x64xi32, #tpu.memory_space<vmem>> -> memref<1x64xi32, #tpu.memory_space<vmem>>
      %dma_start3A_334 = tpu.memref_squeeze %dma_start3A_333 : memref<1x64xi32, #tpu.memory_space<vmem>> -> memref<64xi32, #tpu.memory_space<vmem>>
      %dma_start3A_335 = arith.constant 0 : i32
      %dma_start3A_336 = arith.constant 0 : i32
      %dma_start3A_337 = tpu.memref_slice %arg13[%dma_start3A_335, %dma_start3A_336] : memref<10240x128xf32, #tpu.memory_space<vmem_shared>> -> memref<10240x128xf32, #tpu.memory_space<vmem_shared>>
      tpu.enqueue_indirect_dma source(%arg11 : memref<64x128xf32, #tpu.memory_space<vmem>>) target(%dma_start3A_337 : memref<10240x128xf32, #tpu.memory_space<vmem_shared>>) offsets(%dma_start3A_334 : memref<64xi32, #tpu.memory_space<vmem>>) semaphore(%arg18 : memref<!tpu.dma_semaphore, #tpu.memory_space<semaphore_mem>>) {add = true}
      %dma_start3A_338 = arith.constant 13 : i32
      %dma_start3A_339 = arith.constant 0 : i32
      %dma_start3A_340 = tpu.memref_slice %arg7[%dma_start3A_338, %dma_start3A_339] : memref<16x64xi32, #tpu.memory_space<vmem>> -> memref<1x64xi32, #tpu.memory_space<vmem>>
      %dma_start3A_341 = tpu.memref_squeeze %dma_start3A_340 : memref<1x64xi32, #tpu.memory_space<vmem>> -> memref<64xi32, #tpu.memory_space<vmem>>
      %dma_start3A_342 = arith.constant 0 : i32
      %dma_start3A_343 = arith.constant 0 : i32
      %dma_start3A_344 = tpu.memref_slice %arg2[%dma_start3A_342, %dma_start3A_343] : memref<10240x128xf32, #tpu.memory_space<hbm>> -> memref<10240x128xf32, #tpu.memory_space<hbm>>
      tpu.enqueue_indirect_dma source(%dma_start3A_344 : memref<10240x128xf32, #tpu.memory_space<hbm>>) target(%arg10 : memref<64x128xf32, #tpu.memory_space<vmem>>) offsets(%dma_start3A_341 : memref<64xi32, #tpu.memory_space<vmem>>) semaphore(%arg15 : memref<!tpu.dma_semaphore, #tpu.memory_space<semaphore_mem>>)
      %dma_wait3A_345 = arith.constant 11 : i32
      %dma_wait3A_346 = arith.constant 0 : i32
      %dma_wait3A_347 = tpu.memref_slice %arg7[%dma_wait3A_345, %dma_wait3A_346] : memref<16x64xi32, #tpu.memory_space<vmem>> -> memref<1x64xi32, #tpu.memory_space<vmem>>
      %dma_wait3A_348 = tpu.memref_squeeze %dma_wait3A_347 : memref<1x64xi32, #tpu.memory_space<vmem>> -> memref<64xi32, #tpu.memory_space<vmem>>
      %dma_wait3A_349 = arith.constant 0 : i32
      %dma_wait3A_350 = arith.constant 0 : i32
      %dma_wait3A_351 = tpu.memref_slice %arg2[%dma_wait3A_349, %dma_wait3A_350] : memref<10240x128xf32, #tpu.memory_space<hbm>> -> memref<10240x128xf32, #tpu.memory_space<hbm>>
      tpu.wait_indirect_dma semaphore(%arg17 : memref<!tpu.dma_semaphore, #tpu.memory_space<semaphore_mem>>) src(%dma_wait3A_351 : memref<10240x128xf32, #tpu.memory_space<hbm>>) dst(%arg12 : memref<64x128xf32, #tpu.memory_space<vmem>>)
      %dma_wait3A_352 = arith.constant 10 : i32
      %dma_wait3A_353 = arith.constant 0 : i32
      %dma_wait3A_354 = tpu.memref_slice %arg8[%dma_wait3A_352, %dma_wait3A_353] : memref<16x64xi32, #tpu.memory_space<vmem>> -> memref<1x64xi32, #tpu.memory_space<vmem>>
      %dma_wait3A_355 = tpu.memref_squeeze %dma_wait3A_354 : memref<1x64xi32, #tpu.memory_space<vmem>> -> memref<64xi32, #tpu.memory_space<vmem>>
      %dma_wait3A_356 = arith.constant 0 : i32
      %dma_wait3A_357 = arith.constant 0 : i32
      %dma_wait3A_358 = tpu.memref_slice %arg13[%dma_wait3A_356, %dma_wait3A_357] : memref<10240x128xf32, #tpu.memory_space<vmem_shared>> -> memref<10240x128xf32, #tpu.memory_space<vmem_shared>>
      tpu.wait_indirect_dma semaphore(%arg18 : memref<!tpu.dma_semaphore, #tpu.memory_space<semaphore_mem>>) src(%arg11 : memref<64x128xf32, #tpu.memory_space<vmem>>) dst(%dma_wait3A_358 : memref<10240x128xf32, #tpu.memory_space<vmem_shared>>)
      %dma_start3A_359 = arith.constant 11 : i32
      %dma_start3A_360 = arith.constant 0 : i32
      %dma_start3A_361 = tpu.memref_slice %arg8[%dma_start3A_359, %dma_start3A_360] : memref<16x64xi32, #tpu.memory_space<vmem>> -> memref<1x64xi32, #tpu.memory_space<vmem>>
      %dma_start3A_362 = tpu.memref_squeeze %dma_start3A_361 : memref<1x64xi32, #tpu.memory_space<vmem>> -> memref<64xi32, #tpu.memory_space<vmem>>
      %dma_start3A_363 = arith.constant 0 : i32
      %dma_start3A_364 = arith.constant 0 : i32
      %dma_start3A_365 = tpu.memref_slice %arg13[%dma_start3A_363, %dma_start3A_364] : memref<10240x128xf32, #tpu.memory_space<vmem_shared>> -> memref<10240x128xf32, #tpu.memory_space<vmem_shared>>
      tpu.enqueue_indirect_dma source(%arg12 : memref<64x128xf32, #tpu.memory_space<vmem>>) target(%dma_start3A_365 : memref<10240x128xf32, #tpu.memory_space<vmem_shared>>) offsets(%dma_start3A_362 : memref<64xi32, #tpu.memory_space<vmem>>) semaphore(%arg18 : memref<!tpu.dma_semaphore, #tpu.memory_space<semaphore_mem>>) {add = true}
      %dma_start3A_366 = arith.constant 14 : i32
      %dma_start3A_367 = arith.constant 0 : i32
      %dma_start3A_368 = tpu.memref_slice %arg7[%dma_start3A_366, %dma_start3A_367] : memref<16x64xi32, #tpu.memory_space<vmem>> -> memref<1x64xi32, #tpu.memory_space<vmem>>
      %dma_start3A_369 = tpu.memref_squeeze %dma_start3A_368 : memref<1x64xi32, #tpu.memory_space<vmem>> -> memref<64xi32, #tpu.memory_space<vmem>>
      %dma_start3A_370 = arith.constant 0 : i32
      %dma_start3A_371 = arith.constant 0 : i32
      %dma_start3A_372 = tpu.memref_slice %arg2[%dma_start3A_370, %dma_start3A_371] : memref<10240x128xf32, #tpu.memory_space<hbm>> -> memref<10240x128xf32, #tpu.memory_space<hbm>>
      tpu.enqueue_indirect_dma source(%dma_start3A_372 : memref<10240x128xf32, #tpu.memory_space<hbm>>) target(%arg11 : memref<64x128xf32, #tpu.memory_space<vmem>>) offsets(%dma_start3A_369 : memref<64xi32, #tpu.memory_space<vmem>>) semaphore(%arg16 : memref<!tpu.dma_semaphore, #tpu.memory_space<semaphore_mem>>)
      %dma_wait3A_373 = arith.constant 12 : i32
      %dma_wait3A_374 = arith.constant 0 : i32
      %dma_wait3A_375 = tpu.memref_slice %arg7[%dma_wait3A_373, %dma_wait3A_374] : memref<16x64xi32, #tpu.memory_space<vmem>> -> memref<1x64xi32, #tpu.memory_space<vmem>>
      %dma_wait3A_376 = tpu.memref_squeeze %dma_wait3A_375 : memref<1x64xi32, #tpu.memory_space<vmem>> -> memref<64xi32, #tpu.memory_space<vmem>>
      %dma_wait3A_377 = arith.constant 0 : i32
      %dma_wait3A_378 = arith.constant 0 : i32
      %dma_wait3A_379 = tpu.memref_slice %arg2[%dma_wait3A_377, %dma_wait3A_378] : memref<10240x128xf32, #tpu.memory_space<hbm>> -> memref<10240x128xf32, #tpu.memory_space<hbm>>
      tpu.wait_indirect_dma semaphore(%arg14 : memref<!tpu.dma_semaphore, #tpu.memory_space<semaphore_mem>>) src(%dma_wait3A_379 : memref<10240x128xf32, #tpu.memory_space<hbm>>) dst(%arg9 : memref<64x128xf32, #tpu.memory_space<vmem>>)
      %dma_wait3A_380 = arith.constant 11 : i32
      %dma_wait3A_381 = arith.constant 0 : i32
      %dma_wait3A_382 = tpu.memref_slice %arg8[%dma_wait3A_380, %dma_wait3A_381] : memref<16x64xi32, #tpu.memory_space<vmem>> -> memref<1x64xi32, #tpu.memory_space<vmem>>
      %dma_wait3A_383 = tpu.memref_squeeze %dma_wait3A_382 : memref<1x64xi32, #tpu.memory_space<vmem>> -> memref<64xi32, #tpu.memory_space<vmem>>
      %dma_wait3A_384 = arith.constant 0 : i32
      %dma_wait3A_385 = arith.constant 0 : i32
      %dma_wait3A_386 = tpu.memref_slice %arg13[%dma_wait3A_384, %dma_wait3A_385] : memref<10240x128xf32, #tpu.memory_space<vmem_shared>> -> memref<10240x128xf32, #tpu.memory_space<vmem_shared>>
      tpu.wait_indirect_dma semaphore(%arg18 : memref<!tpu.dma_semaphore, #tpu.memory_space<semaphore_mem>>) src(%arg12 : memref<64x128xf32, #tpu.memory_space<vmem>>) dst(%dma_wait3A_386 : memref<10240x128xf32, #tpu.memory_space<vmem_shared>>)
      %dma_start3A_387 = arith.constant 12 : i32
      %dma_start3A_388 = arith.constant 0 : i32
      %dma_start3A_389 = tpu.memref_slice %arg8[%dma_start3A_387, %dma_start3A_388] : memref<16x64xi32, #tpu.memory_space<vmem>> -> memref<1x64xi32, #tpu.memory_space<vmem>>
      %dma_start3A_390 = tpu.memref_squeeze %dma_start3A_389 : memref<1x64xi32, #tpu.memory_space<vmem>> -> memref<64xi32, #tpu.memory_space<vmem>>
      %dma_start3A_391 = arith.constant 0 : i32
      %dma_start3A_392 = arith.constant 0 : i32
      %dma_start3A_393 = tpu.memref_slice %arg13[%dma_start3A_391, %dma_start3A_392] : memref<10240x128xf32, #tpu.memory_space<vmem_shared>> -> memref<10240x128xf32, #tpu.memory_space<vmem_shared>>
      tpu.enqueue_indirect_dma source(%arg9 : memref<64x128xf32, #tpu.memory_space<vmem>>) target(%dma_start3A_393 : memref<10240x128xf32, #tpu.memory_space<vmem_shared>>) offsets(%dma_start3A_390 : memref<64xi32, #tpu.memory_space<vmem>>) semaphore(%arg18 : memref<!tpu.dma_semaphore, #tpu.memory_space<semaphore_mem>>) {add = true}
      %dma_start3A_394 = arith.constant 15 : i32
      %dma_start3A_395 = arith.constant 0 : i32
      %dma_start3A_396 = tpu.memref_slice %arg7[%dma_start3A_394, %dma_start3A_395] : memref<16x64xi32, #tpu.memory_space<vmem>> -> memref<1x64xi32, #tpu.memory_space<vmem>>
      %dma_start3A_397 = tpu.memref_squeeze %dma_start3A_396 : memref<1x64xi32, #tpu.memory_space<vmem>> -> memref<64xi32, #tpu.memory_space<vmem>>
      %dma_start3A_398 = arith.constant 0 : i32
      %dma_start3A_399 = arith.constant 0 : i32
      %dma_start3A_400 = tpu.memref_slice %arg2[%dma_start3A_398, %dma_start3A_399] : memref<10240x128xf32, #tpu.memory_space<hbm>> -> memref<10240x128xf32, #tpu.memory_space<hbm>>
      tpu.enqueue_indirect_dma source(%dma_start3A_400 : memref<10240x128xf32, #tpu.memory_space<hbm>>) target(%arg12 : memref<64x128xf32, #tpu.memory_space<vmem>>) offsets(%dma_start3A_397 : memref<64xi32, #tpu.memory_space<vmem>>) semaphore(%arg17 : memref<!tpu.dma_semaphore, #tpu.memory_space<semaphore_mem>>)
      %dma_wait3A_401 = arith.constant 13 : i32
      %dma_wait3A_402 = arith.constant 0 : i32
      %dma_wait3A_403 = tpu.memref_slice %arg7[%dma_wait3A_401, %dma_wait3A_402] : memref<16x64xi32, #tpu.memory_space<vmem>> -> memref<1x64xi32, #tpu.memory_space<vmem>>
      %dma_wait3A_404 = tpu.memref_squeeze %dma_wait3A_403 : memref<1x64xi32, #tpu.memory_space<vmem>> -> memref<64xi32, #tpu.memory_space<vmem>>
      %dma_wait3A_405 = arith.constant 0 : i32
      %dma_wait3A_406 = arith.constant 0 : i32
      %dma_wait3A_407 = tpu.memref_slice %arg2[%dma_wait3A_405, %dma_wait3A_406] : memref<10240x128xf32, #tpu.memory_space<hbm>> -> memref<10240x128xf32, #tpu.memory_space<hbm>>
      tpu.wait_indirect_dma semaphore(%arg15 : memref<!tpu.dma_semaphore, #tpu.memory_space<semaphore_mem>>) src(%dma_wait3A_407 : memref<10240x128xf32, #tpu.memory_space<hbm>>) dst(%arg10 : memref<64x128xf32, #tpu.memory_space<vmem>>)
      %dma_wait3A_408 = arith.constant 12 : i32
      %dma_wait3A_409 = arith.constant 0 : i32
      %dma_wait3A_410 = tpu.memref_slice %arg8[%dma_wait3A_408, %dma_wait3A_409] : memref<16x64xi32, #tpu.memory_space<vmem>> -> memref<1x64xi32, #tpu.memory_space<vmem>>
      %dma_wait3A_411 = tpu.memref_squeeze %dma_wait3A_410 : memref<1x64xi32, #tpu.memory_space<vmem>> -> memref<64xi32, #tpu.memory_space<vmem>>
      %dma_wait3A_412 = arith.constant 0 : i32
      %dma_wait3A_413 = arith.constant 0 : i32
      %dma_wait3A_414 = tpu.memref_slice %arg13[%dma_wait3A_412, %dma_wait3A_413] : memref<10240x128xf32, #tpu.memory_space<vmem_shared>> -> memref<10240x128xf32, #tpu.memory_space<vmem_shared>>
      tpu.wait_indirect_dma semaphore(%arg18 : memref<!tpu.dma_semaphore, #tpu.memory_space<semaphore_mem>>) src(%arg9 : memref<64x128xf32, #tpu.memory_space<vmem>>) dst(%dma_wait3A_414 : memref<10240x128xf32, #tpu.memory_space<vmem_shared>>)
      %dma_start3A_415 = arith.constant 13 : i32
      %dma_start3A_416 = arith.constant 0 : i32
      %dma_start3A_417 = tpu.memref_slice %arg8[%dma_start3A_415, %dma_start3A_416] : memref<16x64xi32, #tpu.memory_space<vmem>> -> memref<1x64xi32, #tpu.memory_space<vmem>>
      %dma_start3A_418 = tpu.memref_squeeze %dma_start3A_417 : memref<1x64xi32, #tpu.memory_space<vmem>> -> memref<64xi32, #tpu.memory_space<vmem>>
      %dma_start3A_419 = arith.constant 0 : i32
      %dma_start3A_420 = arith.constant 0 : i32
      %dma_start3A_421 = tpu.memref_slice %arg13[%dma_start3A_419, %dma_start3A_420] : memref<10240x128xf32, #tpu.memory_space<vmem_shared>> -> memref<10240x128xf32, #tpu.memory_space<vmem_shared>>
      tpu.enqueue_indirect_dma source(%arg10 : memref<64x128xf32, #tpu.memory_space<vmem>>) target(%dma_start3A_421 : memref<10240x128xf32, #tpu.memory_space<vmem_shared>>) offsets(%dma_start3A_418 : memref<64xi32, #tpu.memory_space<vmem>>) semaphore(%arg18 : memref<!tpu.dma_semaphore, #tpu.memory_space<semaphore_mem>>) {add = true}
      %dma_wait3A_422 = arith.constant 14 : i32
      %dma_wait3A_423 = arith.constant 0 : i32
      %dma_wait3A_424 = tpu.memref_slice %arg7[%dma_wait3A_422, %dma_wait3A_423] : memref<16x64xi32, #tpu.memory_space<vmem>> -> memref<1x64xi32, #tpu.memory_space<vmem>>
      %dma_wait3A_425 = tpu.memref_squeeze %dma_wait3A_424 : memref<1x64xi32, #tpu.memory_space<vmem>> -> memref<64xi32, #tpu.memory_space<vmem>>
      %dma_wait3A_426 = arith.constant 0 : i32
      %dma_wait3A_427 = arith.constant 0 : i32
      %dma_wait3A_428 = tpu.memref_slice %arg2[%dma_wait3A_426, %dma_wait3A_427] : memref<10240x128xf32, #tpu.memory_space<hbm>> -> memref<10240x128xf32, #tpu.memory_space<hbm>>
      tpu.wait_indirect_dma semaphore(%arg16 : memref<!tpu.dma_semaphore, #tpu.memory_space<semaphore_mem>>) src(%dma_wait3A_428 : memref<10240x128xf32, #tpu.memory_space<hbm>>) dst(%arg11 : memref<64x128xf32, #tpu.memory_space<vmem>>)
      %dma_wait3A_429 = arith.constant 13 : i32
      %dma_wait3A_430 = arith.constant 0 : i32
      %dma_wait3A_431 = tpu.memref_slice %arg8[%dma_wait3A_429, %dma_wait3A_430] : memref<16x64xi32, #tpu.memory_space<vmem>> -> memref<1x64xi32, #tpu.memory_space<vmem>>
      %dma_wait3A_432 = tpu.memref_squeeze %dma_wait3A_431 : memref<1x64xi32, #tpu.memory_space<vmem>> -> memref<64xi32, #tpu.memory_space<vmem>>
      %dma_wait3A_433 = arith.constant 0 : i32
      %dma_wait3A_434 = arith.constant 0 : i32
      %dma_wait3A_435 = tpu.memref_slice %arg13[%dma_wait3A_433, %dma_wait3A_434] : memref<10240x128xf32, #tpu.memory_space<vmem_shared>> -> memref<10240x128xf32, #tpu.memory_space<vmem_shared>>
      tpu.wait_indirect_dma semaphore(%arg18 : memref<!tpu.dma_semaphore, #tpu.memory_space<semaphore_mem>>) src(%arg10 : memref<64x128xf32, #tpu.memory_space<vmem>>) dst(%dma_wait3A_435 : memref<10240x128xf32, #tpu.memory_space<vmem_shared>>)
      %dma_start3A_436 = arith.constant 14 : i32
      %dma_start3A_437 = arith.constant 0 : i32
      %dma_start3A_438 = tpu.memref_slice %arg8[%dma_start3A_436, %dma_start3A_437] : memref<16x64xi32, #tpu.memory_space<vmem>> -> memref<1x64xi32, #tpu.memory_space<vmem>>
      %dma_start3A_439 = tpu.memref_squeeze %dma_start3A_438 : memref<1x64xi32, #tpu.memory_space<vmem>> -> memref<64xi32, #tpu.memory_space<vmem>>
      %dma_start3A_440 = arith.constant 0 : i32
      %dma_start3A_441 = arith.constant 0 : i32
      %dma_start3A_442 = tpu.memref_slice %arg13[%dma_start3A_440, %dma_start3A_441] : memref<10240x128xf32, #tpu.memory_space<vmem_shared>> -> memref<10240x128xf32, #tpu.memory_space<vmem_shared>>
      tpu.enqueue_indirect_dma source(%arg11 : memref<64x128xf32, #tpu.memory_space<vmem>>) target(%dma_start3A_442 : memref<10240x128xf32, #tpu.memory_space<vmem_shared>>) offsets(%dma_start3A_439 : memref<64xi32, #tpu.memory_space<vmem>>) semaphore(%arg18 : memref<!tpu.dma_semaphore, #tpu.memory_space<semaphore_mem>>) {add = true}
      %dma_wait3A_443 = arith.constant 15 : i32
      %dma_wait3A_444 = arith.constant 0 : i32
      %dma_wait3A_445 = tpu.memref_slice %arg7[%dma_wait3A_443, %dma_wait3A_444] : memref<16x64xi32, #tpu.memory_space<vmem>> -> memref<1x64xi32, #tpu.memory_space<vmem>>
      %dma_wait3A_446 = tpu.memref_squeeze %dma_wait3A_445 : memref<1x64xi32, #tpu.memory_space<vmem>> -> memref<64xi32, #tpu.memory_space<vmem>>
      %dma_wait3A_447 = arith.constant 0 : i32
      %dma_wait3A_448 = arith.constant 0 : i32
      %dma_wait3A_449 = tpu.memref_slice %arg2[%dma_wait3A_447, %dma_wait3A_448] : memref<10240x128xf32, #tpu.memory_space<hbm>> -> memref<10240x128xf32, #tpu.memory_space<hbm>>
      tpu.wait_indirect_dma semaphore(%arg17 : memref<!tpu.dma_semaphore, #tpu.memory_space<semaphore_mem>>) src(%dma_wait3A_449 : memref<10240x128xf32, #tpu.memory_space<hbm>>) dst(%arg12 : memref<64x128xf32, #tpu.memory_space<vmem>>)
      %dma_wait3A_450 = arith.constant 14 : i32
      %dma_wait3A_451 = arith.constant 0 : i32
      %dma_wait3A_452 = tpu.memref_slice %arg8[%dma_wait3A_450, %dma_wait3A_451] : memref<16x64xi32, #tpu.memory_space<vmem>> -> memref<1x64xi32, #tpu.memory_space<vmem>>
      %dma_wait3A_453 = tpu.memref_squeeze %dma_wait3A_452 : memref<1x64xi32, #tpu.memory_space<vmem>> -> memref<64xi32, #tpu.memory_space<vmem>>
      %dma_wait3A_454 = arith.constant 0 : i32
      %dma_wait3A_455 = arith.constant 0 : i32
      %dma_wait3A_456 = tpu.memref_slice %arg13[%dma_wait3A_454, %dma_wait3A_455] : memref<10240x128xf32, #tpu.memory_space<vmem_shared>> -> memref<10240x128xf32, #tpu.memory_space<vmem_shared>>
      tpu.wait_indirect_dma semaphore(%arg18 : memref<!tpu.dma_semaphore, #tpu.memory_space<semaphore_mem>>) src(%arg11 : memref<64x128xf32, #tpu.memory_space<vmem>>) dst(%dma_wait3A_456 : memref<10240x128xf32, #tpu.memory_space<vmem_shared>>)
      %dma_start3A_457 = arith.constant 15 : i32
      %dma_start3A_458 = arith.constant 0 : i32
      %dma_start3A_459 = tpu.memref_slice %arg8[%dma_start3A_457, %dma_start3A_458] : memref<16x64xi32, #tpu.memory_space<vmem>> -> memref<1x64xi32, #tpu.memory_space<vmem>>
      %dma_start3A_460 = tpu.memref_squeeze %dma_start3A_459 : memref<1x64xi32, #tpu.memory_space<vmem>> -> memref<64xi32, #tpu.memory_space<vmem>>
      %dma_start3A_461 = arith.constant 0 : i32
      %dma_start3A_462 = arith.constant 0 : i32
      %dma_start3A_463 = tpu.memref_slice %arg13[%dma_start3A_461, %dma_start3A_462] : memref<10240x128xf32, #tpu.memory_space<vmem_shared>> -> memref<10240x128xf32, #tpu.memory_space<vmem_shared>>
      tpu.enqueue_indirect_dma source(%arg12 : memref<64x128xf32, #tpu.memory_space<vmem>>) target(%dma_start3A_463 : memref<10240x128xf32, #tpu.memory_space<vmem_shared>>) offsets(%dma_start3A_460 : memref<64xi32, #tpu.memory_space<vmem>>) semaphore(%arg18 : memref<!tpu.dma_semaphore, #tpu.memory_space<semaphore_mem>>) {add = true}
      %dma_wait3A_464 = arith.constant 15 : i32
      %dma_wait3A_465 = arith.constant 0 : i32
      %dma_wait3A_466 = tpu.memref_slice %arg8[%dma_wait3A_464, %dma_wait3A_465] : memref<16x64xi32, #tpu.memory_space<vmem>> -> memref<1x64xi32, #tpu.memory_space<vmem>>
      %dma_wait3A_467 = tpu.memref_squeeze %dma_wait3A_466 : memref<1x64xi32, #tpu.memory_space<vmem>> -> memref<64xi32, #tpu.memory_space<vmem>>
      %dma_wait3A_468 = arith.constant 0 : i32
      %dma_wait3A_469 = arith.constant 0 : i32
      %dma_wait3A_470 = tpu.memref_slice %arg13[%dma_wait3A_468, %dma_wait3A_469] : memref<10240x128xf32, #tpu.memory_space<vmem_shared>> -> memref<10240x128xf32, #tpu.memory_space<vmem_shared>>
      tpu.wait_indirect_dma semaphore(%arg18 : memref<!tpu.dma_semaphore, #tpu.memory_space<semaphore_mem>>) src(%arg12 : memref<64x128xf32, #tpu.memory_space<vmem>>) dst(%dma_wait3A_470 : memref<10240x128xf32, #tpu.memory_space<vmem_shared>>)
    }
    %scan3A_11 = arith.constant 10 : i32
    %barrier3A_12 = arith.constant 0 : index
    tpu.barrier barrier_id(%barrier3A_12)
    %scan3A_13 = arith.constant 0 : i32
    %scan3A_14 = arith.constant 0 : i32
    %scan3A_15 = arith.constant 10 : i32
    %scan3A_16 = arith.addi %scan3A_14, %scan3A_15 : i32
    %scan3A_17 = arith.constant 1 : i32
    scf.for %scan3A_19 = %scan3A_14 to %scan3A_16 step %scan3A_17  : i32 {
      %mul3A_20 = arith.constant 640 : i32
      %mul3A_21 = arith.muli %arg1, %mul3A_20 : i32
      %mul3A_22 = arith.constant 64 : i32
      %mul3A_23 = arith.muli %scan3A_19, %mul3A_22 : i32
      %add3A_24 = arith.addi %mul3A_21, %mul3A_23 : i32
      "tpu.region"() ({
        %run_scoped3A = tpu.sem_alloc : memref<!tpu.dma_semaphore, #tpu.memory_space<semaphore_mem>>
        %dma_start3A = arith.constant 0 : i32
        %dma_start3A_25 = tpu.memref_slice %arg13[%add3A_24, %dma_start3A] : memref<10240x128xf32, #tpu.memory_space<vmem_shared>> -> memref<64x128xf32, #tpu.memory_space<vmem_shared>>
        %dma_start3A_26 = arith.constant 0 : i32
        %dma_start3A_27 = tpu.memref_slice %arg13[%add3A_24, %dma_start3A_26] : memref<10240x128xf32, #tpu.memory_space<vmem_shared>> -> memref<64x128xf32, #tpu.memory_space<vmem_shared>>
        tpu.enqueue_dma source(%dma_start3A_27 : memref<64x128xf32, #tpu.memory_space<vmem_shared>>) target(%arg9 : memref<64x128xf32, #tpu.memory_space<vmem>>) target_semaphore(%run_scoped3A : memref<!tpu.dma_semaphore, #tpu.memory_space<semaphore_mem>>)
        %dma_wait3A = arith.constant 0 : i32
        %dma_wait3A_28 = tpu.memref_slice %arg13[%add3A_24, %dma_wait3A] : memref<10240x128xf32, #tpu.memory_space<vmem_shared>> -> memref<64x128xf32, #tpu.memory_space<vmem_shared>>
        %dma_wait3A_29 = arith.constant 0 : i32
        %dma_wait3A_30 = tpu.memref_slice %arg13[%add3A_24, %dma_wait3A_29] : memref<10240x128xf32, #tpu.memory_space<vmem_shared>> -> memref<64x128xf32, #tpu.memory_space<vmem_shared>>
        tpu.wait_dma2 semaphore(%run_scoped3A : memref<!tpu.dma_semaphore, #tpu.memory_space<semaphore_mem>>) src(%dma_wait3A_30 : memref<64x128xf32, #tpu.memory_space<vmem_shared>>) dst(%arg9 : memref<64x128xf32, #tpu.memory_space<vmem>>)
        tpu.yield
      }) : () -> ()
      "tpu.region"() ({
        %run_scoped3A = tpu.sem_alloc : memref<!tpu.dma_semaphore, #tpu.memory_space<semaphore_mem>>
        %dma_start3A = arith.constant 0 : i32
        %dma_start3A_25 = tpu.memref_slice %arg6[%arg0, %add3A_24, %dma_start3A] : memref<2x10240x128xf32, #tpu.memory_space<hbm>> -> memref<1x64x128xf32, #tpu.memory_space<hbm>>
        %dma_start3A_26 = tpu.memref_squeeze %dma_start3A_25 : memref<1x64x128xf32, #tpu.memory_space<hbm>> -> memref<64x128xf32, #tpu.memory_space<hbm>>
        %dma_start3A_27 = arith.constant 0 : i32
        %dma_start3A_28 = tpu.memref_slice %arg6[%arg0, %add3A_24, %dma_start3A_27] : memref<2x10240x128xf32, #tpu.memory_space<hbm>> -> memref<1x64x128xf32, #tpu.memory_space<hbm>>
        %dma_start3A_29 = tpu.memref_squeeze %dma_start3A_28 : memref<1x64x128xf32, #tpu.memory_space<hbm>> -> memref<64x128xf32, #tpu.memory_space<hbm>>
        tpu.enqueue_dma source(%arg9 : memref<64x128xf32, #tpu.memory_space<vmem>>) target(%dma_start3A_29 : memref<64x128xf32, #tpu.memory_space<hbm>>) target_semaphore(%run_scoped3A : memref<!tpu.dma_semaphore, #tpu.memory_space<semaphore_mem>>)
        %dma_wait3A = arith.constant 0 : i32
        %dma_wait3A_30 = tpu.memref_slice %arg6[%arg0, %add3A_24, %dma_wait3A] : memref<2x10240x128xf32, #tpu.memory_space<hbm>> -> memref<1x64x128xf32, #tpu.memory_space<hbm>>
        %dma_wait3A_31 = tpu.memref_squeeze %dma_wait3A_30 : memref<1x64x128xf32, #tpu.memory_space<hbm>> -> memref<64x128xf32, #tpu.memory_space<hbm>>
        %dma_wait3A_32 = arith.constant 0 : i32
        %dma_wait3A_33 = tpu.memref_slice %arg6[%arg0, %add3A_24, %dma_wait3A_32] : memref<2x10240x128xf32, #tpu.memory_space<hbm>> -> memref<1x64x128xf32, #tpu.memory_space<hbm>>
        %dma_wait3A_34 = tpu.memref_squeeze %dma_wait3A_33 : memref<1x64x128xf32, #tpu.memory_space<hbm>> -> memref<64x128xf32, #tpu.memory_space<hbm>>
        tpu.wait_dma2 semaphore(%run_scoped3A : memref<!tpu.dma_semaphore, #tpu.memory_space<semaphore_mem>>) src(%arg9 : memref<64x128xf32, #tpu.memory_space<vmem>>) dst(%dma_wait3A_34 : memref<64x128xf32, #tpu.memory_space<hbm>>)
        tpu.yield
      }) : () -> ()
    }
    %scan3A_18 = arith.constant 10 : i32
    return
  }
}

#map = affine_map<(d0, d1) -> (0, 0)>
#map1 = affine_map<(d0, d1) -> (0, 0, 0)>
module attributes {stable_mosaic.version = 14 : i64} {
  func.func @body(%arg0: i32, %arg1: i32, %arg2: memref<64x128xf32, #tpu.memory_space<hbm>>, %arg3: memref<5120x64xi32, #tpu.memory_space<hbm>>, %arg4: memref<5120x64xi32, #tpu.memory_space<hbm>>, %arg5: memref<10240x128xf32, #tpu.memory_space<hbm>>, %arg6: memref<2x10240x128xf32, #tpu.memory_space<hbm>>, %arg7: memref<16x64xi32, #tpu.memory_space<vmem>>, %arg8: memref<16x64xi32, #tpu.memory_space<vmem>>, %arg9: memref<64x128xf32, #tpu.memory_space<vmem>>, %arg10: memref<64x128xf32, #tpu.memory_space<vmem>>, %arg11: memref<64x128xf32, #tpu.memory_space<vmem>>, %arg12: memref<64x128xf32, #tpu.memory_space<vmem>>, %arg13: memref<10240x128xf32, #tpu.memory_space<vmem_shared>>, %arg14: memref<!tpu.dma_semaphore, #tpu.memory_space<semaphore_mem>>, %arg15: memref<!tpu.dma_semaphore, #tpu.memory_space<semaphore_mem>>, %arg16: memref<!tpu.dma_semaphore, #tpu.memory_space<semaphore_mem>>, %arg17: memref<!tpu.dma_semaphore, #tpu.memory_space<semaphore_mem>>, %arg18: memref<!tpu.dma_semaphore, #tpu.memory_space<semaphore_mem>>) attributes {dimension_semantics = [#tpu.dimension_semantics<core_parallel>, #tpu.dimension_semantics<subcore_parallel>], iteration_bounds = array<i64: 2, 16>, scalar_prefetch = 0 : i64, scratch_operands = 12 : i64, tpu.core_type = #tpu.core_type<sc_vector_subcore>, window_params = [{transform_indices = #map}, {transform_indices = #map}, {transform_indices = #map}, {transform_indices = #map}, {transform_indices = #map1}]} {
    %mul3A = arith.constant 2 : i32
    %mul3A_0 = arith.muli %arg1, %mul3A : i32
    %add3A = arith.addi %mul3A_0, %arg0 : i32
    "tpu.region"() ({
      %run_scoped3A = tpu.sem_alloc : memref<!tpu.dma_semaphore, #tpu.memory_space<semaphore_mem>>
      %dma_start3A = arith.constant 0 : i32
      %dma_start3A_19 = arith.constant 0 : i32
      %dma_start3A_20 = tpu.memref_slice %arg5[%dma_start3A, %dma_start3A_19] : memref<10240x128xf32, #tpu.memory_space<hbm>> -> memref<64x128xf32, #tpu.memory_space<hbm>>
      %dma_start3A_21 = arith.constant 0 : i32
      %dma_start3A_22 = arith.constant 0 : i32
      %dma_start3A_23 = tpu.memref_slice %arg5[%dma_start3A_21, %dma_start3A_22] : memref<10240x128xf32, #tpu.memory_space<hbm>> -> memref<64x128xf32, #tpu.memory_space<hbm>>
      tpu.enqueue_dma source(%dma_start3A_23 : memref<64x128xf32, #tpu.memory_space<hbm>>) target(%arg9 : memref<64x128xf32, #tpu.memory_space<vmem>>) target_semaphore(%run_scoped3A : memref<!tpu.dma_semaphore, #tpu.memory_space<semaphore_mem>>)
      %dma_wait3A = arith.constant 0 : i32
      %dma_wait3A_24 = arith.constant 0 : i32
      %dma_wait3A_25 = tpu.memref_slice %arg5[%dma_wait3A, %dma_wait3A_24] : memref<10240x128xf32, #tpu.memory_space<hbm>> -> memref<64x128xf32, #tpu.memory_space<hbm>>
      %dma_wait3A_26 = arith.constant 0 : i32
      %dma_wait3A_27 = arith.constant 0 : i32
      %dma_wait3A_28 = tpu.memref_slice %arg5[%dma_wait3A_26, %dma_wait3A_27] : memref<10240x128xf32, #tpu.memory_space<hbm>> -> memref<64x128xf32, #tpu.memory_space<hbm>>
      tpu.wait_dma2 semaphore(%run_scoped3A : memref<!tpu.dma_semaphore, #tpu.memory_space<semaphore_mem>>) src(%dma_wait3A_28 : memref<64x128xf32, #tpu.memory_space<hbm>>) dst(%arg9 : memref<64x128xf32, #tpu.memory_space<vmem>>)
      tpu.yield
    }) : () -> ()
    %scan3A = arith.constant 0 : i32
    %scan3A_1 = arith.constant 0 : i32
    %scan3A_2 = arith.constant 10 : i32
    %scan3A_3 = arith.addi %scan3A_1, %scan3A_2 : i32
    %scan3A_4 = arith.constant 1 : i32
    scf.for %scan3A_19 = %scan3A_1 to %scan3A_3 step %scan3A_4  : i32 {
      %mul3A_20 = arith.constant 640 : i32
      %mul3A_21 = arith.muli %arg1, %mul3A_20 : i32
      %mul3A_22 = arith.constant 64 : i32
      %mul3A_23 = arith.muli %scan3A_19, %mul3A_22 : i32
      %add3A_24 = arith.addi %mul3A_21, %mul3A_23 : i32
      "tpu.region"() ({
        %run_scoped3A = tpu.sem_alloc : memref<!tpu.dma_semaphore, #tpu.memory_space<semaphore_mem>>
        %dma_start3A = arith.constant 0 : i32
        %dma_start3A_25 = tpu.memref_slice %arg13[%add3A_24, %dma_start3A] : memref<10240x128xf32, #tpu.memory_space<vmem_shared>> -> memref<64x128xf32, #tpu.memory_space<vmem_shared>>
        %dma_start3A_26 = arith.constant 0 : i32
        %dma_start3A_27 = tpu.memref_slice %arg13[%add3A_24, %dma_start3A_26] : memref<10240x128xf32, #tpu.memory_space<vmem_shared>> -> memref<64x128xf32, #tpu.memory_space<vmem_shared>>
        tpu.enqueue_dma source(%arg9 : memref<64x128xf32, #tpu.memory_space<vmem>>) target(%dma_start3A_27 : memref<64x128xf32, #tpu.memory_space<vmem_shared>>) target_semaphore(%run_scoped3A : memref<!tpu.dma_semaphore, #tpu.memory_space<semaphore_mem>>)
        %dma_wait3A = arith.constant 0 : i32
        %dma_wait3A_28 = tpu.memref_slice %arg13[%add3A_24, %dma_wait3A] : memref<10240x128xf32, #tpu.memory_space<vmem_shared>> -> memref<64x128xf32, #tpu.memory_space<vmem_shared>>
        %dma_wait3A_29 = arith.constant 0 : i32
        %dma_wait3A_30 = tpu.memref_slice %arg13[%add3A_24, %dma_wait3A_29] : memref<10240x128xf32, #tpu.memory_space<vmem_shared>> -> memref<64x128xf32, #tpu.memory_space<vmem_shared>>
        tpu.wait_dma2 semaphore(%run_scoped3A : memref<!tpu.dma_semaphore, #tpu.memory_space<semaphore_mem>>) src(%arg9 : memref<64x128xf32, #tpu.memory_space<vmem>>) dst(%dma_wait3A_30 : memref<64x128xf32, #tpu.memory_space<vmem_shared>>)
        tpu.yield
      }) : () -> ()
    }
    %scan3A_5 = arith.constant 10 : i32
    %barrier3A = arith.constant 0 : index
    tpu.barrier barrier_id(%barrier3A)
    "tpu.region"() ({
      %run_scoped3A = tpu.sem_alloc : memref<!tpu.dma_semaphore, #tpu.memory_space<semaphore_mem>>
      %dma_start3A = arith.constant 0 : i32
      %dma_start3A_19 = arith.constant 0 : i32
      %dma_start3A_20 = tpu.memref_slice %arg2[%dma_start3A, %dma_start3A_19] : memref<64x128xf32, #tpu.memory_space<hbm>> -> memref<64x128xf32, #tpu.memory_space<hbm>>
      %dma_start3A_21 = arith.constant 0 : i32
      %dma_start3A_22 = arith.constant 0 : i32
      %dma_start3A_23 = tpu.memref_slice %arg2[%dma_start3A_21, %dma_start3A_22] : memref<64x128xf32, #tpu.memory_space<hbm>> -> memref<64x128xf32, #tpu.memory_space<hbm>>
      tpu.enqueue_dma source(%dma_start3A_23 : memref<64x128xf32, #tpu.memory_space<hbm>>) target(%arg9 : memref<64x128xf32, #tpu.memory_space<vmem>>) target_semaphore(%run_scoped3A : memref<!tpu.dma_semaphore, #tpu.memory_space<semaphore_mem>>)
      %dma_wait3A = arith.constant 0 : i32
      %dma_wait3A_24 = arith.constant 0 : i32
      %dma_wait3A_25 = tpu.memref_slice %arg2[%dma_wait3A, %dma_wait3A_24] : memref<64x128xf32, #tpu.memory_space<hbm>> -> memref<64x128xf32, #tpu.memory_space<hbm>>
      %dma_wait3A_26 = arith.constant 0 : i32
      %dma_wait3A_27 = arith.constant 0 : i32
      %dma_wait3A_28 = tpu.memref_slice %arg2[%dma_wait3A_26, %dma_wait3A_27] : memref<64x128xf32, #tpu.memory_space<hbm>> -> memref<64x128xf32, #tpu.memory_space<hbm>>
      tpu.wait_dma2 semaphore(%run_scoped3A : memref<!tpu.dma_semaphore, #tpu.memory_space<semaphore_mem>>) src(%dma_wait3A_28 : memref<64x128xf32, #tpu.memory_space<hbm>>) dst(%arg9 : memref<64x128xf32, #tpu.memory_space<vmem>>)
      tpu.yield
    }) : () -> ()
    %scan3A_6 = arith.constant 0 : i32
    %scan3A_7 = arith.constant 0 : i32
    %scan3A_8 = arith.constant 10 : i32
    %scan3A_9 = arith.addi %scan3A_7, %scan3A_8 : i32
    %scan3A_10 = arith.constant 1 : i32
    scf.for %scan3A_19 = %scan3A_7 to %scan3A_9 step %scan3A_10  : i32 {
      %mul3A_20 = arith.constant 160 : i32
      %mul3A_21 = arith.muli %add3A, %mul3A_20 : i32
      %mul3A_22 = arith.constant 16 : i32
      %mul3A_23 = arith.muli %scan3A_19, %mul3A_22 : i32
      %add3A_24 = arith.addi %mul3A_21, %mul3A_23 : i32
      "tpu.region"() ({
        %run_scoped3A_40 = tpu.sem_alloc : memref<!tpu.dma_semaphore, #tpu.memory_space<semaphore_mem>>
        %dma_start3A = arith.constant 0 : i32
        %dma_start3A_41 = tpu.memref_slice %arg4[%add3A_24, %dma_start3A] : memref<5120x64xi32, #tpu.memory_space<hbm>> -> memref<16x64xi32, #tpu.memory_space<hbm>>
        %dma_start3A_42 = arith.constant 0 : i32
        %dma_start3A_43 = tpu.memref_slice %arg4[%add3A_24, %dma_start3A_42] : memref<5120x64xi32, #tpu.memory_space<hbm>> -> memref<16x64xi32, #tpu.memory_space<hbm>>
        tpu.enqueue_dma source(%dma_start3A_43 : memref<16x64xi32, #tpu.memory_space<hbm>>) target(%arg8 : memref<16x64xi32, #tpu.memory_space<vmem>>) target_semaphore(%run_scoped3A_40 : memref<!tpu.dma_semaphore, #tpu.memory_space<semaphore_mem>>)
        %dma_wait3A = arith.constant 0 : i32
        %dma_wait3A_44 = tpu.memref_slice %arg4[%add3A_24, %dma_wait3A] : memref<5120x64xi32, #tpu.memory_space<hbm>> -> memref<16x64xi32, #tpu.memory_space<hbm>>
        %dma_wait3A_45 = arith.constant 0 : i32
        %dma_wait3A_46 = tpu.memref_slice %arg4[%add3A_24, %dma_wait3A_45] : memref<5120x64xi32, #tpu.memory_space<hbm>> -> memref<16x64xi32, #tpu.memory_space<hbm>>
        tpu.wait_dma2 semaphore(%run_scoped3A_40 : memref<!tpu.dma_semaphore, #tpu.memory_space<semaphore_mem>>) src(%dma_wait3A_46 : memref<16x64xi32, #tpu.memory_space<hbm>>) dst(%arg8 : memref<16x64xi32, #tpu.memory_space<vmem>>)
        tpu.yield
      }) : () -> ()
      %run_scoped3A = arith.constant 0 : i32
      "tpu.region"() ({
        %run_scoped3A_40 = tpu.sem_alloc : memref<!tpu.dma_semaphore, #tpu.memory_space<semaphore_mem>>
        %dma_start3A = arith.constant 0 : i32
        %dma_start3A_41 = tpu.memref_slice %arg8[%run_scoped3A, %dma_start3A] : memref<16x64xi32, #tpu.memory_space<vmem>> -> memref<1x64xi32, #tpu.memory_space<vmem>>
        %dma_start3A_42 = tpu.memref_squeeze %dma_start3A_41 : memref<1x64xi32, #tpu.memory_space<vmem>> -> memref<64xi32, #tpu.memory_space<vmem>>
        %dma_start3A_43 = arith.constant 0 : i32
        %dma_start3A_44 = arith.constant 0 : i32
        %dma_start3A_45 = tpu.memref_slice %arg13[%dma_start3A_43, %dma_start3A_44] : memref<10240x128xf32, #tpu.memory_space<vmem_shared>> -> memref<10240x128xf32, #tpu.memory_space<vmem_shared>>
        tpu.enqueue_indirect_dma source(%arg9 : memref<64x128xf32, #tpu.memory_space<vmem>>) target(%dma_start3A_45 : memref<10240x128xf32, #tpu.memory_space<vmem_shared>>) offsets(%dma_start3A_42 : memref<64xi32, #tpu.memory_space<vmem>>) semaphore(%run_scoped3A_40 : memref<!tpu.dma_semaphore, #tpu.memory_space<semaphore_mem>>) {add = true}
        %dma_wait3A = arith.constant 0 : i32
        %dma_wait3A_46 = tpu.memref_slice %arg8[%run_scoped3A, %dma_wait3A] : memref<16x64xi32, #tpu.memory_space<vmem>> -> memref<1x64xi32, #tpu.memory_space<vmem>>
        %dma_wait3A_47 = tpu.memref_squeeze %dma_wait3A_46 : memref<1x64xi32, #tpu.memory_space<vmem>> -> memref<64xi32, #tpu.memory_space<vmem>>
        %dma_wait3A_48 = arith.constant 0 : i32
        %dma_wait3A_49 = arith.constant 0 : i32
        %dma_wait3A_50 = tpu.memref_slice %arg13[%dma_wait3A_48, %dma_wait3A_49] : memref<10240x128xf32, #tpu.memory_space<vmem_shared>> -> memref<10240x128xf32, #tpu.memory_space<vmem_shared>>
        tpu.wait_indirect_dma semaphore(%run_scoped3A_40 : memref<!tpu.dma_semaphore, #tpu.memory_space<semaphore_mem>>) src(%arg9 : memref<64x128xf32, #tpu.memory_space<vmem>>) dst(%dma_wait3A_50 : memref<10240x128xf32, #tpu.memory_space<vmem_shared>>)
        tpu.yield
      }) : () -> ()
      %run_scoped3A_25 = arith.constant 1 : i32
      "tpu.region"() ({
        %run_scoped3A_40 = tpu.sem_alloc : memref<!tpu.dma_semaphore, #tpu.memory_space<semaphore_mem>>
        %dma_start3A = arith.constant 0 : i32
        %dma_start3A_41 = tpu.memref_slice %arg8[%run_scoped3A_25, %dma_start3A] : memref<16x64xi32, #tpu.memory_space<vmem>> -> memref<1x64xi32, #tpu.memory_space<vmem>>
        %dma_start3A_42 = tpu.memref_squeeze %dma_start3A_41 : memref<1x64xi32, #tpu.memory_space<vmem>> -> memref<64xi32, #tpu.memory_space<vmem>>
        %dma_start3A_43 = arith.constant 0 : i32
        %dma_start3A_44 = arith.constant 0 : i32
        %dma_start3A_45 = tpu.memref_slice %arg13[%dma_start3A_43, %dma_start3A_44] : memref<10240x128xf32, #tpu.memory_space<vmem_shared>> -> memref<10240x128xf32, #tpu.memory_space<vmem_shared>>
        tpu.enqueue_indirect_dma source(%arg9 : memref<64x128xf32, #tpu.memory_space<vmem>>) target(%dma_start3A_45 : memref<10240x128xf32, #tpu.memory_space<vmem_shared>>) offsets(%dma_start3A_42 : memref<64xi32, #tpu.memory_space<vmem>>) semaphore(%run_scoped3A_40 : memref<!tpu.dma_semaphore, #tpu.memory_space<semaphore_mem>>) {add = true}
        %dma_wait3A = arith.constant 0 : i32
        %dma_wait3A_46 = tpu.memref_slice %arg8[%run_scoped3A_25, %dma_wait3A] : memref<16x64xi32, #tpu.memory_space<vmem>> -> memref<1x64xi32, #tpu.memory_space<vmem>>
        %dma_wait3A_47 = tpu.memref_squeeze %dma_wait3A_46 : memref<1x64xi32, #tpu.memory_space<vmem>> -> memref<64xi32, #tpu.memory_space<vmem>>
        %dma_wait3A_48 = arith.constant 0 : i32
        %dma_wait3A_49 = arith.constant 0 : i32
        %dma_wait3A_50 = tpu.memref_slice %arg13[%dma_wait3A_48, %dma_wait3A_49] : memref<10240x128xf32, #tpu.memory_space<vmem_shared>> -> memref<10240x128xf32, #tpu.memory_space<vmem_shared>>
        tpu.wait_indirect_dma semaphore(%run_scoped3A_40 : memref<!tpu.dma_semaphore, #tpu.memory_space<semaphore_mem>>) src(%arg9 : memref<64x128xf32, #tpu.memory_space<vmem>>) dst(%dma_wait3A_50 : memref<10240x128xf32, #tpu.memory_space<vmem_shared>>)
        tpu.yield
      }) : () -> ()
      %run_scoped3A_26 = arith.constant 2 : i32
      "tpu.region"() ({
        %run_scoped3A_40 = tpu.sem_alloc : memref<!tpu.dma_semaphore, #tpu.memory_space<semaphore_mem>>
        %dma_start3A = arith.constant 0 : i32
        %dma_start3A_41 = tpu.memref_slice %arg8[%run_scoped3A_26, %dma_start3A] : memref<16x64xi32, #tpu.memory_space<vmem>> -> memref<1x64xi32, #tpu.memory_space<vmem>>
        %dma_start3A_42 = tpu.memref_squeeze %dma_start3A_41 : memref<1x64xi32, #tpu.memory_space<vmem>> -> memref<64xi32, #tpu.memory_space<vmem>>
        %dma_start3A_43 = arith.constant 0 : i32
        %dma_start3A_44 = arith.constant 0 : i32
        %dma_start3A_45 = tpu.memref_slice %arg13[%dma_start3A_43, %dma_start3A_44] : memref<10240x128xf32, #tpu.memory_space<vmem_shared>> -> memref<10240x128xf32, #tpu.memory_space<vmem_shared>>
        tpu.enqueue_indirect_dma source(%arg9 : memref<64x128xf32, #tpu.memory_space<vmem>>) target(%dma_start3A_45 : memref<10240x128xf32, #tpu.memory_space<vmem_shared>>) offsets(%dma_start3A_42 : memref<64xi32, #tpu.memory_space<vmem>>) semaphore(%run_scoped3A_40 : memref<!tpu.dma_semaphore, #tpu.memory_space<semaphore_mem>>) {add = true}
        %dma_wait3A = arith.constant 0 : i32
        %dma_wait3A_46 = tpu.memref_slice %arg8[%run_scoped3A_26, %dma_wait3A] : memref<16x64xi32, #tpu.memory_space<vmem>> -> memref<1x64xi32, #tpu.memory_space<vmem>>
        %dma_wait3A_47 = tpu.memref_squeeze %dma_wait3A_46 : memref<1x64xi32, #tpu.memory_space<vmem>> -> memref<64xi32, #tpu.memory_space<vmem>>
        %dma_wait3A_48 = arith.constant 0 : i32
        %dma_wait3A_49 = arith.constant 0 : i32
        %dma_wait3A_50 = tpu.memref_slice %arg13[%dma_wait3A_48, %dma_wait3A_49] : memref<10240x128xf32, #tpu.memory_space<vmem_shared>> -> memref<10240x128xf32, #tpu.memory_space<vmem_shared>>
        tpu.wait_indirect_dma semaphore(%run_scoped3A_40 : memref<!tpu.dma_semaphore, #tpu.memory_space<semaphore_mem>>) src(%arg9 : memref<64x128xf32, #tpu.memory_space<vmem>>) dst(%dma_wait3A_50 : memref<10240x128xf32, #tpu.memory_space<vmem_shared>>)
        tpu.yield
      }) : () -> ()
      %run_scoped3A_27 = arith.constant 3 : i32
      "tpu.region"() ({
        %run_scoped3A_40 = tpu.sem_alloc : memref<!tpu.dma_semaphore, #tpu.memory_space<semaphore_mem>>
        %dma_start3A = arith.constant 0 : i32
        %dma_start3A_41 = tpu.memref_slice %arg8[%run_scoped3A_27, %dma_start3A] : memref<16x64xi32, #tpu.memory_space<vmem>> -> memref<1x64xi32, #tpu.memory_space<vmem>>
        %dma_start3A_42 = tpu.memref_squeeze %dma_start3A_41 : memref<1x64xi32, #tpu.memory_space<vmem>> -> memref<64xi32, #tpu.memory_space<vmem>>
        %dma_start3A_43 = arith.constant 0 : i32
        %dma_start3A_44 = arith.constant 0 : i32
        %dma_start3A_45 = tpu.memref_slice %arg13[%dma_start3A_43, %dma_start3A_44] : memref<10240x128xf32, #tpu.memory_space<vmem_shared>> -> memref<10240x128xf32, #tpu.memory_space<vmem_shared>>
        tpu.enqueue_indirect_dma source(%arg9 : memref<64x128xf32, #tpu.memory_space<vmem>>) target(%dma_start3A_45 : memref<10240x128xf32, #tpu.memory_space<vmem_shared>>) offsets(%dma_start3A_42 : memref<64xi32, #tpu.memory_space<vmem>>) semaphore(%run_scoped3A_40 : memref<!tpu.dma_semaphore, #tpu.memory_space<semaphore_mem>>) {add = true}
        %dma_wait3A = arith.constant 0 : i32
        %dma_wait3A_46 = tpu.memref_slice %arg8[%run_scoped3A_27, %dma_wait3A] : memref<16x64xi32, #tpu.memory_space<vmem>> -> memref<1x64xi32, #tpu.memory_space<vmem>>
        %dma_wait3A_47 = tpu.memref_squeeze %dma_wait3A_46 : memref<1x64xi32, #tpu.memory_space<vmem>> -> memref<64xi32, #tpu.memory_space<vmem>>
        %dma_wait3A_48 = arith.constant 0 : i32
        %dma_wait3A_49 = arith.constant 0 : i32
        %dma_wait3A_50 = tpu.memref_slice %arg13[%dma_wait3A_48, %dma_wait3A_49] : memref<10240x128xf32, #tpu.memory_space<vmem_shared>> -> memref<10240x128xf32, #tpu.memory_space<vmem_shared>>
        tpu.wait_indirect_dma semaphore(%run_scoped3A_40 : memref<!tpu.dma_semaphore, #tpu.memory_space<semaphore_mem>>) src(%arg9 : memref<64x128xf32, #tpu.memory_space<vmem>>) dst(%dma_wait3A_50 : memref<10240x128xf32, #tpu.memory_space<vmem_shared>>)
        tpu.yield
      }) : () -> ()
      %run_scoped3A_28 = arith.constant 4 : i32
      "tpu.region"() ({
        %run_scoped3A_40 = tpu.sem_alloc : memref<!tpu.dma_semaphore, #tpu.memory_space<semaphore_mem>>
        %dma_start3A = arith.constant 0 : i32
        %dma_start3A_41 = tpu.memref_slice %arg8[%run_scoped3A_28, %dma_start3A] : memref<16x64xi32, #tpu.memory_space<vmem>> -> memref<1x64xi32, #tpu.memory_space<vmem>>
        %dma_start3A_42 = tpu.memref_squeeze %dma_start3A_41 : memref<1x64xi32, #tpu.memory_space<vmem>> -> memref<64xi32, #tpu.memory_space<vmem>>
        %dma_start3A_43 = arith.constant 0 : i32
        %dma_start3A_44 = arith.constant 0 : i32
        %dma_start3A_45 = tpu.memref_slice %arg13[%dma_start3A_43, %dma_start3A_44] : memref<10240x128xf32, #tpu.memory_space<vmem_shared>> -> memref<10240x128xf32, #tpu.memory_space<vmem_shared>>
        tpu.enqueue_indirect_dma source(%arg9 : memref<64x128xf32, #tpu.memory_space<vmem>>) target(%dma_start3A_45 : memref<10240x128xf32, #tpu.memory_space<vmem_shared>>) offsets(%dma_start3A_42 : memref<64xi32, #tpu.memory_space<vmem>>) semaphore(%run_scoped3A_40 : memref<!tpu.dma_semaphore, #tpu.memory_space<semaphore_mem>>) {add = true}
        %dma_wait3A = arith.constant 0 : i32
        %dma_wait3A_46 = tpu.memref_slice %arg8[%run_scoped3A_28, %dma_wait3A] : memref<16x64xi32, #tpu.memory_space<vmem>> -> memref<1x64xi32, #tpu.memory_space<vmem>>
        %dma_wait3A_47 = tpu.memref_squeeze %dma_wait3A_46 : memref<1x64xi32, #tpu.memory_space<vmem>> -> memref<64xi32, #tpu.memory_space<vmem>>
        %dma_wait3A_48 = arith.constant 0 : i32
        %dma_wait3A_49 = arith.constant 0 : i32
        %dma_wait3A_50 = tpu.memref_slice %arg13[%dma_wait3A_48, %dma_wait3A_49] : memref<10240x128xf32, #tpu.memory_space<vmem_shared>> -> memref<10240x128xf32, #tpu.memory_space<vmem_shared>>
        tpu.wait_indirect_dma semaphore(%run_scoped3A_40 : memref<!tpu.dma_semaphore, #tpu.memory_space<semaphore_mem>>) src(%arg9 : memref<64x128xf32, #tpu.memory_space<vmem>>) dst(%dma_wait3A_50 : memref<10240x128xf32, #tpu.memory_space<vmem_shared>>)
        tpu.yield
      }) : () -> ()
      %run_scoped3A_29 = arith.constant 5 : i32
      "tpu.region"() ({
        %run_scoped3A_40 = tpu.sem_alloc : memref<!tpu.dma_semaphore, #tpu.memory_space<semaphore_mem>>
        %dma_start3A = arith.constant 0 : i32
        %dma_start3A_41 = tpu.memref_slice %arg8[%run_scoped3A_29, %dma_start3A] : memref<16x64xi32, #tpu.memory_space<vmem>> -> memref<1x64xi32, #tpu.memory_space<vmem>>
        %dma_start3A_42 = tpu.memref_squeeze %dma_start3A_41 : memref<1x64xi32, #tpu.memory_space<vmem>> -> memref<64xi32, #tpu.memory_space<vmem>>
        %dma_start3A_43 = arith.constant 0 : i32
        %dma_start3A_44 = arith.constant 0 : i32
        %dma_start3A_45 = tpu.memref_slice %arg13[%dma_start3A_43, %dma_start3A_44] : memref<10240x128xf32, #tpu.memory_space<vmem_shared>> -> memref<10240x128xf32, #tpu.memory_space<vmem_shared>>
        tpu.enqueue_indirect_dma source(%arg9 : memref<64x128xf32, #tpu.memory_space<vmem>>) target(%dma_start3A_45 : memref<10240x128xf32, #tpu.memory_space<vmem_shared>>) offsets(%dma_start3A_42 : memref<64xi32, #tpu.memory_space<vmem>>) semaphore(%run_scoped3A_40 : memref<!tpu.dma_semaphore, #tpu.memory_space<semaphore_mem>>) {add = true}
        %dma_wait3A = arith.constant 0 : i32
        %dma_wait3A_46 = tpu.memref_slice %arg8[%run_scoped3A_29, %dma_wait3A] : memref<16x64xi32, #tpu.memory_space<vmem>> -> memref<1x64xi32, #tpu.memory_space<vmem>>
        %dma_wait3A_47 = tpu.memref_squeeze %dma_wait3A_46 : memref<1x64xi32, #tpu.memory_space<vmem>> -> memref<64xi32, #tpu.memory_space<vmem>>
        %dma_wait3A_48 = arith.constant 0 : i32
        %dma_wait3A_49 = arith.constant 0 : i32
        %dma_wait3A_50 = tpu.memref_slice %arg13[%dma_wait3A_48, %dma_wait3A_49] : memref<10240x128xf32, #tpu.memory_space<vmem_shared>> -> memref<10240x128xf32, #tpu.memory_space<vmem_shared>>
        tpu.wait_indirect_dma semaphore(%run_scoped3A_40 : memref<!tpu.dma_semaphore, #tpu.memory_space<semaphore_mem>>) src(%arg9 : memref<64x128xf32, #tpu.memory_space<vmem>>) dst(%dma_wait3A_50 : memref<10240x128xf32, #tpu.memory_space<vmem_shared>>)
        tpu.yield
      }) : () -> ()
      %run_scoped3A_30 = arith.constant 6 : i32
      "tpu.region"() ({
        %run_scoped3A_40 = tpu.sem_alloc : memref<!tpu.dma_semaphore, #tpu.memory_space<semaphore_mem>>
        %dma_start3A = arith.constant 0 : i32
        %dma_start3A_41 = tpu.memref_slice %arg8[%run_scoped3A_30, %dma_start3A] : memref<16x64xi32, #tpu.memory_space<vmem>> -> memref<1x64xi32, #tpu.memory_space<vmem>>
        %dma_start3A_42 = tpu.memref_squeeze %dma_start3A_41 : memref<1x64xi32, #tpu.memory_space<vmem>> -> memref<64xi32, #tpu.memory_space<vmem>>
        %dma_start3A_43 = arith.constant 0 : i32
        %dma_start3A_44 = arith.constant 0 : i32
        %dma_start3A_45 = tpu.memref_slice %arg13[%dma_start3A_43, %dma_start3A_44] : memref<10240x128xf32, #tpu.memory_space<vmem_shared>> -> memref<10240x128xf32, #tpu.memory_space<vmem_shared>>
        tpu.enqueue_indirect_dma source(%arg9 : memref<64x128xf32, #tpu.memory_space<vmem>>) target(%dma_start3A_45 : memref<10240x128xf32, #tpu.memory_space<vmem_shared>>) offsets(%dma_start3A_42 : memref<64xi32, #tpu.memory_space<vmem>>) semaphore(%run_scoped3A_40 : memref<!tpu.dma_semaphore, #tpu.memory_space<semaphore_mem>>) {add = true}
        %dma_wait3A = arith.constant 0 : i32
        %dma_wait3A_46 = tpu.memref_slice %arg8[%run_scoped3A_30, %dma_wait3A] : memref<16x64xi32, #tpu.memory_space<vmem>> -> memref<1x64xi32, #tpu.memory_space<vmem>>
        %dma_wait3A_47 = tpu.memref_squeeze %dma_wait3A_46 : memref<1x64xi32, #tpu.memory_space<vmem>> -> memref<64xi32, #tpu.memory_space<vmem>>
        %dma_wait3A_48 = arith.constant 0 : i32
        %dma_wait3A_49 = arith.constant 0 : i32
        %dma_wait3A_50 = tpu.memref_slice %arg13[%dma_wait3A_48, %dma_wait3A_49] : memref<10240x128xf32, #tpu.memory_space<vmem_shared>> -> memref<10240x128xf32, #tpu.memory_space<vmem_shared>>
        tpu.wait_indirect_dma semaphore(%run_scoped3A_40 : memref<!tpu.dma_semaphore, #tpu.memory_space<semaphore_mem>>) src(%arg9 : memref<64x128xf32, #tpu.memory_space<vmem>>) dst(%dma_wait3A_50 : memref<10240x128xf32, #tpu.memory_space<vmem_shared>>)
        tpu.yield
      }) : () -> ()
      %run_scoped3A_31 = arith.constant 7 : i32
      "tpu.region"() ({
        %run_scoped3A_40 = tpu.sem_alloc : memref<!tpu.dma_semaphore, #tpu.memory_space<semaphore_mem>>
        %dma_start3A = arith.constant 0 : i32
        %dma_start3A_41 = tpu.memref_slice %arg8[%run_scoped3A_31, %dma_start3A] : memref<16x64xi32, #tpu.memory_space<vmem>> -> memref<1x64xi32, #tpu.memory_space<vmem>>
        %dma_start3A_42 = tpu.memref_squeeze %dma_start3A_41 : memref<1x64xi32, #tpu.memory_space<vmem>> -> memref<64xi32, #tpu.memory_space<vmem>>
        %dma_start3A_43 = arith.constant 0 : i32
        %dma_start3A_44 = arith.constant 0 : i32
        %dma_start3A_45 = tpu.memref_slice %arg13[%dma_start3A_43, %dma_start3A_44] : memref<10240x128xf32, #tpu.memory_space<vmem_shared>> -> memref<10240x128xf32, #tpu.memory_space<vmem_shared>>
        tpu.enqueue_indirect_dma source(%arg9 : memref<64x128xf32, #tpu.memory_space<vmem>>) target(%dma_start3A_45 : memref<10240x128xf32, #tpu.memory_space<vmem_shared>>) offsets(%dma_start3A_42 : memref<64xi32, #tpu.memory_space<vmem>>) semaphore(%run_scoped3A_40 : memref<!tpu.dma_semaphore, #tpu.memory_space<semaphore_mem>>) {add = true}
        %dma_wait3A = arith.constant 0 : i32
        %dma_wait3A_46 = tpu.memref_slice %arg8[%run_scoped3A_31, %dma_wait3A] : memref<16x64xi32, #tpu.memory_space<vmem>> -> memref<1x64xi32, #tpu.memory_space<vmem>>
        %dma_wait3A_47 = tpu.memref_squeeze %dma_wait3A_46 : memref<1x64xi32, #tpu.memory_space<vmem>> -> memref<64xi32, #tpu.memory_space<vmem>>
        %dma_wait3A_48 = arith.constant 0 : i32
        %dma_wait3A_49 = arith.constant 0 : i32
        %dma_wait3A_50 = tpu.memref_slice %arg13[%dma_wait3A_48, %dma_wait3A_49] : memref<10240x128xf32, #tpu.memory_space<vmem_shared>> -> memref<10240x128xf32, #tpu.memory_space<vmem_shared>>
        tpu.wait_indirect_dma semaphore(%run_scoped3A_40 : memref<!tpu.dma_semaphore, #tpu.memory_space<semaphore_mem>>) src(%arg9 : memref<64x128xf32, #tpu.memory_space<vmem>>) dst(%dma_wait3A_50 : memref<10240x128xf32, #tpu.memory_space<vmem_shared>>)
        tpu.yield
      }) : () -> ()
      %run_scoped3A_32 = arith.constant 8 : i32
      "tpu.region"() ({
        %run_scoped3A_40 = tpu.sem_alloc : memref<!tpu.dma_semaphore, #tpu.memory_space<semaphore_mem>>
        %dma_start3A = arith.constant 0 : i32
        %dma_start3A_41 = tpu.memref_slice %arg8[%run_scoped3A_32, %dma_start3A] : memref<16x64xi32, #tpu.memory_space<vmem>> -> memref<1x64xi32, #tpu.memory_space<vmem>>
        %dma_start3A_42 = tpu.memref_squeeze %dma_start3A_41 : memref<1x64xi32, #tpu.memory_space<vmem>> -> memref<64xi32, #tpu.memory_space<vmem>>
        %dma_start3A_43 = arith.constant 0 : i32
        %dma_start3A_44 = arith.constant 0 : i32
        %dma_start3A_45 = tpu.memref_slice %arg13[%dma_start3A_43, %dma_start3A_44] : memref<10240x128xf32, #tpu.memory_space<vmem_shared>> -> memref<10240x128xf32, #tpu.memory_space<vmem_shared>>
        tpu.enqueue_indirect_dma source(%arg9 : memref<64x128xf32, #tpu.memory_space<vmem>>) target(%dma_start3A_45 : memref<10240x128xf32, #tpu.memory_space<vmem_shared>>) offsets(%dma_start3A_42 : memref<64xi32, #tpu.memory_space<vmem>>) semaphore(%run_scoped3A_40 : memref<!tpu.dma_semaphore, #tpu.memory_space<semaphore_mem>>) {add = true}
        %dma_wait3A = arith.constant 0 : i32
        %dma_wait3A_46 = tpu.memref_slice %arg8[%run_scoped3A_32, %dma_wait3A] : memref<16x64xi32, #tpu.memory_space<vmem>> -> memref<1x64xi32, #tpu.memory_space<vmem>>
        %dma_wait3A_47 = tpu.memref_squeeze %dma_wait3A_46 : memref<1x64xi32, #tpu.memory_space<vmem>> -> memref<64xi32, #tpu.memory_space<vmem>>
        %dma_wait3A_48 = arith.constant 0 : i32
        %dma_wait3A_49 = arith.constant 0 : i32
        %dma_wait3A_50 = tpu.memref_slice %arg13[%dma_wait3A_48, %dma_wait3A_49] : memref<10240x128xf32, #tpu.memory_space<vmem_shared>> -> memref<10240x128xf32, #tpu.memory_space<vmem_shared>>
        tpu.wait_indirect_dma semaphore(%run_scoped3A_40 : memref<!tpu.dma_semaphore, #tpu.memory_space<semaphore_mem>>) src(%arg9 : memref<64x128xf32, #tpu.memory_space<vmem>>) dst(%dma_wait3A_50 : memref<10240x128xf32, #tpu.memory_space<vmem_shared>>)
        tpu.yield
      }) : () -> ()
      %run_scoped3A_33 = arith.constant 9 : i32
      "tpu.region"() ({
        %run_scoped3A_40 = tpu.sem_alloc : memref<!tpu.dma_semaphore, #tpu.memory_space<semaphore_mem>>
        %dma_start3A = arith.constant 0 : i32
        %dma_start3A_41 = tpu.memref_slice %arg8[%run_scoped3A_33, %dma_start3A] : memref<16x64xi32, #tpu.memory_space<vmem>> -> memref<1x64xi32, #tpu.memory_space<vmem>>
        %dma_start3A_42 = tpu.memref_squeeze %dma_start3A_41 : memref<1x64xi32, #tpu.memory_space<vmem>> -> memref<64xi32, #tpu.memory_space<vmem>>
        %dma_start3A_43 = arith.constant 0 : i32
        %dma_start3A_44 = arith.constant 0 : i32
        %dma_start3A_45 = tpu.memref_slice %arg13[%dma_start3A_43, %dma_start3A_44] : memref<10240x128xf32, #tpu.memory_space<vmem_shared>> -> memref<10240x128xf32, #tpu.memory_space<vmem_shared>>
        tpu.enqueue_indirect_dma source(%arg9 : memref<64x128xf32, #tpu.memory_space<vmem>>) target(%dma_start3A_45 : memref<10240x128xf32, #tpu.memory_space<vmem_shared>>) offsets(%dma_start3A_42 : memref<64xi32, #tpu.memory_space<vmem>>) semaphore(%run_scoped3A_40 : memref<!tpu.dma_semaphore, #tpu.memory_space<semaphore_mem>>) {add = true}
        %dma_wait3A = arith.constant 0 : i32
        %dma_wait3A_46 = tpu.memref_slice %arg8[%run_scoped3A_33, %dma_wait3A] : memref<16x64xi32, #tpu.memory_space<vmem>> -> memref<1x64xi32, #tpu.memory_space<vmem>>
        %dma_wait3A_47 = tpu.memref_squeeze %dma_wait3A_46 : memref<1x64xi32, #tpu.memory_space<vmem>> -> memref<64xi32, #tpu.memory_space<vmem>>
        %dma_wait3A_48 = arith.constant 0 : i32
        %dma_wait3A_49 = arith.constant 0 : i32
        %dma_wait3A_50 = tpu.memref_slice %arg13[%dma_wait3A_48, %dma_wait3A_49] : memref<10240x128xf32, #tpu.memory_space<vmem_shared>> -> memref<10240x128xf32, #tpu.memory_space<vmem_shared>>
        tpu.wait_indirect_dma semaphore(%run_scoped3A_40 : memref<!tpu.dma_semaphore, #tpu.memory_space<semaphore_mem>>) src(%arg9 : memref<64x128xf32, #tpu.memory_space<vmem>>) dst(%dma_wait3A_50 : memref<10240x128xf32, #tpu.memory_space<vmem_shared>>)
        tpu.yield
      }) : () -> ()
      %run_scoped3A_34 = arith.constant 10 : i32
      "tpu.region"() ({
        %run_scoped3A_40 = tpu.sem_alloc : memref<!tpu.dma_semaphore, #tpu.memory_space<semaphore_mem>>
        %dma_start3A = arith.constant 0 : i32
        %dma_start3A_41 = tpu.memref_slice %arg8[%run_scoped3A_34, %dma_start3A] : memref<16x64xi32, #tpu.memory_space<vmem>> -> memref<1x64xi32, #tpu.memory_space<vmem>>
        %dma_start3A_42 = tpu.memref_squeeze %dma_start3A_41 : memref<1x64xi32, #tpu.memory_space<vmem>> -> memref<64xi32, #tpu.memory_space<vmem>>
        %dma_start3A_43 = arith.constant 0 : i32
        %dma_start3A_44 = arith.constant 0 : i32
        %dma_start3A_45 = tpu.memref_slice %arg13[%dma_start3A_43, %dma_start3A_44] : memref<10240x128xf32, #tpu.memory_space<vmem_shared>> -> memref<10240x128xf32, #tpu.memory_space<vmem_shared>>
        tpu.enqueue_indirect_dma source(%arg9 : memref<64x128xf32, #tpu.memory_space<vmem>>) target(%dma_start3A_45 : memref<10240x128xf32, #tpu.memory_space<vmem_shared>>) offsets(%dma_start3A_42 : memref<64xi32, #tpu.memory_space<vmem>>) semaphore(%run_scoped3A_40 : memref<!tpu.dma_semaphore, #tpu.memory_space<semaphore_mem>>) {add = true}
        %dma_wait3A = arith.constant 0 : i32
        %dma_wait3A_46 = tpu.memref_slice %arg8[%run_scoped3A_34, %dma_wait3A] : memref<16x64xi32, #tpu.memory_space<vmem>> -> memref<1x64xi32, #tpu.memory_space<vmem>>
        %dma_wait3A_47 = tpu.memref_squeeze %dma_wait3A_46 : memref<1x64xi32, #tpu.memory_space<vmem>> -> memref<64xi32, #tpu.memory_space<vmem>>
        %dma_wait3A_48 = arith.constant 0 : i32
        %dma_wait3A_49 = arith.constant 0 : i32
        %dma_wait3A_50 = tpu.memref_slice %arg13[%dma_wait3A_48, %dma_wait3A_49] : memref<10240x128xf32, #tpu.memory_space<vmem_shared>> -> memref<10240x128xf32, #tpu.memory_space<vmem_shared>>
        tpu.wait_indirect_dma semaphore(%run_scoped3A_40 : memref<!tpu.dma_semaphore, #tpu.memory_space<semaphore_mem>>) src(%arg9 : memref<64x128xf32, #tpu.memory_space<vmem>>) dst(%dma_wait3A_50 : memref<10240x128xf32, #tpu.memory_space<vmem_shared>>)
        tpu.yield
      }) : () -> ()
      %run_scoped3A_35 = arith.constant 11 : i32
      "tpu.region"() ({
        %run_scoped3A_40 = tpu.sem_alloc : memref<!tpu.dma_semaphore, #tpu.memory_space<semaphore_mem>>
        %dma_start3A = arith.constant 0 : i32
        %dma_start3A_41 = tpu.memref_slice %arg8[%run_scoped3A_35, %dma_start3A] : memref<16x64xi32, #tpu.memory_space<vmem>> -> memref<1x64xi32, #tpu.memory_space<vmem>>
        %dma_start3A_42 = tpu.memref_squeeze %dma_start3A_41 : memref<1x64xi32, #tpu.memory_space<vmem>> -> memref<64xi32, #tpu.memory_space<vmem>>
        %dma_start3A_43 = arith.constant 0 : i32
        %dma_start3A_44 = arith.constant 0 : i32
        %dma_start3A_45 = tpu.memref_slice %arg13[%dma_start3A_43, %dma_start3A_44] : memref<10240x128xf32, #tpu.memory_space<vmem_shared>> -> memref<10240x128xf32, #tpu.memory_space<vmem_shared>>
        tpu.enqueue_indirect_dma source(%arg9 : memref<64x128xf32, #tpu.memory_space<vmem>>) target(%dma_start3A_45 : memref<10240x128xf32, #tpu.memory_space<vmem_shared>>) offsets(%dma_start3A_42 : memref<64xi32, #tpu.memory_space<vmem>>) semaphore(%run_scoped3A_40 : memref<!tpu.dma_semaphore, #tpu.memory_space<semaphore_mem>>) {add = true}
        %dma_wait3A = arith.constant 0 : i32
        %dma_wait3A_46 = tpu.memref_slice %arg8[%run_scoped3A_35, %dma_wait3A] : memref<16x64xi32, #tpu.memory_space<vmem>> -> memref<1x64xi32, #tpu.memory_space<vmem>>
        %dma_wait3A_47 = tpu.memref_squeeze %dma_wait3A_46 : memref<1x64xi32, #tpu.memory_space<vmem>> -> memref<64xi32, #tpu.memory_space<vmem>>
        %dma_wait3A_48 = arith.constant 0 : i32
        %dma_wait3A_49 = arith.constant 0 : i32
        %dma_wait3A_50 = tpu.memref_slice %arg13[%dma_wait3A_48, %dma_wait3A_49] : memref<10240x128xf32, #tpu.memory_space<vmem_shared>> -> memref<10240x128xf32, #tpu.memory_space<vmem_shared>>
        tpu.wait_indirect_dma semaphore(%run_scoped3A_40 : memref<!tpu.dma_semaphore, #tpu.memory_space<semaphore_mem>>) src(%arg9 : memref<64x128xf32, #tpu.memory_space<vmem>>) dst(%dma_wait3A_50 : memref<10240x128xf32, #tpu.memory_space<vmem_shared>>)
        tpu.yield
      }) : () -> ()
      %run_scoped3A_36 = arith.constant 12 : i32
      "tpu.region"() ({
        %run_scoped3A_40 = tpu.sem_alloc : memref<!tpu.dma_semaphore, #tpu.memory_space<semaphore_mem>>
        %dma_start3A = arith.constant 0 : i32
        %dma_start3A_41 = tpu.memref_slice %arg8[%run_scoped3A_36, %dma_start3A] : memref<16x64xi32, #tpu.memory_space<vmem>> -> memref<1x64xi32, #tpu.memory_space<vmem>>
        %dma_start3A_42 = tpu.memref_squeeze %dma_start3A_41 : memref<1x64xi32, #tpu.memory_space<vmem>> -> memref<64xi32, #tpu.memory_space<vmem>>
        %dma_start3A_43 = arith.constant 0 : i32
        %dma_start3A_44 = arith.constant 0 : i32
        %dma_start3A_45 = tpu.memref_slice %arg13[%dma_start3A_43, %dma_start3A_44] : memref<10240x128xf32, #tpu.memory_space<vmem_shared>> -> memref<10240x128xf32, #tpu.memory_space<vmem_shared>>
        tpu.enqueue_indirect_dma source(%arg9 : memref<64x128xf32, #tpu.memory_space<vmem>>) target(%dma_start3A_45 : memref<10240x128xf32, #tpu.memory_space<vmem_shared>>) offsets(%dma_start3A_42 : memref<64xi32, #tpu.memory_space<vmem>>) semaphore(%run_scoped3A_40 : memref<!tpu.dma_semaphore, #tpu.memory_space<semaphore_mem>>) {add = true}
        %dma_wait3A = arith.constant 0 : i32
        %dma_wait3A_46 = tpu.memref_slice %arg8[%run_scoped3A_36, %dma_wait3A] : memref<16x64xi32, #tpu.memory_space<vmem>> -> memref<1x64xi32, #tpu.memory_space<vmem>>
        %dma_wait3A_47 = tpu.memref_squeeze %dma_wait3A_46 : memref<1x64xi32, #tpu.memory_space<vmem>> -> memref<64xi32, #tpu.memory_space<vmem>>
        %dma_wait3A_48 = arith.constant 0 : i32
        %dma_wait3A_49 = arith.constant 0 : i32
        %dma_wait3A_50 = tpu.memref_slice %arg13[%dma_wait3A_48, %dma_wait3A_49] : memref<10240x128xf32, #tpu.memory_space<vmem_shared>> -> memref<10240x128xf32, #tpu.memory_space<vmem_shared>>
        tpu.wait_indirect_dma semaphore(%run_scoped3A_40 : memref<!tpu.dma_semaphore, #tpu.memory_space<semaphore_mem>>) src(%arg9 : memref<64x128xf32, #tpu.memory_space<vmem>>) dst(%dma_wait3A_50 : memref<10240x128xf32, #tpu.memory_space<vmem_shared>>)
        tpu.yield
      }) : () -> ()
      %run_scoped3A_37 = arith.constant 13 : i32
      "tpu.region"() ({
        %run_scoped3A_40 = tpu.sem_alloc : memref<!tpu.dma_semaphore, #tpu.memory_space<semaphore_mem>>
        %dma_start3A = arith.constant 0 : i32
        %dma_start3A_41 = tpu.memref_slice %arg8[%run_scoped3A_37, %dma_start3A] : memref<16x64xi32, #tpu.memory_space<vmem>> -> memref<1x64xi32, #tpu.memory_space<vmem>>
        %dma_start3A_42 = tpu.memref_squeeze %dma_start3A_41 : memref<1x64xi32, #tpu.memory_space<vmem>> -> memref<64xi32, #tpu.memory_space<vmem>>
        %dma_start3A_43 = arith.constant 0 : i32
        %dma_start3A_44 = arith.constant 0 : i32
        %dma_start3A_45 = tpu.memref_slice %arg13[%dma_start3A_43, %dma_start3A_44] : memref<10240x128xf32, #tpu.memory_space<vmem_shared>> -> memref<10240x128xf32, #tpu.memory_space<vmem_shared>>
        tpu.enqueue_indirect_dma source(%arg9 : memref<64x128xf32, #tpu.memory_space<vmem>>) target(%dma_start3A_45 : memref<10240x128xf32, #tpu.memory_space<vmem_shared>>) offsets(%dma_start3A_42 : memref<64xi32, #tpu.memory_space<vmem>>) semaphore(%run_scoped3A_40 : memref<!tpu.dma_semaphore, #tpu.memory_space<semaphore_mem>>) {add = true}
        %dma_wait3A = arith.constant 0 : i32
        %dma_wait3A_46 = tpu.memref_slice %arg8[%run_scoped3A_37, %dma_wait3A] : memref<16x64xi32, #tpu.memory_space<vmem>> -> memref<1x64xi32, #tpu.memory_space<vmem>>
        %dma_wait3A_47 = tpu.memref_squeeze %dma_wait3A_46 : memref<1x64xi32, #tpu.memory_space<vmem>> -> memref<64xi32, #tpu.memory_space<vmem>>
        %dma_wait3A_48 = arith.constant 0 : i32
        %dma_wait3A_49 = arith.constant 0 : i32
        %dma_wait3A_50 = tpu.memref_slice %arg13[%dma_wait3A_48, %dma_wait3A_49] : memref<10240x128xf32, #tpu.memory_space<vmem_shared>> -> memref<10240x128xf32, #tpu.memory_space<vmem_shared>>
        tpu.wait_indirect_dma semaphore(%run_scoped3A_40 : memref<!tpu.dma_semaphore, #tpu.memory_space<semaphore_mem>>) src(%arg9 : memref<64x128xf32, #tpu.memory_space<vmem>>) dst(%dma_wait3A_50 : memref<10240x128xf32, #tpu.memory_space<vmem_shared>>)
        tpu.yield
      }) : () -> ()
      %run_scoped3A_38 = arith.constant 14 : i32
      "tpu.region"() ({
        %run_scoped3A_40 = tpu.sem_alloc : memref<!tpu.dma_semaphore, #tpu.memory_space<semaphore_mem>>
        %dma_start3A = arith.constant 0 : i32
        %dma_start3A_41 = tpu.memref_slice %arg8[%run_scoped3A_38, %dma_start3A] : memref<16x64xi32, #tpu.memory_space<vmem>> -> memref<1x64xi32, #tpu.memory_space<vmem>>
        %dma_start3A_42 = tpu.memref_squeeze %dma_start3A_41 : memref<1x64xi32, #tpu.memory_space<vmem>> -> memref<64xi32, #tpu.memory_space<vmem>>
        %dma_start3A_43 = arith.constant 0 : i32
        %dma_start3A_44 = arith.constant 0 : i32
        %dma_start3A_45 = tpu.memref_slice %arg13[%dma_start3A_43, %dma_start3A_44] : memref<10240x128xf32, #tpu.memory_space<vmem_shared>> -> memref<10240x128xf32, #tpu.memory_space<vmem_shared>>
        tpu.enqueue_indirect_dma source(%arg9 : memref<64x128xf32, #tpu.memory_space<vmem>>) target(%dma_start3A_45 : memref<10240x128xf32, #tpu.memory_space<vmem_shared>>) offsets(%dma_start3A_42 : memref<64xi32, #tpu.memory_space<vmem>>) semaphore(%run_scoped3A_40 : memref<!tpu.dma_semaphore, #tpu.memory_space<semaphore_mem>>) {add = true}
        %dma_wait3A = arith.constant 0 : i32
        %dma_wait3A_46 = tpu.memref_slice %arg8[%run_scoped3A_38, %dma_wait3A] : memref<16x64xi32, #tpu.memory_space<vmem>> -> memref<1x64xi32, #tpu.memory_space<vmem>>
        %dma_wait3A_47 = tpu.memref_squeeze %dma_wait3A_46 : memref<1x64xi32, #tpu.memory_space<vmem>> -> memref<64xi32, #tpu.memory_space<vmem>>
        %dma_wait3A_48 = arith.constant 0 : i32
        %dma_wait3A_49 = arith.constant 0 : i32
        %dma_wait3A_50 = tpu.memref_slice %arg13[%dma_wait3A_48, %dma_wait3A_49] : memref<10240x128xf32, #tpu.memory_space<vmem_shared>> -> memref<10240x128xf32, #tpu.memory_space<vmem_shared>>
        tpu.wait_indirect_dma semaphore(%run_scoped3A_40 : memref<!tpu.dma_semaphore, #tpu.memory_space<semaphore_mem>>) src(%arg9 : memref<64x128xf32, #tpu.memory_space<vmem>>) dst(%dma_wait3A_50 : memref<10240x128xf32, #tpu.memory_space<vmem_shared>>)
        tpu.yield
      }) : () -> ()
      %run_scoped3A_39 = arith.constant 15 : i32
      "tpu.region"() ({
        %run_scoped3A_40 = tpu.sem_alloc : memref<!tpu.dma_semaphore, #tpu.memory_space<semaphore_mem>>
        %dma_start3A = arith.constant 0 : i32
        %dma_start3A_41 = tpu.memref_slice %arg8[%run_scoped3A_39, %dma_start3A] : memref<16x64xi32, #tpu.memory_space<vmem>> -> memref<1x64xi32, #tpu.memory_space<vmem>>
        %dma_start3A_42 = tpu.memref_squeeze %dma_start3A_41 : memref<1x64xi32, #tpu.memory_space<vmem>> -> memref<64xi32, #tpu.memory_space<vmem>>
        %dma_start3A_43 = arith.constant 0 : i32
        %dma_start3A_44 = arith.constant 0 : i32
        %dma_start3A_45 = tpu.memref_slice %arg13[%dma_start3A_43, %dma_start3A_44] : memref<10240x128xf32, #tpu.memory_space<vmem_shared>> -> memref<10240x128xf32, #tpu.memory_space<vmem_shared>>
        tpu.enqueue_indirect_dma source(%arg9 : memref<64x128xf32, #tpu.memory_space<vmem>>) target(%dma_start3A_45 : memref<10240x128xf32, #tpu.memory_space<vmem_shared>>) offsets(%dma_start3A_42 : memref<64xi32, #tpu.memory_space<vmem>>) semaphore(%run_scoped3A_40 : memref<!tpu.dma_semaphore, #tpu.memory_space<semaphore_mem>>) {add = true}
        %dma_wait3A = arith.constant 0 : i32
        %dma_wait3A_46 = tpu.memref_slice %arg8[%run_scoped3A_39, %dma_wait3A] : memref<16x64xi32, #tpu.memory_space<vmem>> -> memref<1x64xi32, #tpu.memory_space<vmem>>
        %dma_wait3A_47 = tpu.memref_squeeze %dma_wait3A_46 : memref<1x64xi32, #tpu.memory_space<vmem>> -> memref<64xi32, #tpu.memory_space<vmem>>
        %dma_wait3A_48 = arith.constant 0 : i32
        %dma_wait3A_49 = arith.constant 0 : i32
        %dma_wait3A_50 = tpu.memref_slice %arg13[%dma_wait3A_48, %dma_wait3A_49] : memref<10240x128xf32, #tpu.memory_space<vmem_shared>> -> memref<10240x128xf32, #tpu.memory_space<vmem_shared>>
        tpu.wait_indirect_dma semaphore(%run_scoped3A_40 : memref<!tpu.dma_semaphore, #tpu.memory_space<semaphore_mem>>) src(%arg9 : memref<64x128xf32, #tpu.memory_space<vmem>>) dst(%dma_wait3A_50 : memref<10240x128xf32, #tpu.memory_space<vmem_shared>>)
        tpu.yield
      }) : () -> ()
    }
    %scan3A_11 = arith.constant 10 : i32
    %barrier3A_12 = arith.constant 0 : index
    tpu.barrier barrier_id(%barrier3A_12)
    %scan3A_13 = arith.constant 0 : i32
    %scan3A_14 = arith.constant 0 : i32
    %scan3A_15 = arith.constant 10 : i32
    %scan3A_16 = arith.addi %scan3A_14, %scan3A_15 : i32
    %scan3A_17 = arith.constant 1 : i32
    scf.for %scan3A_19 = %scan3A_14 to %scan3A_16 step %scan3A_17  : i32 {
      %mul3A_20 = arith.constant 640 : i32
      %mul3A_21 = arith.muli %arg1, %mul3A_20 : i32
      %mul3A_22 = arith.constant 64 : i32
      %mul3A_23 = arith.muli %scan3A_19, %mul3A_22 : i32
      %add3A_24 = arith.addi %mul3A_21, %mul3A_23 : i32
      "tpu.region"() ({
        %run_scoped3A = tpu.sem_alloc : memref<!tpu.dma_semaphore, #tpu.memory_space<semaphore_mem>>
        %dma_start3A = arith.constant 0 : i32
        %dma_start3A_25 = tpu.memref_slice %arg13[%add3A_24, %dma_start3A] : memref<10240x128xf32, #tpu.memory_space<vmem_shared>> -> memref<64x128xf32, #tpu.memory_space<vmem_shared>>
        %dma_start3A_26 = arith.constant 0 : i32
        %dma_start3A_27 = tpu.memref_slice %arg13[%add3A_24, %dma_start3A_26] : memref<10240x128xf32, #tpu.memory_space<vmem_shared>> -> memref<64x128xf32, #tpu.memory_space<vmem_shared>>
        tpu.enqueue_dma source(%dma_start3A_27 : memref<64x128xf32, #tpu.memory_space<vmem_shared>>) target(%arg9 : memref<64x128xf32, #tpu.memory_space<vmem>>) target_semaphore(%run_scoped3A : memref<!tpu.dma_semaphore, #tpu.memory_space<semaphore_mem>>)
        %dma_wait3A = arith.constant 0 : i32
        %dma_wait3A_28 = tpu.memref_slice %arg13[%add3A_24, %dma_wait3A] : memref<10240x128xf32, #tpu.memory_space<vmem_shared>> -> memref<64x128xf32, #tpu.memory_space<vmem_shared>>
        %dma_wait3A_29 = arith.constant 0 : i32
        %dma_wait3A_30 = tpu.memref_slice %arg13[%add3A_24, %dma_wait3A_29] : memref<10240x128xf32, #tpu.memory_space<vmem_shared>> -> memref<64x128xf32, #tpu.memory_space<vmem_shared>>
        tpu.wait_dma2 semaphore(%run_scoped3A : memref<!tpu.dma_semaphore, #tpu.memory_space<semaphore_mem>>) src(%dma_wait3A_30 : memref<64x128xf32, #tpu.memory_space<vmem_shared>>) dst(%arg9 : memref<64x128xf32, #tpu.memory_space<vmem>>)
        tpu.yield
      }) : () -> ()
      "tpu.region"() ({
        %run_scoped3A = tpu.sem_alloc : memref<!tpu.dma_semaphore, #tpu.memory_space<semaphore_mem>>
        %dma_start3A = arith.constant 0 : i32
        %dma_start3A_25 = tpu.memref_slice %arg6[%arg0, %add3A_24, %dma_start3A] : memref<2x10240x128xf32, #tpu.memory_space<hbm>> -> memref<1x64x128xf32, #tpu.memory_space<hbm>>
        %dma_start3A_26 = tpu.memref_squeeze %dma_start3A_25 : memref<1x64x128xf32, #tpu.memory_space<hbm>> -> memref<64x128xf32, #tpu.memory_space<hbm>>
        %dma_start3A_27 = arith.constant 0 : i32
        %dma_start3A_28 = tpu.memref_slice %arg6[%arg0, %add3A_24, %dma_start3A_27] : memref<2x10240x128xf32, #tpu.memory_space<hbm>> -> memref<1x64x128xf32, #tpu.memory_space<hbm>>
        %dma_start3A_29 = tpu.memref_squeeze %dma_start3A_28 : memref<1x64x128xf32, #tpu.memory_space<hbm>> -> memref<64x128xf32, #tpu.memory_space<hbm>>
        tpu.enqueue_dma source(%arg9 : memref<64x128xf32, #tpu.memory_space<vmem>>) target(%dma_start3A_29 : memref<64x128xf32, #tpu.memory_space<hbm>>) target_semaphore(%run_scoped3A : memref<!tpu.dma_semaphore, #tpu.memory_space<semaphore_mem>>)
        %dma_wait3A = arith.constant 0 : i32
        %dma_wait3A_30 = tpu.memref_slice %arg6[%arg0, %add3A_24, %dma_wait3A] : memref<2x10240x128xf32, #tpu.memory_space<hbm>> -> memref<1x64x128xf32, #tpu.memory_space<hbm>>
        %dma_wait3A_31 = tpu.memref_squeeze %dma_wait3A_30 : memref<1x64x128xf32, #tpu.memory_space<hbm>> -> memref<64x128xf32, #tpu.memory_space<hbm>>
        %dma_wait3A_32 = arith.constant 0 : i32
        %dma_wait3A_33 = tpu.memref_slice %arg6[%arg0, %add3A_24, %dma_wait3A_32] : memref<2x10240x128xf32, #tpu.memory_space<hbm>> -> memref<1x64x128xf32, #tpu.memory_space<hbm>>
        %dma_wait3A_34 = tpu.memref_squeeze %dma_wait3A_33 : memref<1x64x128xf32, #tpu.memory_space<hbm>> -> memref<64x128xf32, #tpu.memory_space<hbm>>
        tpu.wait_dma2 semaphore(%run_scoped3A : memref<!tpu.dma_semaphore, #tpu.memory_space<semaphore_mem>>) src(%arg9 : memref<64x128xf32, #tpu.memory_space<vmem>>) dst(%dma_wait3A_34 : memref<64x128xf32, #tpu.memory_space<hbm>>)
        tpu.yield
      }) : () -> ()
    }
    %scan3A_18 = arith.constant 10 : i32
    return
  }
}

#map = affine_map<(d0, d1) -> (0, 0)>
#map1 = affine_map<(d0, d1) -> (0, 0, 0)>
module attributes {stable_mosaic.version = 14 : i64} {
  func.func @body(%arg0: i32, %arg1: i32, %arg2: memref<10240x128xf32, #tpu.memory_space<hbm>>, %arg3: memref<5120x64xi32, #tpu.memory_space<hbm>>, %arg4: memref<5120x64xi32, #tpu.memory_space<hbm>>, %arg5: memref<10240x128xf32, #tpu.memory_space<hbm>>, %arg6: memref<2x10240x128xf32, #tpu.memory_space<hbm>>, %arg7: memref<16x64xi32, #tpu.memory_space<vmem>>, %arg8: memref<16x64xi32, #tpu.memory_space<vmem>>, %arg9: memref<64x128xf32, #tpu.memory_space<vmem>>, %arg10: memref<64x128xf32, #tpu.memory_space<vmem>>, %arg11: memref<64x128xf32, #tpu.memory_space<vmem>>, %arg12: memref<64x128xf32, #tpu.memory_space<vmem>>, %arg13: memref<10240x128xf32, #tpu.memory_space<vmem_shared>>, %arg14: memref<!tpu.dma_semaphore, #tpu.memory_space<semaphore_mem>>, %arg15: memref<!tpu.dma_semaphore, #tpu.memory_space<semaphore_mem>>, %arg16: memref<!tpu.dma_semaphore, #tpu.memory_space<semaphore_mem>>, %arg17: memref<!tpu.dma_semaphore, #tpu.memory_space<semaphore_mem>>, %arg18: memref<!tpu.dma_semaphore, #tpu.memory_space<semaphore_mem>>) attributes {dimension_semantics = [#tpu.dimension_semantics<core_parallel>, #tpu.dimension_semantics<subcore_parallel>], iteration_bounds = array<i64: 2, 16>, scalar_prefetch = 0 : i64, scratch_operands = 12 : i64, tpu.core_type = #tpu.core_type<sc_vector_subcore>, window_params = [{transform_indices = #map}, {transform_indices = #map}, {transform_indices = #map}, {transform_indices = #map}, {transform_indices = #map1}]} {
    %mul3A = arith.constant 2 : i32
    %mul3A_0 = arith.muli %arg1, %mul3A : i32
    %add3A = arith.addi %mul3A_0, %arg0 : i32
    "tpu.region"() ({
      %run_scoped3A = tpu.sem_alloc : memref<!tpu.dma_semaphore, #tpu.memory_space<semaphore_mem>>
      %dma_start3A = arith.constant 0 : i32
      %dma_start3A_19 = arith.constant 0 : i32
      %dma_start3A_20 = tpu.memref_slice %arg5[%dma_start3A, %dma_start3A_19] : memref<10240x128xf32, #tpu.memory_space<hbm>> -> memref<64x128xf32, #tpu.memory_space<hbm>>
      %dma_start3A_21 = arith.constant 0 : i32
      %dma_start3A_22 = arith.constant 0 : i32
      %dma_start3A_23 = tpu.memref_slice %arg5[%dma_start3A_21, %dma_start3A_22] : memref<10240x128xf32, #tpu.memory_space<hbm>> -> memref<64x128xf32, #tpu.memory_space<hbm>>
      tpu.enqueue_dma source(%dma_start3A_23 : memref<64x128xf32, #tpu.memory_space<hbm>>) target(%arg9 : memref<64x128xf32, #tpu.memory_space<vmem>>) target_semaphore(%run_scoped3A : memref<!tpu.dma_semaphore, #tpu.memory_space<semaphore_mem>>)
      %dma_wait3A = arith.constant 0 : i32
      %dma_wait3A_24 = arith.constant 0 : i32
      %dma_wait3A_25 = tpu.memref_slice %arg5[%dma_wait3A, %dma_wait3A_24] : memref<10240x128xf32, #tpu.memory_space<hbm>> -> memref<64x128xf32, #tpu.memory_space<hbm>>
      %dma_wait3A_26 = arith.constant 0 : i32
      %dma_wait3A_27 = arith.constant 0 : i32
      %dma_wait3A_28 = tpu.memref_slice %arg5[%dma_wait3A_26, %dma_wait3A_27] : memref<10240x128xf32, #tpu.memory_space<hbm>> -> memref<64x128xf32, #tpu.memory_space<hbm>>
      tpu.wait_dma2 semaphore(%run_scoped3A : memref<!tpu.dma_semaphore, #tpu.memory_space<semaphore_mem>>) src(%dma_wait3A_28 : memref<64x128xf32, #tpu.memory_space<hbm>>) dst(%arg9 : memref<64x128xf32, #tpu.memory_space<vmem>>)
      tpu.yield
    }) : () -> ()
    %scan3A = arith.constant 0 : i32
    %scan3A_1 = arith.constant 0 : i32
    %scan3A_2 = arith.constant 10 : i32
    %scan3A_3 = arith.addi %scan3A_1, %scan3A_2 : i32
    %scan3A_4 = arith.constant 1 : i32
    scf.for %scan3A_19 = %scan3A_1 to %scan3A_3 step %scan3A_4  : i32 {
      %mul3A_20 = arith.constant 640 : i32
      %mul3A_21 = arith.muli %arg1, %mul3A_20 : i32
      %mul3A_22 = arith.constant 64 : i32
      %mul3A_23 = arith.muli %scan3A_19, %mul3A_22 : i32
      %add3A_24 = arith.addi %mul3A_21, %mul3A_23 : i32
      "tpu.region"() ({
        %run_scoped3A = tpu.sem_alloc : memref<!tpu.dma_semaphore, #tpu.memory_space<semaphore_mem>>
        %dma_start3A = arith.constant 0 : i32
        %dma_start3A_25 = tpu.memref_slice %arg13[%add3A_24, %dma_start3A] : memref<10240x128xf32, #tpu.memory_space<vmem_shared>> -> memref<64x128xf32, #tpu.memory_space<vmem_shared>>
        %dma_start3A_26 = arith.constant 0 : i32
        %dma_start3A_27 = tpu.memref_slice %arg13[%add3A_24, %dma_start3A_26] : memref<10240x128xf32, #tpu.memory_space<vmem_shared>> -> memref<64x128xf32, #tpu.memory_space<vmem_shared>>
        tpu.enqueue_dma source(%arg9 : memref<64x128xf32, #tpu.memory_space<vmem>>) target(%dma_start3A_27 : memref<64x128xf32, #tpu.memory_space<vmem_shared>>) target_semaphore(%run_scoped3A : memref<!tpu.dma_semaphore, #tpu.memory_space<semaphore_mem>>)
        %dma_wait3A = arith.constant 0 : i32
        %dma_wait3A_28 = tpu.memref_slice %arg13[%add3A_24, %dma_wait3A] : memref<10240x128xf32, #tpu.memory_space<vmem_shared>> -> memref<64x128xf32, #tpu.memory_space<vmem_shared>>
        %dma_wait3A_29 = arith.constant 0 : i32
        %dma_wait3A_30 = tpu.memref_slice %arg13[%add3A_24, %dma_wait3A_29] : memref<10240x128xf32, #tpu.memory_space<vmem_shared>> -> memref<64x128xf32, #tpu.memory_space<vmem_shared>>
        tpu.wait_dma2 semaphore(%run_scoped3A : memref<!tpu.dma_semaphore, #tpu.memory_space<semaphore_mem>>) src(%arg9 : memref<64x128xf32, #tpu.memory_space<vmem>>) dst(%dma_wait3A_30 : memref<64x128xf32, #tpu.memory_space<vmem_shared>>)
        tpu.yield
      }) : () -> ()
    }
    %scan3A_5 = arith.constant 10 : i32
    %barrier3A = arith.constant 0 : index
    tpu.barrier barrier_id(%barrier3A)
    %scan3A_6 = arith.constant 0 : i32
    %scan3A_7 = arith.constant 0 : i32
    %scan3A_8 = arith.constant 10 : i32
    %scan3A_9 = arith.addi %scan3A_7, %scan3A_8 : i32
    %scan3A_10 = arith.constant 1 : i32
    scf.for %scan3A_19 = %scan3A_7 to %scan3A_9 step %scan3A_10  : i32 {
      %mul3A_20 = arith.constant 160 : i32
      %mul3A_21 = arith.muli %add3A, %mul3A_20 : i32
      %mul3A_22 = arith.constant 16 : i32
      %mul3A_23 = arith.muli %scan3A_19, %mul3A_22 : i32
      %add3A_24 = arith.addi %mul3A_21, %mul3A_23 : i32
      "tpu.region"() ({
        %run_scoped3A = tpu.sem_alloc : memref<!tpu.dma_semaphore, #tpu.memory_space<semaphore_mem>>
        %dma_start3A_471 = arith.constant 0 : i32
        %dma_start3A_472 = tpu.memref_slice %arg3[%add3A_24, %dma_start3A_471] : memref<5120x64xi32, #tpu.memory_space<hbm>> -> memref<16x64xi32, #tpu.memory_space<hbm>>
        %dma_start3A_473 = arith.constant 0 : i32
        %dma_start3A_474 = tpu.memref_slice %arg3[%add3A_24, %dma_start3A_473] : memref<5120x64xi32, #tpu.memory_space<hbm>> -> memref<16x64xi32, #tpu.memory_space<hbm>>
        tpu.enqueue_dma source(%dma_start3A_474 : memref<16x64xi32, #tpu.memory_space<hbm>>) target(%arg7 : memref<16x64xi32, #tpu.memory_space<vmem>>) target_semaphore(%run_scoped3A : memref<!tpu.dma_semaphore, #tpu.memory_space<semaphore_mem>>)
        %dma_wait3A_475 = arith.constant 0 : i32
        %dma_wait3A_476 = tpu.memref_slice %arg3[%add3A_24, %dma_wait3A_475] : memref<5120x64xi32, #tpu.memory_space<hbm>> -> memref<16x64xi32, #tpu.memory_space<hbm>>
        %dma_wait3A_477 = arith.constant 0 : i32
        %dma_wait3A_478 = tpu.memref_slice %arg3[%add3A_24, %dma_wait3A_477] : memref<5120x64xi32, #tpu.memory_space<hbm>> -> memref<16x64xi32, #tpu.memory_space<hbm>>
        tpu.wait_dma2 semaphore(%run_scoped3A : memref<!tpu.dma_semaphore, #tpu.memory_space<semaphore_mem>>) src(%dma_wait3A_478 : memref<16x64xi32, #tpu.memory_space<hbm>>) dst(%arg7 : memref<16x64xi32, #tpu.memory_space<vmem>>)
        tpu.yield
      }) : () -> ()
      "tpu.region"() ({
        %run_scoped3A = tpu.sem_alloc : memref<!tpu.dma_semaphore, #tpu.memory_space<semaphore_mem>>
        %dma_start3A_471 = arith.constant 0 : i32
        %dma_start3A_472 = tpu.memref_slice %arg4[%add3A_24, %dma_start3A_471] : memref<5120x64xi32, #tpu.memory_space<hbm>> -> memref<16x64xi32, #tpu.memory_space<hbm>>
        %dma_start3A_473 = arith.constant 0 : i32
        %dma_start3A_474 = tpu.memref_slice %arg4[%add3A_24, %dma_start3A_473] : memref<5120x64xi32, #tpu.memory_space<hbm>> -> memref<16x64xi32, #tpu.memory_space<hbm>>
        tpu.enqueue_dma source(%dma_start3A_474 : memref<16x64xi32, #tpu.memory_space<hbm>>) target(%arg8 : memref<16x64xi32, #tpu.memory_space<vmem>>) target_semaphore(%run_scoped3A : memref<!tpu.dma_semaphore, #tpu.memory_space<semaphore_mem>>)
        %dma_wait3A_475 = arith.constant 0 : i32
        %dma_wait3A_476 = tpu.memref_slice %arg4[%add3A_24, %dma_wait3A_475] : memref<5120x64xi32, #tpu.memory_space<hbm>> -> memref<16x64xi32, #tpu.memory_space<hbm>>
        %dma_wait3A_477 = arith.constant 0 : i32
        %dma_wait3A_478 = tpu.memref_slice %arg4[%add3A_24, %dma_wait3A_477] : memref<5120x64xi32, #tpu.memory_space<hbm>> -> memref<16x64xi32, #tpu.memory_space<hbm>>
        tpu.wait_dma2 semaphore(%run_scoped3A : memref<!tpu.dma_semaphore, #tpu.memory_space<semaphore_mem>>) src(%dma_wait3A_478 : memref<16x64xi32, #tpu.memory_space<hbm>>) dst(%arg8 : memref<16x64xi32, #tpu.memory_space<vmem>>)
        tpu.yield
      }) : () -> ()
      %dma_start3A = arith.constant 0 : i32
      %dma_start3A_25 = arith.constant 0 : i32
      %dma_start3A_26 = tpu.memref_slice %arg7[%dma_start3A, %dma_start3A_25] : memref<16x64xi32, #tpu.memory_space<vmem>> -> memref<1x64xi32, #tpu.memory_space<vmem>>
      %dma_start3A_27 = tpu.memref_squeeze %dma_start3A_26 : memref<1x64xi32, #tpu.memory_space<vmem>> -> memref<64xi32, #tpu.memory_space<vmem>>
      %dma_start3A_28 = arith.constant 0 : i32
      %dma_start3A_29 = arith.constant 0 : i32
      %dma_start3A_30 = tpu.memref_slice %arg2[%dma_start3A_28, %dma_start3A_29] : memref<10240x128xf32, #tpu.memory_space<hbm>> -> memref<10240x128xf32, #tpu.memory_space<hbm>>
      tpu.enqueue_indirect_dma source(%dma_start3A_30 : memref<10240x128xf32, #tpu.memory_space<hbm>>) target(%arg9 : memref<64x128xf32, #tpu.memory_space<vmem>>) offsets(%dma_start3A_27 : memref<64xi32, #tpu.memory_space<vmem>>) semaphore(%arg14 : memref<!tpu.dma_semaphore, #tpu.memory_space<semaphore_mem>>)
      %dma_start3A_31 = arith.constant 1 : i32
      %dma_start3A_32 = arith.constant 0 : i32
      %dma_start3A_33 = tpu.memref_slice %arg7[%dma_start3A_31, %dma_start3A_32] : memref<16x64xi32, #tpu.memory_space<vmem>> -> memref<1x64xi32, #tpu.memory_space<vmem>>
      %dma_start3A_34 = tpu.memref_squeeze %dma_start3A_33 : memref<1x64xi32, #tpu.memory_space<vmem>> -> memref<64xi32, #tpu.memory_space<vmem>>
      %dma_start3A_35 = arith.constant 0 : i32
      %dma_start3A_36 = arith.constant 0 : i32
      %dma_start3A_37 = tpu.memref_slice %arg2[%dma_start3A_35, %dma_start3A_36] : memref<10240x128xf32, #tpu.memory_space<hbm>> -> memref<10240x128xf32, #tpu.memory_space<hbm>>
      tpu.enqueue_indirect_dma source(%dma_start3A_37 : memref<10240x128xf32, #tpu.memory_space<hbm>>) target(%arg10 : memref<64x128xf32, #tpu.memory_space<vmem>>) offsets(%dma_start3A_34 : memref<64xi32, #tpu.memory_space<vmem>>) semaphore(%arg15 : memref<!tpu.dma_semaphore, #tpu.memory_space<semaphore_mem>>)
      %dma_start3A_38 = arith.constant 2 : i32
      %dma_start3A_39 = arith.constant 0 : i32
      %dma_start3A_40 = tpu.memref_slice %arg7[%dma_start3A_38, %dma_start3A_39] : memref<16x64xi32, #tpu.memory_space<vmem>> -> memref<1x64xi32, #tpu.memory_space<vmem>>
      %dma_start3A_41 = tpu.memref_squeeze %dma_start3A_40 : memref<1x64xi32, #tpu.memory_space<vmem>> -> memref<64xi32, #tpu.memory_space<vmem>>
      %dma_start3A_42 = arith.constant 0 : i32
      %dma_start3A_43 = arith.constant 0 : i32
      %dma_start3A_44 = tpu.memref_slice %arg2[%dma_start3A_42, %dma_start3A_43] : memref<10240x128xf32, #tpu.memory_space<hbm>> -> memref<10240x128xf32, #tpu.memory_space<hbm>>
      tpu.enqueue_indirect_dma source(%dma_start3A_44 : memref<10240x128xf32, #tpu.memory_space<hbm>>) target(%arg11 : memref<64x128xf32, #tpu.memory_space<vmem>>) offsets(%dma_start3A_41 : memref<64xi32, #tpu.memory_space<vmem>>) semaphore(%arg16 : memref<!tpu.dma_semaphore, #tpu.memory_space<semaphore_mem>>)
      %dma_wait3A = arith.constant 0 : i32
      %dma_wait3A_45 = arith.constant 0 : i32
      %dma_wait3A_46 = tpu.memref_slice %arg7[%dma_wait3A, %dma_wait3A_45] : memref<16x64xi32, #tpu.memory_space<vmem>> -> memref<1x64xi32, #tpu.memory_space<vmem>>
      %dma_wait3A_47 = tpu.memref_squeeze %dma_wait3A_46 : memref<1x64xi32, #tpu.memory_space<vmem>> -> memref<64xi32, #tpu.memory_space<vmem>>
      %dma_wait3A_48 = arith.constant 0 : i32
      %dma_wait3A_49 = arith.constant 0 : i32
      %dma_wait3A_50 = tpu.memref_slice %arg2[%dma_wait3A_48, %dma_wait3A_49] : memref<10240x128xf32, #tpu.memory_space<hbm>> -> memref<10240x128xf32, #tpu.memory_space<hbm>>
      tpu.wait_indirect_dma semaphore(%arg14 : memref<!tpu.dma_semaphore, #tpu.memory_space<semaphore_mem>>) src(%dma_wait3A_50 : memref<10240x128xf32, #tpu.memory_space<hbm>>) dst(%arg9 : memref<64x128xf32, #tpu.memory_space<vmem>>)
      %dma_start3A_51 = arith.constant 0 : i32
      %dma_start3A_52 = arith.constant 0 : i32
      %dma_start3A_53 = tpu.memref_slice %arg8[%dma_start3A_51, %dma_start3A_52] : memref<16x64xi32, #tpu.memory_space<vmem>> -> memref<1x64xi32, #tpu.memory_space<vmem>>
      %dma_start3A_54 = tpu.memref_squeeze %dma_start3A_53 : memref<1x64xi32, #tpu.memory_space<vmem>> -> memref<64xi32, #tpu.memory_space<vmem>>
      %dma_start3A_55 = arith.constant 0 : i32
      %dma_start3A_56 = arith.constant 0 : i32
      %dma_start3A_57 = tpu.memref_slice %arg13[%dma_start3A_55, %dma_start3A_56] : memref<10240x128xf32, #tpu.memory_space<vmem_shared>> -> memref<10240x128xf32, #tpu.memory_space<vmem_shared>>
      tpu.enqueue_indirect_dma source(%arg9 : memref<64x128xf32, #tpu.memory_space<vmem>>) target(%dma_start3A_57 : memref<10240x128xf32, #tpu.memory_space<vmem_shared>>) offsets(%dma_start3A_54 : memref<64xi32, #tpu.memory_space<vmem>>) semaphore(%arg18 : memref<!tpu.dma_semaphore, #tpu.memory_space<semaphore_mem>>) {add = true}
      %dma_start3A_58 = arith.constant 3 : i32
      %dma_start3A_59 = arith.constant 0 : i32
      %dma_start3A_60 = tpu.memref_slice %arg7[%dma_start3A_58, %dma_start3A_59] : memref<16x64xi32, #tpu.memory_space<vmem>> -> memref<1x64xi32, #tpu.memory_space<vmem>>
      %dma_start3A_61 = tpu.memref_squeeze %dma_start3A_60 : memref<1x64xi32, #tpu.memory_space<vmem>> -> memref<64xi32, #tpu.memory_space<vmem>>
      %dma_start3A_62 = arith.constant 0 : i32
      %dma_start3A_63 = arith.constant 0 : i32
      %dma_start3A_64 = tpu.memref_slice %arg2[%dma_start3A_62, %dma_start3A_63] : memref<10240x128xf32, #tpu.memory_space<hbm>> -> memref<10240x128xf32, #tpu.memory_space<hbm>>
      tpu.enqueue_indirect_dma source(%dma_start3A_64 : memref<10240x128xf32, #tpu.memory_space<hbm>>) target(%arg12 : memref<64x128xf32, #tpu.memory_space<vmem>>) offsets(%dma_start3A_61 : memref<64xi32, #tpu.memory_space<vmem>>) semaphore(%arg17 : memref<!tpu.dma_semaphore, #tpu.memory_space<semaphore_mem>>)
      %dma_wait3A_65 = arith.constant 1 : i32
      %dma_wait3A_66 = arith.constant 0 : i32
      %dma_wait3A_67 = tpu.memref_slice %arg7[%dma_wait3A_65, %dma_wait3A_66] : memref<16x64xi32, #tpu.memory_space<vmem>> -> memref<1x64xi32, #tpu.memory_space<vmem>>
      %dma_wait3A_68 = tpu.memref_squeeze %dma_wait3A_67 : memref<1x64xi32, #tpu.memory_space<vmem>> -> memref<64xi32, #tpu.memory_space<vmem>>
      %dma_wait3A_69 = arith.constant 0 : i32
      %dma_wait3A_70 = arith.constant 0 : i32
      %dma_wait3A_71 = tpu.memref_slice %arg2[%dma_wait3A_69, %dma_wait3A_70] : memref<10240x128xf32, #tpu.memory_space<hbm>> -> memref<10240x128xf32, #tpu.memory_space<hbm>>
      tpu.wait_indirect_dma semaphore(%arg15 : memref<!tpu.dma_semaphore, #tpu.memory_space<semaphore_mem>>) src(%dma_wait3A_71 : memref<10240x128xf32, #tpu.memory_space<hbm>>) dst(%arg10 : memref<64x128xf32, #tpu.memory_space<vmem>>)
      %dma_wait3A_72 = arith.constant 0 : i32
      %dma_wait3A_73 = arith.constant 0 : i32
      %dma_wait3A_74 = tpu.memref_slice %arg8[%dma_wait3A_72, %dma_wait3A_73] : memref<16x64xi32, #tpu.memory_space<vmem>> -> memref<1x64xi32, #tpu.memory_space<vmem>>
      %dma_wait3A_75 = tpu.memref_squeeze %dma_wait3A_74 : memref<1x64xi32, #tpu.memory_space<vmem>> -> memref<64xi32, #tpu.memory_space<vmem>>
      %dma_wait3A_76 = arith.constant 0 : i32
      %dma_wait3A_77 = arith.constant 0 : i32
      %dma_wait3A_78 = tpu.memref_slice %arg13[%dma_wait3A_76, %dma_wait3A_77] : memref<10240x128xf32, #tpu.memory_space<vmem_shared>> -> memref<10240x128xf32, #tpu.memory_space<vmem_shared>>
      tpu.wait_indirect_dma semaphore(%arg18 : memref<!tpu.dma_semaphore, #tpu.memory_space<semaphore_mem>>) src(%arg9 : memref<64x128xf32, #tpu.memory_space<vmem>>) dst(%dma_wait3A_78 : memref<10240x128xf32, #tpu.memory_space<vmem_shared>>)
      %dma_start3A_79 = arith.constant 1 : i32
      %dma_start3A_80 = arith.constant 0 : i32
      %dma_start3A_81 = tpu.memref_slice %arg8[%dma_start3A_79, %dma_start3A_80] : memref<16x64xi32, #tpu.memory_space<vmem>> -> memref<1x64xi32, #tpu.memory_space<vmem>>
      %dma_start3A_82 = tpu.memref_squeeze %dma_start3A_81 : memref<1x64xi32, #tpu.memory_space<vmem>> -> memref<64xi32, #tpu.memory_space<vmem>>
      %dma_start3A_83 = arith.constant 0 : i32
      %dma_start3A_84 = arith.constant 0 : i32
      %dma_start3A_85 = tpu.memref_slice %arg13[%dma_start3A_83, %dma_start3A_84] : memref<10240x128xf32, #tpu.memory_space<vmem_shared>> -> memref<10240x128xf32, #tpu.memory_space<vmem_shared>>
      tpu.enqueue_indirect_dma source(%arg10 : memref<64x128xf32, #tpu.memory_space<vmem>>) target(%dma_start3A_85 : memref<10240x128xf32, #tpu.memory_space<vmem_shared>>) offsets(%dma_start3A_82 : memref<64xi32, #tpu.memory_space<vmem>>) semaphore(%arg18 : memref<!tpu.dma_semaphore, #tpu.memory_space<semaphore_mem>>) {add = true}
      %dma_start3A_86 = arith.constant 4 : i32
      %dma_start3A_87 = arith.constant 0 : i32
      %dma_start3A_88 = tpu.memref_slice %arg7[%dma_start3A_86, %dma_start3A_87] : memref<16x64xi32, #tpu.memory_space<vmem>> -> memref<1x64xi32, #tpu.memory_space<vmem>>
      %dma_start3A_89 = tpu.memref_squeeze %dma_start3A_88 : memref<1x64xi32, #tpu.memory_space<vmem>> -> memref<64xi32, #tpu.memory_space<vmem>>
      %dma_start3A_90 = arith.constant 0 : i32
      %dma_start3A_91 = arith.constant 0 : i32
      %dma_start3A_92 = tpu.memref_slice %arg2[%dma_start3A_90, %dma_start3A_91] : memref<10240x128xf32, #tpu.memory_space<hbm>> -> memref<10240x128xf32, #tpu.memory_space<hbm>>
      tpu.enqueue_indirect_dma source(%dma_start3A_92 : memref<10240x128xf32, #tpu.memory_space<hbm>>) target(%arg9 : memref<64x128xf32, #tpu.memory_space<vmem>>) offsets(%dma_start3A_89 : memref<64xi32, #tpu.memory_space<vmem>>) semaphore(%arg14 : memref<!tpu.dma_semaphore, #tpu.memory_space<semaphore_mem>>)
      %dma_wait3A_93 = arith.constant 2 : i32
      %dma_wait3A_94 = arith.constant 0 : i32
      %dma_wait3A_95 = tpu.memref_slice %arg7[%dma_wait3A_93, %dma_wait3A_94] : memref<16x64xi32, #tpu.memory_space<vmem>> -> memref<1x64xi32, #tpu.memory_space<vmem>>
      %dma_wait3A_96 = tpu.memref_squeeze %dma_wait3A_95 : memref<1x64xi32, #tpu.memory_space<vmem>> -> memref<64xi32, #tpu.memory_space<vmem>>
      %dma_wait3A_97 = arith.constant 0 : i32
      %dma_wait3A_98 = arith.constant 0 : i32
      %dma_wait3A_99 = tpu.memref_slice %arg2[%dma_wait3A_97, %dma_wait3A_98] : memref<10240x128xf32, #tpu.memory_space<hbm>> -> memref<10240x128xf32, #tpu.memory_space<hbm>>
      tpu.wait_indirect_dma semaphore(%arg16 : memref<!tpu.dma_semaphore, #tpu.memory_space<semaphore_mem>>) src(%dma_wait3A_99 : memref<10240x128xf32, #tpu.memory_space<hbm>>) dst(%arg11 : memref<64x128xf32, #tpu.memory_space<vmem>>)
      %dma_wait3A_100 = arith.constant 1 : i32
      %dma_wait3A_101 = arith.constant 0 : i32
      %dma_wait3A_102 = tpu.memref_slice %arg8[%dma_wait3A_100, %dma_wait3A_101] : memref<16x64xi32, #tpu.memory_space<vmem>> -> memref<1x64xi32, #tpu.memory_space<vmem>>
      %dma_wait3A_103 = tpu.memref_squeeze %dma_wait3A_102 : memref<1x64xi32, #tpu.memory_space<vmem>> -> memref<64xi32, #tpu.memory_space<vmem>>
      %dma_wait3A_104 = arith.constant 0 : i32
      %dma_wait3A_105 = arith.constant 0 : i32
      %dma_wait3A_106 = tpu.memref_slice %arg13[%dma_wait3A_104, %dma_wait3A_105] : memref<10240x128xf32, #tpu.memory_space<vmem_shared>> -> memref<10240x128xf32, #tpu.memory_space<vmem_shared>>
      tpu.wait_indirect_dma semaphore(%arg18 : memref<!tpu.dma_semaphore, #tpu.memory_space<semaphore_mem>>) src(%arg10 : memref<64x128xf32, #tpu.memory_space<vmem>>) dst(%dma_wait3A_106 : memref<10240x128xf32, #tpu.memory_space<vmem_shared>>)
      %dma_start3A_107 = arith.constant 2 : i32
      %dma_start3A_108 = arith.constant 0 : i32
      %dma_start3A_109 = tpu.memref_slice %arg8[%dma_start3A_107, %dma_start3A_108] : memref<16x64xi32, #tpu.memory_space<vmem>> -> memref<1x64xi32, #tpu.memory_space<vmem>>
      %dma_start3A_110 = tpu.memref_squeeze %dma_start3A_109 : memref<1x64xi32, #tpu.memory_space<vmem>> -> memref<64xi32, #tpu.memory_space<vmem>>
      %dma_start3A_111 = arith.constant 0 : i32
      %dma_start3A_112 = arith.constant 0 : i32
      %dma_start3A_113 = tpu.memref_slice %arg13[%dma_start3A_111, %dma_start3A_112] : memref<10240x128xf32, #tpu.memory_space<vmem_shared>> -> memref<10240x128xf32, #tpu.memory_space<vmem_shared>>
      tpu.enqueue_indirect_dma source(%arg11 : memref<64x128xf32, #tpu.memory_space<vmem>>) target(%dma_start3A_113 : memref<10240x128xf32, #tpu.memory_space<vmem_shared>>) offsets(%dma_start3A_110 : memref<64xi32, #tpu.memory_space<vmem>>) semaphore(%arg18 : memref<!tpu.dma_semaphore, #tpu.memory_space<semaphore_mem>>) {add = true}
      %dma_start3A_114 = arith.constant 5 : i32
      %dma_start3A_115 = arith.constant 0 : i32
      %dma_start3A_116 = tpu.memref_slice %arg7[%dma_start3A_114, %dma_start3A_115] : memref<16x64xi32, #tpu.memory_space<vmem>> -> memref<1x64xi32, #tpu.memory_space<vmem>>
      %dma_start3A_117 = tpu.memref_squeeze %dma_start3A_116 : memref<1x64xi32, #tpu.memory_space<vmem>> -> memref<64xi32, #tpu.memory_space<vmem>>
      %dma_start3A_118 = arith.constant 0 : i32
      %dma_start3A_119 = arith.constant 0 : i32
      %dma_start3A_120 = tpu.memref_slice %arg2[%dma_start3A_118, %dma_start3A_119] : memref<10240x128xf32, #tpu.memory_space<hbm>> -> memref<10240x128xf32, #tpu.memory_space<hbm>>
      tpu.enqueue_indirect_dma source(%dma_start3A_120 : memref<10240x128xf32, #tpu.memory_space<hbm>>) target(%arg10 : memref<64x128xf32, #tpu.memory_space<vmem>>) offsets(%dma_start3A_117 : memref<64xi32, #tpu.memory_space<vmem>>) semaphore(%arg15 : memref<!tpu.dma_semaphore, #tpu.memory_space<semaphore_mem>>)
      %dma_wait3A_121 = arith.constant 3 : i32
      %dma_wait3A_122 = arith.constant 0 : i32
      %dma_wait3A_123 = tpu.memref_slice %arg7[%dma_wait3A_121, %dma_wait3A_122] : memref<16x64xi32, #tpu.memory_space<vmem>> -> memref<1x64xi32, #tpu.memory_space<vmem>>
      %dma_wait3A_124 = tpu.memref_squeeze %dma_wait3A_123 : memref<1x64xi32, #tpu.memory_space<vmem>> -> memref<64xi32, #tpu.memory_space<vmem>>
      %dma_wait3A_125 = arith.constant 0 : i32
      %dma_wait3A_126 = arith.constant 0 : i32
      %dma_wait3A_127 = tpu.memref_slice %arg2[%dma_wait3A_125, %dma_wait3A_126] : memref<10240x128xf32, #tpu.memory_space<hbm>> -> memref<10240x128xf32, #tpu.memory_space<hbm>>
      tpu.wait_indirect_dma semaphore(%arg17 : memref<!tpu.dma_semaphore, #tpu.memory_space<semaphore_mem>>) src(%dma_wait3A_127 : memref<10240x128xf32, #tpu.memory_space<hbm>>) dst(%arg12 : memref<64x128xf32, #tpu.memory_space<vmem>>)
      %dma_wait3A_128 = arith.constant 2 : i32
      %dma_wait3A_129 = arith.constant 0 : i32
      %dma_wait3A_130 = tpu.memref_slice %arg8[%dma_wait3A_128, %dma_wait3A_129] : memref<16x64xi32, #tpu.memory_space<vmem>> -> memref<1x64xi32, #tpu.memory_space<vmem>>
      %dma_wait3A_131 = tpu.memref_squeeze %dma_wait3A_130 : memref<1x64xi32, #tpu.memory_space<vmem>> -> memref<64xi32, #tpu.memory_space<vmem>>
      %dma_wait3A_132 = arith.constant 0 : i32
      %dma_wait3A_133 = arith.constant 0 : i32
      %dma_wait3A_134 = tpu.memref_slice %arg13[%dma_wait3A_132, %dma_wait3A_133] : memref<10240x128xf32, #tpu.memory_space<vmem_shared>> -> memref<10240x128xf32, #tpu.memory_space<vmem_shared>>
      tpu.wait_indirect_dma semaphore(%arg18 : memref<!tpu.dma_semaphore, #tpu.memory_space<semaphore_mem>>) src(%arg11 : memref<64x128xf32, #tpu.memory_space<vmem>>) dst(%dma_wait3A_134 : memref<10240x128xf32, #tpu.memory_space<vmem_shared>>)
      %dma_start3A_135 = arith.constant 3 : i32
      %dma_start3A_136 = arith.constant 0 : i32
      %dma_start3A_137 = tpu.memref_slice %arg8[%dma_start3A_135, %dma_start3A_136] : memref<16x64xi32, #tpu.memory_space<vmem>> -> memref<1x64xi32, #tpu.memory_space<vmem>>
      %dma_start3A_138 = tpu.memref_squeeze %dma_start3A_137 : memref<1x64xi32, #tpu.memory_space<vmem>> -> memref<64xi32, #tpu.memory_space<vmem>>
      %dma_start3A_139 = arith.constant 0 : i32
      %dma_start3A_140 = arith.constant 0 : i32
      %dma_start3A_141 = tpu.memref_slice %arg13[%dma_start3A_139, %dma_start3A_140] : memref<10240x128xf32, #tpu.memory_space<vmem_shared>> -> memref<10240x128xf32, #tpu.memory_space<vmem_shared>>
      tpu.enqueue_indirect_dma source(%arg12 : memref<64x128xf32, #tpu.memory_space<vmem>>) target(%dma_start3A_141 : memref<10240x128xf32, #tpu.memory_space<vmem_shared>>) offsets(%dma_start3A_138 : memref<64xi32, #tpu.memory_space<vmem>>) semaphore(%arg18 : memref<!tpu.dma_semaphore, #tpu.memory_space<semaphore_mem>>) {add = true}
      %dma_start3A_142 = arith.constant 6 : i32
      %dma_start3A_143 = arith.constant 0 : i32
      %dma_start3A_144 = tpu.memref_slice %arg7[%dma_start3A_142, %dma_start3A_143] : memref<16x64xi32, #tpu.memory_space<vmem>> -> memref<1x64xi32, #tpu.memory_space<vmem>>
      %dma_start3A_145 = tpu.memref_squeeze %dma_start3A_144 : memref<1x64xi32, #tpu.memory_space<vmem>> -> memref<64xi32, #tpu.memory_space<vmem>>
      %dma_start3A_146 = arith.constant 0 : i32
      %dma_start3A_147 = arith.constant 0 : i32
      %dma_start3A_148 = tpu.memref_slice %arg2[%dma_start3A_146, %dma_start3A_147] : memref<10240x128xf32, #tpu.memory_space<hbm>> -> memref<10240x128xf32, #tpu.memory_space<hbm>>
      tpu.enqueue_indirect_dma source(%dma_start3A_148 : memref<10240x128xf32, #tpu.memory_space<hbm>>) target(%arg11 : memref<64x128xf32, #tpu.memory_space<vmem>>) offsets(%dma_start3A_145 : memref<64xi32, #tpu.memory_space<vmem>>) semaphore(%arg16 : memref<!tpu.dma_semaphore, #tpu.memory_space<semaphore_mem>>)
      %dma_wait3A_149 = arith.constant 4 : i32
      %dma_wait3A_150 = arith.constant 0 : i32
      %dma_wait3A_151 = tpu.memref_slice %arg7[%dma_wait3A_149, %dma_wait3A_150] : memref<16x64xi32, #tpu.memory_space<vmem>> -> memref<1x64xi32, #tpu.memory_space<vmem>>
      %dma_wait3A_152 = tpu.memref_squeeze %dma_wait3A_151 : memref<1x64xi32, #tpu.memory_space<vmem>> -> memref<64xi32, #tpu.memory_space<vmem>>
      %dma_wait3A_153 = arith.constant 0 : i32
      %dma_wait3A_154 = arith.constant 0 : i32
      %dma_wait3A_155 = tpu.memref_slice %arg2[%dma_wait3A_153, %dma_wait3A_154] : memref<10240x128xf32, #tpu.memory_space<hbm>> -> memref<10240x128xf32, #tpu.memory_space<hbm>>
      tpu.wait_indirect_dma semaphore(%arg14 : memref<!tpu.dma_semaphore, #tpu.memory_space<semaphore_mem>>) src(%dma_wait3A_155 : memref<10240x128xf32, #tpu.memory_space<hbm>>) dst(%arg9 : memref<64x128xf32, #tpu.memory_space<vmem>>)
      %dma_wait3A_156 = arith.constant 3 : i32
      %dma_wait3A_157 = arith.constant 0 : i32
      %dma_wait3A_158 = tpu.memref_slice %arg8[%dma_wait3A_156, %dma_wait3A_157] : memref<16x64xi32, #tpu.memory_space<vmem>> -> memref<1x64xi32, #tpu.memory_space<vmem>>
      %dma_wait3A_159 = tpu.memref_squeeze %dma_wait3A_158 : memref<1x64xi32, #tpu.memory_space<vmem>> -> memref<64xi32, #tpu.memory_space<vmem>>
      %dma_wait3A_160 = arith.constant 0 : i32
      %dma_wait3A_161 = arith.constant 0 : i32
      %dma_wait3A_162 = tpu.memref_slice %arg13[%dma_wait3A_160, %dma_wait3A_161] : memref<10240x128xf32, #tpu.memory_space<vmem_shared>> -> memref<10240x128xf32, #tpu.memory_space<vmem_shared>>
      tpu.wait_indirect_dma semaphore(%arg18 : memref<!tpu.dma_semaphore, #tpu.memory_space<semaphore_mem>>) src(%arg12 : memref<64x128xf32, #tpu.memory_space<vmem>>) dst(%dma_wait3A_162 : memref<10240x128xf32, #tpu.memory_space<vmem_shared>>)
      %dma_start3A_163 = arith.constant 4 : i32
      %dma_start3A_164 = arith.constant 0 : i32
      %dma_start3A_165 = tpu.memref_slice %arg8[%dma_start3A_163, %dma_start3A_164] : memref<16x64xi32, #tpu.memory_space<vmem>> -> memref<1x64xi32, #tpu.memory_space<vmem>>
      %dma_start3A_166 = tpu.memref_squeeze %dma_start3A_165 : memref<1x64xi32, #tpu.memory_space<vmem>> -> memref<64xi32, #tpu.memory_space<vmem>>
      %dma_start3A_167 = arith.constant 0 : i32
      %dma_start3A_168 = arith.constant 0 : i32
      %dma_start3A_169 = tpu.memref_slice %arg13[%dma_start3A_167, %dma_start3A_168] : memref<10240x128xf32, #tpu.memory_space<vmem_shared>> -> memref<10240x128xf32, #tpu.memory_space<vmem_shared>>
      tpu.enqueue_indirect_dma source(%arg9 : memref<64x128xf32, #tpu.memory_space<vmem>>) target(%dma_start3A_169 : memref<10240x128xf32, #tpu.memory_space<vmem_shared>>) offsets(%dma_start3A_166 : memref<64xi32, #tpu.memory_space<vmem>>) semaphore(%arg18 : memref<!tpu.dma_semaphore, #tpu.memory_space<semaphore_mem>>) {add = true}
      %dma_start3A_170 = arith.constant 7 : i32
      %dma_start3A_171 = arith.constant 0 : i32
      %dma_start3A_172 = tpu.memref_slice %arg7[%dma_start3A_170, %dma_start3A_171] : memref<16x64xi32, #tpu.memory_space<vmem>> -> memref<1x64xi32, #tpu.memory_space<vmem>>
      %dma_start3A_173 = tpu.memref_squeeze %dma_start3A_172 : memref<1x64xi32, #tpu.memory_space<vmem>> -> memref<64xi32, #tpu.memory_space<vmem>>
      %dma_start3A_174 = arith.constant 0 : i32
      %dma_start3A_175 = arith.constant 0 : i32
      %dma_start3A_176 = tpu.memref_slice %arg2[%dma_start3A_174, %dma_start3A_175] : memref<10240x128xf32, #tpu.memory_space<hbm>> -> memref<10240x128xf32, #tpu.memory_space<hbm>>
      tpu.enqueue_indirect_dma source(%dma_start3A_176 : memref<10240x128xf32, #tpu.memory_space<hbm>>) target(%arg12 : memref<64x128xf32, #tpu.memory_space<vmem>>) offsets(%dma_start3A_173 : memref<64xi32, #tpu.memory_space<vmem>>) semaphore(%arg17 : memref<!tpu.dma_semaphore, #tpu.memory_space<semaphore_mem>>)
      %dma_wait3A_177 = arith.constant 5 : i32
      %dma_wait3A_178 = arith.constant 0 : i32
      %dma_wait3A_179 = tpu.memref_slice %arg7[%dma_wait3A_177, %dma_wait3A_178] : memref<16x64xi32, #tpu.memory_space<vmem>> -> memref<1x64xi32, #tpu.memory_space<vmem>>
      %dma_wait3A_180 = tpu.memref_squeeze %dma_wait3A_179 : memref<1x64xi32, #tpu.memory_space<vmem>> -> memref<64xi32, #tpu.memory_space<vmem>>
      %dma_wait3A_181 = arith.constant 0 : i32
      %dma_wait3A_182 = arith.constant 0 : i32
      %dma_wait3A_183 = tpu.memref_slice %arg2[%dma_wait3A_181, %dma_wait3A_182] : memref<10240x128xf32, #tpu.memory_space<hbm>> -> memref<10240x128xf32, #tpu.memory_space<hbm>>
      tpu.wait_indirect_dma semaphore(%arg15 : memref<!tpu.dma_semaphore, #tpu.memory_space<semaphore_mem>>) src(%dma_wait3A_183 : memref<10240x128xf32, #tpu.memory_space<hbm>>) dst(%arg10 : memref<64x128xf32, #tpu.memory_space<vmem>>)
      %dma_wait3A_184 = arith.constant 4 : i32
      %dma_wait3A_185 = arith.constant 0 : i32
      %dma_wait3A_186 = tpu.memref_slice %arg8[%dma_wait3A_184, %dma_wait3A_185] : memref<16x64xi32, #tpu.memory_space<vmem>> -> memref<1x64xi32, #tpu.memory_space<vmem>>
      %dma_wait3A_187 = tpu.memref_squeeze %dma_wait3A_186 : memref<1x64xi32, #tpu.memory_space<vmem>> -> memref<64xi32, #tpu.memory_space<vmem>>
      %dma_wait3A_188 = arith.constant 0 : i32
      %dma_wait3A_189 = arith.constant 0 : i32
      %dma_wait3A_190 = tpu.memref_slice %arg13[%dma_wait3A_188, %dma_wait3A_189] : memref<10240x128xf32, #tpu.memory_space<vmem_shared>> -> memref<10240x128xf32, #tpu.memory_space<vmem_shared>>
      tpu.wait_indirect_dma semaphore(%arg18 : memref<!tpu.dma_semaphore, #tpu.memory_space<semaphore_mem>>) src(%arg9 : memref<64x128xf32, #tpu.memory_space<vmem>>) dst(%dma_wait3A_190 : memref<10240x128xf32, #tpu.memory_space<vmem_shared>>)
      %dma_start3A_191 = arith.constant 5 : i32
      %dma_start3A_192 = arith.constant 0 : i32
      %dma_start3A_193 = tpu.memref_slice %arg8[%dma_start3A_191, %dma_start3A_192] : memref<16x64xi32, #tpu.memory_space<vmem>> -> memref<1x64xi32, #tpu.memory_space<vmem>>
      %dma_start3A_194 = tpu.memref_squeeze %dma_start3A_193 : memref<1x64xi32, #tpu.memory_space<vmem>> -> memref<64xi32, #tpu.memory_space<vmem>>
      %dma_start3A_195 = arith.constant 0 : i32
      %dma_start3A_196 = arith.constant 0 : i32
      %dma_start3A_197 = tpu.memref_slice %arg13[%dma_start3A_195, %dma_start3A_196] : memref<10240x128xf32, #tpu.memory_space<vmem_shared>> -> memref<10240x128xf32, #tpu.memory_space<vmem_shared>>
      tpu.enqueue_indirect_dma source(%arg10 : memref<64x128xf32, #tpu.memory_space<vmem>>) target(%dma_start3A_197 : memref<10240x128xf32, #tpu.memory_space<vmem_shared>>) offsets(%dma_start3A_194 : memref<64xi32, #tpu.memory_space<vmem>>) semaphore(%arg18 : memref<!tpu.dma_semaphore, #tpu.memory_space<semaphore_mem>>) {add = true}
      %dma_start3A_198 = arith.constant 8 : i32
      %dma_start3A_199 = arith.constant 0 : i32
      %dma_start3A_200 = tpu.memref_slice %arg7[%dma_start3A_198, %dma_start3A_199] : memref<16x64xi32, #tpu.memory_space<vmem>> -> memref<1x64xi32, #tpu.memory_space<vmem>>
      %dma_start3A_201 = tpu.memref_squeeze %dma_start3A_200 : memref<1x64xi32, #tpu.memory_space<vmem>> -> memref<64xi32, #tpu.memory_space<vmem>>
      %dma_start3A_202 = arith.constant 0 : i32
      %dma_start3A_203 = arith.constant 0 : i32
      %dma_start3A_204 = tpu.memref_slice %arg2[%dma_start3A_202, %dma_start3A_203] : memref<10240x128xf32, #tpu.memory_space<hbm>> -> memref<10240x128xf32, #tpu.memory_space<hbm>>
      tpu.enqueue_indirect_dma source(%dma_start3A_204 : memref<10240x128xf32, #tpu.memory_space<hbm>>) target(%arg9 : memref<64x128xf32, #tpu.memory_space<vmem>>) offsets(%dma_start3A_201 : memref<64xi32, #tpu.memory_space<vmem>>) semaphore(%arg14 : memref<!tpu.dma_semaphore, #tpu.memory_space<semaphore_mem>>)
      %dma_wait3A_205 = arith.constant 6 : i32
      %dma_wait3A_206 = arith.constant 0 : i32
      %dma_wait3A_207 = tpu.memref_slice %arg7[%dma_wait3A_205, %dma_wait3A_206] : memref<16x64xi32, #tpu.memory_space<vmem>> -> memref<1x64xi32, #tpu.memory_space<vmem>>
      %dma_wait3A_208 = tpu.memref_squeeze %dma_wait3A_207 : memref<1x64xi32, #tpu.memory_space<vmem>> -> memref<64xi32, #tpu.memory_space<vmem>>
      %dma_wait3A_209 = arith.constant 0 : i32
      %dma_wait3A_210 = arith.constant 0 : i32
      %dma_wait3A_211 = tpu.memref_slice %arg2[%dma_wait3A_209, %dma_wait3A_210] : memref<10240x128xf32, #tpu.memory_space<hbm>> -> memref<10240x128xf32, #tpu.memory_space<hbm>>
      tpu.wait_indirect_dma semaphore(%arg16 : memref<!tpu.dma_semaphore, #tpu.memory_space<semaphore_mem>>) src(%dma_wait3A_211 : memref<10240x128xf32, #tpu.memory_space<hbm>>) dst(%arg11 : memref<64x128xf32, #tpu.memory_space<vmem>>)
      %dma_wait3A_212 = arith.constant 5 : i32
      %dma_wait3A_213 = arith.constant 0 : i32
      %dma_wait3A_214 = tpu.memref_slice %arg8[%dma_wait3A_212, %dma_wait3A_213] : memref<16x64xi32, #tpu.memory_space<vmem>> -> memref<1x64xi32, #tpu.memory_space<vmem>>
      %dma_wait3A_215 = tpu.memref_squeeze %dma_wait3A_214 : memref<1x64xi32, #tpu.memory_space<vmem>> -> memref<64xi32, #tpu.memory_space<vmem>>
      %dma_wait3A_216 = arith.constant 0 : i32
      %dma_wait3A_217 = arith.constant 0 : i32
      %dma_wait3A_218 = tpu.memref_slice %arg13[%dma_wait3A_216, %dma_wait3A_217] : memref<10240x128xf32, #tpu.memory_space<vmem_shared>> -> memref<10240x128xf32, #tpu.memory_space<vmem_shared>>
      tpu.wait_indirect_dma semaphore(%arg18 : memref<!tpu.dma_semaphore, #tpu.memory_space<semaphore_mem>>) src(%arg10 : memref<64x128xf32, #tpu.memory_space<vmem>>) dst(%dma_wait3A_218 : memref<10240x128xf32, #tpu.memory_space<vmem_shared>>)
      %dma_start3A_219 = arith.constant 6 : i32
      %dma_start3A_220 = arith.constant 0 : i32
      %dma_start3A_221 = tpu.memref_slice %arg8[%dma_start3A_219, %dma_start3A_220] : memref<16x64xi32, #tpu.memory_space<vmem>> -> memref<1x64xi32, #tpu.memory_space<vmem>>
      %dma_start3A_222 = tpu.memref_squeeze %dma_start3A_221 : memref<1x64xi32, #tpu.memory_space<vmem>> -> memref<64xi32, #tpu.memory_space<vmem>>
      %dma_start3A_223 = arith.constant 0 : i32
      %dma_start3A_224 = arith.constant 0 : i32
      %dma_start3A_225 = tpu.memref_slice %arg13[%dma_start3A_223, %dma_start3A_224] : memref<10240x128xf32, #tpu.memory_space<vmem_shared>> -> memref<10240x128xf32, #tpu.memory_space<vmem_shared>>
      tpu.enqueue_indirect_dma source(%arg11 : memref<64x128xf32, #tpu.memory_space<vmem>>) target(%dma_start3A_225 : memref<10240x128xf32, #tpu.memory_space<vmem_shared>>) offsets(%dma_start3A_222 : memref<64xi32, #tpu.memory_space<vmem>>) semaphore(%arg18 : memref<!tpu.dma_semaphore, #tpu.memory_space<semaphore_mem>>) {add = true}
      %dma_start3A_226 = arith.constant 9 : i32
      %dma_start3A_227 = arith.constant 0 : i32
      %dma_start3A_228 = tpu.memref_slice %arg7[%dma_start3A_226, %dma_start3A_227] : memref<16x64xi32, #tpu.memory_space<vmem>> -> memref<1x64xi32, #tpu.memory_space<vmem>>
      %dma_start3A_229 = tpu.memref_squeeze %dma_start3A_228 : memref<1x64xi32, #tpu.memory_space<vmem>> -> memref<64xi32, #tpu.memory_space<vmem>>
      %dma_start3A_230 = arith.constant 0 : i32
      %dma_start3A_231 = arith.constant 0 : i32
      %dma_start3A_232 = tpu.memref_slice %arg2[%dma_start3A_230, %dma_start3A_231] : memref<10240x128xf32, #tpu.memory_space<hbm>> -> memref<10240x128xf32, #tpu.memory_space<hbm>>
      tpu.enqueue_indirect_dma source(%dma_start3A_232 : memref<10240x128xf32, #tpu.memory_space<hbm>>) target(%arg10 : memref<64x128xf32, #tpu.memory_space<vmem>>) offsets(%dma_start3A_229 : memref<64xi32, #tpu.memory_space<vmem>>) semaphore(%arg15 : memref<!tpu.dma_semaphore, #tpu.memory_space<semaphore_mem>>)
      %dma_wait3A_233 = arith.constant 7 : i32
      %dma_wait3A_234 = arith.constant 0 : i32
      %dma_wait3A_235 = tpu.memref_slice %arg7[%dma_wait3A_233, %dma_wait3A_234] : memref<16x64xi32, #tpu.memory_space<vmem>> -> memref<1x64xi32, #tpu.memory_space<vmem>>
      %dma_wait3A_236 = tpu.memref_squeeze %dma_wait3A_235 : memref<1x64xi32, #tpu.memory_space<vmem>> -> memref<64xi32, #tpu.memory_space<vmem>>
      %dma_wait3A_237 = arith.constant 0 : i32
      %dma_wait3A_238 = arith.constant 0 : i32
      %dma_wait3A_239 = tpu.memref_slice %arg2[%dma_wait3A_237, %dma_wait3A_238] : memref<10240x128xf32, #tpu.memory_space<hbm>> -> memref<10240x128xf32, #tpu.memory_space<hbm>>
      tpu.wait_indirect_dma semaphore(%arg17 : memref<!tpu.dma_semaphore, #tpu.memory_space<semaphore_mem>>) src(%dma_wait3A_239 : memref<10240x128xf32, #tpu.memory_space<hbm>>) dst(%arg12 : memref<64x128xf32, #tpu.memory_space<vmem>>)
      %dma_wait3A_240 = arith.constant 6 : i32
      %dma_wait3A_241 = arith.constant 0 : i32
      %dma_wait3A_242 = tpu.memref_slice %arg8[%dma_wait3A_240, %dma_wait3A_241] : memref<16x64xi32, #tpu.memory_space<vmem>> -> memref<1x64xi32, #tpu.memory_space<vmem>>
      %dma_wait3A_243 = tpu.memref_squeeze %dma_wait3A_242 : memref<1x64xi32, #tpu.memory_space<vmem>> -> memref<64xi32, #tpu.memory_space<vmem>>
      %dma_wait3A_244 = arith.constant 0 : i32
      %dma_wait3A_245 = arith.constant 0 : i32
      %dma_wait3A_246 = tpu.memref_slice %arg13[%dma_wait3A_244, %dma_wait3A_245] : memref<10240x128xf32, #tpu.memory_space<vmem_shared>> -> memref<10240x128xf32, #tpu.memory_space<vmem_shared>>
      tpu.wait_indirect_dma semaphore(%arg18 : memref<!tpu.dma_semaphore, #tpu.memory_space<semaphore_mem>>) src(%arg11 : memref<64x128xf32, #tpu.memory_space<vmem>>) dst(%dma_wait3A_246 : memref<10240x128xf32, #tpu.memory_space<vmem_shared>>)
      %dma_start3A_247 = arith.constant 7 : i32
      %dma_start3A_248 = arith.constant 0 : i32
      %dma_start3A_249 = tpu.memref_slice %arg8[%dma_start3A_247, %dma_start3A_248] : memref<16x64xi32, #tpu.memory_space<vmem>> -> memref<1x64xi32, #tpu.memory_space<vmem>>
      %dma_start3A_250 = tpu.memref_squeeze %dma_start3A_249 : memref<1x64xi32, #tpu.memory_space<vmem>> -> memref<64xi32, #tpu.memory_space<vmem>>
      %dma_start3A_251 = arith.constant 0 : i32
      %dma_start3A_252 = arith.constant 0 : i32
      %dma_start3A_253 = tpu.memref_slice %arg13[%dma_start3A_251, %dma_start3A_252] : memref<10240x128xf32, #tpu.memory_space<vmem_shared>> -> memref<10240x128xf32, #tpu.memory_space<vmem_shared>>
      tpu.enqueue_indirect_dma source(%arg12 : memref<64x128xf32, #tpu.memory_space<vmem>>) target(%dma_start3A_253 : memref<10240x128xf32, #tpu.memory_space<vmem_shared>>) offsets(%dma_start3A_250 : memref<64xi32, #tpu.memory_space<vmem>>) semaphore(%arg18 : memref<!tpu.dma_semaphore, #tpu.memory_space<semaphore_mem>>) {add = true}
      %dma_start3A_254 = arith.constant 10 : i32
      %dma_start3A_255 = arith.constant 0 : i32
      %dma_start3A_256 = tpu.memref_slice %arg7[%dma_start3A_254, %dma_start3A_255] : memref<16x64xi32, #tpu.memory_space<vmem>> -> memref<1x64xi32, #tpu.memory_space<vmem>>
      %dma_start3A_257 = tpu.memref_squeeze %dma_start3A_256 : memref<1x64xi32, #tpu.memory_space<vmem>> -> memref<64xi32, #tpu.memory_space<vmem>>
      %dma_start3A_258 = arith.constant 0 : i32
      %dma_start3A_259 = arith.constant 0 : i32
      %dma_start3A_260 = tpu.memref_slice %arg2[%dma_start3A_258, %dma_start3A_259] : memref<10240x128xf32, #tpu.memory_space<hbm>> -> memref<10240x128xf32, #tpu.memory_space<hbm>>
      tpu.enqueue_indirect_dma source(%dma_start3A_260 : memref<10240x128xf32, #tpu.memory_space<hbm>>) target(%arg11 : memref<64x128xf32, #tpu.memory_space<vmem>>) offsets(%dma_start3A_257 : memref<64xi32, #tpu.memory_space<vmem>>) semaphore(%arg16 : memref<!tpu.dma_semaphore, #tpu.memory_space<semaphore_mem>>)
      %dma_wait3A_261 = arith.constant 8 : i32
      %dma_wait3A_262 = arith.constant 0 : i32
      %dma_wait3A_263 = tpu.memref_slice %arg7[%dma_wait3A_261, %dma_wait3A_262] : memref<16x64xi32, #tpu.memory_space<vmem>> -> memref<1x64xi32, #tpu.memory_space<vmem>>
      %dma_wait3A_264 = tpu.memref_squeeze %dma_wait3A_263 : memref<1x64xi32, #tpu.memory_space<vmem>> -> memref<64xi32, #tpu.memory_space<vmem>>
      %dma_wait3A_265 = arith.constant 0 : i32
      %dma_wait3A_266 = arith.constant 0 : i32
      %dma_wait3A_267 = tpu.memref_slice %arg2[%dma_wait3A_265, %dma_wait3A_266] : memref<10240x128xf32, #tpu.memory_space<hbm>> -> memref<10240x128xf32, #tpu.memory_space<hbm>>
      tpu.wait_indirect_dma semaphore(%arg14 : memref<!tpu.dma_semaphore, #tpu.memory_space<semaphore_mem>>) src(%dma_wait3A_267 : memref<10240x128xf32, #tpu.memory_space<hbm>>) dst(%arg9 : memref<64x128xf32, #tpu.memory_space<vmem>>)
      %dma_wait3A_268 = arith.constant 7 : i32
      %dma_wait3A_269 = arith.constant 0 : i32
      %dma_wait3A_270 = tpu.memref_slice %arg8[%dma_wait3A_268, %dma_wait3A_269] : memref<16x64xi32, #tpu.memory_space<vmem>> -> memref<1x64xi32, #tpu.memory_space<vmem>>
      %dma_wait3A_271 = tpu.memref_squeeze %dma_wait3A_270 : memref<1x64xi32, #tpu.memory_space<vmem>> -> memref<64xi32, #tpu.memory_space<vmem>>
      %dma_wait3A_272 = arith.constant 0 : i32
      %dma_wait3A_273 = arith.constant 0 : i32
      %dma_wait3A_274 = tpu.memref_slice %arg13[%dma_wait3A_272, %dma_wait3A_273] : memref<10240x128xf32, #tpu.memory_space<vmem_shared>> -> memref<10240x128xf32, #tpu.memory_space<vmem_shared>>
      tpu.wait_indirect_dma semaphore(%arg18 : memref<!tpu.dma_semaphore, #tpu.memory_space<semaphore_mem>>) src(%arg12 : memref<64x128xf32, #tpu.memory_space<vmem>>) dst(%dma_wait3A_274 : memref<10240x128xf32, #tpu.memory_space<vmem_shared>>)
      %dma_start3A_275 = arith.constant 8 : i32
      %dma_start3A_276 = arith.constant 0 : i32
      %dma_start3A_277 = tpu.memref_slice %arg8[%dma_start3A_275, %dma_start3A_276] : memref<16x64xi32, #tpu.memory_space<vmem>> -> memref<1x64xi32, #tpu.memory_space<vmem>>
      %dma_start3A_278 = tpu.memref_squeeze %dma_start3A_277 : memref<1x64xi32, #tpu.memory_space<vmem>> -> memref<64xi32, #tpu.memory_space<vmem>>
      %dma_start3A_279 = arith.constant 0 : i32
      %dma_start3A_280 = arith.constant 0 : i32
      %dma_start3A_281 = tpu.memref_slice %arg13[%dma_start3A_279, %dma_start3A_280] : memref<10240x128xf32, #tpu.memory_space<vmem_shared>> -> memref<10240x128xf32, #tpu.memory_space<vmem_shared>>
      tpu.enqueue_indirect_dma source(%arg9 : memref<64x128xf32, #tpu.memory_space<vmem>>) target(%dma_start3A_281 : memref<10240x128xf32, #tpu.memory_space<vmem_shared>>) offsets(%dma_start3A_278 : memref<64xi32, #tpu.memory_space<vmem>>) semaphore(%arg18 : memref<!tpu.dma_semaphore, #tpu.memory_space<semaphore_mem>>) {add = true}
      %dma_start3A_282 = arith.constant 11 : i32
      %dma_start3A_283 = arith.constant 0 : i32
      %dma_start3A_284 = tpu.memref_slice %arg7[%dma_start3A_282, %dma_start3A_283] : memref<16x64xi32, #tpu.memory_space<vmem>> -> memref<1x64xi32, #tpu.memory_space<vmem>>
      %dma_start3A_285 = tpu.memref_squeeze %dma_start3A_284 : memref<1x64xi32, #tpu.memory_space<vmem>> -> memref<64xi32, #tpu.memory_space<vmem>>
      %dma_start3A_286 = arith.constant 0 : i32
      %dma_start3A_287 = arith.constant 0 : i32
      %dma_start3A_288 = tpu.memref_slice %arg2[%dma_start3A_286, %dma_start3A_287] : memref<10240x128xf32, #tpu.memory_space<hbm>> -> memref<10240x128xf32, #tpu.memory_space<hbm>>
      tpu.enqueue_indirect_dma source(%dma_start3A_288 : memref<10240x128xf32, #tpu.memory_space<hbm>>) target(%arg12 : memref<64x128xf32, #tpu.memory_space<vmem>>) offsets(%dma_start3A_285 : memref<64xi32, #tpu.memory_space<vmem>>) semaphore(%arg17 : memref<!tpu.dma_semaphore, #tpu.memory_space<semaphore_mem>>)
      %dma_wait3A_289 = arith.constant 9 : i32
      %dma_wait3A_290 = arith.constant 0 : i32
      %dma_wait3A_291 = tpu.memref_slice %arg7[%dma_wait3A_289, %dma_wait3A_290] : memref<16x64xi32, #tpu.memory_space<vmem>> -> memref<1x64xi32, #tpu.memory_space<vmem>>
      %dma_wait3A_292 = tpu.memref_squeeze %dma_wait3A_291 : memref<1x64xi32, #tpu.memory_space<vmem>> -> memref<64xi32, #tpu.memory_space<vmem>>
      %dma_wait3A_293 = arith.constant 0 : i32
      %dma_wait3A_294 = arith.constant 0 : i32
      %dma_wait3A_295 = tpu.memref_slice %arg2[%dma_wait3A_293, %dma_wait3A_294] : memref<10240x128xf32, #tpu.memory_space<hbm>> -> memref<10240x128xf32, #tpu.memory_space<hbm>>
      tpu.wait_indirect_dma semaphore(%arg15 : memref<!tpu.dma_semaphore, #tpu.memory_space<semaphore_mem>>) src(%dma_wait3A_295 : memref<10240x128xf32, #tpu.memory_space<hbm>>) dst(%arg10 : memref<64x128xf32, #tpu.memory_space<vmem>>)
      %dma_wait3A_296 = arith.constant 8 : i32
      %dma_wait3A_297 = arith.constant 0 : i32
      %dma_wait3A_298 = tpu.memref_slice %arg8[%dma_wait3A_296, %dma_wait3A_297] : memref<16x64xi32, #tpu.memory_space<vmem>> -> memref<1x64xi32, #tpu.memory_space<vmem>>
      %dma_wait3A_299 = tpu.memref_squeeze %dma_wait3A_298 : memref<1x64xi32, #tpu.memory_space<vmem>> -> memref<64xi32, #tpu.memory_space<vmem>>
      %dma_wait3A_300 = arith.constant 0 : i32
      %dma_wait3A_301 = arith.constant 0 : i32
      %dma_wait3A_302 = tpu.memref_slice %arg13[%dma_wait3A_300, %dma_wait3A_301] : memref<10240x128xf32, #tpu.memory_space<vmem_shared>> -> memref<10240x128xf32, #tpu.memory_space<vmem_shared>>
      tpu.wait_indirect_dma semaphore(%arg18 : memref<!tpu.dma_semaphore, #tpu.memory_space<semaphore_mem>>) src(%arg9 : memref<64x128xf32, #tpu.memory_space<vmem>>) dst(%dma_wait3A_302 : memref<10240x128xf32, #tpu.memory_space<vmem_shared>>)
      %dma_start3A_303 = arith.constant 9 : i32
      %dma_start3A_304 = arith.constant 0 : i32
      %dma_start3A_305 = tpu.memref_slice %arg8[%dma_start3A_303, %dma_start3A_304] : memref<16x64xi32, #tpu.memory_space<vmem>> -> memref<1x64xi32, #tpu.memory_space<vmem>>
      %dma_start3A_306 = tpu.memref_squeeze %dma_start3A_305 : memref<1x64xi32, #tpu.memory_space<vmem>> -> memref<64xi32, #tpu.memory_space<vmem>>
      %dma_start3A_307 = arith.constant 0 : i32
      %dma_start3A_308 = arith.constant 0 : i32
      %dma_start3A_309 = tpu.memref_slice %arg13[%dma_start3A_307, %dma_start3A_308] : memref<10240x128xf32, #tpu.memory_space<vmem_shared>> -> memref<10240x128xf32, #tpu.memory_space<vmem_shared>>
      tpu.enqueue_indirect_dma source(%arg10 : memref<64x128xf32, #tpu.memory_space<vmem>>) target(%dma_start3A_309 : memref<10240x128xf32, #tpu.memory_space<vmem_shared>>) offsets(%dma_start3A_306 : memref<64xi32, #tpu.memory_space<vmem>>) semaphore(%arg18 : memref<!tpu.dma_semaphore, #tpu.memory_space<semaphore_mem>>) {add = true}
      %dma_start3A_310 = arith.constant 12 : i32
      %dma_start3A_311 = arith.constant 0 : i32
      %dma_start3A_312 = tpu.memref_slice %arg7[%dma_start3A_310, %dma_start3A_311] : memref<16x64xi32, #tpu.memory_space<vmem>> -> memref<1x64xi32, #tpu.memory_space<vmem>>
      %dma_start3A_313 = tpu.memref_squeeze %dma_start3A_312 : memref<1x64xi32, #tpu.memory_space<vmem>> -> memref<64xi32, #tpu.memory_space<vmem>>
      %dma_start3A_314 = arith.constant 0 : i32
      %dma_start3A_315 = arith.constant 0 : i32
      %dma_start3A_316 = tpu.memref_slice %arg2[%dma_start3A_314, %dma_start3A_315] : memref<10240x128xf32, #tpu.memory_space<hbm>> -> memref<10240x128xf32, #tpu.memory_space<hbm>>
      tpu.enqueue_indirect_dma source(%dma_start3A_316 : memref<10240x128xf32, #tpu.memory_space<hbm>>) target(%arg9 : memref<64x128xf32, #tpu.memory_space<vmem>>) offsets(%dma_start3A_313 : memref<64xi32, #tpu.memory_space<vmem>>) semaphore(%arg14 : memref<!tpu.dma_semaphore, #tpu.memory_space<semaphore_mem>>)
      %dma_wait3A_317 = arith.constant 10 : i32
      %dma_wait3A_318 = arith.constant 0 : i32
      %dma_wait3A_319 = tpu.memref_slice %arg7[%dma_wait3A_317, %dma_wait3A_318] : memref<16x64xi32, #tpu.memory_space<vmem>> -> memref<1x64xi32, #tpu.memory_space<vmem>>
      %dma_wait3A_320 = tpu.memref_squeeze %dma_wait3A_319 : memref<1x64xi32, #tpu.memory_space<vmem>> -> memref<64xi32, #tpu.memory_space<vmem>>
      %dma_wait3A_321 = arith.constant 0 : i32
      %dma_wait3A_322 = arith.constant 0 : i32
      %dma_wait3A_323 = tpu.memref_slice %arg2[%dma_wait3A_321, %dma_wait3A_322] : memref<10240x128xf32, #tpu.memory_space<hbm>> -> memref<10240x128xf32, #tpu.memory_space<hbm>>
      tpu.wait_indirect_dma semaphore(%arg16 : memref<!tpu.dma_semaphore, #tpu.memory_space<semaphore_mem>>) src(%dma_wait3A_323 : memref<10240x128xf32, #tpu.memory_space<hbm>>) dst(%arg11 : memref<64x128xf32, #tpu.memory_space<vmem>>)
      %dma_wait3A_324 = arith.constant 9 : i32
      %dma_wait3A_325 = arith.constant 0 : i32
      %dma_wait3A_326 = tpu.memref_slice %arg8[%dma_wait3A_324, %dma_wait3A_325] : memref<16x64xi32, #tpu.memory_space<vmem>> -> memref<1x64xi32, #tpu.memory_space<vmem>>
      %dma_wait3A_327 = tpu.memref_squeeze %dma_wait3A_326 : memref<1x64xi32, #tpu.memory_space<vmem>> -> memref<64xi32, #tpu.memory_space<vmem>>
      %dma_wait3A_328 = arith.constant 0 : i32
      %dma_wait3A_329 = arith.constant 0 : i32
      %dma_wait3A_330 = tpu.memref_slice %arg13[%dma_wait3A_328, %dma_wait3A_329] : memref<10240x128xf32, #tpu.memory_space<vmem_shared>> -> memref<10240x128xf32, #tpu.memory_space<vmem_shared>>
      tpu.wait_indirect_dma semaphore(%arg18 : memref<!tpu.dma_semaphore, #tpu.memory_space<semaphore_mem>>) src(%arg10 : memref<64x128xf32, #tpu.memory_space<vmem>>) dst(%dma_wait3A_330 : memref<10240x128xf32, #tpu.memory_space<vmem_shared>>)
      %dma_start3A_331 = arith.constant 10 : i32
      %dma_start3A_332 = arith.constant 0 : i32
      %dma_start3A_333 = tpu.memref_slice %arg8[%dma_start3A_331, %dma_start3A_332] : memref<16x64xi32, #tpu.memory_space<vmem>> -> memref<1x64xi32, #tpu.memory_space<vmem>>
      %dma_start3A_334 = tpu.memref_squeeze %dma_start3A_333 : memref<1x64xi32, #tpu.memory_space<vmem>> -> memref<64xi32, #tpu.memory_space<vmem>>
      %dma_start3A_335 = arith.constant 0 : i32
      %dma_start3A_336 = arith.constant 0 : i32
      %dma_start3A_337 = tpu.memref_slice %arg13[%dma_start3A_335, %dma_start3A_336] : memref<10240x128xf32, #tpu.memory_space<vmem_shared>> -> memref<10240x128xf32, #tpu.memory_space<vmem_shared>>
      tpu.enqueue_indirect_dma source(%arg11 : memref<64x128xf32, #tpu.memory_space<vmem>>) target(%dma_start3A_337 : memref<10240x128xf32, #tpu.memory_space<vmem_shared>>) offsets(%dma_start3A_334 : memref<64xi32, #tpu.memory_space<vmem>>) semaphore(%arg18 : memref<!tpu.dma_semaphore, #tpu.memory_space<semaphore_mem>>) {add = true}
      %dma_start3A_338 = arith.constant 13 : i32
      %dma_start3A_339 = arith.constant 0 : i32
      %dma_start3A_340 = tpu.memref_slice %arg7[%dma_start3A_338, %dma_start3A_339] : memref<16x64xi32, #tpu.memory_space<vmem>> -> memref<1x64xi32, #tpu.memory_space<vmem>>
      %dma_start3A_341 = tpu.memref_squeeze %dma_start3A_340 : memref<1x64xi32, #tpu.memory_space<vmem>> -> memref<64xi32, #tpu.memory_space<vmem>>
      %dma_start3A_342 = arith.constant 0 : i32
      %dma_start3A_343 = arith.constant 0 : i32
      %dma_start3A_344 = tpu.memref_slice %arg2[%dma_start3A_342, %dma_start3A_343] : memref<10240x128xf32, #tpu.memory_space<hbm>> -> memref<10240x128xf32, #tpu.memory_space<hbm>>
      tpu.enqueue_indirect_dma source(%dma_start3A_344 : memref<10240x128xf32, #tpu.memory_space<hbm>>) target(%arg10 : memref<64x128xf32, #tpu.memory_space<vmem>>) offsets(%dma_start3A_341 : memref<64xi32, #tpu.memory_space<vmem>>) semaphore(%arg15 : memref<!tpu.dma_semaphore, #tpu.memory_space<semaphore_mem>>)
      %dma_wait3A_345 = arith.constant 11 : i32
      %dma_wait3A_346 = arith.constant 0 : i32
      %dma_wait3A_347 = tpu.memref_slice %arg7[%dma_wait3A_345, %dma_wait3A_346] : memref<16x64xi32, #tpu.memory_space<vmem>> -> memref<1x64xi32, #tpu.memory_space<vmem>>
      %dma_wait3A_348 = tpu.memref_squeeze %dma_wait3A_347 : memref<1x64xi32, #tpu.memory_space<vmem>> -> memref<64xi32, #tpu.memory_space<vmem>>
      %dma_wait3A_349 = arith.constant 0 : i32
      %dma_wait3A_350 = arith.constant 0 : i32
      %dma_wait3A_351 = tpu.memref_slice %arg2[%dma_wait3A_349, %dma_wait3A_350] : memref<10240x128xf32, #tpu.memory_space<hbm>> -> memref<10240x128xf32, #tpu.memory_space<hbm>>
      tpu.wait_indirect_dma semaphore(%arg17 : memref<!tpu.dma_semaphore, #tpu.memory_space<semaphore_mem>>) src(%dma_wait3A_351 : memref<10240x128xf32, #tpu.memory_space<hbm>>) dst(%arg12 : memref<64x128xf32, #tpu.memory_space<vmem>>)
      %dma_wait3A_352 = arith.constant 10 : i32
      %dma_wait3A_353 = arith.constant 0 : i32
      %dma_wait3A_354 = tpu.memref_slice %arg8[%dma_wait3A_352, %dma_wait3A_353] : memref<16x64xi32, #tpu.memory_space<vmem>> -> memref<1x64xi32, #tpu.memory_space<vmem>>
      %dma_wait3A_355 = tpu.memref_squeeze %dma_wait3A_354 : memref<1x64xi32, #tpu.memory_space<vmem>> -> memref<64xi32, #tpu.memory_space<vmem>>
      %dma_wait3A_356 = arith.constant 0 : i32
      %dma_wait3A_357 = arith.constant 0 : i32
      %dma_wait3A_358 = tpu.memref_slice %arg13[%dma_wait3A_356, %dma_wait3A_357] : memref<10240x128xf32, #tpu.memory_space<vmem_shared>> -> memref<10240x128xf32, #tpu.memory_space<vmem_shared>>
      tpu.wait_indirect_dma semaphore(%arg18 : memref<!tpu.dma_semaphore, #tpu.memory_space<semaphore_mem>>) src(%arg11 : memref<64x128xf32, #tpu.memory_space<vmem>>) dst(%dma_wait3A_358 : memref<10240x128xf32, #tpu.memory_space<vmem_shared>>)
      %dma_start3A_359 = arith.constant 11 : i32
      %dma_start3A_360 = arith.constant 0 : i32
      %dma_start3A_361 = tpu.memref_slice %arg8[%dma_start3A_359, %dma_start3A_360] : memref<16x64xi32, #tpu.memory_space<vmem>> -> memref<1x64xi32, #tpu.memory_space<vmem>>
      %dma_start3A_362 = tpu.memref_squeeze %dma_start3A_361 : memref<1x64xi32, #tpu.memory_space<vmem>> -> memref<64xi32, #tpu.memory_space<vmem>>
      %dma_start3A_363 = arith.constant 0 : i32
      %dma_start3A_364 = arith.constant 0 : i32
      %dma_start3A_365 = tpu.memref_slice %arg13[%dma_start3A_363, %dma_start3A_364] : memref<10240x128xf32, #tpu.memory_space<vmem_shared>> -> memref<10240x128xf32, #tpu.memory_space<vmem_shared>>
      tpu.enqueue_indirect_dma source(%arg12 : memref<64x128xf32, #tpu.memory_space<vmem>>) target(%dma_start3A_365 : memref<10240x128xf32, #tpu.memory_space<vmem_shared>>) offsets(%dma_start3A_362 : memref<64xi32, #tpu.memory_space<vmem>>) semaphore(%arg18 : memref<!tpu.dma_semaphore, #tpu.memory_space<semaphore_mem>>) {add = true}
      %dma_start3A_366 = arith.constant 14 : i32
      %dma_start3A_367 = arith.constant 0 : i32
      %dma_start3A_368 = tpu.memref_slice %arg7[%dma_start3A_366, %dma_start3A_367] : memref<16x64xi32, #tpu.memory_space<vmem>> -> memref<1x64xi32, #tpu.memory_space<vmem>>
      %dma_start3A_369 = tpu.memref_squeeze %dma_start3A_368 : memref<1x64xi32, #tpu.memory_space<vmem>> -> memref<64xi32, #tpu.memory_space<vmem>>
      %dma_start3A_370 = arith.constant 0 : i32
      %dma_start3A_371 = arith.constant 0 : i32
      %dma_start3A_372 = tpu.memref_slice %arg2[%dma_start3A_370, %dma_start3A_371] : memref<10240x128xf32, #tpu.memory_space<hbm>> -> memref<10240x128xf32, #tpu.memory_space<hbm>>
      tpu.enqueue_indirect_dma source(%dma_start3A_372 : memref<10240x128xf32, #tpu.memory_space<hbm>>) target(%arg11 : memref<64x128xf32, #tpu.memory_space<vmem>>) offsets(%dma_start3A_369 : memref<64xi32, #tpu.memory_space<vmem>>) semaphore(%arg16 : memref<!tpu.dma_semaphore, #tpu.memory_space<semaphore_mem>>)
      %dma_wait3A_373 = arith.constant 12 : i32
      %dma_wait3A_374 = arith.constant 0 : i32
      %dma_wait3A_375 = tpu.memref_slice %arg7[%dma_wait3A_373, %dma_wait3A_374] : memref<16x64xi32, #tpu.memory_space<vmem>> -> memref<1x64xi32, #tpu.memory_space<vmem>>
      %dma_wait3A_376 = tpu.memref_squeeze %dma_wait3A_375 : memref<1x64xi32, #tpu.memory_space<vmem>> -> memref<64xi32, #tpu.memory_space<vmem>>
      %dma_wait3A_377 = arith.constant 0 : i32
      %dma_wait3A_378 = arith.constant 0 : i32
      %dma_wait3A_379 = tpu.memref_slice %arg2[%dma_wait3A_377, %dma_wait3A_378] : memref<10240x128xf32, #tpu.memory_space<hbm>> -> memref<10240x128xf32, #tpu.memory_space<hbm>>
      tpu.wait_indirect_dma semaphore(%arg14 : memref<!tpu.dma_semaphore, #tpu.memory_space<semaphore_mem>>) src(%dma_wait3A_379 : memref<10240x128xf32, #tpu.memory_space<hbm>>) dst(%arg9 : memref<64x128xf32, #tpu.memory_space<vmem>>)
      %dma_wait3A_380 = arith.constant 11 : i32
      %dma_wait3A_381 = arith.constant 0 : i32
      %dma_wait3A_382 = tpu.memref_slice %arg8[%dma_wait3A_380, %dma_wait3A_381] : memref<16x64xi32, #tpu.memory_space<vmem>> -> memref<1x64xi32, #tpu.memory_space<vmem>>
      %dma_wait3A_383 = tpu.memref_squeeze %dma_wait3A_382 : memref<1x64xi32, #tpu.memory_space<vmem>> -> memref<64xi32, #tpu.memory_space<vmem>>
      %dma_wait3A_384 = arith.constant 0 : i32
      %dma_wait3A_385 = arith.constant 0 : i32
      %dma_wait3A_386 = tpu.memref_slice %arg13[%dma_wait3A_384, %dma_wait3A_385] : memref<10240x128xf32, #tpu.memory_space<vmem_shared>> -> memref<10240x128xf32, #tpu.memory_space<vmem_shared>>
      tpu.wait_indirect_dma semaphore(%arg18 : memref<!tpu.dma_semaphore, #tpu.memory_space<semaphore_mem>>) src(%arg12 : memref<64x128xf32, #tpu.memory_space<vmem>>) dst(%dma_wait3A_386 : memref<10240x128xf32, #tpu.memory_space<vmem_shared>>)
      %dma_start3A_387 = arith.constant 12 : i32
      %dma_start3A_388 = arith.constant 0 : i32
      %dma_start3A_389 = tpu.memref_slice %arg8[%dma_start3A_387, %dma_start3A_388] : memref<16x64xi32, #tpu.memory_space<vmem>> -> memref<1x64xi32, #tpu.memory_space<vmem>>
      %dma_start3A_390 = tpu.memref_squeeze %dma_start3A_389 : memref<1x64xi32, #tpu.memory_space<vmem>> -> memref<64xi32, #tpu.memory_space<vmem>>
      %dma_start3A_391 = arith.constant 0 : i32
      %dma_start3A_392 = arith.constant 0 : i32
      %dma_start3A_393 = tpu.memref_slice %arg13[%dma_start3A_391, %dma_start3A_392] : memref<10240x128xf32, #tpu.memory_space<vmem_shared>> -> memref<10240x128xf32, #tpu.memory_space<vmem_shared>>
      tpu.enqueue_indirect_dma source(%arg9 : memref<64x128xf32, #tpu.memory_space<vmem>>) target(%dma_start3A_393 : memref<10240x128xf32, #tpu.memory_space<vmem_shared>>) offsets(%dma_start3A_390 : memref<64xi32, #tpu.memory_space<vmem>>) semaphore(%arg18 : memref<!tpu.dma_semaphore, #tpu.memory_space<semaphore_mem>>) {add = true}
      %dma_start3A_394 = arith.constant 15 : i32
      %dma_start3A_395 = arith.constant 0 : i32
      %dma_start3A_396 = tpu.memref_slice %arg7[%dma_start3A_394, %dma_start3A_395] : memref<16x64xi32, #tpu.memory_space<vmem>> -> memref<1x64xi32, #tpu.memory_space<vmem>>
      %dma_start3A_397 = tpu.memref_squeeze %dma_start3A_396 : memref<1x64xi32, #tpu.memory_space<vmem>> -> memref<64xi32, #tpu.memory_space<vmem>>
      %dma_start3A_398 = arith.constant 0 : i32
      %dma_start3A_399 = arith.constant 0 : i32
      %dma_start3A_400 = tpu.memref_slice %arg2[%dma_start3A_398, %dma_start3A_399] : memref<10240x128xf32, #tpu.memory_space<hbm>> -> memref<10240x128xf32, #tpu.memory_space<hbm>>
      tpu.enqueue_indirect_dma source(%dma_start3A_400 : memref<10240x128xf32, #tpu.memory_space<hbm>>) target(%arg12 : memref<64x128xf32, #tpu.memory_space<vmem>>) offsets(%dma_start3A_397 : memref<64xi32, #tpu.memory_space<vmem>>) semaphore(%arg17 : memref<!tpu.dma_semaphore, #tpu.memory_space<semaphore_mem>>)
      %dma_wait3A_401 = arith.constant 13 : i32
      %dma_wait3A_402 = arith.constant 0 : i32
      %dma_wait3A_403 = tpu.memref_slice %arg7[%dma_wait3A_401, %dma_wait3A_402] : memref<16x64xi32, #tpu.memory_space<vmem>> -> memref<1x64xi32, #tpu.memory_space<vmem>>
      %dma_wait3A_404 = tpu.memref_squeeze %dma_wait3A_403 : memref<1x64xi32, #tpu.memory_space<vmem>> -> memref<64xi32, #tpu.memory_space<vmem>>
      %dma_wait3A_405 = arith.constant 0 : i32
      %dma_wait3A_406 = arith.constant 0 : i32
      %dma_wait3A_407 = tpu.memref_slice %arg2[%dma_wait3A_405, %dma_wait3A_406] : memref<10240x128xf32, #tpu.memory_space<hbm>> -> memref<10240x128xf32, #tpu.memory_space<hbm>>
      tpu.wait_indirect_dma semaphore(%arg15 : memref<!tpu.dma_semaphore, #tpu.memory_space<semaphore_mem>>) src(%dma_wait3A_407 : memref<10240x128xf32, #tpu.memory_space<hbm>>) dst(%arg10 : memref<64x128xf32, #tpu.memory_space<vmem>>)
      %dma_wait3A_408 = arith.constant 12 : i32
      %dma_wait3A_409 = arith.constant 0 : i32
      %dma_wait3A_410 = tpu.memref_slice %arg8[%dma_wait3A_408, %dma_wait3A_409] : memref<16x64xi32, #tpu.memory_space<vmem>> -> memref<1x64xi32, #tpu.memory_space<vmem>>
      %dma_wait3A_411 = tpu.memref_squeeze %dma_wait3A_410 : memref<1x64xi32, #tpu.memory_space<vmem>> -> memref<64xi32, #tpu.memory_space<vmem>>
      %dma_wait3A_412 = arith.constant 0 : i32
      %dma_wait3A_413 = arith.constant 0 : i32
      %dma_wait3A_414 = tpu.memref_slice %arg13[%dma_wait3A_412, %dma_wait3A_413] : memref<10240x128xf32, #tpu.memory_space<vmem_shared>> -> memref<10240x128xf32, #tpu.memory_space<vmem_shared>>
      tpu.wait_indirect_dma semaphore(%arg18 : memref<!tpu.dma_semaphore, #tpu.memory_space<semaphore_mem>>) src(%arg9 : memref<64x128xf32, #tpu.memory_space<vmem>>) dst(%dma_wait3A_414 : memref<10240x128xf32, #tpu.memory_space<vmem_shared>>)
      %dma_start3A_415 = arith.constant 13 : i32
      %dma_start3A_416 = arith.constant 0 : i32
      %dma_start3A_417 = tpu.memref_slice %arg8[%dma_start3A_415, %dma_start3A_416] : memref<16x64xi32, #tpu.memory_space<vmem>> -> memref<1x64xi32, #tpu.memory_space<vmem>>
      %dma_start3A_418 = tpu.memref_squeeze %dma_start3A_417 : memref<1x64xi32, #tpu.memory_space<vmem>> -> memref<64xi32, #tpu.memory_space<vmem>>
      %dma_start3A_419 = arith.constant 0 : i32
      %dma_start3A_420 = arith.constant 0 : i32
      %dma_start3A_421 = tpu.memref_slice %arg13[%dma_start3A_419, %dma_start3A_420] : memref<10240x128xf32, #tpu.memory_space<vmem_shared>> -> memref<10240x128xf32, #tpu.memory_space<vmem_shared>>
      tpu.enqueue_indirect_dma source(%arg10 : memref<64x128xf32, #tpu.memory_space<vmem>>) target(%dma_start3A_421 : memref<10240x128xf32, #tpu.memory_space<vmem_shared>>) offsets(%dma_start3A_418 : memref<64xi32, #tpu.memory_space<vmem>>) semaphore(%arg18 : memref<!tpu.dma_semaphore, #tpu.memory_space<semaphore_mem>>) {add = true}
      %dma_wait3A_422 = arith.constant 14 : i32
      %dma_wait3A_423 = arith.constant 0 : i32
      %dma_wait3A_424 = tpu.memref_slice %arg7[%dma_wait3A_422, %dma_wait3A_423] : memref<16x64xi32, #tpu.memory_space<vmem>> -> memref<1x64xi32, #tpu.memory_space<vmem>>
      %dma_wait3A_425 = tpu.memref_squeeze %dma_wait3A_424 : memref<1x64xi32, #tpu.memory_space<vmem>> -> memref<64xi32, #tpu.memory_space<vmem>>
      %dma_wait3A_426 = arith.constant 0 : i32
      %dma_wait3A_427 = arith.constant 0 : i32
      %dma_wait3A_428 = tpu.memref_slice %arg2[%dma_wait3A_426, %dma_wait3A_427] : memref<10240x128xf32, #tpu.memory_space<hbm>> -> memref<10240x128xf32, #tpu.memory_space<hbm>>
      tpu.wait_indirect_dma semaphore(%arg16 : memref<!tpu.dma_semaphore, #tpu.memory_space<semaphore_mem>>) src(%dma_wait3A_428 : memref<10240x128xf32, #tpu.memory_space<hbm>>) dst(%arg11 : memref<64x128xf32, #tpu.memory_space<vmem>>)
      %dma_wait3A_429 = arith.constant 13 : i32
      %dma_wait3A_430 = arith.constant 0 : i32
      %dma_wait3A_431 = tpu.memref_slice %arg8[%dma_wait3A_429, %dma_wait3A_430] : memref<16x64xi32, #tpu.memory_space<vmem>> -> memref<1x64xi32, #tpu.memory_space<vmem>>
      %dma_wait3A_432 = tpu.memref_squeeze %dma_wait3A_431 : memref<1x64xi32, #tpu.memory_space<vmem>> -> memref<64xi32, #tpu.memory_space<vmem>>
      %dma_wait3A_433 = arith.constant 0 : i32
      %dma_wait3A_434 = arith.constant 0 : i32
      %dma_wait3A_435 = tpu.memref_slice %arg13[%dma_wait3A_433, %dma_wait3A_434] : memref<10240x128xf32, #tpu.memory_space<vmem_shared>> -> memref<10240x128xf32, #tpu.memory_space<vmem_shared>>
      tpu.wait_indirect_dma semaphore(%arg18 : memref<!tpu.dma_semaphore, #tpu.memory_space<semaphore_mem>>) src(%arg10 : memref<64x128xf32, #tpu.memory_space<vmem>>) dst(%dma_wait3A_435 : memref<10240x128xf32, #tpu.memory_space<vmem_shared>>)
      %dma_start3A_436 = arith.constant 14 : i32
      %dma_start3A_437 = arith.constant 0 : i32
      %dma_start3A_438 = tpu.memref_slice %arg8[%dma_start3A_436, %dma_start3A_437] : memref<16x64xi32, #tpu.memory_space<vmem>> -> memref<1x64xi32, #tpu.memory_space<vmem>>
      %dma_start3A_439 = tpu.memref_squeeze %dma_start3A_438 : memref<1x64xi32, #tpu.memory_space<vmem>> -> memref<64xi32, #tpu.memory_space<vmem>>
      %dma_start3A_440 = arith.constant 0 : i32
      %dma_start3A_441 = arith.constant 0 : i32
      %dma_start3A_442 = tpu.memref_slice %arg13[%dma_start3A_440, %dma_start3A_441] : memref<10240x128xf32, #tpu.memory_space<vmem_shared>> -> memref<10240x128xf32, #tpu.memory_space<vmem_shared>>
      tpu.enqueue_indirect_dma source(%arg11 : memref<64x128xf32, #tpu.memory_space<vmem>>) target(%dma_start3A_442 : memref<10240x128xf32, #tpu.memory_space<vmem_shared>>) offsets(%dma_start3A_439 : memref<64xi32, #tpu.memory_space<vmem>>) semaphore(%arg18 : memref<!tpu.dma_semaphore, #tpu.memory_space<semaphore_mem>>) {add = true}
      %dma_wait3A_443 = arith.constant 15 : i32
      %dma_wait3A_444 = arith.constant 0 : i32
      %dma_wait3A_445 = tpu.memref_slice %arg7[%dma_wait3A_443, %dma_wait3A_444] : memref<16x64xi32, #tpu.memory_space<vmem>> -> memref<1x64xi32, #tpu.memory_space<vmem>>
      %dma_wait3A_446 = tpu.memref_squeeze %dma_wait3A_445 : memref<1x64xi32, #tpu.memory_space<vmem>> -> memref<64xi32, #tpu.memory_space<vmem>>
      %dma_wait3A_447 = arith.constant 0 : i32
      %dma_wait3A_448 = arith.constant 0 : i32
      %dma_wait3A_449 = tpu.memref_slice %arg2[%dma_wait3A_447, %dma_wait3A_448] : memref<10240x128xf32, #tpu.memory_space<hbm>> -> memref<10240x128xf32, #tpu.memory_space<hbm>>
      tpu.wait_indirect_dma semaphore(%arg17 : memref<!tpu.dma_semaphore, #tpu.memory_space<semaphore_mem>>) src(%dma_wait3A_449 : memref<10240x128xf32, #tpu.memory_space<hbm>>) dst(%arg12 : memref<64x128xf32, #tpu.memory_space<vmem>>)
      %dma_wait3A_450 = arith.constant 14 : i32
      %dma_wait3A_451 = arith.constant 0 : i32
      %dma_wait3A_452 = tpu.memref_slice %arg8[%dma_wait3A_450, %dma_wait3A_451] : memref<16x64xi32, #tpu.memory_space<vmem>> -> memref<1x64xi32, #tpu.memory_space<vmem>>
      %dma_wait3A_453 = tpu.memref_squeeze %dma_wait3A_452 : memref<1x64xi32, #tpu.memory_space<vmem>> -> memref<64xi32, #tpu.memory_space<vmem>>
      %dma_wait3A_454 = arith.constant 0 : i32
      %dma_wait3A_455 = arith.constant 0 : i32
      %dma_wait3A_456 = tpu.memref_slice %arg13[%dma_wait3A_454, %dma_wait3A_455] : memref<10240x128xf32, #tpu.memory_space<vmem_shared>> -> memref<10240x128xf32, #tpu.memory_space<vmem_shared>>
      tpu.wait_indirect_dma semaphore(%arg18 : memref<!tpu.dma_semaphore, #tpu.memory_space<semaphore_mem>>) src(%arg11 : memref<64x128xf32, #tpu.memory_space<vmem>>) dst(%dma_wait3A_456 : memref<10240x128xf32, #tpu.memory_space<vmem_shared>>)
      %dma_start3A_457 = arith.constant 15 : i32
      %dma_start3A_458 = arith.constant 0 : i32
      %dma_start3A_459 = tpu.memref_slice %arg8[%dma_start3A_457, %dma_start3A_458] : memref<16x64xi32, #tpu.memory_space<vmem>> -> memref<1x64xi32, #tpu.memory_space<vmem>>
      %dma_start3A_460 = tpu.memref_squeeze %dma_start3A_459 : memref<1x64xi32, #tpu.memory_space<vmem>> -> memref<64xi32, #tpu.memory_space<vmem>>
      %dma_start3A_461 = arith.constant 0 : i32
      %dma_start3A_462 = arith.constant 0 : i32
      %dma_start3A_463 = tpu.memref_slice %arg13[%dma_start3A_461, %dma_start3A_462] : memref<10240x128xf32, #tpu.memory_space<vmem_shared>> -> memref<10240x128xf32, #tpu.memory_space<vmem_shared>>
      tpu.enqueue_indirect_dma source(%arg12 : memref<64x128xf32, #tpu.memory_space<vmem>>) target(%dma_start3A_463 : memref<10240x128xf32, #tpu.memory_space<vmem_shared>>) offsets(%dma_start3A_460 : memref<64xi32, #tpu.memory_space<vmem>>) semaphore(%arg18 : memref<!tpu.dma_semaphore, #tpu.memory_space<semaphore_mem>>) {add = true}
      %dma_wait3A_464 = arith.constant 15 : i32
      %dma_wait3A_465 = arith.constant 0 : i32
      %dma_wait3A_466 = tpu.memref_slice %arg8[%dma_wait3A_464, %dma_wait3A_465] : memref<16x64xi32, #tpu.memory_space<vmem>> -> memref<1x64xi32, #tpu.memory_space<vmem>>
      %dma_wait3A_467 = tpu.memref_squeeze %dma_wait3A_466 : memref<1x64xi32, #tpu.memory_space<vmem>> -> memref<64xi32, #tpu.memory_space<vmem>>
      %dma_wait3A_468 = arith.constant 0 : i32
      %dma_wait3A_469 = arith.constant 0 : i32
      %dma_wait3A_470 = tpu.memref_slice %arg13[%dma_wait3A_468, %dma_wait3A_469] : memref<10240x128xf32, #tpu.memory_space<vmem_shared>> -> memref<10240x128xf32, #tpu.memory_space<vmem_shared>>
      tpu.wait_indirect_dma semaphore(%arg18 : memref<!tpu.dma_semaphore, #tpu.memory_space<semaphore_mem>>) src(%arg12 : memref<64x128xf32, #tpu.memory_space<vmem>>) dst(%dma_wait3A_470 : memref<10240x128xf32, #tpu.memory_space<vmem_shared>>)
    }
    %scan3A_11 = arith.constant 10 : i32
    %barrier3A_12 = arith.constant 0 : index
    tpu.barrier barrier_id(%barrier3A_12)
    %scan3A_13 = arith.constant 0 : i32
    %scan3A_14 = arith.constant 0 : i32
    %scan3A_15 = arith.constant 10 : i32
    %scan3A_16 = arith.addi %scan3A_14, %scan3A_15 : i32
    %scan3A_17 = arith.constant 1 : i32
    scf.for %scan3A_19 = %scan3A_14 to %scan3A_16 step %scan3A_17  : i32 {
      %mul3A_20 = arith.constant 640 : i32
      %mul3A_21 = arith.muli %arg1, %mul3A_20 : i32
      %mul3A_22 = arith.constant 64 : i32
      %mul3A_23 = arith.muli %scan3A_19, %mul3A_22 : i32
      %add3A_24 = arith.addi %mul3A_21, %mul3A_23 : i32
      "tpu.region"() ({
        %run_scoped3A = tpu.sem_alloc : memref<!tpu.dma_semaphore, #tpu.memory_space<semaphore_mem>>
        %dma_start3A = arith.constant 0 : i32
        %dma_start3A_25 = tpu.memref_slice %arg13[%add3A_24, %dma_start3A] : memref<10240x128xf32, #tpu.memory_space<vmem_shared>> -> memref<64x128xf32, #tpu.memory_space<vmem_shared>>
        %dma_start3A_26 = arith.constant 0 : i32
        %dma_start3A_27 = tpu.memref_slice %arg13[%add3A_24, %dma_start3A_26] : memref<10240x128xf32, #tpu.memory_space<vmem_shared>> -> memref<64x128xf32, #tpu.memory_space<vmem_shared>>
        tpu.enqueue_dma source(%dma_start3A_27 : memref<64x128xf32, #tpu.memory_space<vmem_shared>>) target(%arg9 : memref<64x128xf32, #tpu.memory_space<vmem>>) target_semaphore(%run_scoped3A : memref<!tpu.dma_semaphore, #tpu.memory_space<semaphore_mem>>)
        %dma_wait3A = arith.constant 0 : i32
        %dma_wait3A_28 = tpu.memref_slice %arg13[%add3A_24, %dma_wait3A] : memref<10240x128xf32, #tpu.memory_space<vmem_shared>> -> memref<64x128xf32, #tpu.memory_space<vmem_shared>>
        %dma_wait3A_29 = arith.constant 0 : i32
        %dma_wait3A_30 = tpu.memref_slice %arg13[%add3A_24, %dma_wait3A_29] : memref<10240x128xf32, #tpu.memory_space<vmem_shared>> -> memref<64x128xf32, #tpu.memory_space<vmem_shared>>
        tpu.wait_dma2 semaphore(%run_scoped3A : memref<!tpu.dma_semaphore, #tpu.memory_space<semaphore_mem>>) src(%dma_wait3A_30 : memref<64x128xf32, #tpu.memory_space<vmem_shared>>) dst(%arg9 : memref<64x128xf32, #tpu.memory_space<vmem>>)
        tpu.yield
      }) : () -> ()
      "tpu.region"() ({
        %run_scoped3A = tpu.sem_alloc : memref<!tpu.dma_semaphore, #tpu.memory_space<semaphore_mem>>
        %dma_start3A = arith.constant 0 : i32
        %dma_start3A_25 = tpu.memref_slice %arg6[%arg0, %add3A_24, %dma_start3A] : memref<2x10240x128xf32, #tpu.memory_space<hbm>> -> memref<1x64x128xf32, #tpu.memory_space<hbm>>
        %dma_start3A_26 = tpu.memref_squeeze %dma_start3A_25 : memref<1x64x128xf32, #tpu.memory_space<hbm>> -> memref<64x128xf32, #tpu.memory_space<hbm>>
        %dma_start3A_27 = arith.constant 0 : i32
        %dma_start3A_28 = tpu.memref_slice %arg6[%arg0, %add3A_24, %dma_start3A_27] : memref<2x10240x128xf32, #tpu.memory_space<hbm>> -> memref<1x64x128xf32, #tpu.memory_space<hbm>>
        %dma_start3A_29 = tpu.memref_squeeze %dma_start3A_28 : memref<1x64x128xf32, #tpu.memory_space<hbm>> -> memref<64x128xf32, #tpu.memory_space<hbm>>
        tpu.enqueue_dma source(%arg9 : memref<64x128xf32, #tpu.memory_space<vmem>>) target(%dma_start3A_29 : memref<64x128xf32, #tpu.memory_space<hbm>>) target_semaphore(%run_scoped3A : memref<!tpu.dma_semaphore, #tpu.memory_space<semaphore_mem>>)
        %dma_wait3A = arith.constant 0 : i32
        %dma_wait3A_30 = tpu.memref_slice %arg6[%arg0, %add3A_24, %dma_wait3A] : memref<2x10240x128xf32, #tpu.memory_space<hbm>> -> memref<1x64x128xf32, #tpu.memory_space<hbm>>
        %dma_wait3A_31 = tpu.memref_squeeze %dma_wait3A_30 : memref<1x64x128xf32, #tpu.memory_space<hbm>> -> memref<64x128xf32, #tpu.memory_space<hbm>>
        %dma_wait3A_32 = arith.constant 0 : i32
        %dma_wait3A_33 = tpu.memref_slice %arg6[%arg0, %add3A_24, %dma_wait3A_32] : memref<2x10240x128xf32, #tpu.memory_space<hbm>> -> memref<1x64x128xf32, #tpu.memory_space<hbm>>
        %dma_wait3A_34 = tpu.memref_squeeze %dma_wait3A_33 : memref<1x64x128xf32, #tpu.memory_space<hbm>> -> memref<64x128xf32, #tpu.memory_space<hbm>>
        tpu.wait_dma2 semaphore(%run_scoped3A : memref<!tpu.dma_semaphore, #tpu.memory_space<semaphore_mem>>) src(%arg9 : memref<64x128xf32, #tpu.memory_space<vmem>>) dst(%dma_wait3A_34 : memref<64x128xf32, #tpu.memory_space<hbm>>)
        tpu.yield
      }) : () -> ()
    }
    %scan3A_18 = arith.constant 10 : i32
    return
  }
}

module attributes {stable_mosaic.version = 14 : i64} {
  func.func @body(%arg0: i32, %arg1: memref<1024x128xf32, #tpu.memory_space<vmem>>, %arg2: memref<128x128xf32, #tpu.memory_space<vmem>>, %arg3: memref<1024x128xf32, #tpu.memory_space<vmem>>) attributes {dimension_semantics = [#tpu.dimension_semantics<arbitrary>], iteration_bounds = array<i64: 10>, scalar_prefetch = 0 : i64, scratch_operands = 0 : i64, tpu.core_type = #tpu.core_type<tc>, window_params = [{transform_indices = @transform_0, window_bounds = array<i64: 1024, 128>}, {pipeline_mode = #tpu.pipeline_mode<synchronous>, transform_indices = @transform_1, window_bounds = array<i64: 128, 128>}, {transform_indices = @transform_2, window_bounds = array<i64: 1024, 128>}]} {
    %get3A = arith.constant 0 : index
    %get3A_0 = arith.constant 0 : index
    %get3A_1 = vector.load %arg1[%get3A, %get3A_0] : memref<1024x128xf32, #tpu.memory_space<vmem>>, vector<1024x128xf32>
    %get3A_2 = arith.constant 0 : index
    %get3A_3 = arith.constant 0 : index
    %get3A_4 = vector.load %arg2[%get3A_2, %get3A_3] : memref<128x128xf32, #tpu.memory_space<vmem>>, vector<128x128xf32>
    %dot_general3A = arith.constant dense<0.000000e+00> : vector<1024x128xf32>
    %dot_general3A_5 = tpu.matmul %get3A_1, %get3A_4, %dot_general3A {dimension_numbers = #tpu.dot_dimension_numbers<[1], [0], [0], [1], [0, 0, 1, 1], [], []>, transpose_lhs_hint = false} : vector<1024x128xf32>, vector<128x128xf32>, vector<1024x128xf32> -> vector<1024x128xf32>
    %swap3A = arith.constant 0 : index
    %swap3A_6 = arith.constant 0 : index
    %swap3A_7 = vector.load %arg3[%swap3A, %swap3A_6] : memref<1024x128xf32, #tpu.memory_space<vmem>>, vector<1024x128xf32>
    tpu.vector_store %arg3[%swap3A, %swap3A_6], %dot_general3A_5 {strides = array<i32>} : memref<1024x128xf32, #tpu.memory_space<vmem>>, vector<1024x128xf32>,
    return
  }
  func.func @transform_0(%arg0: i32) -> (i32, i32) {
    %c0_i32 = arith.constant 0 : i32
    %c0_i32_0 = arith.constant 0 : i32
    return %arg0, %c0_i32 : i32, i32
  }
  func.func @transform_1(%arg0: i32) -> (i32, i32) {
    %c0_i32 = arith.constant 0 : i32
    %c0_i32_0 = arith.constant 0 : i32
    %c0_i32_1 = arith.constant 0 : i32
    return %c0_i32, %c0_i32_0 : i32, i32
  }
  func.func @transform_2(%arg0: i32) -> (i32, i32) {
    %c0_i32 = arith.constant 0 : i32
    %c0_i32_0 = arith.constant 0 : i32
    return %arg0, %c0_i32 : i32, i32
  }
}

module attributes {stable_mosaic.version = 14 : i64} {
  func.func @body(%arg0: i32, %arg1: memref<2x1024x128xf32, #tpu.memory_space<vmem>>, %arg2: memref<2x1024x128xf32, #tpu.memory_space<vmem>>, %arg3: memref<1x128xf32, #tpu.memory_space<vmem>>, %arg4: memref<128x128xf32, #tpu.memory_space<vmem>>, %arg5: memref<1024x128xf32, #tpu.memory_space<vmem>>) attributes {dimension_semantics = [#tpu.dimension_semantics<arbitrary>], iteration_bounds = array<i64: 10>, scalar_prefetch = 0 : i64, scratch_operands = 0 : i64, tpu.core_type = #tpu.core_type<tc>, window_params = [{transform_indices = @transform_0, window_bounds = array<i64: 2, 1024, 128>}, {transform_indices = @transform_1, window_bounds = array<i64: 2, 1024, 128>}, {pipeline_mode = #tpu.pipeline_mode<synchronous>, transform_indices = @transform_2, window_bounds = array<i64: 1, 128>}, {pipeline_mode = #tpu.pipeline_mode<synchronous>, transform_indices = @transform_3, window_bounds = array<i64: 128, 128>}, {transform_indices = @transform_4, window_bounds = array<i64: 1024, 128>}]} {
    %get3A = arith.constant 0 : index
    %get3A_0 = arith.constant 0 : index
    %get3A_1 = arith.constant 0 : index
    %get3A_2 = vector.load %arg1[%get3A, %get3A_0, %get3A_1] : memref<2x1024x128xf32, #tpu.memory_space<vmem>>, vector<1x1024x128xf32>
    %get3A_3 = vector.shape_cast %get3A_2 : vector<1x1024x128xf32> to vector<1024x128xf32>
    %get3A_4 = arith.constant 1 : index
    %get3A_5 = arith.constant 0 : index
    %get3A_6 = arith.constant 0 : index
    %get3A_7 = vector.load %arg1[%get3A_4, %get3A_5, %get3A_6] : memref<2x1024x128xf32, #tpu.memory_space<vmem>>, vector<1x1024x128xf32>
    %get3A_8 = vector.shape_cast %get3A_7 : vector<1x1024x128xf32> to vector<1024x128xf32>
    %add3A = arith.addf %get3A_3, %get3A_8 : vector<1024x128xf32>
    %get3A_9 = arith.constant 0 : index
    %get3A_10 = arith.constant 0 : index
    %get3A_11 = arith.constant 0 : index
    %get3A_12 = vector.load %arg2[%get3A_9, %get3A_10, %get3A_11] : memref<2x1024x128xf32, #tpu.memory_space<vmem>>, vector<1x1024x1xf32>
    %get3A_13 = vector.shape_cast %get3A_12 : vector<1x1024x1xf32> to vector<1024x1xf32>
    %get3A_14 = arith.constant 1 : index
    %get3A_15 = arith.constant 0 : index
    %get3A_16 = arith.constant 0 : index
    %get3A_17 = vector.load %arg2[%get3A_14, %get3A_15, %get3A_16] : memref<2x1024x128xf32, #tpu.memory_space<vmem>>, vector<1x1024x1xf32>
    %get3A_18 = vector.shape_cast %get3A_17 : vector<1x1024x1xf32> to vector<1024x1xf32>
    %add3A_19 = arith.addf %get3A_13, %get3A_18 : vector<1024x1xf32>
    %max3A = arith.constant 1.000000e+00 : f32
    %max3A_20 = vector.broadcast %max3A : f32 to vector<1024x1xf32>
    %max3A_21 = arith.maximumf %add3A_19, %max3A_20 : vector<1024x1xf32>
    %div3A = vector.broadcast %max3A_21 : vector<1024x1xf32> to vector<1024x128xf32>
    %div3A_22 = arith.divf %add3A, %div3A : vector<1024x128xf32>
    %get3A_23 = arith.constant 0 : index
    %get3A_24 = arith.constant 0 : index
    %get3A_25 = vector.load %arg3[%get3A_23, %get3A_24] : memref<1x128xf32, #tpu.memory_space<vmem>>, vector<1x128xf32>
    %add3A_26 = vector.broadcast %get3A_25 : vector<1x128xf32> to vector<1024x128xf32>
    %add3A_27 = arith.addf %div3A_22, %add3A_26 : vector<1024x128xf32>
    %max3A_28 = arith.constant 0.000000e+00 : f32
    %max3A_29 = vector.broadcast %max3A_28 : f32 to vector<1024x128xf32>
    %max3A_30 = arith.maximumf %add3A_27, %max3A_29 : vector<1024x128xf32>
    %get3A_31 = arith.constant 0 : index
    %get3A_32 = arith.constant 0 : index
    %get3A_33 = vector.load %arg4[%get3A_31, %get3A_32] : memref<128x128xf32, #tpu.memory_space<vmem>>, vector<128x128xf32>
    %dot_general3A = arith.constant dense<0.000000e+00> : vector<1024x128xf32>
    %dot_general3A_34 = tpu.matmul %max3A_30, %get3A_33, %dot_general3A {dimension_numbers = #tpu.dot_dimension_numbers<[1], [0], [0], [1], [0, 0, 1, 1], [], []>, transpose_lhs_hint = false} : vector<1024x128xf32>, vector<128x128xf32>, vector<1024x128xf32> -> vector<1024x128xf32>
    %swap3A = arith.constant 0 : index
    %swap3A_35 = arith.constant 0 : index
    %swap3A_36 = vector.load %arg5[%swap3A, %swap3A_35] : memref<1024x128xf32, #tpu.memory_space<vmem>>, vector<1024x128xf32>
    tpu.vector_store %arg5[%swap3A, %swap3A_35], %dot_general3A_34 {strides = array<i32>} : memref<1024x128xf32, #tpu.memory_space<vmem>>, vector<1024x128xf32>,
    return
  }
  func.func @transform_0(%arg0: i32) -> (i32, i32, i32) {
    %c0_i32 = arith.constant 0 : i32
    %c0_i32_0 = arith.constant 0 : i32
    %c0_i32_1 = arith.constant 0 : i32
    return %c0_i32, %arg0, %c0_i32_0 : i32, i32, i32
  }
  func.func @transform_1(%arg0: i32) -> (i32, i32, i32) {
    %c0_i32 = arith.constant 0 : i32
    %c0_i32_0 = arith.constant 0 : i32
    %c0_i32_1 = arith.constant 0 : i32
    return %c0_i32, %arg0, %c0_i32_0 : i32, i32, i32
  }
  func.func @transform_2(%arg0: i32) -> (i32, i32) {
    %c0_i32 = arith.constant 0 : i32
    %c0_i32_0 = arith.constant 0 : i32
    %c0_i32_1 = arith.constant 0 : i32
    return %c0_i32, %c0_i32_0 : i32, i32
  }
  func.func @transform_3(%arg0: i32) -> (i32, i32) {
    %c0_i32 = arith.constant 0 : i32
    %c0_i32_0 = arith.constant 0 : i32
    %c0_i32_1 = arith.constant 0 : i32
    return %c0_i32, %c0_i32_0 : i32, i32
  }
  func.func @transform_4(%arg0: i32) -> (i32, i32) {
    %c0_i32 = arith.constant 0 : i32
    %c0_i32_0 = arith.constant 0 : i32
    return %arg0, %c0_i32 : i32, i32
  }
}

module attributes {stable_mosaic.version = 14 : i64} {
  func.func @body(%arg0: i32, %arg1: memref<2x1024x128xf32, #tpu.memory_space<vmem>>, %arg2: memref<2x1024x128xf32, #tpu.memory_space<vmem>>, %arg3: memref<1x128xf32, #tpu.memory_space<vmem>>, %arg4: memref<1024x128xf32, #tpu.memory_space<vmem>>) attributes {dimension_semantics = [#tpu.dimension_semantics<arbitrary>], iteration_bounds = array<i64: 10>, scalar_prefetch = 0 : i64, scratch_operands = 0 : i64, tpu.core_type = #tpu.core_type<tc>, window_params = [{transform_indices = @transform_0, window_bounds = array<i64: 2, 1024, 128>}, {transform_indices = @transform_1, window_bounds = array<i64: 2, 1024, 128>}, {pipeline_mode = #tpu.pipeline_mode<synchronous>, transform_indices = @transform_2, window_bounds = array<i64: 1, 128>}, {transform_indices = @transform_3, window_bounds = array<i64: 1024, 128>}]} {
    %get3A = arith.constant 0 : index
    %get3A_0 = arith.constant 0 : index
    %get3A_1 = arith.constant 0 : index
    %get3A_2 = vector.load %arg1[%get3A, %get3A_0, %get3A_1] : memref<2x1024x128xf32, #tpu.memory_space<vmem>>, vector<1x1024x128xf32>
    %get3A_3 = vector.shape_cast %get3A_2 : vector<1x1024x128xf32> to vector<1024x128xf32>
    %get3A_4 = arith.constant 1 : index
    %get3A_5 = arith.constant 0 : index
    %get3A_6 = arith.constant 0 : index
    %get3A_7 = vector.load %arg1[%get3A_4, %get3A_5, %get3A_6] : memref<2x1024x128xf32, #tpu.memory_space<vmem>>, vector<1x1024x128xf32>
    %get3A_8 = vector.shape_cast %get3A_7 : vector<1x1024x128xf32> to vector<1024x128xf32>
    %add3A = arith.addf %get3A_3, %get3A_8 : vector<1024x128xf32>
    %get3A_9 = arith.constant 0 : index
    %get3A_10 = arith.constant 0 : index
    %get3A_11 = arith.constant 0 : index
    %get3A_12 = vector.load %arg2[%get3A_9, %get3A_10, %get3A_11] : memref<2x1024x128xf32, #tpu.memory_space<vmem>>, vector<1x1024x1xf32>
    %get3A_13 = vector.shape_cast %get3A_12 : vector<1x1024x1xf32> to vector<1024x1xf32>
    %get3A_14 = arith.constant 1 : index
    %get3A_15 = arith.constant 0 : index
    %get3A_16 = arith.constant 0 : index
    %get3A_17 = vector.load %arg2[%get3A_14, %get3A_15, %get3A_16] : memref<2x1024x128xf32, #tpu.memory_space<vmem>>, vector<1x1024x1xf32>
    %get3A_18 = vector.shape_cast %get3A_17 : vector<1x1024x1xf32> to vector<1024x1xf32>
    %add3A_19 = arith.addf %get3A_13, %get3A_18 : vector<1024x1xf32>
    %max3A = arith.constant 1.000000e+00 : f32
    %max3A_20 = vector.broadcast %max3A : f32 to vector<1024x1xf32>
    %max3A_21 = arith.maximumf %add3A_19, %max3A_20 : vector<1024x1xf32>
    %div3A = vector.broadcast %max3A_21 : vector<1024x1xf32> to vector<1024x128xf32>
    %div3A_22 = arith.divf %add3A, %div3A : vector<1024x128xf32>
    %get3A_23 = arith.constant 0 : index
    %get3A_24 = arith.constant 0 : index
    %get3A_25 = vector.load %arg3[%get3A_23, %get3A_24] : memref<1x128xf32, #tpu.memory_space<vmem>>, vector<1x128xf32>
    %add3A_26 = vector.broadcast %get3A_25 : vector<1x128xf32> to vector<1024x128xf32>
    %add3A_27 = arith.addf %div3A_22, %add3A_26 : vector<1024x128xf32>
    %swap3A = arith.constant 0 : index
    %swap3A_28 = arith.constant 0 : index
    %swap3A_29 = vector.load %arg4[%swap3A, %swap3A_28] : memref<1024x128xf32, #tpu.memory_space<vmem>>, vector<1024x128xf32>
    tpu.vector_store %arg4[%swap3A, %swap3A_28], %add3A_27 {strides = array<i32>} : memref<1024x128xf32, #tpu.memory_space<vmem>>, vector<1024x128xf32>,
    return
  }
  func.func @transform_0(%arg0: i32) -> (i32, i32, i32) {
    %c0_i32 = arith.constant 0 : i32
    %c0_i32_0 = arith.constant 0 : i32
    %c0_i32_1 = arith.constant 0 : i32
    return %c0_i32, %arg0, %c0_i32_0 : i32, i32, i32
  }
  func.func @transform_1(%arg0: i32) -> (i32, i32, i32) {
    %c0_i32 = arith.constant 0 : i32
    %c0_i32_0 = arith.constant 0 : i32
    %c0_i32_1 = arith.constant 0 : i32
    return %c0_i32, %arg0, %c0_i32_0 : i32, i32, i32
  }
  func.func @transform_2(%arg0: i32) -> (i32, i32) {
    %c0_i32 = arith.constant 0 : i32
    %c0_i32_0 = arith.constant 0 : i32
    %c0_i32_1 = arith.constant 0 : i32
    return %c0_i32, %c0_i32_0 : i32, i32
  }
  func.func @transform_3(%arg0: i32) -> (i32, i32) {
    %c0_i32 = arith.constant 0 : i32
    %c0_i32_0 = arith.constant 0 : i32
    return %arg0, %c0_i32 : i32, i32
  }
}

</mosaic_0001>

<sc_bundles>
// kernel: kernel.11.cloned.1.call-start
scs
__scs_entry_jumppad:
0x0: {  	(pc) =	sbr.rel $0x88, $3  }
0x1: {  	(tag) =	ssettag $0x0;
	lr =	simm.s32 $0x1  }
0x2: {  	[smem:$0x3F9B] =	sst lr;
	_ =	strace $0xD0000000  }
0x3: {  	_ = 	snop  }
0x4: {  	_ = 	snop  }
0x5: {  	_ = 	snop  }
0x6: {  	_ = 	snop  }
0x7: {  	_ = 	snop  }
__scs_overlays_trampoline_lowered:
0x8: {  	[smem:$0x3FAA] =	sst s0  }
0x9: {  	[smem:$0x3FAB] =	sst s1  }
0xa: {  	[smem:$0x3FAC] =	sst s2  }
0xb: {  	[smem:$0x3FAD] =	sst s3  }
0xc: {  	[smem:$0x3FAE] =	sst s4  }
0xd: {  	[smem:$0x3FAF] =	sst s5  }
0xe: {  	[smem:$0x3FB0] =	sst s6  }
0xf: {  	[smem:$0x3FB1] =	sst s7  }
0x10: {  	[smem:$0x3FB2] =	sst s8  }
0x11: {  	[smem:$0x3FB3] =	sst s9;
	s0 =	simm.s32 @!p0 $0x0  }
0x12: {  	s1 =	sld [smem:$0x3F99];
	s0 =	simm.s32 @p0 $0x1  }
0x13: {  	[smem:$0x3FB4] =	sst s0;
	s0 =	simm.s32 @!p1 $0x0  }
0x14: {  	s2 =	sld [smem:$0x3F98];
	s0 =	simm.s32 @p1 $0x1  }
0x15: {  	[smem:$0x3FB5] =	sst s0;
	s0 =	simm.s32 @!p2 $0x0  }
0x16: {  	s3 =	sld [smem:$0x3FDB];
	s0 =	simm.s32 @p2 $0x1  }
0x17: {  	s4 =	simm.s32 $0x1BF5;
	[smem:$0x3FB7] =	sst s0  }
0x18: {  	s0 =	sld [smem:$0x3F9A];
	_ =	swait.ge [sflag:s4], $0x0  }
0x19: {  	s7 =	sld [smem:$0x3F9B]  }
0x1a: {  	s8 =	sadd.s32 $0xFFFFE003, lr  }
0x1b: {  	s9 =	sadd.s32 $0xFFFFFEF7, lr;
	s5 =	simm.s32 $0xFFFFFFFF;
	p2 =	slt.u32 s8, $0xFFFFF086  }
0x1c: {  	p1 =	slt.u32 s9, $0xF7A;
	s5 =	simm.s32 @!p2 $0x0  }
0x1d: {  	s5 =	simm.s32 @p1 $0x1;
	p0 =	seq.s32 s7, s2  }
0x1e: {  	s7 =	smul.u32 @!p0 $0xF7A, s2;
	p2 =	seq.s32 @!p0 s5, $0x0  }
0x1f: {  	s9 =	smul.u32 $0xF7A, s1;
	s8 =	simm.s32 @!p0 $0x1BF5;
	p2 =	por !p2, p0  }
0x20: {  	[sflag:s8] =	ssyncset.s32 @!p0 $0xFFFFF086;
	s6 =	sadd.s32 @!p0 s3, s7;
	s7 =	simm.s32 @!p0 $0x108  }
0x21: {  	s3 =	sadd.s32 s3, s9;
	s6 =	sadd.s32 @!p0 $0x88, s6;
	s7 =	simm.s32 @p2 $0x1082  }
0x22: {  	[simem:s7], [sflag:s8] =	dma.local @!p0 [hbm:s6], $0xF7A  }
0x23: {  	s9 =	sor.u32 $0xD0000000, s2;
	s6 =	simm.s32 $0x108;
	_ =	swait.ge @!p0 [sflag:s8], $0x0  }
0x24: {  	s3 =	sadd.s32 $0x88, s3;
	s6 =	simm.s32 @!p1 $0x1082;
	[sflag:s4] =	ssyncset.s32 $0xFFFFF086  }
0x25: {  	[simem:s6], [sflag:s4] =	dma.local [hbm:s3], $0xF7A  }
0x26: {  	[smem:$0x3F9B] =	sst s1;
	(tag) =	ssettag s2;
	_ =	strace s9  }
0x27: {  	s1 =	sld [smem:$0x3FAB]  }
0x28: {  	s2 =	sld [smem:$0x3FAC]  }
0x29: {  	s4 =	sld [smem:$0x3FAE]  }
0x2a: {  	p0 =	seq.s32 s5, $0x0;
	s5 =	sld [smem:$0x3FAF]  }
0x2b: {  	s6 =	sld [smem:$0x3FB0]  }
0x2c: {  	s7 =	sld [smem:$0x3FB1]  }
0x2d: {  	s3 =	simm.s32 $0x108;
	s8 =	sld [smem:$0x3FB2]  }
0x2e: {  	s3 =	simm.s32 @!p0 $0x1082;
	s9 =	sld [smem:$0x3FB3]  }
0x2f: {  	lr =	sadd.s32 s0, s3;
	s0 =	sld [smem:$0x3FAA]  }
0x30: {  	s3 =	sld [smem:$0x3FAD]  }
0x31: {  	[smem:$0x3FB6] =	sst s10  }
0x32: {  	s10 =	sld [smem:$0x3FB4];
	_ =	sdelay $0x3  }
0x33: {  	p0 =	seq.s32 s10, $0x1;
	s10 =	sld [smem:$0x3FB6];
	_ =	sdelay $0x3  }
0x34: {  	[smem:$0x3FB6] =	sst s10  }
0x35: {  	s10 =	sld [smem:$0x3FB5];
	_ =	sdelay $0x3  }
0x36: {  	p1 =	seq.s32 s10, $0x1;
	s10 =	sld [smem:$0x3FB6];
	_ =	sdelay $0x3  }
0x37: {  	[smem:$0x3FB6] =	sst s10  }
0x38: {  	s10 =	sld [smem:$0x3FB7]  }
0x39: {  	_ = 	snop;
	(pc) =	sbr.ind lr, $3  }
0x3a: {  	_ = 	snop  }
0x3b: {  	_ = 	snop  }
0x3c: {  	p2 =	seq.s32 s10, $0x1;
	s10 =	sld [smem:$0x3FB6]  }
0x3d: {  	_ =	shalt  }
0x3e: {  	_ =	shalt  }
0x3f: {  	_ =	shalt  }
0x40: {  	_ =	shalt  }
0x41: {  	_ =	shalt  }
0x42: {  	_ =	shalt  }
0x43: {  	_ =	shalt  }
0x44: {  	_ =	shalt  }
0x45: {  	_ =	shalt  }
0x46: {  	_ =	shalt  }
0x47: {  	_ =	shalt  }
0x48: {  	_ =	shalt  }
0x49: {  	_ =	shalt  }
0x4a: {  	_ =	shalt  }
0x4b: {  	_ =	shalt  }
0x4c: {  	_ =	shalt  }
0x4d: {  	_ =	shalt  }
0x4e: {  	_ =	shalt  }
0x4f: {  	_ =	shalt  }
0x50: {  	_ =	shalt  }
0x51: {  	_ =	shalt  }
0x52: {  	_ =	shalt  }
0x53: {  	_ =	shalt  }
0x54: {  	_ =	shalt  }
0x55: {  	_ =	shalt  }
0x56: {  	_ =	shalt  }
0x57: {  	_ =	shalt  }
0x58: {  	_ =	shalt  }
0x59: {  	_ =	shalt  }
0x5a: {  	_ =	shalt  }
0x5b: {  	_ =	shalt  }
0x5c: {  	_ =	shalt  }
0x5d: {  	_ =	shalt  }
0x5e: {  	_ =	shalt  }
0x5f: {  	_ =	shalt  }
0x60: {  	_ =	shalt  }
0x61: {  	_ =	shalt  }
0x62: {  	_ =	shalt  }
0x63: {  	_ =	shalt  }
0x64: {  	_ =	shalt  }
0x65: {  	_ =	shalt  }
0x66: {  	_ =	shalt  }
0x67: {  	_ =	shalt  }
0x68: {  	_ =	shalt  }
0x69: {  	_ =	shalt  }
0x6a: {  	_ =	shalt  }
0x6b: {  	_ =	shalt  }
0x6c: {  	_ =	shalt  }
0x6d: {  	_ =	shalt  }
0x6e: {  	_ =	shalt  }
0x6f: {  	_ =	shalt  }
0x70: {  	_ =	shalt  }
0x71: {  	_ =	shalt  }
0x72: {  	_ =	shalt  }
0x73: {  	_ =	shalt  }
0x74: {  	_ =	shalt  }
0x75: {  	_ =	shalt  }
0x76: {  	_ =	shalt  }
0x77: {  	_ =	shalt  }
0x78: {  	_ =	shalt  }
0x79: {  	_ =	shalt  }
0x7a: {  	_ =	shalt  }
0x7b: {  	_ =	shalt  }
0x7c: {  	_ =	shalt  }
0x7d: {  	_ =	shalt  }
0x7e: {  	_ =	shalt  }
0x7f: {  	_ =	shalt  }
0x80: {  	_ =	shalt  }
0x81: {  	_ =	shalt  }
0x82: {  	_ =	shalt  }
0x83: {  	_ =	shalt  }
0x84: {  	_ =	shalt  }
0x85: {  	_ =	shalt  }
0x86: {  	_ =	shalt  }
0x87: {  	_ =	shalt  }
.Lfunc_end0:
.L_simem_size_0:
called_computation.1_lowered:
.L_overlay_start_0:
0x88: {  	s2 =	sld [smem:$0x3FD9]  }
0x89: {  	s3 =	sld [smem:$0x3FFE];
	_ =	sdelay $0x1  }
0x8a: {  	s1 =	srdreg.scid  }
0x8b: {  	s0 =	sand.u32 $0x1, s1  }
0x8c: {  	s17 =	sshll.u32 s0, $0xA;
	s2 =	sadd.s32 s3, s2  }
0x8d: {  	s2 =	sadd.s32 s2, s17  }
0x8e: {  	[smem:$0x3FC2] =	sst s2  }
0x8f: {  	_ = 	snop  }
0x90: {  	s2 =	sld [smem:$0x3FD0];
	(tm) =	ssettm $0x1  }
0x91: {  	s18 =	sld [smem:$0x3FFB];
	_ =	sdelay $0x3  }
0x92: {  	_ =	strace s18  }
0x93: {  	s3 =	sld [smem:$0x3FFC];
	_ =	sdelay $0x3  }
0x94: {  	_ =	strace s3  }
0x95: {  	s3 =	sld [smem:$0x3FFD];
	_ =	sdelay $0x3  }
0x96: {  	_ =	strace s3  }
0x97: {  	_ =	strace $0x8FFFFFFF  }
0x98: {  	s19 =	sld [smem:$0x3FDB];
	_ =	sdelay $0x1  }
0x99: {  	s4 =	simm.s32 $_scs_section_size  }
0x9a: {  	s5 =	simm.s32 $_size__tile_overlayer_lowered;
	s6 =	simm.s32 $_tile_overlayer_lowered  }
0x9b: {  	s22 =	simm.s32 $0x1BFF;
	s21 =	sshll.u32 s6, $0x1;
	s3 =	sadd.s32 s4, s19  }
0x9c: {  	s7 =	simm.s32 $0x0;
	s20 =	sshll.u32 s5, $0x1;
	s5 =	sadd.s32 s21, s3  }
0x9d: {  	[timem:s7], [sflag:s22] =	dma.local [hbm:s5], s20  }
0x9e: {  	_ =	swait.ge [sflag:s22], s20  }
0x9f: {  	s4 =	ssub.s32 $0x0, s20;
	[sflag:s22] =	ssyncset.done $0x0  }
0xa0: {  	[sflag:s22] =	ssyncadd.s32 s4;
	_ =	sdelay $0x1  }
0xa1: {  	s23 =	simm.s32 $0x1B8B  }
0xa2: {  	_ =	swait.ge [sflag:s23], $0x1  }
0xa3: {  	[sflag:s23] =	ssyncset.done $0x0  }
0xa4: {  	s25 =	simm.s32 $0x1B8E;
	s24 =	sld [smem:$0x3FFE];
	[sflag:s23] =	ssyncadd.s32 $0xFFFFFFFF  }
0xa5: {  	s26 =	simm.s32 $execute0_lowered;
	[smem:$0x3FD2] =	sst s25  }
0xa6: {  	s5 =	sshll.u32 s26, $0x1;
	_ =	strace $0x80000046;
	[dreg:$0x1] =	wrdreg $0xFFFFFFFF  }
0xa7: {  	s28 =	simm.s32 $_size_execute0_lowered;
	s3 =	sadd.s32 s3, s5;
	[dreg:$0x0] =	wrdreg $0x0  }
0xa8: {  	s5 =	sshll.u32 s28, $0x1;
	[dreg:$0x2] =	wrdreg s3  }
0xa9: {  	[dreg:$0x3] =	wrdreg s5  }
0xaa: {  	[dreg:$0x4] =	wrdreg $0xC0  }
0xab: {  	_ =	task [dreg:s7], $0x5FFFF  }
0xac: {  	[dreg:$0x1] =	wrdreg $0xFFFFFFFF  }
0xad: {  	[dreg:$0x0] =	wrdreg $0x60  }
0xae: {  	[dreg:$0x2] =	wrdreg s24  }
0xaf: {  	[dreg:$0x3] =	wrdreg s2  }
0xb0: {  	[dreg:$0x4] =	wrdreg $0x90000  }
0xb1: {  	[dreg:$0x5] =	wrdreg $0xA  }
0xb2: {  	_ =	task.clear_ibuf [dreg:s7], $0x6FFFF;
	_ =	strace $0x90000046  }
0xb3: {  	s29 =	simm.s32 $0xA;
	_ =	strace $0x80000048  }
0xb4: {  	_ =	swait.ge [sflag:s29], $0x1  }
0xb5: {  	[sflag:s29] =	ssyncadd.s32 $0xFFFFFFFF  }
0xb6: {  	_ =	strace $0x90000048  }
0xb7: {  	_ =	sfence  }
0xb8: {  	s30 =	sld [smem:$0x0];
	_ =	sdelay $0x2  }
0xb9: {  	s31 =	sshll.u32 s1, $0xD;
	s1 =	sshrl.u32 s1, $0x2  }
0xba: {  	s3 =	sand.u32 $0x4000, s31;
	s1 =	sadd.s32 s1, s30  }
0xbb: {  	s0 =	sor.u32 s3, s0;
	s1 =	sshll.u32 s1, $0x11  }
0xbc: {  	s0 =	sor.u32 s1, s0  }
0xbd: {  	s0 =	sadd.s32 $0x8F2B, s0  }
0xbe: {  	[sflag:s0] =	ssyncadd.remote.s32 $0x1  }
0xbf: {  	_ =	sfence.sel $0xFFFF  }
0xc0: {  	[dreg:$0x0] =	wrdreg $0xFFFFFFFF;
	(pc) =	sbr.abs _section_cstart, $3  }
0xc1: {  	[dreg:$0x1] =	wrdreg $0xFFFFFFFF  }
0xc2: {  	_ =	task.clear_ibuf [dreg:s7], $0x2FFFF;
	_ =	strace $0x9FFFFFFF  }
0xc3: {  	(tm) =	ssettm $0x7FFFFFFF  }
tec
execute0_lowered:
.L_overlay_start_1:
0x0: {  	(tag) =	ssettag $0x1  }
0x1: {  	s0 =	rddreg [dreg:$0x0]  }
0x2: {  	s10 =	rddreg [dreg:$0x1]  }
0x3: {  	s1 =	srdreg.scid;
	s2 =	rddreg [dreg:$0x2];
	s3 =	simm.s32 $0x0  }
0x4: {  	s17 =	stileid.u32;
	s14 =	simm.s32 $0x80;
	[smem:$0x7FF] =	sst s3  }
0x5: {  	s15 =	simm.s32 $0x100;
	_ =	strace $0x80000047;
	[dreg:$0x6] =	wrdreg s14  }
0x6: {  	s18 =	simm.s32 $0x180;
	s19 =	simm.s32 $0x880;
	[dreg:$0x7] =	wrdreg s15  }
0x7: {  	s20 =	simm.s32 $0x200;
	s21 =	simm.s32 $0x900;
	[dreg:$0x8] =	wrdreg s18  }
0x8: {  	s28 =	simm.s32 $0x700;
	s4 =	smul.u32 $0xA000, s17;
	[dreg:$0x9] =	wrdreg s19  }
0x9: {  	s1 =	sand.u32 $0x1, s1;
	s9 =	smul.u32 $0x14000, s17;
	[dreg:$0xa] =	wrdreg s20  }
0xa: {  	s6 =	sadd.s32 $0x65E00, s0;
	[dreg:$0xb] =	wrdreg s21;
	s15 =	simm.s32 $0x380  }
0xb: {  	s5 =	smul.u32 $0x5000, s1;
	s18 =	simm.s32 $0x400;
	[dreg:$0x10] =	wrdreg s15  }
0xc: {  	s7 =	smul.u32 $0x140000, s1;
	s19 =	simm.s32 $0xB00;
	[dreg:$0x12] =	wrdreg s18  }
0xd: {  	s1 =	ssub.s32 $0x2, s1;
	s21 =	simm.s32 $0x480;
	[dreg:$0x13] =	wrdreg s19  }
0xe: {  	s22 =	sshrl.u32 s1, $0x1;
	s15 =	sadd.s32 $0xE000, s9;
	[dreg:$0x14] =	wrdreg s21  }
0xf: {  	s4 =	sadd.s32 s5, s4;
	s1 =	ssub.s32 s1, s22;
	s23 =	sadd.s32 s7, s9  }
0x10: {  	s5 =	sadd.s32 $0x4000, s9;
	s20 =	sadd.s32 s7, s15;
	s15 =	sadd.s32 s15, s2  }
0x11: {  	s8 =	sshrl.u32 s23, $0x3;
	s23 =	simm.s32 $0x280;
	[smem:$0x7F1] =	sst s15  }
0x12: {  	s11 =	sshrl.u32 s4, $0x3;
	s1 =	smax.u32 s1, $0x1;
	[dreg:$0xc] =	wrdreg s23  }
0x13: {  	s4 =	sor.u32 $0x2000, s9;
	s8 =	sadd.s32 s6, s8;
	[smem:$0x7EA] =	sst s1  }
0x14: {  	s25 =	sadd.s32 s7, s5;
	s10 =	sadd.s32 s11, s10;
	[dreg:$0x18] =	wrdreg s8  }
0x15: {  	s12 =	sadd.s32 s11, s0;
	s23 =	simm.s32 $0x500;
	[dreg:$0x5] =	wrdreg s10  }
0x16: {  	s13 =	sadd.s32 s7, s4;
	s4 =	sadd.s32 s4, s2;
	[dreg:$0x16] =	wrdreg s23  }
0x17: {  	s24 =	sshrl.u32 s13, $0x3;
	s12 =	sadd.s32 $0x1E00, s12;
	[smem:$0x7EB] =	sst s4  }
0x18: {  	s13 =	sshrl.u32 s25, $0x3;
	s25 =	simm.s32 $0x300;
	[dreg:$0x4] =	wrdreg s12  }
0x19: {  	s10 =	sadd.s32 $0x8000, s9;
	s8 =	sadd.s32 s6, s24;
	[dreg:$0xe] =	wrdreg s25  }
0x1a: {  	s13 =	sadd.s32 s6, s13;
	s16 =	sadd.s32 s7, s10;
	[dreg:$0x19] =	wrdreg s8  }
0x1b: {  	s24 =	simm.s32 $0x980;
	s25 =	simm.s32 $0xC00;
	[dreg:$0x1a] =	wrdreg s13  }
0x1c: {  	s8 =	sadd.s32 $0x6000, s9;
	s12 =	sshrl.u32 s16, $0x3;
	[dreg:$0xd] =	wrdreg s24  }
0x1d: {  	s16 =	simm.s32 $0xA80;
	[dreg:$0x17] =	wrdreg s25;
	s26 =	sadd.s32 s7, s8  }
0x1e: {  	s12 =	sadd.s32 s6, s12;
	[dreg:$0x11] =	wrdreg s16;
	s16 =	sadd.s32 $0x10000, s9  }
0x1f: {  	s8 =	sadd.s32 s8, s2;
	s13 =	sshrl.u32 s26, $0x3;
	[dreg:$0x1c] =	wrdreg s12  }
0x20: {  	s12 =	sadd.s32 $0xA000, s9;
	s26 =	simm.s32 $0xA00;
	[smem:$0x7ED] =	sst s8  }
0x21: {  	s24 =	sadd.s32 s7, s16;
	s16 =	sadd.s32 s16, s2;
	[dreg:$0xf] =	wrdreg s26  }
0x22: {  	s13 =	sadd.s32 s6, s13;
	s22 =	sadd.s32 s7, s12;
	[smem:$0x7F2] =	sst s16  }
0x23: {  	s11 =	sshrl.u32 s24, $0x3;
	s12 =	sadd.s32 s12, s2;
	[dreg:$0x1b] =	wrdreg s13  }
0x24: {  	s13 =	sshrl.u32 s22, $0x3;
	s22 =	simm.s32 $0xB80;
	[smem:$0x7EF] =	sst s12  }
0x25: {  	s17 =	smul.u32 $0x50000, s17;
	s11 =	sadd.s32 s6, s11;
	[dreg:$0x15] =	wrdreg s22  }
0x26: {  	s29 =	simm.s32 $0xE00;
	s13 =	sadd.s32 s6, s13;
	[smem:$0x7E7] =	sst s11  }
0x27: {  	s26 =	sshrl.u32 s17, $0x2;
	[dreg:$0x1d] =	wrdreg s13;
	s13 =	sadd.s32 $0xC000, s9  }
0x28: {  	s11 =	sadd.s32 s10, s2;
	s9 =	sadd.s32 $0x12000, s9;
	s14 =	sadd.s32 s7, s13  }
0x29: {  	[smem:$0x7EE] =	sst s11;
	s13 =	sadd.s32 s13, s2;
	s14 =	sshrl.u32 s14, $0x3  }
0x2a: {  	s7 =	sadd.s32 s7, s9;
	[smem:$0x7F0] =	sst s13;
	s14 =	sadd.s32 s6, s14  }
0x2b: {  	s17 =	sadd.s32 s9, s2;
	[dreg:$0x1e] =	wrdreg s14;
	s14 =	sshrl.u32 s20, $0x3  }
0x2c: {  	s7 =	sshrl.u32 s7, $0x3;
	[smem:$0x7F3] =	sst s17;
	s14 =	sadd.s32 s6, s14  }
0x2d: {  	s30 =	simm.s32 $0x780;
	s6 =	sadd.s32 s6, s7;
	[dreg:$0x1f] =	wrdreg s14  }
0x2e: {  	s31 =	simm.s32 $0xE80;
	s7 =	sadd.s32 s5, s2;
	[smem:$0x7E8] =	sst s6  }
0x2f: {  	s14 =	sadd.s32 $0x15E00, s0;
	s0 =	sadd.s32 $0x3DE00, s0;
	[smem:$0x7EC] =	sst s7  }
0x30: {  	s15 =	simm.s32 $0x7000;
	s6 =	sadd.s32 s26, s2;
	[smem:$0x7E9] =	sst s0  }
0x31: {  	s1 =	simm.s32 $0xF00;
	s18 =	sadd.s32 $0x2000, s6;
	[smem:$0x7FD] =	sst s6  }
0x32: {  	s8 =	simm.s32 $0x6;
	s19 =	sadd.s32 $0x4000, s6;
	[smem:$0x7F4] =	sst s18  }
0x33: {  	s12 =	simm.s32 $0x5000;
	s20 =	sadd.s32 $0x6000, s6;
	[smem:$0x7F5] =	sst s19  }
0x34: {  	s10 =	simm.s32 $0x40;
	s21 =	sadd.s32 $0x8000, s6;
	[smem:$0x7F6] =	sst s20  }
0x35: {  	s11 =	simm.s32 $0x3000;
	s22 =	sadd.s32 $0xA000, s6;
	[smem:$0x7F7] =	sst s21  }
0x36: {  	s9 =	simm.s32 $0x800;
	s23 =	sadd.s32 $0xC000, s6;
	[smem:$0x7F8] =	sst s22  }
0x37: {  	s13 =	simm.s32 $0x1;
	s24 =	sadd.s32 $0xE000, s6;
	[smem:$0x7F9] =	sst s23  }
0x38: {  	s17 =	simm.s32 $0x2;
	s25 =	sadd.s32 $0x10000, s6;
	[smem:$0x7FA] =	sst s24  }
0x39: {  	s5 =	simm.s32 $0x0;
	s26 =	sadd.s32 $0x12000, s6;
	[smem:$0x7FB] =	sst s25  }
0x3a: {  	s7 =	simm.s32 $0x1000;
	s0 =	simm.s32 $0xF80;
	[smem:$0x7FC] =	sst s26  }
0x3b: {  	s18 =	simm.s32 $0x5;
	s19 =	simm.s32 $0x3;
	s20 =	simm.s32 $0x4  }
0x3c: {  	s21 =	simm.s32 $0x580;
	s22 =	simm.s32 $0xC80;
	s23 =	simm.s32 $0x600  }
0x3d: {  	s24 =	simm.s32 $0xD00;
	s25 =	simm.s32 $0x680;
	s26 =	simm.s32 $0xD80  }
.LBB2_1:
0x3e: {  	s4 =	sld [smem:$0x7E9];
	_ =	sdelay $0x1  }
0x3f: {  	[smem:$0x7E6] =	sst s5  }
0x40: {  	[tilespmem:s7], [sflag:$0x6] =	stream.linear.gather [hbm4b:s4+s3], $0x2000, $0x38;
	[tilespmem:$0x1D000] =	vst v63  }
0x41: {  	_ =	swait.ge [sflag:s8], $0x2000  }
0x42: {  	[sflag:s8] =	ssyncset.done $0x0  }
0x43: {  	[sflag:s8] =	ssyncadd.s32 $0xFFFFE000  }
0x44: {  	[spmem:s6] =	stream.linear.scatter [tilespmem:s7], [sflag:$0x6], $0x2000, $0x38;
	[tilespmem:$0x1D000] =	vst v63  }
0x45: {  	_ =	swait.ge [sflag:s8], $0x2000  }
0x46: {  	s5 =	sld [smem:$0x7F4]  }
0x47: {  	[sflag:s8] =	ssyncset.done $0x0  }
0x48: {  	[sflag:s8] =	ssyncadd.s32 $0xFFFFE000  }
0x49: {  	[spmem:s5] =	stream.linear.scatter [tilespmem:s7], [sflag:$0x6], $0x2000, $0x38;
	[tilespmem:$0x1D000] =	vst v63  }
0x4a: {  	_ =	swait.ge [sflag:s8], $0x2000  }
0x4b: {  	s6 =	sld [smem:$0x7F5]  }
0x4c: {  	[sflag:s8] =	ssyncset.done $0x0  }
0x4d: {  	[sflag:s8] =	ssyncadd.s32 $0xFFFFE000  }
0x4e: {  	[spmem:s6] =	stream.linear.scatter [tilespmem:s7], [sflag:$0x6], $0x2000, $0x38;
	[tilespmem:$0x1D000] =	vst v63  }
0x4f: {  	_ =	swait.ge [sflag:s8], $0x2000  }
0x50: {  	s16 =	sld [smem:$0x7F6]  }
0x51: {  	[sflag:s8] =	ssyncset.done $0x0  }
0x52: {  	[sflag:s8] =	ssyncadd.s32 $0xFFFFE000  }
0x53: {  	[spmem:s16] =	stream.linear.scatter [tilespmem:s7], [sflag:$0x6], $0x2000, $0x38;
	[tilespmem:$0x1D000] =	vst v63  }
0x54: {  	_ =	swait.ge [sflag:s8], $0x2000  }
0x55: {  	s5 =	sld [smem:$0x7F7]  }
0x56: {  	[sflag:s8] =	ssyncset.done $0x0  }
0x57: {  	[sflag:s8] =	ssyncadd.s32 $0xFFFFE000  }
0x58: {  	[spmem:s5] =	stream.linear.scatter [tilespmem:s7], [sflag:$0x6], $0x2000, $0x38;
	[tilespmem:$0x1D000] =	vst v63  }
0x59: {  	_ =	swait.ge [sflag:s8], $0x2000  }
0x5a: {  	s6 =	sld [smem:$0x7F8]  }
0x5b: {  	[sflag:s8] =	ssyncset.done $0x0  }
0x5c: {  	[sflag:s8] =	ssyncadd.s32 $0xFFFFE000  }
0x5d: {  	[spmem:s6] =	stream.linear.scatter [tilespmem:s7], [sflag:$0x6], $0x2000, $0x38;
	[tilespmem:$0x1D000] =	vst v63  }
0x5e: {  	_ =	swait.ge [sflag:s8], $0x2000  }
0x5f: {  	s16 =	sld [smem:$0x7F9]  }
0x60: {  	[sflag:s8] =	ssyncset.done $0x0  }
0x61: {  	[sflag:s8] =	ssyncadd.s32 $0xFFFFE000  }
0x62: {  	[spmem:s16] =	stream.linear.scatter [tilespmem:s7], [sflag:$0x6], $0x2000, $0x38;
	[tilespmem:$0x1D000] =	vst v63  }
0x63: {  	_ =	swait.ge [sflag:s8], $0x2000  }
0x64: {  	s5 =	sld [smem:$0x7FA]  }
0x65: {  	[sflag:s8] =	ssyncset.done $0x0  }
0x66: {  	[sflag:s8] =	ssyncadd.s32 $0xFFFFE000  }
0x67: {  	[spmem:s5] =	stream.linear.scatter [tilespmem:s7], [sflag:$0x6], $0x2000, $0x38;
	[tilespmem:$0x1D000] =	vst v63  }
0x68: {  	_ =	swait.ge [sflag:s8], $0x2000  }
0x69: {  	s6 =	sld [smem:$0x7FB]  }
0x6a: {  	[sflag:s8] =	ssyncset.done $0x0  }
0x6b: {  	[sflag:s8] =	ssyncadd.s32 $0xFFFFE000  }
0x6c: {  	[spmem:s6] =	stream.linear.scatter [tilespmem:s7], [sflag:$0x6], $0x2000, $0x38;
	[tilespmem:$0x1D000] =	vst v63  }
0x6d: {  	_ =	swait.ge [sflag:s8], $0x2000  }
0x6e: {  	s16 =	sld [smem:$0x7FC]  }
0x6f: {  	[sflag:s8] =	ssyncset.done $0x0  }
0x70: {  	[sflag:s8] =	ssyncadd.s32 $0xFFFFE000  }
0x71: {  	[spmem:s16] =	stream.linear.scatter [tilespmem:s7], [sflag:$0x6], $0x2000, $0x38;
	[tilespmem:$0x1D000] =	vst v63  }
0x72: {  	_ =	swait.ge [sflag:s8], $0x2000  }
0x73: {  	[sflag:s8] =	ssyncset.done $0x0  }
0x74: {  	[sflag:s8] =	ssyncadd.s32 $0xFFFFE000  }
0x75: {  	[bflag:$0x0] =	sbarrier.arrive $0xFFFF  }
0x76: {  	s4 =	rddreg [dreg:$0x5]  }
0x77: {  	s5 =	sadd.s32 $0x0, s4  }
0x78: {  	[tilespmem:s3], [sflag:$0x6] =	stream.linear.gather [hbm4b:s5+s3], $0x800, $0x38;
	[tilespmem:$0x1D000] =	vst v63  }
0x79: {  	_ =	swait.ge [sflag:s8], $0x800  }
0x7a: {  	s6 =	rddreg [dreg:$0x4];
	[sflag:s8] =	ssyncset.done $0x0  }
0x7b: {  	[sflag:s8] =	ssyncadd.s32 $0xFFFFF800;
	s5 =	sadd.s32 $0x0, s6  }
0x7c: {  	[tilespmem:s9], [sflag:$0x6] =	stream.linear.gather [hbm4b:s5+s3], $0x800, $0x38;
	[tilespmem:$0x1D000] =	vst v63  }
0x7d: {  	_ =	swait.ge [sflag:s8], $0x800  }
0x7e: {  	[sflag:s8] =	ssyncset.done $0x0  }
0x7f: {  	[sflag:s8] =	ssyncadd.s32 $0xFFFFF800  }
0x80: {  	[tilespmem:s7], [sflag:$0x1] =	stream.indirect.gather [hbm4b:s14+s10], $0x80, s3, s10, $0xb8;
	[tilespmem:$0x1D000] =	vst v63  }
0x81: {  	s16 =	rddreg [dreg:$0x6]  }
0x82: {  	[tilespmem:s11], [sflag:$0x2] =	stream.indirect.gather [hbm4b:s14+s10], $0x80, s16, s10, $0xb8;
	[tilespmem:$0x1D000] =	vst v63  }
0x83: {  	s4 =	rddreg [dreg:$0x7]  }
0x84: {  	[tilespmem:s12], [sflag:$0x3] =	stream.indirect.gather [hbm4b:s14+s10], $0x80, s4, s10, $0xb8;
	[tilespmem:$0x1D000] =	vst v63  }
0x85: {  	_ =	swait.ge [sflag:s13], $0x2000  }
0x86: {  	[sflag:s13] =	ssyncset.done $0x0  }
0x87: {  	[sflag:s13] =	ssyncadd.s32 $0xFFFFE000  }
0x88: {  	[spmem:s2] =	stream.indirect.scatter.add.f32 [tilespmem:s7], [sflag:$0x5], $0x80, s9, s10, $0xb8;
	[tilespmem:$0x1D000] =	vst v63  }
0x89: {  	s6 =	rddreg [dreg:$0x8]  }
0x8a: {  	[tilespmem:s15], [sflag:$0x4] =	stream.indirect.gather [hbm4b:s14+s10], $0x80, s6, s10, $0xb8;
	[tilespmem:$0x1D000] =	vst v63  }
0x8b: {  	_ =	swait.ge [sflag:s17], $0x2000  }
0x8c: {  	[sflag:s17] =	ssyncset.done $0x0  }
0x8d: {  	[sflag:s17] =	ssyncadd.s32 $0xFFFFE000  }
0x8e: {  	_ =	swait.ge [sflag:s18], $0x2000  }
0x8f: {  	[sflag:s18] =	ssyncset.done $0x0  }
0x90: {  	s16 =	rddreg [dreg:$0x9];
	[sflag:s18] =	ssyncadd.s32 $0xFFFFE000  }
0x91: {  	[spmem:s2] =	stream.indirect.scatter.add.f32 [tilespmem:s11], [sflag:$0x5], $0x80, s16, s10, $0xb8;
	[tilespmem:$0x1D000] =	vst v63  }
0x92: {  	s4 =	rddreg [dreg:$0xa]  }
0x93: {  	[tilespmem:s7], [sflag:$0x1] =	stream.indirect.gather [hbm4b:s14+s10], $0x80, s4, s10, $0xb8;
	[tilespmem:$0x1D000] =	vst v63  }
0x94: {  	_ =	swait.ge [sflag:s19], $0x2000  }
0x95: {  	[sflag:s19] =	ssyncset.done $0x0  }
0x96: {  	[sflag:s19] =	ssyncadd.s32 $0xFFFFE000  }
0x97: {  	_ =	swait.ge [sflag:s18], $0x2000  }
0x98: {  	[sflag:s18] =	ssyncset.done $0x0  }
0x99: {  	s16 =	rddreg [dreg:$0xb];
	[sflag:s18] =	ssyncadd.s32 $0xFFFFE000  }
0x9a: {  	[spmem:s2] =	stream.indirect.scatter.add.f32 [tilespmem:s12], [sflag:$0x5], $0x80, s16, s10, $0xb8;
	[tilespmem:$0x1D000] =	vst v63  }
0x9b: {  	s4 =	rddreg [dreg:$0xc]  }
0x9c: {  	[tilespmem:s11], [sflag:$0x2] =	stream.indirect.gather [hbm4b:s14+s10], $0x80, s4, s10, $0xb8;
	[tilespmem:$0x1D000] =	vst v63  }
0x9d: {  	_ =	swait.ge [sflag:s20], $0x2000  }
0x9e: {  	[sflag:s20] =	ssyncset.done $0x0  }
0x9f: {  	[sflag:s20] =	ssyncadd.s32 $0xFFFFE000  }
0xa0: {  	_ =	swait.ge [sflag:s18], $0x2000  }
0xa1: {  	[sflag:s18] =	ssyncset.done $0x0  }
0xa2: {  	s16 =	rddreg [dreg:$0xd];
	[sflag:s18] =	ssyncadd.s32 $0xFFFFE000  }
0xa3: {  	[spmem:s2] =	stream.indirect.scatter.add.f32 [tilespmem:s15], [sflag:$0x5], $0x80, s16, s10, $0xb8;
	[tilespmem:$0x1D000] =	vst v63  }
0xa4: {  	s4 =	rddreg [dreg:$0xe]  }
0xa5: {  	[tilespmem:s12], [sflag:$0x3] =	stream.indirect.gather [hbm4b:s14+s10], $0x80, s4, s10, $0xb8;
	[tilespmem:$0x1D000] =	vst v63  }
0xa6: {  	_ =	swait.ge [sflag:s13], $0x2000  }
0xa7: {  	[sflag:s13] =	ssyncset.done $0x0  }
0xa8: {  	[sflag:s13] =	ssyncadd.s32 $0xFFFFE000  }
0xa9: {  	_ =	swait.ge [sflag:s18], $0x2000  }
0xaa: {  	[sflag:s18] =	ssyncset.done $0x0  }
0xab: {  	s16 =	rddreg [dreg:$0xf];
	[sflag:s18] =	ssyncadd.s32 $0xFFFFE000  }
0xac: {  	[spmem:s2] =	stream.indirect.scatter.add.f32 [tilespmem:s7], [sflag:$0x5], $0x80, s16, s10, $0xb8;
	[tilespmem:$0x1D000] =	vst v63  }
0xad: {  	s4 =	rddreg [dreg:$0x10]  }
0xae: {  	[tilespmem:s15], [sflag:$0x4] =	stream.indirect.gather [hbm4b:s14+s10], $0x80, s4, s10, $0xb8;
	[tilespmem:$0x1D000] =	vst v63  }
0xaf: {  	_ =	swait.ge [sflag:s17], $0x2000  }
0xb0: {  	[sflag:s17] =	ssyncset.done $0x0  }
0xb1: {  	[sflag:s17] =	ssyncadd.s32 $0xFFFFE000  }
0xb2: {  	_ =	swait.ge [sflag:s18], $0x2000  }
0xb3: {  	[sflag:s18] =	ssyncset.done $0x0  }
0xb4: {  	s16 =	rddreg [dreg:$0x11];
	[sflag:s18] =	ssyncadd.s32 $0xFFFFE000  }
0xb5: {  	[spmem:s2] =	stream.indirect.scatter.add.f32 [tilespmem:s11], [sflag:$0x5], $0x80, s16, s10, $0xb8;
	[tilespmem:$0x1D000] =	vst v63  }
0xb6: {  	s4 =	rddreg [dreg:$0x12]  }
0xb7: {  	[tilespmem:s7], [sflag:$0x1] =	stream.indirect.gather [hbm4b:s14+s10], $0x80, s4, s10, $0xb8;
	[tilespmem:$0x1D000] =	vst v63  }
0xb8: {  	_ =	swait.ge [sflag:s19], $0x2000  }
0xb9: {  	[sflag:s19] =	ssyncset.done $0x0  }
0xba: {  	[sflag:s19] =	ssyncadd.s32 $0xFFFFE000  }
0xbb: {  	_ =	swait.ge [sflag:s18], $0x2000  }
0xbc: {  	[sflag:s18] =	ssyncset.done $0x0  }
0xbd: {  	s16 =	rddreg [dreg:$0x13];
	[sflag:s18] =	ssyncadd.s32 $0xFFFFE000  }
0xbe: {  	[spmem:s2] =	stream.indirect.scatter.add.f32 [tilespmem:s12], [sflag:$0x5], $0x80, s16, s10, $0xb8;
	[tilespmem:$0x1D000] =	vst v63  }
0xbf: {  	s4 =	rddreg [dreg:$0x14]  }
0xc0: {  	[tilespmem:s11], [sflag:$0x2] =	stream.indirect.gather [hbm4b:s14+s10], $0x80, s4, s10, $0xb8;
	[tilespmem:$0x1D000] =	vst v63  }
0xc1: {  	_ =	swait.ge [sflag:s20], $0x2000  }
0xc2: {  	[sflag:s20] =	ssyncset.done $0x0  }
0xc3: {  	[sflag:s20] =	ssyncadd.s32 $0xFFFFE000  }
0xc4: {  	_ =	swait.ge [sflag:s18], $0x2000  }
0xc5: {  	[sflag:s18] =	ssyncset.done $0x0  }
0xc6: {  	s16 =	rddreg [dreg:$0x15];
	[sflag:s18] =	ssyncadd.s32 $0xFFFFE000  }
0xc7: {  	[spmem:s2] =	stream.indirect.scatter.add.f32 [tilespmem:s15], [sflag:$0x5], $0x80, s16, s10, $0xb8;
	[tilespmem:$0x1D000] =	vst v63  }
0xc8: {  	s4 =	rddreg [dreg:$0x16]  }
0xc9: {  	[tilespmem:s12], [sflag:$0x3] =	stream.indirect.gather [hbm4b:s14+s10], $0x80, s4, s10, $0xb8;
	[tilespmem:$0x1D000] =	vst v63  }
0xca: {  	_ =	swait.ge [sflag:s13], $0x2000  }
0xcb: {  	[sflag:s13] =	ssyncset.done $0x0  }
0xcc: {  	[sflag:s13] =	ssyncadd.s32 $0xFFFFE000  }
0xcd: {  	_ =	swait.ge [sflag:s18], $0x2000  }
0xce: {  	[sflag:s18] =	ssyncset.done $0x0  }
0xcf: {  	s16 =	rddreg [dreg:$0x17];
	[sflag:s18] =	ssyncadd.s32 $0xFFFFE000  }
0xd0: {  	[spmem:s2] =	stream.indirect.scatter.add.f32 [tilespmem:s7], [sflag:$0x5], $0x80, s16, s10, $0xb8;
	[tilespmem:$0x1D000] =	vst v63  }
0xd1: {  	_ = 	snop  }
0xd2: {  	[tilespmem:s15], [sflag:$0x4] =	stream.indirect.gather [hbm4b:s14+s10], $0x80, s21, s10, $0xb8;
	[tilespmem:$0x1D000] =	vst v63  }
0xd3: {  	_ =	swait.ge [sflag:s17], $0x2000  }
0xd4: {  	[sflag:s17] =	ssyncset.done $0x0  }
0xd5: {  	[sflag:s17] =	ssyncadd.s32 $0xFFFFE000  }
0xd6: {  	_ =	swait.ge [sflag:s18], $0x2000  }
0xd7: {  	[sflag:s18] =	ssyncset.done $0x0  }
0xd8: {  	[sflag:s18] =	ssyncadd.s32 $0xFFFFE000  }
0xd9: {  	[spmem:s2] =	stream.indirect.scatter.add.f32 [tilespmem:s11], [sflag:$0x5], $0x80, s22, s10, $0xb8;
	[tilespmem:$0x1D000] =	vst v63  }
0xda: {  	_ = 	snop  }
0xdb: {  	[tilespmem:s7], [sflag:$0x1] =	stream.indirect.gather [hbm4b:s14+s10], $0x80, s23, s10, $0xb8;
	[tilespmem:$0x1D000] =	vst v63  }
0xdc: {  	_ =	swait.ge [sflag:s19], $0x2000  }
0xdd: {  	[sflag:s19] =	ssyncset.done $0x0  }
0xde: {  	[sflag:s19] =	ssyncadd.s32 $0xFFFFE000  }
0xdf: {  	_ =	swait.ge [sflag:s18], $0x2000  }
0xe0: {  	[sflag:s18] =	ssyncset.done $0x0  }
0xe1: {  	[sflag:s18] =	ssyncadd.s32 $0xFFFFE000  }
0xe2: {  	[spmem:s2] =	stream.indirect.scatter.add.f32 [tilespmem:s12], [sflag:$0x5], $0x80, s24, s10, $0xb8;
	[tilespmem:$0x1D000] =	vst v63  }
0xe3: {  	_ = 	snop  }
0xe4: {  	[tilespmem:s11], [sflag:$0x2] =	stream.indirect.gather [hbm4b:s14+s10], $0x80, s25, s10, $0xb8;
	[tilespmem:$0x1D000] =	vst v63  }
0xe5: {  	_ =	swait.ge [sflag:s20], $0x2000  }
0xe6: {  	[sflag:s20] =	ssyncset.done $0x0  }
0xe7: {  	[sflag:s20] =	ssyncadd.s32 $0xFFFFE000  }
0xe8: {  	_ =	swait.ge [sflag:s18], $0x2000  }
0xe9: {  	[sflag:s18] =	ssyncset.done $0x0  }
0xea: {  	[sflag:s18] =	ssyncadd.s32 $0xFFFFE000  }
0xeb: {  	[spmem:s2] =	stream.indirect.scatter.add.f32 [tilespmem:s15], [sflag:$0x5], $0x80, s26, s10, $0xb8;
	[tilespmem:$0x1D000] =	vst v63  }
0xec: {  	_ = 	snop  }
0xed: {  	[tilespmem:s12], [sflag:$0x3] =	stream.indirect.gather [hbm4b:s14+s10], $0x80, s28, s10, $0xb8;
	[tilespmem:$0x1D000] =	vst v63  }
0xee: {  	_ =	swait.ge [sflag:s13], $0x2000  }
0xef: {  	[sflag:s13] =	ssyncset.done $0x0  }
0xf0: {  	[sflag:s13] =	ssyncadd.s32 $0xFFFFE000  }
0xf1: {  	_ =	swait.ge [sflag:s18], $0x2000  }
0xf2: {  	[sflag:s18] =	ssyncset.done $0x0  }
0xf3: {  	[sflag:s18] =	ssyncadd.s32 $0xFFFFE000  }
0xf4: {  	[spmem:s2] =	stream.indirect.scatter.add.f32 [tilespmem:s7], [sflag:$0x5], $0x80, s29, s10, $0xb8;
	[tilespmem:$0x1D000] =	vst v63  }
0xf5: {  	_ = 	snop  }
0xf6: {  	[tilespmem:s15], [sflag:$0x4] =	stream.indirect.gather [hbm4b:s14+s10], $0x80, s30, s10, $0xb8;
	[tilespmem:$0x1D000] =	vst v63  }
0xf7: {  	_ =	swait.ge [sflag:s17], $0x2000  }
0xf8: {  	[sflag:s17] =	ssyncset.done $0x0  }
0xf9: {  	[sflag:s17] =	ssyncadd.s32 $0xFFFFE000  }
0xfa: {  	_ =	swait.ge [sflag:s18], $0x2000  }
0xfb: {  	[sflag:s18] =	ssyncset.done $0x0  }
0xfc: {  	[sflag:s18] =	ssyncadd.s32 $0xFFFFE000  }
0xfd: {  	[spmem:s2] =	stream.indirect.scatter.add.f32 [tilespmem:s11], [sflag:$0x5], $0x80, s31, s10, $0xb8;
	[tilespmem:$0x1D000] =	vst v63  }
0xfe: {  	_ =	swait.ge [sflag:s19], $0x2000  }
0xff: {  	[sflag:s19] =	ssyncset.done $0x0  }
0x100: {  	[sflag:s19] =	ssyncadd.s32 $0xFFFFE000  }
0x101: {  	_ =	swait.ge [sflag:s18], $0x2000  }
0x102: {  	[sflag:s18] =	ssyncset.done $0x0  }
0x103: {  	[sflag:s18] =	ssyncadd.s32 $0xFFFFE000  }
0x104: {  	[spmem:s2] =	stream.indirect.scatter.add.f32 [tilespmem:s12], [sflag:$0x5], $0x80, s1, s10, $0xb8;
	[tilespmem:$0x1D000] =	vst v63  }
0x105: {  	_ =	swait.ge [sflag:s20], $0x2000  }
0x106: {  	[sflag:s20] =	ssyncset.done $0x0  }
0x107: {  	[sflag:s20] =	ssyncadd.s32 $0xFFFFE000  }
0x108: {  	_ =	swait.ge [sflag:s18], $0x2000  }
0x109: {  	[sflag:s18] =	ssyncset.done $0x0  }
0x10a: {  	[sflag:s18] =	ssyncadd.s32 $0xFFFFE000  }
0x10b: {  	[spmem:s2] =	stream.indirect.scatter.add.f32 [tilespmem:s15], [sflag:$0x5], $0x80, s0, s10, $0xb8;
	[tilespmem:$0x1D000] =	vst v63  }
0x10c: {  	s5 =	simm.s32 $0x100;
	_ =	swait.ge [sflag:s18], $0x2000  }
0x10d: {  	s6 =	simm.s32 $0x200;
	s16 =	rddreg [dreg:$0x5];
	[sflag:s18] =	ssyncset.done $0x0  }
.LBB2_2:
0x10e: {  	[sflag:s18] =	ssyncadd.s32 $0xFFFFE000;
	s16 =	sadd.s32 s5, s16  }
0x10f: {  	[tilespmem:s3], [sflag:$0x6] =	stream.linear.gather [hbm4b:s16+s3], $0x800, $0x38;
	[tilespmem:$0x1D000] =	vst v63  }
0x110: {  	_ =	swait.ge [sflag:s8], $0x800  }
0x111: {  	s16 =	rddreg [dreg:$0x4];
	[sflag:s8] =	ssyncset.done $0x0  }
0x112: {  	[sflag:s8] =	ssyncadd.s32 $0xFFFFF800;
	s16 =	sadd.s32 s5, s16  }
0x113: {  	[tilespmem:s9], [sflag:$0x6] =	stream.linear.gather [hbm4b:s16+s3], $0x800, $0x38;
	[tilespmem:$0x1D000] =	vst v63  }
0x114: {  	_ =	swait.ge [sflag:s8], $0x800  }
0x115: {  	[sflag:s8] =	ssyncset.done $0x0  }
0x116: {  	s4 =	smov.u32 s6;
	[sflag:s8] =	ssyncadd.s32 $0xFFFFF800  }
0x117: {  	[tilespmem:s7], [sflag:$0x1] =	stream.indirect.gather [hbm4b:s14+s10], $0x80, s3, s10, $0xb8;
	[tilespmem:$0x1D000] =	vst v63  }
0x118: {  	s5 =	smov.u32 s4;
	s4 =	rddreg [dreg:$0x6]  }
0x119: {  	[tilespmem:s11], [sflag:$0x2] =	stream.indirect.gather [hbm4b:s14+s10], $0x80, s4, s10, $0xb8;
	[tilespmem:$0x1D000] =	vst v63  }
0x11a: {  	s16 =	rddreg [dreg:$0x7]  }
0x11b: {  	[tilespmem:s12], [sflag:$0x3] =	stream.indirect.gather [hbm4b:s14+s10], $0x80, s16, s10, $0xb8;
	[tilespmem:$0x1D000] =	vst v63  }
0x11c: {  	_ =	swait.ge [sflag:s13], $0x2000  }
0x11d: {  	[sflag:s13] =	ssyncset.done $0x0  }
0x11e: {  	[sflag:s13] =	ssyncadd.s32 $0xFFFFE000  }
0x11f: {  	[spmem:s2] =	stream.indirect.scatter.add.f32 [tilespmem:s7], [sflag:$0x5], $0x80, s9, s10, $0xb8;
	[tilespmem:$0x1D000] =	vst v63  }
0x120: {  	s16 =	rddreg [dreg:$0x8]  }
0x121: {  	[tilespmem:s15], [sflag:$0x4] =	stream.indirect.gather [hbm4b:s14+s10], $0x80, s16, s10, $0xb8;
	[tilespmem:$0x1D000] =	vst v63  }
0x122: {  	_ =	swait.ge [sflag:s17], $0x2000  }
0x123: {  	[sflag:s17] =	ssyncset.done $0x0  }
0x124: {  	[sflag:s17] =	ssyncadd.s32 $0xFFFFE000  }
0x125: {  	_ =	swait.ge [sflag:s18], $0x2000  }
0x126: {  	[sflag:s18] =	ssyncset.done $0x0  }
0x127: {  	s4 =	rddreg [dreg:$0x9];
	[sflag:s18] =	ssyncadd.s32 $0xFFFFE000  }
0x128: {  	[spmem:s2] =	stream.indirect.scatter.add.f32 [tilespmem:s11], [sflag:$0x5], $0x80, s4, s10, $0xb8;
	[tilespmem:$0x1D000] =	vst v63  }
0x129: {  	s16 =	rddreg [dreg:$0xa]  }
0x12a: {  	[tilespmem:s7], [sflag:$0x1] =	stream.indirect.gather [hbm4b:s14+s10], $0x80, s16, s10, $0xb8;
	[tilespmem:$0x1D000] =	vst v63  }
0x12b: {  	_ =	swait.ge [sflag:s19], $0x2000  }
0x12c: {  	[sflag:s19] =	ssyncset.done $0x0  }
0x12d: {  	[sflag:s19] =	ssyncadd.s32 $0xFFFFE000  }
0x12e: {  	_ =	swait.ge [sflag:s18], $0x2000  }
0x12f: {  	[sflag:s18] =	ssyncset.done $0x0  }
0x130: {  	s4 =	rddreg [dreg:$0xb];
	[sflag:s18] =	ssyncadd.s32 $0xFFFFE000  }
0x131: {  	[spmem:s2] =	stream.indirect.scatter.add.f32 [tilespmem:s12], [sflag:$0x5], $0x80, s4, s10, $0xb8;
	[tilespmem:$0x1D000] =	vst v63  }
0x132: {  	s16 =	rddreg [dreg:$0xc]  }
0x133: {  	[tilespmem:s11], [sflag:$0x2] =	stream.indirect.gather [hbm4b:s14+s10], $0x80, s16, s10, $0xb8;
	[tilespmem:$0x1D000] =	vst v63  }
0x134: {  	_ =	swait.ge [sflag:s20], $0x2000  }
0x135: {  	[sflag:s20] =	ssyncset.done $0x0  }
0x136: {  	[sflag:s20] =	ssyncadd.s32 $0xFFFFE000  }
0x137: {  	_ =	swait.ge [sflag:s18], $0x2000  }
0x138: {  	[sflag:s18] =	ssyncset.done $0x0  }
0x139: {  	s4 =	rddreg [dreg:$0xd];
	[sflag:s18] =	ssyncadd.s32 $0xFFFFE000  }
0x13a: {  	[spmem:s2] =	stream.indirect.scatter.add.f32 [tilespmem:s15], [sflag:$0x5], $0x80, s4, s10, $0xb8;
	[tilespmem:$0x1D000] =	vst v63  }
0x13b: {  	s16 =	rddreg [dreg:$0xe]  }
0x13c: {  	[tilespmem:s12], [sflag:$0x3] =	stream.indirect.gather [hbm4b:s14+s10], $0x80, s16, s10, $0xb8;
	[tilespmem:$0x1D000] =	vst v63  }
0x13d: {  	_ =	swait.ge [sflag:s13], $0x2000  }
0x13e: {  	[sflag:s13] =	ssyncset.done $0x0  }
0x13f: {  	[sflag:s13] =	ssyncadd.s32 $0xFFFFE000  }
0x140: {  	_ =	swait.ge [sflag:s18], $0x2000  }
0x141: {  	[sflag:s18] =	ssyncset.done $0x0  }
0x142: {  	s4 =	rddreg [dreg:$0xf];
	[sflag:s18] =	ssyncadd.s32 $0xFFFFE000  }
0x143: {  	[spmem:s2] =	stream.indirect.scatter.add.f32 [tilespmem:s7], [sflag:$0x5], $0x80, s4, s10, $0xb8;
	[tilespmem:$0x1D000] =	vst v63  }
0x144: {  	s16 =	rddreg [dreg:$0x10]  }
0x145: {  	[tilespmem:s15], [sflag:$0x4] =	stream.indirect.gather [hbm4b:s14+s10], $0x80, s16, s10, $0xb8;
	[tilespmem:$0x1D000] =	vst v63  }
0x146: {  	_ =	swait.ge [sflag:s17], $0x2000  }
0x147: {  	[sflag:s17] =	ssyncset.done $0x0  }
0x148: {  	[sflag:s17] =	ssyncadd.s32 $0xFFFFE000  }
0x149: {  	_ =	swait.ge [sflag:s18], $0x2000  }
0x14a: {  	[sflag:s18] =	ssyncset.done $0x0  }
0x14b: {  	s4 =	rddreg [dreg:$0x11];
	[sflag:s18] =	ssyncadd.s32 $0xFFFFE000  }
0x14c: {  	[spmem:s2] =	stream.indirect.scatter.add.f32 [tilespmem:s11], [sflag:$0x5], $0x80, s4, s10, $0xb8;
	[tilespmem:$0x1D000] =	vst v63  }
0x14d: {  	s16 =	rddreg [dreg:$0x12]  }
0x14e: {  	[tilespmem:s7], [sflag:$0x1] =	stream.indirect.gather [hbm4b:s14+s10], $0x80, s16, s10, $0xb8;
	[tilespmem:$0x1D000] =	vst v63  }
0x14f: {  	_ =	swait.ge [sflag:s19], $0x2000  }
0x150: {  	[sflag:s19] =	ssyncset.done $0x0  }
0x151: {  	[sflag:s19] =	ssyncadd.s32 $0xFFFFE000  }
0x152: {  	_ =	swait.ge [sflag:s18], $0x2000  }
0x153: {  	[sflag:s18] =	ssyncset.done $0x0  }
0x154: {  	s4 =	rddreg [dreg:$0x13];
	[sflag:s18] =	ssyncadd.s32 $0xFFFFE000  }
0x155: {  	[spmem:s2] =	stream.indirect.scatter.add.f32 [tilespmem:s12], [sflag:$0x5], $0x80, s4, s10, $0xb8;
	[tilespmem:$0x1D000] =	vst v63  }
0x156: {  	s16 =	rddreg [dreg:$0x14]  }
0x157: {  	[tilespmem:s11], [sflag:$0x2] =	stream.indirect.gather [hbm4b:s14+s10], $0x80, s16, s10, $0xb8;
	[tilespmem:$0x1D000] =	vst v63  }
0x158: {  	_ =	swait.ge [sflag:s20], $0x2000  }
0x159: {  	[sflag:s20] =	ssyncset.done $0x0  }
0x15a: {  	[sflag:s20] =	ssyncadd.s32 $0xFFFFE000  }
0x15b: {  	_ =	swait.ge [sflag:s18], $0x2000  }
0x15c: {  	[sflag:s18] =	ssyncset.done $0x0  }
0x15d: {  	s4 =	rddreg [dreg:$0x15];
	[sflag:s18] =	ssyncadd.s32 $0xFFFFE000  }
0x15e: {  	[spmem:s2] =	stream.indirect.scatter.add.f32 [tilespmem:s15], [sflag:$0x5], $0x80, s4, s10, $0xb8;
	[tilespmem:$0x1D000] =	vst v63  }
0x15f: {  	s16 =	rddreg [dreg:$0x16]  }
0x160: {  	[tilespmem:s12], [sflag:$0x3] =	stream.indirect.gather [hbm4b:s14+s10], $0x80, s16, s10, $0xb8;
	[tilespmem:$0x1D000] =	vst v63  }
0x161: {  	_ =	swait.ge [sflag:s13], $0x2000  }
0x162: {  	[sflag:s13] =	ssyncset.done $0x0  }
0x163: {  	[sflag:s13] =	ssyncadd.s32 $0xFFFFE000  }
0x164: {  	_ =	swait.ge [sflag:s18], $0x2000  }
0x165: {  	[sflag:s18] =	ssyncset.done $0x0  }
0x166: {  	s16 =	rddreg [dreg:$0x17];
	[sflag:s18] =	ssyncadd.s32 $0xFFFFE000  }
0x167: {  	[spmem:s2] =	stream.indirect.scatter.add.f32 [tilespmem:s7], [sflag:$0x5], $0x80, s16, s10, $0xb8;
	[tilespmem:$0x1D000] =	vst v63  }
0x168: {  	_ = 	snop  }
0x169: {  	[tilespmem:s15], [sflag:$0x4] =	stream.indirect.gather [hbm4b:s14+s10], $0x80, s21, s10, $0xb8;
	[tilespmem:$0x1D000] =	vst v63  }
0x16a: {  	_ =	swait.ge [sflag:s17], $0x2000  }
0x16b: {  	[sflag:s17] =	ssyncset.done $0x0  }
0x16c: {  	[sflag:s17] =	ssyncadd.s32 $0xFFFFE000  }
0x16d: {  	_ =	swait.ge [sflag:s18], $0x2000  }
0x16e: {  	[sflag:s18] =	ssyncset.done $0x0  }
0x16f: {  	[sflag:s18] =	ssyncadd.s32 $0xFFFFE000  }
0x170: {  	[spmem:s2] =	stream.indirect.scatter.add.f32 [tilespmem:s11], [sflag:$0x5], $0x80, s22, s10, $0xb8;
	[tilespmem:$0x1D000] =	vst v63  }
0x171: {  	_ = 	snop  }
0x172: {  	[tilespmem:s7], [sflag:$0x1] =	stream.indirect.gather [hbm4b:s14+s10], $0x80, s23, s10, $0xb8;
	[tilespmem:$0x1D000] =	vst v63  }
0x173: {  	_ =	swait.ge [sflag:s19], $0x2000  }
0x174: {  	[sflag:s19] =	ssyncset.done $0x0  }
0x175: {  	[sflag:s19] =	ssyncadd.s32 $0xFFFFE000  }
0x176: {  	_ =	swait.ge [sflag:s18], $0x2000  }
0x177: {  	[sflag:s18] =	ssyncset.done $0x0  }
0x178: {  	[sflag:s18] =	ssyncadd.s32 $0xFFFFE000  }
0x179: {  	[spmem:s2] =	stream.indirect.scatter.add.f32 [tilespmem:s12], [sflag:$0x5], $0x80, s24, s10, $0xb8;
	[tilespmem:$0x1D000] =	vst v63  }
0x17a: {  	_ = 	snop  }
0x17b: {  	[tilespmem:s11], [sflag:$0x2] =	stream.indirect.gather [hbm4b:s14+s10], $0x80, s25, s10, $0xb8;
	[tilespmem:$0x1D000] =	vst v63  }
0x17c: {  	_ =	swait.ge [sflag:s20], $0x2000  }
0x17d: {  	[sflag:s20] =	ssyncset.done $0x0  }
0x17e: {  	[sflag:s20] =	ssyncadd.s32 $0xFFFFE000  }
0x17f: {  	_ =	swait.ge [sflag:s18], $0x2000  }
0x180: {  	[sflag:s18] =	ssyncset.done $0x0  }
0x181: {  	[sflag:s18] =	ssyncadd.s32 $0xFFFFE000  }
0x182: {  	[spmem:s2] =	stream.indirect.scatter.add.f32 [tilespmem:s15], [sflag:$0x5], $0x80, s26, s10, $0xb8;
	[tilespmem:$0x1D000] =	vst v63  }
0x183: {  	_ = 	snop  }
0x184: {  	[tilespmem:s12], [sflag:$0x3] =	stream.indirect.gather [hbm4b:s14+s10], $0x80, s28, s10, $0xb8;
	[tilespmem:$0x1D000] =	vst v63  }
0x185: {  	_ =	swait.ge [sflag:s13], $0x2000  }
0x186: {  	[sflag:s13] =	ssyncset.done $0x0  }
0x187: {  	[sflag:s13] =	ssyncadd.s32 $0xFFFFE000  }
0x188: {  	_ =	swait.ge [sflag:s18], $0x2000  }
0x189: {  	[sflag:s18] =	ssyncset.done $0x0  }
0x18a: {  	[sflag:s18] =	ssyncadd.s32 $0xFFFFE000  }
0x18b: {  	[spmem:s2] =	stream.indirect.scatter.add.f32 [tilespmem:s7], [sflag:$0x5], $0x80, s29, s10, $0xb8;
	[tilespmem:$0x1D000] =	vst v63  }
0x18c: {  	_ = 	snop  }
0x18d: {  	[tilespmem:s15], [sflag:$0x4] =	stream.indirect.gather [hbm4b:s14+s10], $0x80, s30, s10, $0xb8;
	[tilespmem:$0x1D000] =	vst v63  }
0x18e: {  	_ =	swait.ge [sflag:s17], $0x2000  }
0x18f: {  	[sflag:s17] =	ssyncset.done $0x0  }
0x190: {  	[sflag:s17] =	ssyncadd.s32 $0xFFFFE000  }
0x191: {  	_ =	swait.ge [sflag:s18], $0x2000  }
0x192: {  	[sflag:s18] =	ssyncset.done $0x0  }
0x193: {  	[sflag:s18] =	ssyncadd.s32 $0xFFFFE000  }
0x194: {  	[spmem:s2] =	stream.indirect.scatter.add.f32 [tilespmem:s11], [sflag:$0x5], $0x80, s31, s10, $0xb8;
	[tilespmem:$0x1D000] =	vst v63  }
0x195: {  	_ =	swait.ge [sflag:s19], $0x2000  }
0x196: {  	[sflag:s19] =	ssyncset.done $0x0  }
0x197: {  	[sflag:s19] =	ssyncadd.s32 $0xFFFFE000  }
0x198: {  	_ =	swait.ge [sflag:s18], $0x2000  }
0x199: {  	[sflag:s18] =	ssyncset.done $0x0  }
0x19a: {  	[sflag:s18] =	ssyncadd.s32 $0xFFFFE000  }
0x19b: {  	[spmem:s2] =	stream.indirect.scatter.add.f32 [tilespmem:s12], [sflag:$0x5], $0x80, s1, s10, $0xb8;
	[tilespmem:$0x1D000] =	vst v63  }
0x19c: {  	_ =	swait.ge [sflag:s20], $0x2000  }
0x19d: {  	[sflag:s20] =	ssyncset.done $0x0  }
0x19e: {  	[sflag:s20] =	ssyncadd.s32 $0xFFFFE000  }
0x19f: {  	p0 =	sne.s32 s6, $0x900;
	_ =	swait.ge [sflag:s18], $0x2000  }
.Ltmp0:
0x1a0: {  	[sflag:s18] =	ssyncset.done $0x0;
	(pc) =	sbr.rel @p0 .LBB2_2-.Ltmp0, $4  }
0x1a1: {  	[sflag:s18] =	ssyncadd.s32 $0xFFFFE000  }
0x1a2: {  	[spmem:s2] =	stream.indirect.scatter.add.f32 [tilespmem:s15], [sflag:$0x5], $0x80, s0, s10, $0xb8;
	[tilespmem:$0x1D000] =	vst v63  }
0x1a3: {  	_ =	swait.ge [sflag:s18], $0x2000  }
0x1a4: {  	s6 =	sadd.s32 $0x100, s6;
	s16 =	rddreg [dreg:$0x5];
	[sflag:s18] =	ssyncset.done $0x0  }
0x1a5: {  	[sflag:s18] =	ssyncadd.s32 $0xFFFFE000;
	s4 =	sadd.s32 s5, s16  }
0x1a6: {  	[tilespmem:s3], [sflag:$0x6] =	stream.linear.gather [hbm4b:s4+s3], $0x800, $0x38;
	[tilespmem:$0x1D000] =	vst v63  }
0x1a7: {  	_ =	swait.ge [sflag:s8], $0x800  }
0x1a8: {  	s16 =	rddreg [dreg:$0x4];
	[sflag:s8] =	ssyncset.done $0x0  }
0x1a9: {  	[sflag:s8] =	ssyncadd.s32 $0xFFFFF800;
	s4 =	sadd.s32 s5, s16  }
0x1aa: {  	[tilespmem:s9], [sflag:$0x6] =	stream.linear.gather [hbm4b:s4+s3], $0x800, $0x38;
	[tilespmem:$0x1D000] =	vst v63  }
0x1ab: {  	_ =	swait.ge [sflag:s8], $0x800  }
0x1ac: {  	[sflag:s8] =	ssyncset.done $0x0  }
0x1ad: {  	[sflag:s8] =	ssyncadd.s32 $0xFFFFF800  }
0x1ae: {  	[tilespmem:s7], [sflag:$0x1] =	stream.indirect.gather [hbm4b:s14+s10], $0x80, s3, s10, $0xb8;
	[tilespmem:$0x1D000] =	vst v63  }
0x1af: {  	s6 =	rddreg [dreg:$0x6]  }
0x1b0: {  	[tilespmem:s11], [sflag:$0x2] =	stream.indirect.gather [hbm4b:s14+s10], $0x80, s6, s10, $0xb8;
	[tilespmem:$0x1D000] =	vst v63  }
0x1b1: {  	s16 =	rddreg [dreg:$0x7]  }
0x1b2: {  	[tilespmem:s12], [sflag:$0x3] =	stream.indirect.gather [hbm4b:s14+s10], $0x80, s16, s10, $0xb8;
	[tilespmem:$0x1D000] =	vst v63  }
0x1b3: {  	_ =	swait.ge [sflag:s13], $0x2000  }
0x1b4: {  	[sflag:s13] =	ssyncset.done $0x0  }
0x1b5: {  	[sflag:s13] =	ssyncadd.s32 $0xFFFFE000  }
0x1b6: {  	[spmem:s2] =	stream.indirect.scatter.add.f32 [tilespmem:s7], [sflag:$0x5], $0x80, s9, s10, $0xb8;
	[tilespmem:$0x1D000] =	vst v63  }
0x1b7: {  	s5 =	rddreg [dreg:$0x8]  }
0x1b8: {  	[tilespmem:s15], [sflag:$0x4] =	stream.indirect.gather [hbm4b:s14+s10], $0x80, s5, s10, $0xb8;
	[tilespmem:$0x1D000] =	vst v63  }
0x1b9: {  	_ =	swait.ge [sflag:s17], $0x2000  }
0x1ba: {  	[sflag:s17] =	ssyncset.done $0x0  }
0x1bb: {  	[sflag:s17] =	ssyncadd.s32 $0xFFFFE000  }
0x1bc: {  	_ =	swait.ge [sflag:s18], $0x2000  }
0x1bd: {  	[sflag:s18] =	ssyncset.done $0x0  }
0x1be: {  	s6 =	rddreg [dreg:$0x9];
	[sflag:s18] =	ssyncadd.s32 $0xFFFFE000  }
0x1bf: {  	[spmem:s2] =	stream.indirect.scatter.add.f32 [tilespmem:s11], [sflag:$0x5], $0x80, s6, s10, $0xb8;
	[tilespmem:$0x1D000] =	vst v63  }
0x1c0: {  	s16 =	rddreg [dreg:$0xa]  }
0x1c1: {  	[tilespmem:s7], [sflag:$0x1] =	stream.indirect.gather [hbm4b:s14+s10], $0x80, s16, s10, $0xb8;
	[tilespmem:$0x1D000] =	vst v63  }
0x1c2: {  	_ =	swait.ge [sflag:s19], $0x2000  }
0x1c3: {  	[sflag:s19] =	ssyncset.done $0x0  }
0x1c4: {  	[sflag:s19] =	ssyncadd.s32 $0xFFFFE000  }
0x1c5: {  	_ =	swait.ge [sflag:s18], $0x2000  }
0x1c6: {  	[sflag:s18] =	ssyncset.done $0x0  }
0x1c7: {  	s6 =	rddreg [dreg:$0xb];
	[sflag:s18] =	ssyncadd.s32 $0xFFFFE000  }
0x1c8: {  	[spmem:s2] =	stream.indirect.scatter.add.f32 [tilespmem:s12], [sflag:$0x5], $0x80, s6, s10, $0xb8;
	[tilespmem:$0x1D000] =	vst v63  }
0x1c9: {  	s16 =	rddreg [dreg:$0xc]  }
0x1ca: {  	[tilespmem:s11], [sflag:$0x2] =	stream.indirect.gather [hbm4b:s14+s10], $0x80, s16, s10, $0xb8;
	[tilespmem:$0x1D000] =	vst v63  }
0x1cb: {  	_ =	swait.ge [sflag:s20], $0x2000  }
0x1cc: {  	[sflag:s20] =	ssyncset.done $0x0  }
0x1cd: {  	[sflag:s20] =	ssyncadd.s32 $0xFFFFE000  }
0x1ce: {  	_ =	swait.ge [sflag:s18], $0x2000  }
0x1cf: {  	[sflag:s18] =	ssyncset.done $0x0  }
0x1d0: {  	s6 =	rddreg [dreg:$0xd];
	[sflag:s18] =	ssyncadd.s32 $0xFFFFE000  }
0x1d1: {  	[spmem:s2] =	stream.indirect.scatter.add.f32 [tilespmem:s15], [sflag:$0x5], $0x80, s6, s10, $0xb8;
	[tilespmem:$0x1D000] =	vst v63  }
0x1d2: {  	s16 =	rddreg [dreg:$0xe]  }
0x1d3: {  	[tilespmem:s12], [sflag:$0x3] =	stream.indirect.gather [hbm4b:s14+s10], $0x80, s16, s10, $0xb8;
	[tilespmem:$0x1D000] =	vst v63  }
0x1d4: {  	_ =	swait.ge [sflag:s13], $0x2000  }
0x1d5: {  	[sflag:s13] =	ssyncset.done $0x0  }
0x1d6: {  	[sflag:s13] =	ssyncadd.s32 $0xFFFFE000  }
0x1d7: {  	_ =	swait.ge [sflag:s18], $0x2000  }
0x1d8: {  	[sflag:s18] =	ssyncset.done $0x0  }
0x1d9: {  	s6 =	rddreg [dreg:$0xf];
	[sflag:s18] =	ssyncadd.s32 $0xFFFFE000  }
0x1da: {  	[spmem:s2] =	stream.indirect.scatter.add.f32 [tilespmem:s7], [sflag:$0x5], $0x80, s6, s10, $0xb8;
	[tilespmem:$0x1D000] =	vst v63  }
0x1db: {  	s16 =	rddreg [dreg:$0x10]  }
0x1dc: {  	[tilespmem:s15], [sflag:$0x4] =	stream.indirect.gather [hbm4b:s14+s10], $0x80, s16, s10, $0xb8;
	[tilespmem:$0x1D000] =	vst v63  }
0x1dd: {  	_ =	swait.ge [sflag:s17], $0x2000  }
0x1de: {  	[sflag:s17] =	ssyncset.done $0x0  }
0x1df: {  	[sflag:s17] =	ssyncadd.s32 $0xFFFFE000  }
0x1e0: {  	_ =	swait.ge [sflag:s18], $0x2000  }
0x1e1: {  	[sflag:s18] =	ssyncset.done $0x0  }
0x1e2: {  	s6 =	rddreg [dreg:$0x11];
	[sflag:s18] =	ssyncadd.s32 $0xFFFFE000  }
0x1e3: {  	[spmem:s2] =	stream.indirect.scatter.add.f32 [tilespmem:s11], [sflag:$0x5], $0x80, s6, s10, $0xb8;
	[tilespmem:$0x1D000] =	vst v63  }
0x1e4: {  	s16 =	rddreg [dreg:$0x12]  }
0x1e5: {  	[tilespmem:s7], [sflag:$0x1] =	stream.indirect.gather [hbm4b:s14+s10], $0x80, s16, s10, $0xb8;
	[tilespmem:$0x1D000] =	vst v63  }
0x1e6: {  	_ =	swait.ge [sflag:s19], $0x2000  }
0x1e7: {  	[sflag:s19] =	ssyncset.done $0x0  }
0x1e8: {  	[sflag:s19] =	ssyncadd.s32 $0xFFFFE000  }
0x1e9: {  	_ =	swait.ge [sflag:s18], $0x2000  }
0x1ea: {  	[sflag:s18] =	ssyncset.done $0x0  }
0x1eb: {  	s6 =	rddreg [dreg:$0x13];
	[sflag:s18] =	ssyncadd.s32 $0xFFFFE000  }
0x1ec: {  	[spmem:s2] =	stream.indirect.scatter.add.f32 [tilespmem:s12], [sflag:$0x5], $0x80, s6, s10, $0xb8;
	[tilespmem:$0x1D000] =	vst v63  }
0x1ed: {  	s16 =	rddreg [dreg:$0x14]  }
0x1ee: {  	[tilespmem:s11], [sflag:$0x2] =	stream.indirect.gather [hbm4b:s14+s10], $0x80, s16, s10, $0xb8;
	[tilespmem:$0x1D000] =	vst v63  }
0x1ef: {  	_ =	swait.ge [sflag:s20], $0x2000  }
0x1f0: {  	[sflag:s20] =	ssyncset.done $0x0  }
0x1f1: {  	[sflag:s20] =	ssyncadd.s32 $0xFFFFE000  }
0x1f2: {  	_ =	swait.ge [sflag:s18], $0x2000  }
0x1f3: {  	[sflag:s18] =	ssyncset.done $0x0  }
0x1f4: {  	s6 =	rddreg [dreg:$0x15];
	[sflag:s18] =	ssyncadd.s32 $0xFFFFE000  }
0x1f5: {  	[spmem:s2] =	stream.indirect.scatter.add.f32 [tilespmem:s15], [sflag:$0x5], $0x80, s6, s10, $0xb8;
	[tilespmem:$0x1D000] =	vst v63  }
0x1f6: {  	s16 =	rddreg [dreg:$0x16]  }
0x1f7: {  	[tilespmem:s12], [sflag:$0x3] =	stream.indirect.gather [hbm4b:s14+s10], $0x80, s16, s10, $0xb8;
	[tilespmem:$0x1D000] =	vst v63  }
0x1f8: {  	_ =	swait.ge [sflag:s13], $0x2000  }
0x1f9: {  	[sflag:s13] =	ssyncset.done $0x0  }
0x1fa: {  	[sflag:s13] =	ssyncadd.s32 $0xFFFFE000  }
0x1fb: {  	_ =	swait.ge [sflag:s18], $0x2000  }
0x1fc: {  	[sflag:s18] =	ssyncset.done $0x0  }
0x1fd: {  	s6 =	rddreg [dreg:$0x17];
	[sflag:s18] =	ssyncadd.s32 $0xFFFFE000  }
0x1fe: {  	[spmem:s2] =	stream.indirect.scatter.add.f32 [tilespmem:s7], [sflag:$0x5], $0x80, s6, s10, $0xb8;
	[tilespmem:$0x1D000] =	vst v63  }
0x1ff: {  	_ = 	snop  }
0x200: {  	[tilespmem:s15], [sflag:$0x4] =	stream.indirect.gather [hbm4b:s14+s10], $0x80, s21, s10, $0xb8;
	[tilespmem:$0x1D000] =	vst v63  }
0x201: {  	_ =	swait.ge [sflag:s17], $0x2000  }
0x202: {  	[sflag:s17] =	ssyncset.done $0x0  }
0x203: {  	[sflag:s17] =	ssyncadd.s32 $0xFFFFE000  }
0x204: {  	_ =	swait.ge [sflag:s18], $0x2000  }
0x205: {  	[sflag:s18] =	ssyncset.done $0x0  }
0x206: {  	[sflag:s18] =	ssyncadd.s32 $0xFFFFE000  }
0x207: {  	[spmem:s2] =	stream.indirect.scatter.add.f32 [tilespmem:s11], [sflag:$0x5], $0x80, s22, s10, $0xb8;
	[tilespmem:$0x1D000] =	vst v63  }
0x208: {  	_ = 	snop  }
0x209: {  	[tilespmem:s7], [sflag:$0x1] =	stream.indirect.gather [hbm4b:s14+s10], $0x80, s23, s10, $0xb8;
	[tilespmem:$0x1D000] =	vst v63  }
0x20a: {  	_ =	swait.ge [sflag:s19], $0x2000  }
0x20b: {  	[sflag:s19] =	ssyncset.done $0x0  }
0x20c: {  	[sflag:s19] =	ssyncadd.s32 $0xFFFFE000  }
0x20d: {  	_ =	swait.ge [sflag:s18], $0x2000  }
0x20e: {  	[sflag:s18] =	ssyncset.done $0x0  }
0x20f: {  	[sflag:s18] =	ssyncadd.s32 $0xFFFFE000  }
0x210: {  	[spmem:s2] =	stream.indirect.scatter.add.f32 [tilespmem:s12], [sflag:$0x5], $0x80, s24, s10, $0xb8;
	[tilespmem:$0x1D000] =	vst v63  }
0x211: {  	_ = 	snop  }
0x212: {  	[tilespmem:s11], [sflag:$0x2] =	stream.indirect.gather [hbm4b:s14+s10], $0x80, s25, s10, $0xb8;
	[tilespmem:$0x1D000] =	vst v63  }
0x213: {  	_ =	swait.ge [sflag:s20], $0x2000  }
0x214: {  	[sflag:s20] =	ssyncset.done $0x0  }
0x215: {  	[sflag:s20] =	ssyncadd.s32 $0xFFFFE000  }
0x216: {  	_ =	swait.ge [sflag:s18], $0x2000  }
0x217: {  	[sflag:s18] =	ssyncset.done $0x0  }
0x218: {  	[sflag:s18] =	ssyncadd.s32 $0xFFFFE000  }
0x219: {  	[spmem:s2] =	stream.indirect.scatter.add.f32 [tilespmem:s15], [sflag:$0x5], $0x80, s26, s10, $0xb8;
	[tilespmem:$0x1D000] =	vst v63  }
0x21a: {  	_ = 	snop  }
0x21b: {  	[tilespmem:s12], [sflag:$0x3] =	stream.indirect.gather [hbm4b:s14+s10], $0x80, s28, s10, $0xb8;
	[tilespmem:$0x1D000] =	vst v63  }
0x21c: {  	_ =	swait.ge [sflag:s13], $0x2000  }
0x21d: {  	[sflag:s13] =	ssyncset.done $0x0  }
0x21e: {  	[sflag:s13] =	ssyncadd.s32 $0xFFFFE000  }
0x21f: {  	_ =	swait.ge [sflag:s18], $0x2000  }
0x220: {  	[sflag:s18] =	ssyncset.done $0x0  }
0x221: {  	[sflag:s18] =	ssyncadd.s32 $0xFFFFE000  }
0x222: {  	[spmem:s2] =	stream.indirect.scatter.add.f32 [tilespmem:s7], [sflag:$0x5], $0x80, s29, s10, $0xb8;
	[tilespmem:$0x1D000] =	vst v63  }
0x223: {  	_ = 	snop  }
0x224: {  	[tilespmem:s15], [sflag:$0x4] =	stream.indirect.gather [hbm4b:s14+s10], $0x80, s30, s10, $0xb8;
	[tilespmem:$0x1D000] =	vst v63  }
0x225: {  	_ =	swait.ge [sflag:s17], $0x2000  }
0x226: {  	[sflag:s17] =	ssyncset.done $0x0  }
0x227: {  	[sflag:s17] =	ssyncadd.s32 $0xFFFFE000  }
0x228: {  	_ =	swait.ge [sflag:s18], $0x2000  }
0x229: {  	[sflag:s18] =	ssyncset.done $0x0  }
0x22a: {  	[sflag:s18] =	ssyncadd.s32 $0xFFFFE000  }
0x22b: {  	[spmem:s2] =	stream.indirect.scatter.add.f32 [tilespmem:s11], [sflag:$0x5], $0x80, s31, s10, $0xb8;
	[tilespmem:$0x1D000] =	vst v63  }
0x22c: {  	_ =	swait.ge [sflag:s19], $0x2000  }
0x22d: {  	[sflag:s19] =	ssyncset.done $0x0  }
0x22e: {  	[sflag:s19] =	ssyncadd.s32 $0xFFFFE000  }
0x22f: {  	_ =	swait.ge [sflag:s18], $0x2000  }
0x230: {  	[sflag:s18] =	ssyncset.done $0x0  }
0x231: {  	[sflag:s18] =	ssyncadd.s32 $0xFFFFE000  }
0x232: {  	[spmem:s2] =	stream.indirect.scatter.add.f32 [tilespmem:s12], [sflag:$0x5], $0x80, s1, s10, $0xb8;
	[tilespmem:$0x1D000] =	vst v63  }
0x233: {  	_ =	swait.ge [sflag:s20], $0x2000  }
0x234: {  	[sflag:s20] =	ssyncset.done $0x0  }
0x235: {  	[sflag:s20] =	ssyncadd.s32 $0xFFFFE000  }
0x236: {  	_ =	swait.ge [sflag:s18], $0x2000  }
0x237: {  	[sflag:s18] =	ssyncset.done $0x0  }
0x238: {  	[sflag:s18] =	ssyncadd.s32 $0xFFFFE000  }
0x239: {  	[spmem:s2] =	stream.indirect.scatter.add.f32 [tilespmem:s15], [sflag:$0x5], $0x80, s0, s10, $0xb8;
	[tilespmem:$0x1D000] =	vst v63  }
0x23a: {  	_ =	swait.ge [sflag:s18], $0x2000  }
0x23b: {  	[sflag:s18] =	ssyncset.done $0x0  }
0x23c: {  	[sflag:s18] =	ssyncadd.s32 $0xFFFFE000  }
0x23d: {  	[bflag:$0x0] =	sbarrier.arrive $0xFFFF  }
0x23e: {  	s6 =	sld [smem:$0x7FD];
	_ =	sdelay $0x2  }
0x23f: {  	[tilespmem:s7], [sflag:$0x6] =	stream.linear.gather [spmem:s6], $0x2000, $0x38;
	[tilespmem:$0x1D000] =	vst v63  }
0x240: {  	_ =	swait.ge [sflag:s8], $0x2000  }
0x241: {  	[sflag:s8] =	ssyncset.done $0x0  }
0x242: {  	s16 =	rddreg [dreg:$0x18];
	[sflag:s8] =	ssyncadd.s32 $0xFFFFE000  }
0x243: {  	[hbm4b:s16+s3] =	stream.linear.scatter [tilespmem:s7], [sflag:$0x6], $0x2000, $0x38;
	[tilespmem:$0x1D000] =	vst v63  }
0x244: {  	_ =	swait.ge [sflag:s8], $0x2000  }
0x245: {  	s5 =	sld [smem:$0x7EB]  }
0x246: {  	[sflag:s8] =	ssyncset.done $0x0  }
0x247: {  	[sflag:s8] =	ssyncadd.s32 $0xFFFFE000  }
0x248: {  	[tilespmem:s7], [sflag:$0x6] =	stream.linear.gather [spmem:s5], $0x2000, $0x38;
	[tilespmem:$0x1D000] =	vst v63  }
0x249: {  	_ =	swait.ge [sflag:s8], $0x2000  }
0x24a: {  	[sflag:s8] =	ssyncset.done $0x0  }
0x24b: {  	s16 =	rddreg [dreg:$0x19];
	[sflag:s8] =	ssyncadd.s32 $0xFFFFE000  }
0x24c: {  	[hbm4b:s16+s3] =	stream.linear.scatter [tilespmem:s7], [sflag:$0x6], $0x2000, $0x38;
	[tilespmem:$0x1D000] =	vst v63  }
0x24d: {  	_ =	swait.ge [sflag:s8], $0x2000  }
0x24e: {  	s5 =	sld [smem:$0x7EC]  }
0x24f: {  	[sflag:s8] =	ssyncset.done $0x0  }
0x250: {  	[sflag:s8] =	ssyncadd.s32 $0xFFFFE000  }
0x251: {  	[tilespmem:s7], [sflag:$0x6] =	stream.linear.gather [spmem:s5], $0x2000, $0x38;
	[tilespmem:$0x1D000] =	vst v63  }
0x252: {  	_ =	swait.ge [sflag:s8], $0x2000  }
0x253: {  	[sflag:s8] =	ssyncset.done $0x0  }
0x254: {  	s16 =	rddreg [dreg:$0x1a];
	[sflag:s8] =	ssyncadd.s32 $0xFFFFE000  }
0x255: {  	[hbm4b:s16+s3] =	stream.linear.scatter [tilespmem:s7], [sflag:$0x6], $0x2000, $0x38;
	[tilespmem:$0x1D000] =	vst v63  }
0x256: {  	_ =	swait.ge [sflag:s8], $0x2000  }
0x257: {  	s5 =	sld [smem:$0x7ED]  }
0x258: {  	[sflag:s8] =	ssyncset.done $0x0  }
0x259: {  	[sflag:s8] =	ssyncadd.s32 $0xFFFFE000  }
0x25a: {  	[tilespmem:s7], [sflag:$0x6] =	stream.linear.gather [spmem:s5], $0x2000, $0x38;
	[tilespmem:$0x1D000] =	vst v63  }
0x25b: {  	_ =	swait.ge [sflag:s8], $0x2000  }
0x25c: {  	[sflag:s8] =	ssyncset.done $0x0  }
0x25d: {  	s16 =	rddreg [dreg:$0x1b];
	[sflag:s8] =	ssyncadd.s32 $0xFFFFE000  }
0x25e: {  	[hbm4b:s16+s3] =	stream.linear.scatter [tilespmem:s7], [sflag:$0x6], $0x2000, $0x38;
	[tilespmem:$0x1D000] =	vst v63  }
0x25f: {  	_ =	swait.ge [sflag:s8], $0x2000  }
0x260: {  	s5 =	sld [smem:$0x7EE]  }
0x261: {  	[sflag:s8] =	ssyncset.done $0x0  }
0x262: {  	[sflag:s8] =	ssyncadd.s32 $0xFFFFE000  }
0x263: {  	[tilespmem:s7], [sflag:$0x6] =	stream.linear.gather [spmem:s5], $0x2000, $0x38;
	[tilespmem:$0x1D000] =	vst v63  }
0x264: {  	_ =	swait.ge [sflag:s8], $0x2000  }
0x265: {  	[sflag:s8] =	ssyncset.done $0x0  }
0x266: {  	s16 =	rddreg [dreg:$0x1c];
	[sflag:s8] =	ssyncadd.s32 $0xFFFFE000  }
0x267: {  	[hbm4b:s16+s3] =	stream.linear.scatter [tilespmem:s7], [sflag:$0x6], $0x2000, $0x38;
	[tilespmem:$0x1D000] =	vst v63  }
0x268: {  	_ =	swait.ge [sflag:s8], $0x2000  }
0x269: {  	s5 =	sld [smem:$0x7EF]  }
0x26a: {  	[sflag:s8] =	ssyncset.done $0x0  }
0x26b: {  	[sflag:s8] =	ssyncadd.s32 $0xFFFFE000  }
0x26c: {  	[tilespmem:s7], [sflag:$0x6] =	stream.linear.gather [spmem:s5], $0x2000, $0x38;
	[tilespmem:$0x1D000] =	vst v63  }
0x26d: {  	_ =	swait.ge [sflag:s8], $0x2000  }
0x26e: {  	[sflag:s8] =	ssyncset.done $0x0  }
0x26f: {  	s16 =	rddreg [dreg:$0x1d];
	[sflag:s8] =	ssyncadd.s32 $0xFFFFE000  }
0x270: {  	[hbm4b:s16+s3] =	stream.linear.scatter [tilespmem:s7], [sflag:$0x6], $0x2000, $0x38;
	[tilespmem:$0x1D000] =	vst v63  }
0x271: {  	_ =	swait.ge [sflag:s8], $0x2000  }
0x272: {  	s5 =	sld [smem:$0x7F0]  }
0x273: {  	[sflag:s8] =	ssyncset.done $0x0  }
0x274: {  	[sflag:s8] =	ssyncadd.s32 $0xFFFFE000  }
0x275: {  	[tilespmem:s7], [sflag:$0x6] =	stream.linear.gather [spmem:s5], $0x2000, $0x38;
	[tilespmem:$0x1D000] =	vst v63  }
0x276: {  	_ =	swait.ge [sflag:s8], $0x2000  }
0x277: {  	[sflag:s8] =	ssyncset.done $0x0  }
0x278: {  	s16 =	rddreg [dreg:$0x1e];
	[sflag:s8] =	ssyncadd.s32 $0xFFFFE000  }
0x279: {  	[hbm4b:s16+s3] =	stream.linear.scatter [tilespmem:s7], [sflag:$0x6], $0x2000, $0x38;
	[tilespmem:$0x1D000] =	vst v63  }
0x27a: {  	_ =	swait.ge [sflag:s8], $0x2000  }
0x27b: {  	s5 =	sld [smem:$0x7F1]  }
0x27c: {  	[sflag:s8] =	ssyncset.done $0x0  }
0x27d: {  	[sflag:s8] =	ssyncadd.s32 $0xFFFFE000  }
0x27e: {  	[tilespmem:s7], [sflag:$0x6] =	stream.linear.gather [spmem:s5], $0x2000, $0x38;
	[tilespmem:$0x1D000] =	vst v63  }
0x27f: {  	_ =	swait.ge [sflag:s8], $0x2000  }
0x280: {  	[sflag:s8] =	ssyncset.done $0x0  }
0x281: {  	s16 =	rddreg [dreg:$0x1f];
	[sflag:s8] =	ssyncadd.s32 $0xFFFFE000  }
0x282: {  	[hbm4b:s16+s3] =	stream.linear.scatter [tilespmem:s7], [sflag:$0x6], $0x2000, $0x38;
	[tilespmem:$0x1D000] =	vst v63  }
0x283: {  	_ =	swait.ge [sflag:s8], $0x2000  }
0x284: {  	s5 =	sld [smem:$0x7F2]  }
0x285: {  	[sflag:s8] =	ssyncset.done $0x0  }
0x286: {  	[sflag:s8] =	ssyncadd.s32 $0xFFFFE000  }
0x287: {  	[tilespmem:s7], [sflag:$0x6] =	stream.linear.gather [spmem:s5], $0x2000, $0x38;
	[tilespmem:$0x1D000] =	vst v63  }
0x288: {  	_ =	swait.ge [sflag:s8], $0x2000  }
0x289: {  	s16 =	sld [smem:$0x7E7]  }
0x28a: {  	[sflag:s8] =	ssyncset.done $0x0  }
0x28b: {  	[sflag:s8] =	ssyncadd.s32 $0xFFFFE000  }
0x28c: {  	[hbm4b:s16+s3] =	stream.linear.scatter [tilespmem:s7], [sflag:$0x6], $0x2000, $0x38;
	[tilespmem:$0x1D000] =	vst v63  }
0x28d: {  	_ =	swait.ge [sflag:s8], $0x2000  }
0x28e: {  	s5 =	sld [smem:$0x7F3]  }
0x28f: {  	[sflag:s8] =	ssyncset.done $0x0  }
0x290: {  	[sflag:s8] =	ssyncadd.s32 $0xFFFFE000  }
0x291: {  	[tilespmem:s7], [sflag:$0x6] =	stream.linear.gather [spmem:s5], $0x2000, $0x38;
	[tilespmem:$0x1D000] =	vst v63  }
0x292: {  	_ =	swait.ge [sflag:s8], $0x2000  }
0x293: {  	s16 =	sld [smem:$0x7E8]  }
0x294: {  	[sflag:s8] =	ssyncset.done $0x0  }
0x295: {  	[sflag:s8] =	ssyncadd.s32 $0xFFFFE000  }
0x296: {  	[hbm4b:s16+s3] =	stream.linear.scatter [tilespmem:s7], [sflag:$0x6], $0x2000, $0x38;
	[tilespmem:$0x1D000] =	vst v63  }
0x297: {  	_ =	swait.ge [sflag:s8], $0x2000  }
0x298: {  	s4 =	sld [smem:$0x7E6]  }
0x299: {  	s16 =	sld [smem:$0x7EA];
	_ =	sdelay $0x1  }
0x29a: {  	s5 =	sadd.s32 $0x1, s4  }
0x29b: {  	p0 =	sne.s32 s5, s16  }
.Ltmp1:
0x29c: {  	_ = 	snop;
	(pc) =	sbr.rel @p0 .LBB2_1-.Ltmp1, $3  }
0x29d: {  	_ =	sdelay $0x1  }
0x29e: {  	[sflag:s8] =	ssyncset.done $0x0  }
0x29f: {  	[sflag:s8] =	ssyncadd.s32 $0xFFFFE000  }
0x2a0: {  	_ =	sfence.sel $0x180000  }
0x2a1: {  	[bflag:$0x0] =	sbarrier.arrive $0xFFFF  }
0x2a2: {  	_ =	strace $0x90000047  }
0x2a3: {  	s0 =	stileid.u32;
	[bflag:$0x2] =	sbarrier.arrive $0xFFFF  }
0x2a4: {  	p0 =	sne.s32 s0, $0x0;
	s0 =	rddreg [dreg:$0x3]  }
0x2a5: {  	s0 =	sadd.s32 @!p0 $0x100000, s0  }
0x2a6: {  	[sflag:s0] =	ssyncadd.tile.s32 @!p0 $0x1;
	_ =	shalt  }
.Lfunc_end2:
_tile_overlayer_lowered:
.L_overlay_start_2:
0x2a7: {  	(tag) =	ssettag $0x2  }
0x2a8: {  	s0 =	rddreg [dreg:$0x0];
	s2 =	stileid.u32  }
0x2a9: {  	s1 =	rddreg [dreg:$0x1];
	p0 =	sne.s32 s2, $0x0  }
0x2aa: {  	s3 =	rddreg [dreg:$0x2];
	[bflag:$0x3] =	sbarrier.arrive $0xFFFF;
	s2 =	simm.s32 @!p0 $0x1C06  }
0x2ab: {  	[timem:s3], [sflag:s2] =	dma.local @!p0 [hbm:s0], s1  }
0x2ac: {  	s0 =	simm.s32 @!p0 $0x6  }
0x2ad: {  	_ =	swait.ge @!p0 [sflag:s0], s1  }
0x2ae: {  	s1 =	ssub.s32 @!p0 $0x0, s1;
	[sflag:s0] =	ssyncset.done @!p0 $0x0  }
0x2af: {  	[sflag:s0] =	ssyncadd.s32 @!p0 s1  }
0x2b0: {  	[bflag:$0x3] =	sbarrier.arrive $0xFFFF  }
0x2b1: {  	_ =	shalt  }

// kernel: kernel.14.cloned.1.call-start
scs
__scs_entry_jumppad:
0x0: {  	(pc) =	sbr.rel $0x88, $3  }
0x1: {  	(tag) =	ssettag $0x0;
	lr =	simm.s32 $0x1  }
0x2: {  	[smem:$0x3F9B] =	sst lr;
	_ =	strace $0xD0000000  }
0x3: {  	_ = 	snop  }
0x4: {  	_ = 	snop  }
0x5: {  	_ = 	snop  }
0x6: {  	_ = 	snop  }
0x7: {  	_ = 	snop  }
__scs_overlays_trampoline_lowered:
0x8: {  	[smem:$0x3FAA] =	sst s0  }
0x9: {  	[smem:$0x3FAB] =	sst s1  }
0xa: {  	[smem:$0x3FAC] =	sst s2  }
0xb: {  	[smem:$0x3FAD] =	sst s3  }
0xc: {  	[smem:$0x3FAE] =	sst s4  }
0xd: {  	[smem:$0x3FAF] =	sst s5  }
0xe: {  	[smem:$0x3FB0] =	sst s6  }
0xf: {  	[smem:$0x3FB1] =	sst s7  }
0x10: {  	[smem:$0x3FB2] =	sst s8  }
0x11: {  	[smem:$0x3FB3] =	sst s9;
	s0 =	simm.s32 @!p0 $0x0  }
0x12: {  	s1 =	sld [smem:$0x3F99];
	s0 =	simm.s32 @p0 $0x1  }
0x13: {  	[smem:$0x3FB4] =	sst s0;
	s0 =	simm.s32 @!p1 $0x0  }
0x14: {  	s2 =	sld [smem:$0x3F98];
	s0 =	simm.s32 @p1 $0x1  }
0x15: {  	[smem:$0x3FB5] =	sst s0;
	s0 =	simm.s32 @!p2 $0x0  }
0x16: {  	s3 =	sld [smem:$0x3FDB];
	s0 =	simm.s32 @p2 $0x1  }
0x17: {  	s4 =	simm.s32 $0x1BF5;
	[smem:$0x3FB7] =	sst s0  }
0x18: {  	s0 =	sld [smem:$0x3F9A];
	_ =	swait.ge [sflag:s4], $0x0  }
0x19: {  	s7 =	sld [smem:$0x3F9B]  }
0x1a: {  	s8 =	sadd.s32 $0xFFFFE003, lr  }
0x1b: {  	s9 =	sadd.s32 $0xFFFFFEF7, lr;
	s5 =	simm.s32 $0xFFFFFFFF;
	p2 =	slt.u32 s8, $0xFFFFF086  }
0x1c: {  	p1 =	slt.u32 s9, $0xF7A;
	s5 =	simm.s32 @!p2 $0x0  }
0x1d: {  	s5 =	simm.s32 @p1 $0x1;
	p0 =	seq.s32 s7, s2  }
0x1e: {  	s7 =	smul.u32 @!p0 $0xF7A, s2;
	p2 =	seq.s32 @!p0 s5, $0x0  }
0x1f: {  	s9 =	smul.u32 $0xF7A, s1;
	s8 =	simm.s32 @!p0 $0x1BF5;
	p2 =	por !p2, p0  }
0x20: {  	[sflag:s8] =	ssyncset.s32 @!p0 $0xFFFFF086;
	s6 =	sadd.s32 @!p0 s3, s7;
	s7 =	simm.s32 @!p0 $0x108  }
0x21: {  	s3 =	sadd.s32 s3, s9;
	s6 =	sadd.s32 @!p0 $0x88, s6;
	s7 =	simm.s32 @p2 $0x1082  }
0x22: {  	[simem:s7], [sflag:s8] =	dma.local @!p0 [hbm:s6], $0xF7A  }
0x23: {  	s9 =	sor.u32 $0xD0000000, s2;
	s6 =	simm.s32 $0x108;
	_ =	swait.ge @!p0 [sflag:s8], $0x0  }
0x24: {  	s3 =	sadd.s32 $0x88, s3;
	s6 =	simm.s32 @!p1 $0x1082;
	[sflag:s4] =	ssyncset.s32 $0xFFFFF086  }
0x25: {  	[simem:s6], [sflag:s4] =	dma.local [hbm:s3], $0xF7A  }
0x26: {  	[smem:$0x3F9B] =	sst s1;
	(tag) =	ssettag s2;
	_ =	strace s9  }
0x27: {  	s1 =	sld [smem:$0x3FAB]  }
0x28: {  	s2 =	sld [smem:$0x3FAC]  }
0x29: {  	s4 =	sld [smem:$0x3FAE]  }
0x2a: {  	p0 =	seq.s32 s5, $0x0;
	s5 =	sld [smem:$0x3FAF]  }
0x2b: {  	s6 =	sld [smem:$0x3FB0]  }
0x2c: {  	s7 =	sld [smem:$0x3FB1]  }
0x2d: {  	s3 =	simm.s32 $0x108;
	s8 =	sld [smem:$0x3FB2]  }
0x2e: {  	s3 =	simm.s32 @!p0 $0x1082;
	s9 =	sld [smem:$0x3FB3]  }
0x2f: {  	lr =	sadd.s32 s0, s3;
	s0 =	sld [smem:$0x3FAA]  }
0x30: {  	s3 =	sld [smem:$0x3FAD]  }
0x31: {  	[smem:$0x3FB6] =	sst s10  }
0x32: {  	s10 =	sld [smem:$0x3FB4];
	_ =	sdelay $0x3  }
0x33: {  	p0 =	seq.s32 s10, $0x1;
	s10 =	sld [smem:$0x3FB6];
	_ =	sdelay $0x3  }
0x34: {  	[smem:$0x3FB6] =	sst s10  }
0x35: {  	s10 =	sld [smem:$0x3FB5];
	_ =	sdelay $0x3  }
0x36: {  	p1 =	seq.s32 s10, $0x1;
	s10 =	sld [smem:$0x3FB6];
	_ =	sdelay $0x3  }
0x37: {  	[smem:$0x3FB6] =	sst s10  }
0x38: {  	s10 =	sld [smem:$0x3FB7]  }
0x39: {  	_ = 	snop;
	(pc) =	sbr.ind lr, $3  }
0x3a: {  	_ = 	snop  }
0x3b: {  	_ = 	snop  }
0x3c: {  	p2 =	seq.s32 s10, $0x1;
	s10 =	sld [smem:$0x3FB6]  }
0x3d: {  	_ =	shalt  }
0x3e: {  	_ =	shalt  }
0x3f: {  	_ =	shalt  }
0x40: {  	_ =	shalt  }
0x41: {  	_ =	shalt  }
0x42: {  	_ =	shalt  }
0x43: {  	_ =	shalt  }
0x44: {  	_ =	shalt  }
0x45: {  	_ =	shalt  }
0x46: {  	_ =	shalt  }
0x47: {  	_ =	shalt  }
0x48: {  	_ =	shalt  }
0x49: {  	_ =	shalt  }
0x4a: {  	_ =	shalt  }
0x4b: {  	_ =	shalt  }
0x4c: {  	_ =	shalt  }
0x4d: {  	_ =	shalt  }
0x4e: {  	_ =	shalt  }
0x4f: {  	_ =	shalt  }
0x50: {  	_ =	shalt  }
0x51: {  	_ =	shalt  }
0x52: {  	_ =	shalt  }
0x53: {  	_ =	shalt  }
0x54: {  	_ =	shalt  }
0x55: {  	_ =	shalt  }
0x56: {  	_ =	shalt  }
0x57: {  	_ =	shalt  }
0x58: {  	_ =	shalt  }
0x59: {  	_ =	shalt  }
0x5a: {  	_ =	shalt  }
0x5b: {  	_ =	shalt  }
0x5c: {  	_ =	shalt  }
0x5d: {  	_ =	shalt  }
0x5e: {  	_ =	shalt  }
0x5f: {  	_ =	shalt  }
0x60: {  	_ =	shalt  }
0x61: {  	_ =	shalt  }
0x62: {  	_ =	shalt  }
0x63: {  	_ =	shalt  }
0x64: {  	_ =	shalt  }
0x65: {  	_ =	shalt  }
0x66: {  	_ =	shalt  }
0x67: {  	_ =	shalt  }
0x68: {  	_ =	shalt  }
0x69: {  	_ =	shalt  }
0x6a: {  	_ =	shalt  }
0x6b: {  	_ =	shalt  }
0x6c: {  	_ =	shalt  }
0x6d: {  	_ =	shalt  }
0x6e: {  	_ =	shalt  }
0x6f: {  	_ =	shalt  }
0x70: {  	_ =	shalt  }
0x71: {  	_ =	shalt  }
0x72: {  	_ =	shalt  }
0x73: {  	_ =	shalt  }
0x74: {  	_ =	shalt  }
0x75: {  	_ =	shalt  }
0x76: {  	_ =	shalt  }
0x77: {  	_ =	shalt  }
0x78: {  	_ =	shalt  }
0x79: {  	_ =	shalt  }
0x7a: {  	_ =	shalt  }
0x7b: {  	_ =	shalt  }
0x7c: {  	_ =	shalt  }
0x7d: {  	_ =	shalt  }
0x7e: {  	_ =	shalt  }
0x7f: {  	_ =	shalt  }
0x80: {  	_ =	shalt  }
0x81: {  	_ =	shalt  }
0x82: {  	_ =	shalt  }
0x83: {  	_ =	shalt  }
0x84: {  	_ =	shalt  }
0x85: {  	_ =	shalt  }
0x86: {  	_ =	shalt  }
0x87: {  	_ =	shalt  }
.Lfunc_end0:
.L_simem_size_0:
called_computation.2_lowered:
.L_overlay_start_0:
0x88: {  	s2 =	sld [smem:$0x3FD9]  }
0x89: {  	s3 =	sld [smem:$0x3FFE];
	_ =	sdelay $0x1  }
0x8a: {  	s1 =	srdreg.scid  }
0x8b: {  	s0 =	sand.u32 $0x1, s1  }
0x8c: {  	s17 =	sshll.u32 s0, $0xA;
	s2 =	sadd.s32 s3, s2  }
0x8d: {  	s2 =	sadd.s32 s2, s17  }
0x8e: {  	[smem:$0x3FC2] =	sst s2  }
0x8f: {  	_ = 	snop  }
0x90: {  	s2 =	sld [smem:$0x3FD0];
	(tm) =	ssettm $0x1  }
0x91: {  	s18 =	sld [smem:$0x3FFB];
	_ =	sdelay $0x3  }
0x92: {  	_ =	strace s18  }
0x93: {  	s3 =	sld [smem:$0x3FFC];
	_ =	sdelay $0x3  }
0x94: {  	_ =	strace s3  }
0x95: {  	s3 =	sld [smem:$0x3FFD];
	_ =	sdelay $0x3  }
0x96: {  	_ =	strace s3  }
0x97: {  	_ =	strace $0x8FFFFFFF  }
0x98: {  	s19 =	sld [smem:$0x3FDB];
	_ =	sdelay $0x1  }
0x99: {  	s4 =	simm.s32 $_scs_section_size  }
0x9a: {  	s5 =	simm.s32 $_size__tile_overlayer_lowered;
	s6 =	simm.s32 $_tile_overlayer_lowered  }
0x9b: {  	s22 =	simm.s32 $0x1BFF;
	s21 =	sshll.u32 s6, $0x1;
	s3 =	sadd.s32 s4, s19  }
0x9c: {  	s7 =	simm.s32 $0x0;
	s20 =	sshll.u32 s5, $0x1;
	s5 =	sadd.s32 s21, s3  }
0x9d: {  	[timem:s7], [sflag:s22] =	dma.local [hbm:s5], s20  }
0x9e: {  	_ =	swait.ge [sflag:s22], s20  }
0x9f: {  	s4 =	ssub.s32 $0x0, s20;
	[sflag:s22] =	ssyncset.done $0x0  }
0xa0: {  	[sflag:s22] =	ssyncadd.s32 s4;
	_ =	sdelay $0x1  }
0xa1: {  	s23 =	simm.s32 $0x1B8B  }
0xa2: {  	_ =	swait.ge [sflag:s23], $0x1  }
0xa3: {  	[sflag:s23] =	ssyncset.done $0x0  }
0xa4: {  	s25 =	simm.s32 $0x1B8E;
	s24 =	sld [smem:$0x3FFE];
	[sflag:s23] =	ssyncadd.s32 $0xFFFFFFFF  }
0xa5: {  	s26 =	simm.s32 $execute0_lowered;
	[smem:$0x3FD2] =	sst s25  }
0xa6: {  	s5 =	sshll.u32 s26, $0x1;
	_ =	strace $0x8000004C;
	[dreg:$0x1] =	wrdreg $0xFFFFFFFF  }
0xa7: {  	s28 =	simm.s32 $_size_execute0_lowered;
	s3 =	sadd.s32 s3, s5;
	[dreg:$0x0] =	wrdreg $0x0  }
0xa8: {  	s5 =	sshll.u32 s28, $0x1;
	[dreg:$0x2] =	wrdreg s3  }
0xa9: {  	[dreg:$0x3] =	wrdreg s5  }
0xaa: {  	[dreg:$0x4] =	wrdreg $0xC0  }
0xab: {  	_ =	task [dreg:s7], $0x5FFFF  }
0xac: {  	[dreg:$0x1] =	wrdreg $0xFFFFFFFF  }
0xad: {  	[dreg:$0x0] =	wrdreg $0x60  }
0xae: {  	[dreg:$0x2] =	wrdreg s24  }
0xaf: {  	[dreg:$0x3] =	wrdreg s2  }
0xb0: {  	[dreg:$0x4] =	wrdreg $0x90000  }
0xb1: {  	[dreg:$0x5] =	wrdreg $0x9  }
0xb2: {  	_ =	task.clear_ibuf [dreg:s7], $0x6FFFF;
	_ =	strace $0x9000004C  }
0xb3: {  	s29 =	simm.s32 $0x9;
	_ =	strace $0x8000004E  }
0xb4: {  	_ =	swait.ge [sflag:s29], $0x1  }
0xb5: {  	[sflag:s29] =	ssyncadd.s32 $0xFFFFFFFF  }
0xb6: {  	_ =	strace $0x9000004E  }
0xb7: {  	_ =	sfence  }
0xb8: {  	s30 =	sld [smem:$0x0];
	_ =	sdelay $0x2  }
0xb9: {  	s31 =	sshll.u32 s1, $0xD;
	s1 =	sshrl.u32 s1, $0x2  }
0xba: {  	s3 =	sand.u32 $0x4000, s31;
	s1 =	sadd.s32 s1, s30  }
0xbb: {  	s0 =	sor.u32 s3, s0;
	s1 =	sshll.u32 s1, $0x11  }
0xbc: {  	s0 =	sor.u32 s1, s0  }
0xbd: {  	s0 =	sadd.s32 $0x8F2B, s0  }
0xbe: {  	[sflag:s0] =	ssyncadd.remote.s32 $0x1  }
0xbf: {  	_ =	sfence.sel $0xFFFF  }
0xc0: {  	[dreg:$0x0] =	wrdreg $0xFFFFFFFF;
	(pc) =	sbr.abs _section_cstart, $3  }
0xc1: {  	[dreg:$0x1] =	wrdreg $0xFFFFFFFF  }
0xc2: {  	_ =	task.clear_ibuf [dreg:s7], $0x2FFFF;
	_ =	strace $0x9FFFFFFF  }
0xc3: {  	(tm) =	ssettm $0x7FFFFFFF  }
tec
execute0_lowered:
.L_overlay_start_1:
0x0: {  	(tag) =	ssettag $0x1  }
0x1: {  	s0 =	rddreg [dreg:$0x0]  }
0x2: {  	s10 =	rddreg [dreg:$0x1]  }
0x3: {  	s1 =	srdreg.scid;
	s2 =	rddreg [dreg:$0x2];
	s3 =	simm.s32 $0x0  }
0x4: {  	s17 =	stileid.u32;
	s14 =	simm.s32 $0x80;
	[smem:$0x7FF] =	sst s3  }
0x5: {  	s15 =	simm.s32 $0x100;
	_ =	strace $0x8000004D;
	[dreg:$0x6] =	wrdreg s14  }
0x6: {  	s18 =	simm.s32 $0x180;
	s19 =	simm.s32 $0x880;
	[dreg:$0x7] =	wrdreg s15  }
0x7: {  	s20 =	simm.s32 $0x200;
	s21 =	simm.s32 $0x900;
	[dreg:$0x8] =	wrdreg s18  }
0x8: {  	s28 =	simm.s32 $0x700;
	s4 =	smul.u32 $0xA000, s17;
	[dreg:$0x9] =	wrdreg s19  }
0x9: {  	s1 =	sand.u32 $0x1, s1;
	s9 =	smul.u32 $0x14000, s17;
	[dreg:$0xa] =	wrdreg s20  }
0xa: {  	s6 =	sadd.s32 $0x65E00, s0;
	[dreg:$0xb] =	wrdreg s21;
	s15 =	simm.s32 $0x380  }
0xb: {  	s5 =	smul.u32 $0x5000, s1;
	s18 =	simm.s32 $0x400;
	[dreg:$0x10] =	wrdreg s15  }
0xc: {  	s7 =	smul.u32 $0x140000, s1;
	s19 =	simm.s32 $0xB00;
	[dreg:$0x12] =	wrdreg s18  }
0xd: {  	s1 =	ssub.s32 $0x2, s1;
	s21 =	simm.s32 $0x480;
	[dreg:$0x13] =	wrdreg s19  }
0xe: {  	s22 =	sshrl.u32 s1, $0x1;
	s15 =	sadd.s32 $0xE000, s9;
	[dreg:$0x14] =	wrdreg s21  }
0xf: {  	s4 =	sadd.s32 s5, s4;
	s1 =	ssub.s32 s1, s22;
	s23 =	sadd.s32 s7, s9  }
0x10: {  	s5 =	sadd.s32 $0x4000, s9;
	s20 =	sadd.s32 s7, s15;
	s15 =	sadd.s32 s15, s2  }
0x11: {  	s8 =	sshrl.u32 s23, $0x3;
	s23 =	simm.s32 $0x280;
	[smem:$0x7F1] =	sst s15  }
0x12: {  	s11 =	sshrl.u32 s4, $0x3;
	s1 =	smax.u32 s1, $0x1;
	[dreg:$0xc] =	wrdreg s23  }
0x13: {  	s4 =	sor.u32 $0x2000, s9;
	s8 =	sadd.s32 s6, s8;
	[smem:$0x7EA] =	sst s1  }
0x14: {  	s25 =	sadd.s32 s7, s5;
	s10 =	sadd.s32 s11, s10;
	[dreg:$0x18] =	wrdreg s8  }
0x15: {  	s12 =	sadd.s32 s11, s0;
	s23 =	simm.s32 $0x500;
	[dreg:$0x5] =	wrdreg s10  }
0x16: {  	s13 =	sadd.s32 s7, s4;
	s4 =	sadd.s32 s4, s2;
	[dreg:$0x16] =	wrdreg s23  }
0x17: {  	s24 =	sshrl.u32 s13, $0x3;
	s12 =	sadd.s32 $0x1E00, s12;
	[smem:$0x7EB] =	sst s4  }
0x18: {  	s13 =	sshrl.u32 s25, $0x3;
	s25 =	simm.s32 $0x300;
	[dreg:$0x4] =	wrdreg s12  }
0x19: {  	s10 =	sadd.s32 $0x8000, s9;
	s8 =	sadd.s32 s6, s24;
	[dreg:$0xe] =	wrdreg s25  }
0x1a: {  	s13 =	sadd.s32 s6, s13;
	s16 =	sadd.s32 s7, s10;
	[dreg:$0x19] =	wrdreg s8  }
0x1b: {  	s24 =	simm.s32 $0x980;
	s25 =	simm.s32 $0xC00;
	[dreg:$0x1a] =	wrdreg s13  }
0x1c: {  	s8 =	sadd.s32 $0x6000, s9;
	s12 =	sshrl.u32 s16, $0x3;
	[dreg:$0xd] =	wrdreg s24  }
0x1d: {  	s16 =	simm.s32 $0xA80;
	[dreg:$0x17] =	wrdreg s25;
	s26 =	sadd.s32 s7, s8  }
0x1e: {  	s12 =	sadd.s32 s6, s12;
	[dreg:$0x11] =	wrdreg s16;
	s16 =	sadd.s32 $0x10000, s9  }
0x1f: {  	s8 =	sadd.s32 s8, s2;
	s13 =	sshrl.u32 s26, $0x3;
	[dreg:$0x1c] =	wrdreg s12  }
0x20: {  	s12 =	sadd.s32 $0xA000, s9;
	s26 =	simm.s32 $0xA00;
	[smem:$0x7ED] =	sst s8  }
0x21: {  	s24 =	sadd.s32 s7, s16;
	s16 =	sadd.s32 s16, s2;
	[dreg:$0xf] =	wrdreg s26  }
0x22: {  	s13 =	sadd.s32 s6, s13;
	s22 =	sadd.s32 s7, s12;
	[smem:$0x7F2] =	sst s16  }
0x23: {  	s11 =	sshrl.u32 s24, $0x3;
	s12 =	sadd.s32 s12, s2;
	[dreg:$0x1b] =	wrdreg s13  }
0x24: {  	s13 =	sshrl.u32 s22, $0x3;
	s22 =	simm.s32 $0xB80;
	[smem:$0x7EF] =	sst s12  }
0x25: {  	s17 =	smul.u32 $0x50000, s17;
	s11 =	sadd.s32 s6, s11;
	[dreg:$0x15] =	wrdreg s22  }
0x26: {  	s29 =	simm.s32 $0xE00;
	s13 =	sadd.s32 s6, s13;
	[smem:$0x7E7] =	sst s11  }
0x27: {  	s26 =	sshrl.u32 s17, $0x2;
	[dreg:$0x1d] =	wrdreg s13;
	s13 =	sadd.s32 $0xC000, s9  }
0x28: {  	s11 =	sadd.s32 s10, s2;
	s9 =	sadd.s32 $0x12000, s9;
	s14 =	sadd.s32 s7, s13  }
0x29: {  	[smem:$0x7EE] =	sst s11;
	s13 =	sadd.s32 s13, s2;
	s14 =	sshrl.u32 s14, $0x3  }
0x2a: {  	s7 =	sadd.s32 s7, s9;
	[smem:$0x7F0] =	sst s13;
	s14 =	sadd.s32 s6, s14  }
0x2b: {  	s17 =	sadd.s32 s9, s2;
	[dreg:$0x1e] =	wrdreg s14;
	s14 =	sshrl.u32 s20, $0x3  }
0x2c: {  	s7 =	sshrl.u32 s7, $0x3;
	[smem:$0x7F3] =	sst s17;
	s14 =	sadd.s32 s6, s14  }
0x2d: {  	s30 =	simm.s32 $0x780;
	s6 =	sadd.s32 s6, s7;
	[dreg:$0x1f] =	wrdreg s14  }
0x2e: {  	s31 =	simm.s32 $0xE80;
	s7 =	sadd.s32 s5, s2;
	[smem:$0x7E8] =	sst s6  }
0x2f: {  	s14 =	sadd.s32 $0x15E00, s0;
	s0 =	sadd.s32 $0x3DE00, s0;
	[smem:$0x7EC] =	sst s7  }
0x30: {  	s15 =	simm.s32 $0x7000;
	s6 =	sadd.s32 s26, s2;
	[smem:$0x7E9] =	sst s0  }
0x31: {  	s1 =	simm.s32 $0xF00;
	s18 =	sadd.s32 $0x2000, s6;
	[smem:$0x7FD] =	sst s6  }
0x32: {  	s8 =	simm.s32 $0x6;
	s19 =	sadd.s32 $0x4000, s6;
	[smem:$0x7F4] =	sst s18  }
0x33: {  	s12 =	simm.s32 $0x5000;
	s20 =	sadd.s32 $0x6000, s6;
	[smem:$0x7F5] =	sst s19  }
0x34: {  	s10 =	simm.s32 $0x40;
	s21 =	sadd.s32 $0x8000, s6;
	[smem:$0x7F6] =	sst s20  }
0x35: {  	s11 =	simm.s32 $0x3000;
	s22 =	sadd.s32 $0xA000, s6;
	[smem:$0x7F7] =	sst s21  }
0x36: {  	s9 =	simm.s32 $0x800;
	s23 =	sadd.s32 $0xC000, s6;
	[smem:$0x7F8] =	sst s22  }
0x37: {  	s13 =	simm.s32 $0x1;
	s24 =	sadd.s32 $0xE000, s6;
	[smem:$0x7F9] =	sst s23  }
0x38: {  	s17 =	simm.s32 $0x2;
	s25 =	sadd.s32 $0x10000, s6;
	[smem:$0x7FA] =	sst s24  }
0x39: {  	s5 =	simm.s32 $0x0;
	s26 =	sadd.s32 $0x12000, s6;
	[smem:$0x7FB] =	sst s25  }
0x3a: {  	s7 =	simm.s32 $0x1000;
	s0 =	simm.s32 $0xF80;
	[smem:$0x7FC] =	sst s26  }
0x3b: {  	s18 =	simm.s32 $0x5;
	s19 =	simm.s32 $0x3;
	s20 =	simm.s32 $0x4  }
0x3c: {  	s21 =	simm.s32 $0x580;
	s22 =	simm.s32 $0xC80;
	s23 =	simm.s32 $0x600  }
0x3d: {  	s24 =	simm.s32 $0xD00;
	s25 =	simm.s32 $0x680;
	s26 =	simm.s32 $0xD80  }
.LBB2_1:
0x3e: {  	s4 =	sld [smem:$0x7E9];
	_ =	sdelay $0x1  }
0x3f: {  	[smem:$0x7E6] =	sst s5  }
0x40: {  	[tilespmem:s7], [sflag:$0x6] =	stream.linear.gather [hbm4b:s4+s3], $0x2000, $0x38;
	[tilespmem:$0x1D000] =	vst v63  }
0x41: {  	_ =	swait.ge [sflag:s8], $0x2000  }
0x42: {  	[sflag:s8] =	ssyncset.done $0x0  }
0x43: {  	[sflag:s8] =	ssyncadd.s32 $0xFFFFE000  }
0x44: {  	[spmem:s6] =	stream.linear.scatter [tilespmem:s7], [sflag:$0x6], $0x2000, $0x38;
	[tilespmem:$0x1D000] =	vst v63  }
0x45: {  	_ =	swait.ge [sflag:s8], $0x2000  }
0x46: {  	s5 =	sld [smem:$0x7F4]  }
0x47: {  	[sflag:s8] =	ssyncset.done $0x0  }
0x48: {  	[sflag:s8] =	ssyncadd.s32 $0xFFFFE000  }
0x49: {  	[spmem:s5] =	stream.linear.scatter [tilespmem:s7], [sflag:$0x6], $0x2000, $0x38;
	[tilespmem:$0x1D000] =	vst v63  }
0x4a: {  	_ =	swait.ge [sflag:s8], $0x2000  }
0x4b: {  	s6 =	sld [smem:$0x7F5]  }
0x4c: {  	[sflag:s8] =	ssyncset.done $0x0  }
0x4d: {  	[sflag:s8] =	ssyncadd.s32 $0xFFFFE000  }
0x4e: {  	[spmem:s6] =	stream.linear.scatter [tilespmem:s7], [sflag:$0x6], $0x2000, $0x38;
	[tilespmem:$0x1D000] =	vst v63  }
0x4f: {  	_ =	swait.ge [sflag:s8], $0x2000  }
0x50: {  	s16 =	sld [smem:$0x7F6]  }
0x51: {  	[sflag:s8] =	ssyncset.done $0x0  }
0x52: {  	[sflag:s8] =	ssyncadd.s32 $0xFFFFE000  }
0x53: {  	[spmem:s16] =	stream.linear.scatter [tilespmem:s7], [sflag:$0x6], $0x2000, $0x38;
	[tilespmem:$0x1D000] =	vst v63  }
0x54: {  	_ =	swait.ge [sflag:s8], $0x2000  }
0x55: {  	s5 =	sld [smem:$0x7F7]  }
0x56: {  	[sflag:s8] =	ssyncset.done $0x0  }
0x57: {  	[sflag:s8] =	ssyncadd.s32 $0xFFFFE000  }
0x58: {  	[spmem:s5] =	stream.linear.scatter [tilespmem:s7], [sflag:$0x6], $0x2000, $0x38;
	[tilespmem:$0x1D000] =	vst v63  }
0x59: {  	_ =	swait.ge [sflag:s8], $0x2000  }
0x5a: {  	s6 =	sld [smem:$0x7F8]  }
0x5b: {  	[sflag:s8] =	ssyncset.done $0x0  }
0x5c: {  	[sflag:s8] =	ssyncadd.s32 $0xFFFFE000  }
0x5d: {  	[spmem:s6] =	stream.linear.scatter [tilespmem:s7], [sflag:$0x6], $0x2000, $0x38;
	[tilespmem:$0x1D000] =	vst v63  }
0x5e: {  	_ =	swait.ge [sflag:s8], $0x2000  }
0x5f: {  	s16 =	sld [smem:$0x7F9]  }
0x60: {  	[sflag:s8] =	ssyncset.done $0x0  }
0x61: {  	[sflag:s8] =	ssyncadd.s32 $0xFFFFE000  }
0x62: {  	[spmem:s16] =	stream.linear.scatter [tilespmem:s7], [sflag:$0x6], $0x2000, $0x38;
	[tilespmem:$0x1D000] =	vst v63  }
0x63: {  	_ =	swait.ge [sflag:s8], $0x2000  }
0x64: {  	s5 =	sld [smem:$0x7FA]  }
0x65: {  	[sflag:s8] =	ssyncset.done $0x0  }
0x66: {  	[sflag:s8] =	ssyncadd.s32 $0xFFFFE000  }
0x67: {  	[spmem:s5] =	stream.linear.scatter [tilespmem:s7], [sflag:$0x6], $0x2000, $0x38;
	[tilespmem:$0x1D000] =	vst v63  }
0x68: {  	_ =	swait.ge [sflag:s8], $0x2000  }
0x69: {  	s6 =	sld [smem:$0x7FB]  }
0x6a: {  	[sflag:s8] =	ssyncset.done $0x0  }
0x6b: {  	[sflag:s8] =	ssyncadd.s32 $0xFFFFE000  }
0x6c: {  	[spmem:s6] =	stream.linear.scatter [tilespmem:s7], [sflag:$0x6], $0x2000, $0x38;
	[tilespmem:$0x1D000] =	vst v63  }
0x6d: {  	_ =	swait.ge [sflag:s8], $0x2000  }
0x6e: {  	s16 =	sld [smem:$0x7FC]  }
0x6f: {  	[sflag:s8] =	ssyncset.done $0x0  }
0x70: {  	[sflag:s8] =	ssyncadd.s32 $0xFFFFE000  }
0x71: {  	[spmem:s16] =	stream.linear.scatter [tilespmem:s7], [sflag:$0x6], $0x2000, $0x38;
	[tilespmem:$0x1D000] =	vst v63  }
0x72: {  	_ =	swait.ge [sflag:s8], $0x2000  }
0x73: {  	[sflag:s8] =	ssyncset.done $0x0  }
0x74: {  	[sflag:s8] =	ssyncadd.s32 $0xFFFFE000  }
0x75: {  	[bflag:$0x0] =	sbarrier.arrive $0xFFFF  }
0x76: {  	s4 =	rddreg [dreg:$0x5]  }
0x77: {  	s5 =	sadd.s32 $0x0, s4  }
0x78: {  	[tilespmem:s3], [sflag:$0x6] =	stream.linear.gather [hbm4b:s5+s3], $0x800, $0x38;
	[tilespmem:$0x1D000] =	vst v63  }
0x79: {  	_ =	swait.ge [sflag:s8], $0x800  }
0x7a: {  	s6 =	rddreg [dreg:$0x4];
	[sflag:s8] =	ssyncset.done $0x0  }
0x7b: {  	[sflag:s8] =	ssyncadd.s32 $0xFFFFF800;
	s5 =	sadd.s32 $0x0, s6  }
0x7c: {  	[tilespmem:s9], [sflag:$0x6] =	stream.linear.gather [hbm4b:s5+s3], $0x800, $0x38;
	[tilespmem:$0x1D000] =	vst v63  }
0x7d: {  	_ =	swait.ge [sflag:s8], $0x800  }
0x7e: {  	[sflag:s8] =	ssyncset.done $0x0  }
0x7f: {  	[sflag:s8] =	ssyncadd.s32 $0xFFFFF800  }
0x80: {  	[tilespmem:s7], [sflag:$0x1] =	stream.indirect.gather [hbm4b:s14+s10], $0x80, s3, s10, $0xb8;
	[tilespmem:$0x1D000] =	vst v63  }
0x81: {  	s16 =	rddreg [dreg:$0x6]  }
0x82: {  	[tilespmem:s11], [sflag:$0x2] =	stream.indirect.gather [hbm4b:s14+s10], $0x80, s16, s10, $0xb8;
	[tilespmem:$0x1D000] =	vst v63  }
0x83: {  	s4 =	rddreg [dreg:$0x7]  }
0x84: {  	[tilespmem:s12], [sflag:$0x3] =	stream.indirect.gather [hbm4b:s14+s10], $0x80, s4, s10, $0xb8;
	[tilespmem:$0x1D000] =	vst v63  }
0x85: {  	_ =	swait.ge [sflag:s13], $0x2000  }
0x86: {  	[sflag:s13] =	ssyncset.done $0x0  }
0x87: {  	[sflag:s13] =	ssyncadd.s32 $0xFFFFE000  }
0x88: {  	[spmem:s2] =	stream.indirect.scatter.add.f32 [tilespmem:s7], [sflag:$0x5], $0x80, s9, s10, $0xb8;
	[tilespmem:$0x1D000] =	vst v63  }
0x89: {  	s6 =	rddreg [dreg:$0x8]  }
0x8a: {  	[tilespmem:s15], [sflag:$0x4] =	stream.indirect.gather [hbm4b:s14+s10], $0x80, s6, s10, $0xb8;
	[tilespmem:$0x1D000] =	vst v63  }
0x8b: {  	_ =	swait.ge [sflag:s17], $0x2000  }
0x8c: {  	[sflag:s17] =	ssyncset.done $0x0  }
0x8d: {  	[sflag:s17] =	ssyncadd.s32 $0xFFFFE000  }
0x8e: {  	_ =	swait.ge [sflag:s18], $0x2000  }
0x8f: {  	[sflag:s18] =	ssyncset.done $0x0  }
0x90: {  	s16 =	rddreg [dreg:$0x9];
	[sflag:s18] =	ssyncadd.s32 $0xFFFFE000  }
0x91: {  	[spmem:s2] =	stream.indirect.scatter.add.f32 [tilespmem:s11], [sflag:$0x5], $0x80, s16, s10, $0xb8;
	[tilespmem:$0x1D000] =	vst v63  }
0x92: {  	s4 =	rddreg [dreg:$0xa]  }
0x93: {  	[tilespmem:s7], [sflag:$0x1] =	stream.indirect.gather [hbm4b:s14+s10], $0x80, s4, s10, $0xb8;
	[tilespmem:$0x1D000] =	vst v63  }
0x94: {  	_ =	swait.ge [sflag:s19], $0x2000  }
0x95: {  	[sflag:s19] =	ssyncset.done $0x0  }
0x96: {  	[sflag:s19] =	ssyncadd.s32 $0xFFFFE000  }
0x97: {  	_ =	swait.ge [sflag:s18], $0x2000  }
0x98: {  	[sflag:s18] =	ssyncset.done $0x0  }
0x99: {  	s16 =	rddreg [dreg:$0xb];
	[sflag:s18] =	ssyncadd.s32 $0xFFFFE000  }
0x9a: {  	[spmem:s2] =	stream.indirect.scatter.add.f32 [tilespmem:s12], [sflag:$0x5], $0x80, s16, s10, $0xb8;
	[tilespmem:$0x1D000] =	vst v63  }
0x9b: {  	s4 =	rddreg [dreg:$0xc]  }
0x9c: {  	[tilespmem:s11], [sflag:$0x2] =	stream.indirect.gather [hbm4b:s14+s10], $0x80, s4, s10, $0xb8;
	[tilespmem:$0x1D000] =	vst v63  }
0x9d: {  	_ =	swait.ge [sflag:s20], $0x2000  }
0x9e: {  	[sflag:s20] =	ssyncset.done $0x0  }
0x9f: {  	[sflag:s20] =	ssyncadd.s32 $0xFFFFE000  }
0xa0: {  	_ =	swait.ge [sflag:s18], $0x2000  }
0xa1: {  	[sflag:s18] =	ssyncset.done $0x0  }
0xa2: {  	s16 =	rddreg [dreg:$0xd];
	[sflag:s18] =	ssyncadd.s32 $0xFFFFE000  }
0xa3: {  	[spmem:s2] =	stream.indirect.scatter.add.f32 [tilespmem:s15], [sflag:$0x5], $0x80, s16, s10, $0xb8;
	[tilespmem:$0x1D000] =	vst v63  }
0xa4: {  	s4 =	rddreg [dreg:$0xe]  }
0xa5: {  	[tilespmem:s12], [sflag:$0x3] =	stream.indirect.gather [hbm4b:s14+s10], $0x80, s4, s10, $0xb8;
	[tilespmem:$0x1D000] =	vst v63  }
0xa6: {  	_ =	swait.ge [sflag:s13], $0x2000  }
0xa7: {  	[sflag:s13] =	ssyncset.done $0x0  }
0xa8: {  	[sflag:s13] =	ssyncadd.s32 $0xFFFFE000  }
0xa9: {  	_ =	swait.ge [sflag:s18], $0x2000  }
0xaa: {  	[sflag:s18] =	ssyncset.done $0x0  }
0xab: {  	s16 =	rddreg [dreg:$0xf];
	[sflag:s18] =	ssyncadd.s32 $0xFFFFE000  }
0xac: {  	[spmem:s2] =	stream.indirect.scatter.add.f32 [tilespmem:s7], [sflag:$0x5], $0x80, s16, s10, $0xb8;
	[tilespmem:$0x1D000] =	vst v63  }
0xad: {  	s4 =	rddreg [dreg:$0x10]  }
0xae: {  	[tilespmem:s15], [sflag:$0x4] =	stream.indirect.gather [hbm4b:s14+s10], $0x80, s4, s10, $0xb8;
	[tilespmem:$0x1D000] =	vst v63  }
0xaf: {  	_ =	swait.ge [sflag:s17], $0x2000  }
0xb0: {  	[sflag:s17] =	ssyncset.done $0x0  }
0xb1: {  	[sflag:s17] =	ssyncadd.s32 $0xFFFFE000  }
0xb2: {  	_ =	swait.ge [sflag:s18], $0x2000  }
0xb3: {  	[sflag:s18] =	ssyncset.done $0x0  }
0xb4: {  	s16 =	rddreg [dreg:$0x11];
	[sflag:s18] =	ssyncadd.s32 $0xFFFFE000  }
0xb5: {  	[spmem:s2] =	stream.indirect.scatter.add.f32 [tilespmem:s11], [sflag:$0x5], $0x80, s16, s10, $0xb8;
	[tilespmem:$0x1D000] =	vst v63  }
0xb6: {  	s4 =	rddreg [dreg:$0x12]  }
0xb7: {  	[tilespmem:s7], [sflag:$0x1] =	stream.indirect.gather [hbm4b:s14+s10], $0x80, s4, s10, $0xb8;
	[tilespmem:$0x1D000] =	vst v63  }
0xb8: {  	_ =	swait.ge [sflag:s19], $0x2000  }
0xb9: {  	[sflag:s19] =	ssyncset.done $0x0  }
0xba: {  	[sflag:s19] =	ssyncadd.s32 $0xFFFFE000  }
0xbb: {  	_ =	swait.ge [sflag:s18], $0x2000  }
0xbc: {  	[sflag:s18] =	ssyncset.done $0x0  }
0xbd: {  	s16 =	rddreg [dreg:$0x13];
	[sflag:s18] =	ssyncadd.s32 $0xFFFFE000  }
0xbe: {  	[spmem:s2] =	stream.indirect.scatter.add.f32 [tilespmem:s12], [sflag:$0x5], $0x80, s16, s10, $0xb8;
	[tilespmem:$0x1D000] =	vst v63  }
0xbf: {  	s4 =	rddreg [dreg:$0x14]  }
0xc0: {  	[tilespmem:s11], [sflag:$0x2] =	stream.indirect.gather [hbm4b:s14+s10], $0x80, s4, s10, $0xb8;
	[tilespmem:$0x1D000] =	vst v63  }
0xc1: {  	_ =	swait.ge [sflag:s20], $0x2000  }
0xc2: {  	[sflag:s20] =	ssyncset.done $0x0  }
0xc3: {  	[sflag:s20] =	ssyncadd.s32 $0xFFFFE000  }
0xc4: {  	_ =	swait.ge [sflag:s18], $0x2000  }
0xc5: {  	[sflag:s18] =	ssyncset.done $0x0  }
0xc6: {  	s16 =	rddreg [dreg:$0x15];
	[sflag:s18] =	ssyncadd.s32 $0xFFFFE000  }
0xc7: {  	[spmem:s2] =	stream.indirect.scatter.add.f32 [tilespmem:s15], [sflag:$0x5], $0x80, s16, s10, $0xb8;
	[tilespmem:$0x1D000] =	vst v63  }
0xc8: {  	s4 =	rddreg [dreg:$0x16]  }
0xc9: {  	[tilespmem:s12], [sflag:$0x3] =	stream.indirect.gather [hbm4b:s14+s10], $0x80, s4, s10, $0xb8;
	[tilespmem:$0x1D000] =	vst v63  }
0xca: {  	_ =	swait.ge [sflag:s13], $0x2000  }
0xcb: {  	[sflag:s13] =	ssyncset.done $0x0  }
0xcc: {  	[sflag:s13] =	ssyncadd.s32 $0xFFFFE000  }
0xcd: {  	_ =	swait.ge [sflag:s18], $0x2000  }
0xce: {  	[sflag:s18] =	ssyncset.done $0x0  }
0xcf: {  	s16 =	rddreg [dreg:$0x17];
	[sflag:s18] =	ssyncadd.s32 $0xFFFFE000  }
0xd0: {  	[spmem:s2] =	stream.indirect.scatter.add.f32 [tilespmem:s7], [sflag:$0x5], $0x80, s16, s10, $0xb8;
	[tilespmem:$0x1D000] =	vst v63  }
0xd1: {  	_ = 	snop  }
0xd2: {  	[tilespmem:s15], [sflag:$0x4] =	stream.indirect.gather [hbm4b:s14+s10], $0x80, s21, s10, $0xb8;
	[tilespmem:$0x1D000] =	vst v63  }
0xd3: {  	_ =	swait.ge [sflag:s17], $0x2000  }
0xd4: {  	[sflag:s17] =	ssyncset.done $0x0  }
0xd5: {  	[sflag:s17] =	ssyncadd.s32 $0xFFFFE000  }
0xd6: {  	_ =	swait.ge [sflag:s18], $0x2000  }
0xd7: {  	[sflag:s18] =	ssyncset.done $0x0  }
0xd8: {  	[sflag:s18] =	ssyncadd.s32 $0xFFFFE000  }
0xd9: {  	[spmem:s2] =	stream.indirect.scatter.add.f32 [tilespmem:s11], [sflag:$0x5], $0x80, s22, s10, $0xb8;
	[tilespmem:$0x1D000] =	vst v63  }
0xda: {  	_ = 	snop  }
0xdb: {  	[tilespmem:s7], [sflag:$0x1] =	stream.indirect.gather [hbm4b:s14+s10], $0x80, s23, s10, $0xb8;
	[tilespmem:$0x1D000] =	vst v63  }
0xdc: {  	_ =	swait.ge [sflag:s19], $0x2000  }
0xdd: {  	[sflag:s19] =	ssyncset.done $0x0  }
0xde: {  	[sflag:s19] =	ssyncadd.s32 $0xFFFFE000  }
0xdf: {  	_ =	swait.ge [sflag:s18], $0x2000  }
0xe0: {  	[sflag:s18] =	ssyncset.done $0x0  }
0xe1: {  	[sflag:s18] =	ssyncadd.s32 $0xFFFFE000  }
0xe2: {  	[spmem:s2] =	stream.indirect.scatter.add.f32 [tilespmem:s12], [sflag:$0x5], $0x80, s24, s10, $0xb8;
	[tilespmem:$0x1D000] =	vst v63  }
0xe3: {  	_ = 	snop  }
0xe4: {  	[tilespmem:s11], [sflag:$0x2] =	stream.indirect.gather [hbm4b:s14+s10], $0x80, s25, s10, $0xb8;
	[tilespmem:$0x1D000] =	vst v63  }
0xe5: {  	_ =	swait.ge [sflag:s20], $0x2000  }
0xe6: {  	[sflag:s20] =	ssyncset.done $0x0  }
0xe7: {  	[sflag:s20] =	ssyncadd.s32 $0xFFFFE000  }
0xe8: {  	_ =	swait.ge [sflag:s18], $0x2000  }
0xe9: {  	[sflag:s18] =	ssyncset.done $0x0  }
0xea: {  	[sflag:s18] =	ssyncadd.s32 $0xFFFFE000  }
0xeb: {  	[spmem:s2] =	stream.indirect.scatter.add.f32 [tilespmem:s15], [sflag:$0x5], $0x80, s26, s10, $0xb8;
	[tilespmem:$0x1D000] =	vst v63  }
0xec: {  	_ = 	snop  }
0xed: {  	[tilespmem:s12], [sflag:$0x3] =	stream.indirect.gather [hbm4b:s14+s10], $0x80, s28, s10, $0xb8;
	[tilespmem:$0x1D000] =	vst v63  }
0xee: {  	_ =	swait.ge [sflag:s13], $0x2000  }
0xef: {  	[sflag:s13] =	ssyncset.done $0x0  }
0xf0: {  	[sflag:s13] =	ssyncadd.s32 $0xFFFFE000  }
0xf1: {  	_ =	swait.ge [sflag:s18], $0x2000  }
0xf2: {  	[sflag:s18] =	ssyncset.done $0x0  }
0xf3: {  	[sflag:s18] =	ssyncadd.s32 $0xFFFFE000  }
0xf4: {  	[spmem:s2] =	stream.indirect.scatter.add.f32 [tilespmem:s7], [sflag:$0x5], $0x80, s29, s10, $0xb8;
	[tilespmem:$0x1D000] =	vst v63  }
0xf5: {  	_ = 	snop  }
0xf6: {  	[tilespmem:s15], [sflag:$0x4] =	stream.indirect.gather [hbm4b:s14+s10], $0x80, s30, s10, $0xb8;
	[tilespmem:$0x1D000] =	vst v63  }
0xf7: {  	_ =	swait.ge [sflag:s17], $0x2000  }
0xf8: {  	[sflag:s17] =	ssyncset.done $0x0  }
0xf9: {  	[sflag:s17] =	ssyncadd.s32 $0xFFFFE000  }
0xfa: {  	_ =	swait.ge [sflag:s18], $0x2000  }
0xfb: {  	[sflag:s18] =	ssyncset.done $0x0  }
0xfc: {  	[sflag:s18] =	ssyncadd.s32 $0xFFFFE000  }
0xfd: {  	[spmem:s2] =	stream.indirect.scatter.add.f32 [tilespmem:s11], [sflag:$0x5], $0x80, s31, s10, $0xb8;
	[tilespmem:$0x1D000] =	vst v63  }
0xfe: {  	_ =	swait.ge [sflag:s19], $0x2000  }
0xff: {  	[sflag:s19] =	ssyncset.done $0x0  }
0x100: {  	[sflag:s19] =	ssyncadd.s32 $0xFFFFE000  }
0x101: {  	_ =	swait.ge [sflag:s18], $0x2000  }
0x102: {  	[sflag:s18] =	ssyncset.done $0x0  }
0x103: {  	[sflag:s18] =	ssyncadd.s32 $0xFFFFE000  }
0x104: {  	[spmem:s2] =	stream.indirect.scatter.add.f32 [tilespmem:s12], [sflag:$0x5], $0x80, s1, s10, $0xb8;
	[tilespmem:$0x1D000] =	vst v63  }
0x105: {  	_ =	swait.ge [sflag:s20], $0x2000  }
0x106: {  	[sflag:s20] =	ssyncset.done $0x0  }
0x107: {  	[sflag:s20] =	ssyncadd.s32 $0xFFFFE000  }
0x108: {  	_ =	swait.ge [sflag:s18], $0x2000  }
0x109: {  	[sflag:s18] =	ssyncset.done $0x0  }
0x10a: {  	[sflag:s18] =	ssyncadd.s32 $0xFFFFE000  }
0x10b: {  	[spmem:s2] =	stream.indirect.scatter.add.f32 [tilespmem:s15], [sflag:$0x5], $0x80, s0, s10, $0xb8;
	[tilespmem:$0x1D000] =	vst v63  }
0x10c: {  	s5 =	simm.s32 $0x100;
	_ =	swait.ge [sflag:s18], $0x2000  }
0x10d: {  	s6 =	simm.s32 $0x200;
	s16 =	rddreg [dreg:$0x5];
	[sflag:s18] =	ssyncset.done $0x0  }
.LBB2_2:
0x10e: {  	[sflag:s18] =	ssyncadd.s32 $0xFFFFE000;
	s16 =	sadd.s32 s5, s16  }
0x10f: {  	[tilespmem:s3], [sflag:$0x6] =	stream.linear.gather [hbm4b:s16+s3], $0x800, $0x38;
	[tilespmem:$0x1D000] =	vst v63  }
0x110: {  	_ =	swait.ge [sflag:s8], $0x800  }
0x111: {  	s16 =	rddreg [dreg:$0x4];
	[sflag:s8] =	ssyncset.done $0x0  }
0x112: {  	[sflag:s8] =	ssyncadd.s32 $0xFFFFF800;
	s16 =	sadd.s32 s5, s16  }
0x113: {  	[tilespmem:s9], [sflag:$0x6] =	stream.linear.gather [hbm4b:s16+s3], $0x800, $0x38;
	[tilespmem:$0x1D000] =	vst v63  }
0x114: {  	_ =	swait.ge [sflag:s8], $0x800  }
0x115: {  	[sflag:s8] =	ssyncset.done $0x0  }
0x116: {  	s4 =	smov.u32 s6;
	[sflag:s8] =	ssyncadd.s32 $0xFFFFF800  }
0x117: {  	[tilespmem:s7], [sflag:$0x1] =	stream.indirect.gather [hbm4b:s14+s10], $0x80, s3, s10, $0xb8;
	[tilespmem:$0x1D000] =	vst v63  }
0x118: {  	s5 =	smov.u32 s4;
	s4 =	rddreg [dreg:$0x6]  }
0x119: {  	[tilespmem:s11], [sflag:$0x2] =	stream.indirect.gather [hbm4b:s14+s10], $0x80, s4, s10, $0xb8;
	[tilespmem:$0x1D000] =	vst v63  }
0x11a: {  	s16 =	rddreg [dreg:$0x7]  }
0x11b: {  	[tilespmem:s12], [sflag:$0x3] =	stream.indirect.gather [hbm4b:s14+s10], $0x80, s16, s10, $0xb8;
	[tilespmem:$0x1D000] =	vst v63  }
0x11c: {  	_ =	swait.ge [sflag:s13], $0x2000  }
0x11d: {  	[sflag:s13] =	ssyncset.done $0x0  }
0x11e: {  	[sflag:s13] =	ssyncadd.s32 $0xFFFFE000  }
0x11f: {  	[spmem:s2] =	stream.indirect.scatter.add.f32 [tilespmem:s7], [sflag:$0x5], $0x80, s9, s10, $0xb8;
	[tilespmem:$0x1D000] =	vst v63  }
0x120: {  	s16 =	rddreg [dreg:$0x8]  }
0x121: {  	[tilespmem:s15], [sflag:$0x4] =	stream.indirect.gather [hbm4b:s14+s10], $0x80, s16, s10, $0xb8;
	[tilespmem:$0x1D000] =	vst v63  }
0x122: {  	_ =	swait.ge [sflag:s17], $0x2000  }
0x123: {  	[sflag:s17] =	ssyncset.done $0x0  }
0x124: {  	[sflag:s17] =	ssyncadd.s32 $0xFFFFE000  }
0x125: {  	_ =	swait.ge [sflag:s18], $0x2000  }
0x126: {  	[sflag:s18] =	ssyncset.done $0x0  }
0x127: {  	s4 =	rddreg [dreg:$0x9];
	[sflag:s18] =	ssyncadd.s32 $0xFFFFE000  }
0x128: {  	[spmem:s2] =	stream.indirect.scatter.add.f32 [tilespmem:s11], [sflag:$0x5], $0x80, s4, s10, $0xb8;
	[tilespmem:$0x1D000] =	vst v63  }
0x129: {  	s16 =	rddreg [dreg:$0xa]  }
0x12a: {  	[tilespmem:s7], [sflag:$0x1] =	stream.indirect.gather [hbm4b:s14+s10], $0x80, s16, s10, $0xb8;
	[tilespmem:$0x1D000] =	vst v63  }
0x12b: {  	_ =	swait.ge [sflag:s19], $0x2000  }
0x12c: {  	[sflag:s19] =	ssyncset.done $0x0  }
0x12d: {  	[sflag:s19] =	ssyncadd.s32 $0xFFFFE000  }
0x12e: {  	_ =	swait.ge [sflag:s18], $0x2000  }
0x12f: {  	[sflag:s18] =	ssyncset.done $0x0  }
0x130: {  	s4 =	rddreg [dreg:$0xb];
	[sflag:s18] =	ssyncadd.s32 $0xFFFFE000  }
0x131: {  	[spmem:s2] =	stream.indirect.scatter.add.f32 [tilespmem:s12], [sflag:$0x5], $0x80, s4, s10, $0xb8;
	[tilespmem:$0x1D000] =	vst v63  }
0x132: {  	s16 =	rddreg [dreg:$0xc]  }
0x133: {  	[tilespmem:s11], [sflag:$0x2] =	stream.indirect.gather [hbm4b:s14+s10], $0x80, s16, s10, $0xb8;
	[tilespmem:$0x1D000] =	vst v63  }
0x134: {  	_ =	swait.ge [sflag:s20], $0x2000  }
0x135: {  	[sflag:s20] =	ssyncset.done $0x0  }
0x136: {  	[sflag:s20] =	ssyncadd.s32 $0xFFFFE000  }
0x137: {  	_ =	swait.ge [sflag:s18], $0x2000  }
0x138: {  	[sflag:s18] =	ssyncset.done $0x0  }
0x139: {  	s4 =	rddreg [dreg:$0xd];
	[sflag:s18] =	ssyncadd.s32 $0xFFFFE000  }
0x13a: {  	[spmem:s2] =	stream.indirect.scatter.add.f32 [tilespmem:s15], [sflag:$0x5], $0x80, s4, s10, $0xb8;
	[tilespmem:$0x1D000] =	vst v63  }
0x13b: {  	s16 =	rddreg [dreg:$0xe]  }
0x13c: {  	[tilespmem:s12], [sflag:$0x3] =	stream.indirect.gather [hbm4b:s14+s10], $0x80, s16, s10, $0xb8;
	[tilespmem:$0x1D000] =	vst v63  }
0x13d: {  	_ =	swait.ge [sflag:s13], $0x2000  }
0x13e: {  	[sflag:s13] =	ssyncset.done $0x0  }
0x13f: {  	[sflag:s13] =	ssyncadd.s32 $0xFFFFE000  }
0x140: {  	_ =	swait.ge [sflag:s18], $0x2000  }
0x141: {  	[sflag:s18] =	ssyncset.done $0x0  }
0x142: {  	s4 =	rddreg [dreg:$0xf];
	[sflag:s18] =	ssyncadd.s32 $0xFFFFE000  }
0x143: {  	[spmem:s2] =	stream.indirect.scatter.add.f32 [tilespmem:s7], [sflag:$0x5], $0x80, s4, s10, $0xb8;
	[tilespmem:$0x1D000] =	vst v63  }
0x144: {  	s16 =	rddreg [dreg:$0x10]  }
0x145: {  	[tilespmem:s15], [sflag:$0x4] =	stream.indirect.gather [hbm4b:s14+s10], $0x80, s16, s10, $0xb8;
	[tilespmem:$0x1D000] =	vst v63  }
0x146: {  	_ =	swait.ge [sflag:s17], $0x2000  }
0x147: {  	[sflag:s17] =	ssyncset.done $0x0  }
0x148: {  	[sflag:s17] =	ssyncadd.s32 $0xFFFFE000  }
0x149: {  	_ =	swait.ge [sflag:s18], $0x2000  }
0x14a: {  	[sflag:s18] =	ssyncset.done $0x0  }
0x14b: {  	s4 =	rddreg [dreg:$0x11];
	[sflag:s18] =	ssyncadd.s32 $0xFFFFE000  }
0x14c: {  	[spmem:s2] =	stream.indirect.scatter.add.f32 [tilespmem:s11], [sflag:$0x5], $0x80, s4, s10, $0xb8;
	[tilespmem:$0x1D000] =	vst v63  }
0x14d: {  	s16 =	rddreg [dreg:$0x12]  }
0x14e: {  	[tilespmem:s7], [sflag:$0x1] =	stream.indirect.gather [hbm4b:s14+s10], $0x80, s16, s10, $0xb8;
	[tilespmem:$0x1D000] =	vst v63  }
0x14f: {  	_ =	swait.ge [sflag:s19], $0x2000  }
0x150: {  	[sflag:s19] =	ssyncset.done $0x0  }
0x151: {  	[sflag:s19] =	ssyncadd.s32 $0xFFFFE000  }
0x152: {  	_ =	swait.ge [sflag:s18], $0x2000  }
0x153: {  	[sflag:s18] =	ssyncset.done $0x0  }
0x154: {  	s4 =	rddreg [dreg:$0x13];
	[sflag:s18] =	ssyncadd.s32 $0xFFFFE000  }
0x155: {  	[spmem:s2] =	stream.indirect.scatter.add.f32 [tilespmem:s12], [sflag:$0x5], $0x80, s4, s10, $0xb8;
	[tilespmem:$0x1D000] =	vst v63  }
0x156: {  	s16 =	rddreg [dreg:$0x14]  }
0x157: {  	[tilespmem:s11], [sflag:$0x2] =	stream.indirect.gather [hbm4b:s14+s10], $0x80, s16, s10, $0xb8;
	[tilespmem:$0x1D000] =	vst v63  }
0x158: {  	_ =	swait.ge [sflag:s20], $0x2000  }
0x159: {  	[sflag:s20] =	ssyncset.done $0x0  }
0x15a: {  	[sflag:s20] =	ssyncadd.s32 $0xFFFFE000  }
0x15b: {  	_ =	swait.ge [sflag:s18], $0x2000  }
0x15c: {  	[sflag:s18] =	ssyncset.done $0x0  }
0x15d: {  	s4 =	rddreg [dreg:$0x15];
	[sflag:s18] =	ssyncadd.s32 $0xFFFFE000  }
0x15e: {  	[spmem:s2] =	stream.indirect.scatter.add.f32 [tilespmem:s15], [sflag:$0x5], $0x80, s4, s10, $0xb8;
	[tilespmem:$0x1D000] =	vst v63  }
0x15f: {  	s16 =	rddreg [dreg:$0x16]  }
0x160: {  	[tilespmem:s12], [sflag:$0x3] =	stream.indirect.gather [hbm4b:s14+s10], $0x80, s16, s10, $0xb8;
	[tilespmem:$0x1D000] =	vst v63  }
0x161: {  	_ =	swait.ge [sflag:s13], $0x2000  }
0x162: {  	[sflag:s13] =	ssyncset.done $0x0  }
0x163: {  	[sflag:s13] =	ssyncadd.s32 $0xFFFFE000  }
0x164: {  	_ =	swait.ge [sflag:s18], $0x2000  }
0x165: {  	[sflag:s18] =	ssyncset.done $0x0  }
0x166: {  	s16 =	rddreg [dreg:$0x17];
	[sflag:s18] =	ssyncadd.s32 $0xFFFFE000  }
0x167: {  	[spmem:s2] =	stream.indirect.scatter.add.f32 [tilespmem:s7], [sflag:$0x5], $0x80, s16, s10, $0xb8;
	[tilespmem:$0x1D000] =	vst v63  }
0x168: {  	_ = 	snop  }
0x169: {  	[tilespmem:s15], [sflag:$0x4] =	stream.indirect.gather [hbm4b:s14+s10], $0x80, s21, s10, $0xb8;
	[tilespmem:$0x1D000] =	vst v63  }
0x16a: {  	_ =	swait.ge [sflag:s17], $0x2000  }
0x16b: {  	[sflag:s17] =	ssyncset.done $0x0  }
0x16c: {  	[sflag:s17] =	ssyncadd.s32 $0xFFFFE000  }
0x16d: {  	_ =	swait.ge [sflag:s18], $0x2000  }
0x16e: {  	[sflag:s18] =	ssyncset.done $0x0  }
0x16f: {  	[sflag:s18] =	ssyncadd.s32 $0xFFFFE000  }
0x170: {  	[spmem:s2] =	stream.indirect.scatter.add.f32 [tilespmem:s11], [sflag:$0x5], $0x80, s22, s10, $0xb8;
	[tilespmem:$0x1D000] =	vst v63  }
0x171: {  	_ = 	snop  }
0x172: {  	[tilespmem:s7], [sflag:$0x1] =	stream.indirect.gather [hbm4b:s14+s10], $0x80, s23, s10, $0xb8;
	[tilespmem:$0x1D000] =	vst v63  }
0x173: {  	_ =	swait.ge [sflag:s19], $0x2000  }
0x174: {  	[sflag:s19] =	ssyncset.done $0x0  }
0x175: {  	[sflag:s19] =	ssyncadd.s32 $0xFFFFE000  }
0x176: {  	_ =	swait.ge [sflag:s18], $0x2000  }
0x177: {  	[sflag:s18] =	ssyncset.done $0x0  }
0x178: {  	[sflag:s18] =	ssyncadd.s32 $0xFFFFE000  }
0x179: {  	[spmem:s2] =	stream.indirect.scatter.add.f32 [tilespmem:s12], [sflag:$0x5], $0x80, s24, s10, $0xb8;
	[tilespmem:$0x1D000] =	vst v63  }
0x17a: {  	_ = 	snop  }
0x17b: {  	[tilespmem:s11], [sflag:$0x2] =	stream.indirect.gather [hbm4b:s14+s10], $0x80, s25, s10, $0xb8;
	[tilespmem:$0x1D000] =	vst v63  }
0x17c: {  	_ =	swait.ge [sflag:s20], $0x2000  }
0x17d: {  	[sflag:s20] =	ssyncset.done $0x0  }
0x17e: {  	[sflag:s20] =	ssyncadd.s32 $0xFFFFE000  }
0x17f: {  	_ =	swait.ge [sflag:s18], $0x2000  }
0x180: {  	[sflag:s18] =	ssyncset.done $0x0  }
0x181: {  	[sflag:s18] =	ssyncadd.s32 $0xFFFFE000  }
0x182: {  	[spmem:s2] =	stream.indirect.scatter.add.f32 [tilespmem:s15], [sflag:$0x5], $0x80, s26, s10, $0xb8;
	[tilespmem:$0x1D000] =	vst v63  }
0x183: {  	_ = 	snop  }
0x184: {  	[tilespmem:s12], [sflag:$0x3] =	stream.indirect.gather [hbm4b:s14+s10], $0x80, s28, s10, $0xb8;
	[tilespmem:$0x1D000] =	vst v63  }
0x185: {  	_ =	swait.ge [sflag:s13], $0x2000  }
0x186: {  	[sflag:s13] =	ssyncset.done $0x0  }
0x187: {  	[sflag:s13] =	ssyncadd.s32 $0xFFFFE000  }
0x188: {  	_ =	swait.ge [sflag:s18], $0x2000  }
0x189: {  	[sflag:s18] =	ssyncset.done $0x0  }
0x18a: {  	[sflag:s18] =	ssyncadd.s32 $0xFFFFE000  }
0x18b: {  	[spmem:s2] =	stream.indirect.scatter.add.f32 [tilespmem:s7], [sflag:$0x5], $0x80, s29, s10, $0xb8;
	[tilespmem:$0x1D000] =	vst v63  }
0x18c: {  	_ = 	snop  }
0x18d: {  	[tilespmem:s15], [sflag:$0x4] =	stream.indirect.gather [hbm4b:s14+s10], $0x80, s30, s10, $0xb8;
	[tilespmem:$0x1D000] =	vst v63  }
0x18e: {  	_ =	swait.ge [sflag:s17], $0x2000  }
0x18f: {  	[sflag:s17] =	ssyncset.done $0x0  }
0x190: {  	[sflag:s17] =	ssyncadd.s32 $0xFFFFE000  }
0x191: {  	_ =	swait.ge [sflag:s18], $0x2000  }
0x192: {  	[sflag:s18] =	ssyncset.done $0x0  }
0x193: {  	[sflag:s18] =	ssyncadd.s32 $0xFFFFE000  }
0x194: {  	[spmem:s2] =	stream.indirect.scatter.add.f32 [tilespmem:s11], [sflag:$0x5], $0x80, s31, s10, $0xb8;
	[tilespmem:$0x1D000] =	vst v63  }
0x195: {  	_ =	swait.ge [sflag:s19], $0x2000  }
0x196: {  	[sflag:s19] =	ssyncset.done $0x0  }
0x197: {  	[sflag:s19] =	ssyncadd.s32 $0xFFFFE000  }
0x198: {  	_ =	swait.ge [sflag:s18], $0x2000  }
0x199: {  	[sflag:s18] =	ssyncset.done $0x0  }
0x19a: {  	[sflag:s18] =	ssyncadd.s32 $0xFFFFE000  }
0x19b: {  	[spmem:s2] =	stream.indirect.scatter.add.f32 [tilespmem:s12], [sflag:$0x5], $0x80, s1, s10, $0xb8;
	[tilespmem:$0x1D000] =	vst v63  }
0x19c: {  	_ =	swait.ge [sflag:s20], $0x2000  }
0x19d: {  	[sflag:s20] =	ssyncset.done $0x0  }
0x19e: {  	[sflag:s20] =	ssyncadd.s32 $0xFFFFE000  }
0x19f: {  	p0 =	sne.s32 s6, $0x900;
	_ =	swait.ge [sflag:s18], $0x2000  }
.Ltmp0:
0x1a0: {  	[sflag:s18] =	ssyncset.done $0x0;
	(pc) =	sbr.rel @p0 .LBB2_2-.Ltmp0, $4  }
0x1a1: {  	[sflag:s18] =	ssyncadd.s32 $0xFFFFE000  }
0x1a2: {  	[spmem:s2] =	stream.indirect.scatter.add.f32 [tilespmem:s15], [sflag:$0x5], $0x80, s0, s10, $0xb8;
	[tilespmem:$0x1D000] =	vst v63  }
0x1a3: {  	_ =	swait.ge [sflag:s18], $0x2000  }
0x1a4: {  	s6 =	sadd.s32 $0x100, s6;
	s16 =	rddreg [dreg:$0x5];
	[sflag:s18] =	ssyncset.done $0x0  }
0x1a5: {  	[sflag:s18] =	ssyncadd.s32 $0xFFFFE000;
	s4 =	sadd.s32 s5, s16  }
0x1a6: {  	[tilespmem:s3], [sflag:$0x6] =	stream.linear.gather [hbm4b:s4+s3], $0x800, $0x38;
	[tilespmem:$0x1D000] =	vst v63  }
0x1a7: {  	_ =	swait.ge [sflag:s8], $0x800  }
0x1a8: {  	s16 =	rddreg [dreg:$0x4];
	[sflag:s8] =	ssyncset.done $0x0  }
0x1a9: {  	[sflag:s8] =	ssyncadd.s32 $0xFFFFF800;
	s4 =	sadd.s32 s5, s16  }
0x1aa: {  	[tilespmem:s9], [sflag:$0x6] =	stream.linear.gather [hbm4b:s4+s3], $0x800, $0x38;
	[tilespmem:$0x1D000] =	vst v63  }
0x1ab: {  	_ =	swait.ge [sflag:s8], $0x800  }
0x1ac: {  	[sflag:s8] =	ssyncset.done $0x0  }
0x1ad: {  	[sflag:s8] =	ssyncadd.s32 $0xFFFFF800  }
0x1ae: {  	[tilespmem:s7], [sflag:$0x1] =	stream.indirect.gather [hbm4b:s14+s10], $0x80, s3, s10, $0xb8;
	[tilespmem:$0x1D000] =	vst v63  }
0x1af: {  	s6 =	rddreg [dreg:$0x6]  }
0x1b0: {  	[tilespmem:s11], [sflag:$0x2] =	stream.indirect.gather [hbm4b:s14+s10], $0x80, s6, s10, $0xb8;
	[tilespmem:$0x1D000] =	vst v63  }
0x1b1: {  	s16 =	rddreg [dreg:$0x7]  }
0x1b2: {  	[tilespmem:s12], [sflag:$0x3] =	stream.indirect.gather [hbm4b:s14+s10], $0x80, s16, s10, $0xb8;
	[tilespmem:$0x1D000] =	vst v63  }
0x1b3: {  	_ =	swait.ge [sflag:s13], $0x2000  }
0x1b4: {  	[sflag:s13] =	ssyncset.done $0x0  }
0x1b5: {  	[sflag:s13] =	ssyncadd.s32 $0xFFFFE000  }
0x1b6: {  	[spmem:s2] =	stream.indirect.scatter.add.f32 [tilespmem:s7], [sflag:$0x5], $0x80, s9, s10, $0xb8;
	[tilespmem:$0x1D000] =	vst v63  }
0x1b7: {  	s5 =	rddreg [dreg:$0x8]  }
0x1b8: {  	[tilespmem:s15], [sflag:$0x4] =	stream.indirect.gather [hbm4b:s14+s10], $0x80, s5, s10, $0xb8;
	[tilespmem:$0x1D000] =	vst v63  }
0x1b9: {  	_ =	swait.ge [sflag:s17], $0x2000  }
0x1ba: {  	[sflag:s17] =	ssyncset.done $0x0  }
0x1bb: {  	[sflag:s17] =	ssyncadd.s32 $0xFFFFE000  }
0x1bc: {  	_ =	swait.ge [sflag:s18], $0x2000  }
0x1bd: {  	[sflag:s18] =	ssyncset.done $0x0  }
0x1be: {  	s6 =	rddreg [dreg:$0x9];
	[sflag:s18] =	ssyncadd.s32 $0xFFFFE000  }
0x1bf: {  	[spmem:s2] =	stream.indirect.scatter.add.f32 [tilespmem:s11], [sflag:$0x5], $0x80, s6, s10, $0xb8;
	[tilespmem:$0x1D000] =	vst v63  }
0x1c0: {  	s16 =	rddreg [dreg:$0xa]  }
0x1c1: {  	[tilespmem:s7], [sflag:$0x1] =	stream.indirect.gather [hbm4b:s14+s10], $0x80, s16, s10, $0xb8;
	[tilespmem:$0x1D000] =	vst v63  }
0x1c2: {  	_ =	swait.ge [sflag:s19], $0x2000  }
0x1c3: {  	[sflag:s19] =	ssyncset.done $0x0  }
0x1c4: {  	[sflag:s19] =	ssyncadd.s32 $0xFFFFE000  }
0x1c5: {  	_ =	swait.ge [sflag:s18], $0x2000  }
0x1c6: {  	[sflag:s18] =	ssyncset.done $0x0  }
0x1c7: {  	s6 =	rddreg [dreg:$0xb];
	[sflag:s18] =	ssyncadd.s32 $0xFFFFE000  }
0x1c8: {  	[spmem:s2] =	stream.indirect.scatter.add.f32 [tilespmem:s12], [sflag:$0x5], $0x80, s6, s10, $0xb8;
	[tilespmem:$0x1D000] =	vst v63  }
0x1c9: {  	s16 =	rddreg [dreg:$0xc]  }
0x1ca: {  	[tilespmem:s11], [sflag:$0x2] =	stream.indirect.gather [hbm4b:s14+s10], $0x80, s16, s10, $0xb8;
	[tilespmem:$0x1D000] =	vst v63  }
0x1cb: {  	_ =	swait.ge [sflag:s20], $0x2000  }
0x1cc: {  	[sflag:s20] =	ssyncset.done $0x0  }
0x1cd: {  	[sflag:s20] =	ssyncadd.s32 $0xFFFFE000  }
0x1ce: {  	_ =	swait.ge [sflag:s18], $0x2000  }
0x1cf: {  	[sflag:s18] =	ssyncset.done $0x0  }
0x1d0: {  	s6 =	rddreg [dreg:$0xd];
	[sflag:s18] =	ssyncadd.s32 $0xFFFFE000  }
0x1d1: {  	[spmem:s2] =	stream.indirect.scatter.add.f32 [tilespmem:s15], [sflag:$0x5], $0x80, s6, s10, $0xb8;
	[tilespmem:$0x1D000] =	vst v63  }
0x1d2: {  	s16 =	rddreg [dreg:$0xe]  }
0x1d3: {  	[tilespmem:s12], [sflag:$0x3] =	stream.indirect.gather [hbm4b:s14+s10], $0x80, s16, s10, $0xb8;
	[tilespmem:$0x1D000] =	vst v63  }
0x1d4: {  	_ =	swait.ge [sflag:s13], $0x2000  }
0x1d5: {  	[sflag:s13] =	ssyncset.done $0x0  }
0x1d6: {  	[sflag:s13] =	ssyncadd.s32 $0xFFFFE000  }
0x1d7: {  	_ =	swait.ge [sflag:s18], $0x2000  }
0x1d8: {  	[sflag:s18] =	ssyncset.done $0x0  }
0x1d9: {  	s6 =	rddreg [dreg:$0xf];
	[sflag:s18] =	ssyncadd.s32 $0xFFFFE000  }
0x1da: {  	[spmem:s2] =	stream.indirect.scatter.add.f32 [tilespmem:s7], [sflag:$0x5], $0x80, s6, s10, $0xb8;
	[tilespmem:$0x1D000] =	vst v63  }
0x1db: {  	s16 =	rddreg [dreg:$0x10]  }
0x1dc: {  	[tilespmem:s15], [sflag:$0x4] =	stream.indirect.gather [hbm4b:s14+s10], $0x80, s16, s10, $0xb8;
	[tilespmem:$0x1D000] =	vst v63  }
0x1dd: {  	_ =	swait.ge [sflag:s17], $0x2000  }
0x1de: {  	[sflag:s17] =	ssyncset.done $0x0  }
0x1df: {  	[sflag:s17] =	ssyncadd.s32 $0xFFFFE000  }
0x1e0: {  	_ =	swait.ge [sflag:s18], $0x2000  }
0x1e1: {  	[sflag:s18] =	ssyncset.done $0x0  }
0x1e2: {  	s6 =	rddreg [dreg:$0x11];
	[sflag:s18] =	ssyncadd.s32 $0xFFFFE000  }
0x1e3: {  	[spmem:s2] =	stream.indirect.scatter.add.f32 [tilespmem:s11], [sflag:$0x5], $0x80, s6, s10, $0xb8;
	[tilespmem:$0x1D000] =	vst v63  }
0x1e4: {  	s16 =	rddreg [dreg:$0x12]  }
0x1e5: {  	[tilespmem:s7], [sflag:$0x1] =	stream.indirect.gather [hbm4b:s14+s10], $0x80, s16, s10, $0xb8;
	[tilespmem:$0x1D000] =	vst v63  }
0x1e6: {  	_ =	swait.ge [sflag:s19], $0x2000  }
0x1e7: {  	[sflag:s19] =	ssyncset.done $0x0  }
0x1e8: {  	[sflag:s19] =	ssyncadd.s32 $0xFFFFE000  }
0x1e9: {  	_ =	swait.ge [sflag:s18], $0x2000  }
0x1ea: {  	[sflag:s18] =	ssyncset.done $0x0  }
0x1eb: {  	s6 =	rddreg [dreg:$0x13];
	[sflag:s18] =	ssyncadd.s32 $0xFFFFE000  }
0x1ec: {  	[spmem:s2] =	stream.indirect.scatter.add.f32 [tilespmem:s12], [sflag:$0x5], $0x80, s6, s10, $0xb8;
	[tilespmem:$0x1D000] =	vst v63  }
0x1ed: {  	s16 =	rddreg [dreg:$0x14]  }
0x1ee: {  	[tilespmem:s11], [sflag:$0x2] =	stream.indirect.gather [hbm4b:s14+s10], $0x80, s16, s10, $0xb8;
	[tilespmem:$0x1D000] =	vst v63  }
0x1ef: {  	_ =	swait.ge [sflag:s20], $0x2000  }
0x1f0: {  	[sflag:s20] =	ssyncset.done $0x0  }
0x1f1: {  	[sflag:s20] =	ssyncadd.s32 $0xFFFFE000  }
0x1f2: {  	_ =	swait.ge [sflag:s18], $0x2000  }
0x1f3: {  	[sflag:s18] =	ssyncset.done $0x0  }
0x1f4: {  	s6 =	rddreg [dreg:$0x15];
	[sflag:s18] =	ssyncadd.s32 $0xFFFFE000  }
0x1f5: {  	[spmem:s2] =	stream.indirect.scatter.add.f32 [tilespmem:s15], [sflag:$0x5], $0x80, s6, s10, $0xb8;
	[tilespmem:$0x1D000] =	vst v63  }
0x1f6: {  	s16 =	rddreg [dreg:$0x16]  }
0x1f7: {  	[tilespmem:s12], [sflag:$0x3] =	stream.indirect.gather [hbm4b:s14+s10], $0x80, s16, s10, $0xb8;
	[tilespmem:$0x1D000] =	vst v63  }
0x1f8: {  	_ =	swait.ge [sflag:s13], $0x2000  }
0x1f9: {  	[sflag:s13] =	ssyncset.done $0x0  }
0x1fa: {  	[sflag:s13] =	ssyncadd.s32 $0xFFFFE000  }
0x1fb: {  	_ =	swait.ge [sflag:s18], $0x2000  }
0x1fc: {  	[sflag:s18] =	ssyncset.done $0x0  }
0x1fd: {  	s6 =	rddreg [dreg:$0x17];
	[sflag:s18] =	ssyncadd.s32 $0xFFFFE000  }
0x1fe: {  	[spmem:s2] =	stream.indirect.scatter.add.f32 [tilespmem:s7], [sflag:$0x5], $0x80, s6, s10, $0xb8;
	[tilespmem:$0x1D000] =	vst v63  }
0x1ff: {  	_ = 	snop  }
0x200: {  	[tilespmem:s15], [sflag:$0x4] =	stream.indirect.gather [hbm4b:s14+s10], $0x80, s21, s10, $0xb8;
	[tilespmem:$0x1D000] =	vst v63  }
0x201: {  	_ =	swait.ge [sflag:s17], $0x2000  }
0x202: {  	[sflag:s17] =	ssyncset.done $0x0  }
0x203: {  	[sflag:s17] =	ssyncadd.s32 $0xFFFFE000  }
0x204: {  	_ =	swait.ge [sflag:s18], $0x2000  }
0x205: {  	[sflag:s18] =	ssyncset.done $0x0  }
0x206: {  	[sflag:s18] =	ssyncadd.s32 $0xFFFFE000  }
0x207: {  	[spmem:s2] =	stream.indirect.scatter.add.f32 [tilespmem:s11], [sflag:$0x5], $0x80, s22, s10, $0xb8;
	[tilespmem:$0x1D000] =	vst v63  }
0x208: {  	_ = 	snop  }
0x209: {  	[tilespmem:s7], [sflag:$0x1] =	stream.indirect.gather [hbm4b:s14+s10], $0x80, s23, s10, $0xb8;
	[tilespmem:$0x1D000] =	vst v63  }
0x20a: {  	_ =	swait.ge [sflag:s19], $0x2000  }
0x20b: {  	[sflag:s19] =	ssyncset.done $0x0  }
0x20c: {  	[sflag:s19] =	ssyncadd.s32 $0xFFFFE000  }
0x20d: {  	_ =	swait.ge [sflag:s18], $0x2000  }
0x20e: {  	[sflag:s18] =	ssyncset.done $0x0  }
0x20f: {  	[sflag:s18] =	ssyncadd.s32 $0xFFFFE000  }
0x210: {  	[spmem:s2] =	stream.indirect.scatter.add.f32 [tilespmem:s12], [sflag:$0x5], $0x80, s24, s10, $0xb8;
	[tilespmem:$0x1D000] =	vst v63  }
0x211: {  	_ = 	snop  }
0x212: {  	[tilespmem:s11], [sflag:$0x2] =	stream.indirect.gather [hbm4b:s14+s10], $0x80, s25, s10, $0xb8;
	[tilespmem:$0x1D000] =	vst v63  }
0x213: {  	_ =	swait.ge [sflag:s20], $0x2000  }
0x214: {  	[sflag:s20] =	ssyncset.done $0x0  }
0x215: {  	[sflag:s20] =	ssyncadd.s32 $0xFFFFE000  }
0x216: {  	_ =	swait.ge [sflag:s18], $0x2000  }
0x217: {  	[sflag:s18] =	ssyncset.done $0x0  }
0x218: {  	[sflag:s18] =	ssyncadd.s32 $0xFFFFE000  }
0x219: {  	[spmem:s2] =	stream.indirect.scatter.add.f32 [tilespmem:s15], [sflag:$0x5], $0x80, s26, s10, $0xb8;
	[tilespmem:$0x1D000] =	vst v63  }
0x21a: {  	_ = 	snop  }
0x21b: {  	[tilespmem:s12], [sflag:$0x3] =	stream.indirect.gather [hbm4b:s14+s10], $0x80, s28, s10, $0xb8;
	[tilespmem:$0x1D000] =	vst v63  }
0x21c: {  	_ =	swait.ge [sflag:s13], $0x2000  }
0x21d: {  	[sflag:s13] =	ssyncset.done $0x0  }
0x21e: {  	[sflag:s13] =	ssyncadd.s32 $0xFFFFE000  }
0x21f: {  	_ =	swait.ge [sflag:s18], $0x2000  }
0x220: {  	[sflag:s18] =	ssyncset.done $0x0  }
0x221: {  	[sflag:s18] =	ssyncadd.s32 $0xFFFFE000  }
0x222: {  	[spmem:s2] =	stream.indirect.scatter.add.f32 [tilespmem:s7], [sflag:$0x5], $0x80, s29, s10, $0xb8;
	[tilespmem:$0x1D000] =	vst v63  }
0x223: {  	_ = 	snop  }
0x224: {  	[tilespmem:s15], [sflag:$0x4] =	stream.indirect.gather [hbm4b:s14+s10], $0x80, s30, s10, $0xb8;
	[tilespmem:$0x1D000] =	vst v63  }
0x225: {  	_ =	swait.ge [sflag:s17], $0x2000  }
0x226: {  	[sflag:s17] =	ssyncset.done $0x0  }
0x227: {  	[sflag:s17] =	ssyncadd.s32 $0xFFFFE000  }
0x228: {  	_ =	swait.ge [sflag:s18], $0x2000  }
0x229: {  	[sflag:s18] =	ssyncset.done $0x0  }
0x22a: {  	[sflag:s18] =	ssyncadd.s32 $0xFFFFE000  }
0x22b: {  	[spmem:s2] =	stream.indirect.scatter.add.f32 [tilespmem:s11], [sflag:$0x5], $0x80, s31, s10, $0xb8;
	[tilespmem:$0x1D000] =	vst v63  }
0x22c: {  	_ =	swait.ge [sflag:s19], $0x2000  }
0x22d: {  	[sflag:s19] =	ssyncset.done $0x0  }
0x22e: {  	[sflag:s19] =	ssyncadd.s32 $0xFFFFE000  }
0x22f: {  	_ =	swait.ge [sflag:s18], $0x2000  }
0x230: {  	[sflag:s18] =	ssyncset.done $0x0  }
0x231: {  	[sflag:s18] =	ssyncadd.s32 $0xFFFFE000  }
0x232: {  	[spmem:s2] =	stream.indirect.scatter.add.f32 [tilespmem:s12], [sflag:$0x5], $0x80, s1, s10, $0xb8;
	[tilespmem:$0x1D000] =	vst v63  }
0x233: {  	_ =	swait.ge [sflag:s20], $0x2000  }
0x234: {  	[sflag:s20] =	ssyncset.done $0x0  }
0x235: {  	[sflag:s20] =	ssyncadd.s32 $0xFFFFE000  }
0x236: {  	_ =	swait.ge [sflag:s18], $0x2000  }
0x237: {  	[sflag:s18] =	ssyncset.done $0x0  }
0x238: {  	[sflag:s18] =	ssyncadd.s32 $0xFFFFE000  }
0x239: {  	[spmem:s2] =	stream.indirect.scatter.add.f32 [tilespmem:s15], [sflag:$0x5], $0x80, s0, s10, $0xb8;
	[tilespmem:$0x1D000] =	vst v63  }
0x23a: {  	_ =	swait.ge [sflag:s18], $0x2000  }
0x23b: {  	[sflag:s18] =	ssyncset.done $0x0  }
0x23c: {  	[sflag:s18] =	ssyncadd.s32 $0xFFFFE000  }
0x23d: {  	[bflag:$0x0] =	sbarrier.arrive $0xFFFF  }
0x23e: {  	s6 =	sld [smem:$0x7FD];
	_ =	sdelay $0x2  }
0x23f: {  	[tilespmem:s7], [sflag:$0x6] =	stream.linear.gather [spmem:s6], $0x2000, $0x38;
	[tilespmem:$0x1D000] =	vst v63  }
0x240: {  	_ =	swait.ge [sflag:s8], $0x2000  }
0x241: {  	[sflag:s8] =	ssyncset.done $0x0  }
0x242: {  	s16 =	rddreg [dreg:$0x18];
	[sflag:s8] =	ssyncadd.s32 $0xFFFFE000  }
0x243: {  	[hbm4b:s16+s3] =	stream.linear.scatter [tilespmem:s7], [sflag:$0x6], $0x2000, $0x38;
	[tilespmem:$0x1D000] =	vst v63  }
0x244: {  	_ =	swait.ge [sflag:s8], $0x2000  }
0x245: {  	s5 =	sld [smem:$0x7EB]  }
0x246: {  	[sflag:s8] =	ssyncset.done $0x0  }
0x247: {  	[sflag:s8] =	ssyncadd.s32 $0xFFFFE000  }
0x248: {  	[tilespmem:s7], [sflag:$0x6] =	stream.linear.gather [spmem:s5], $0x2000, $0x38;
	[tilespmem:$0x1D000] =	vst v63  }
0x249: {  	_ =	swait.ge [sflag:s8], $0x2000  }
0x24a: {  	[sflag:s8] =	ssyncset.done $0x0  }
0x24b: {  	s16 =	rddreg [dreg:$0x19];
	[sflag:s8] =	ssyncadd.s32 $0xFFFFE000  }
0x24c: {  	[hbm4b:s16+s3] =	stream.linear.scatter [tilespmem:s7], [sflag:$0x6], $0x2000, $0x38;
	[tilespmem:$0x1D000] =	vst v63  }
0x24d: {  	_ =	swait.ge [sflag:s8], $0x2000  }
0x24e: {  	s5 =	sld [smem:$0x7EC]  }
0x24f: {  	[sflag:s8] =	ssyncset.done $0x0  }
0x250: {  	[sflag:s8] =	ssyncadd.s32 $0xFFFFE000  }
0x251: {  	[tilespmem:s7], [sflag:$0x6] =	stream.linear.gather [spmem:s5], $0x2000, $0x38;
	[tilespmem:$0x1D000] =	vst v63  }
0x252: {  	_ =	swait.ge [sflag:s8], $0x2000  }
0x253: {  	[sflag:s8] =	ssyncset.done $0x0  }
0x254: {  	s16 =	rddreg [dreg:$0x1a];
	[sflag:s8] =	ssyncadd.s32 $0xFFFFE000  }
0x255: {  	[hbm4b:s16+s3] =	stream.linear.scatter [tilespmem:s7], [sflag:$0x6], $0x2000, $0x38;
	[tilespmem:$0x1D000] =	vst v63  }
0x256: {  	_ =	swait.ge [sflag:s8], $0x2000  }
0x257: {  	s5 =	sld [smem:$0x7ED]  }
0x258: {  	[sflag:s8] =	ssyncset.done $0x0  }
0x259: {  	[sflag:s8] =	ssyncadd.s32 $0xFFFFE000  }
0x25a: {  	[tilespmem:s7], [sflag:$0x6] =	stream.linear.gather [spmem:s5], $0x2000, $0x38;
	[tilespmem:$0x1D000] =	vst v63  }
0x25b: {  	_ =	swait.ge [sflag:s8], $0x2000  }
0x25c: {  	[sflag:s8] =	ssyncset.done $0x0  }
0x25d: {  	s16 =	rddreg [dreg:$0x1b];
	[sflag:s8] =	ssyncadd.s32 $0xFFFFE000  }
0x25e: {  	[hbm4b:s16+s3] =	stream.linear.scatter [tilespmem:s7], [sflag:$0x6], $0x2000, $0x38;
	[tilespmem:$0x1D000] =	vst v63  }
0x25f: {  	_ =	swait.ge [sflag:s8], $0x2000  }
0x260: {  	s5 =	sld [smem:$0x7EE]  }
0x261: {  	[sflag:s8] =	ssyncset.done $0x0  }
0x262: {  	[sflag:s8] =	ssyncadd.s32 $0xFFFFE000  }
0x263: {  	[tilespmem:s7], [sflag:$0x6] =	stream.linear.gather [spmem:s5], $0x2000, $0x38;
	[tilespmem:$0x1D000] =	vst v63  }
0x264: {  	_ =	swait.ge [sflag:s8], $0x2000  }
0x265: {  	[sflag:s8] =	ssyncset.done $0x0  }
0x266: {  	s16 =	rddreg [dreg:$0x1c];
	[sflag:s8] =	ssyncadd.s32 $0xFFFFE000  }
0x267: {  	[hbm4b:s16+s3] =	stream.linear.scatter [tilespmem:s7], [sflag:$0x6], $0x2000, $0x38;
	[tilespmem:$0x1D000] =	vst v63  }
0x268: {  	_ =	swait.ge [sflag:s8], $0x2000  }
0x269: {  	s5 =	sld [smem:$0x7EF]  }
0x26a: {  	[sflag:s8] =	ssyncset.done $0x0  }
0x26b: {  	[sflag:s8] =	ssyncadd.s32 $0xFFFFE000  }
0x26c: {  	[tilespmem:s7], [sflag:$0x6] =	stream.linear.gather [spmem:s5], $0x2000, $0x38;
	[tilespmem:$0x1D000] =	vst v63  }
0x26d: {  	_ =	swait.ge [sflag:s8], $0x2000  }
0x26e: {  	[sflag:s8] =	ssyncset.done $0x0  }
0x26f: {  	s16 =	rddreg [dreg:$0x1d];
	[sflag:s8] =	ssyncadd.s32 $0xFFFFE000  }
0x270: {  	[hbm4b:s16+s3] =	stream.linear.scatter [tilespmem:s7], [sflag:$0x6], $0x2000, $0x38;
	[tilespmem:$0x1D000] =	vst v63  }
0x271: {  	_ =	swait.ge [sflag:s8], $0x2000  }
0x272: {  	s5 =	sld [smem:$0x7F0]  }
0x273: {  	[sflag:s8] =	ssyncset.done $0x0  }
0x274: {  	[sflag:s8] =	ssyncadd.s32 $0xFFFFE000  }
0x275: {  	[tilespmem:s7], [sflag:$0x6] =	stream.linear.gather [spmem:s5], $0x2000, $0x38;
	[tilespmem:$0x1D000] =	vst v63  }
0x276: {  	_ =	swait.ge [sflag:s8], $0x2000  }
0x277: {  	[sflag:s8] =	ssyncset.done $0x0  }
0x278: {  	s16 =	rddreg [dreg:$0x1e];
	[sflag:s8] =	ssyncadd.s32 $0xFFFFE000  }
0x279: {  	[hbm4b:s16+s3] =	stream.linear.scatter [tilespmem:s7], [sflag:$0x6], $0x2000, $0x38;
	[tilespmem:$0x1D000] =	vst v63  }
0x27a: {  	_ =	swait.ge [sflag:s8], $0x2000  }
0x27b: {  	s5 =	sld [smem:$0x7F1]  }
0x27c: {  	[sflag:s8] =	ssyncset.done $0x0  }
0x27d: {  	[sflag:s8] =	ssyncadd.s32 $0xFFFFE000  }
0x27e: {  	[tilespmem:s7], [sflag:$0x6] =	stream.linear.gather [spmem:s5], $0x2000, $0x38;
	[tilespmem:$0x1D000] =	vst v63  }
0x27f: {  	_ =	swait.ge [sflag:s8], $0x2000  }
0x280: {  	[sflag:s8] =	ssyncset.done $0x0  }
0x281: {  	s16 =	rddreg [dreg:$0x1f];
	[sflag:s8] =	ssyncadd.s32 $0xFFFFE000  }
0x282: {  	[hbm4b:s16+s3] =	stream.linear.scatter [tilespmem:s7], [sflag:$0x6], $0x2000, $0x38;
	[tilespmem:$0x1D000] =	vst v63  }
0x283: {  	_ =	swait.ge [sflag:s8], $0x2000  }
0x284: {  	s5 =	sld [smem:$0x7F2]  }
0x285: {  	[sflag:s8] =	ssyncset.done $0x0  }
0x286: {  	[sflag:s8] =	ssyncadd.s32 $0xFFFFE000  }
0x287: {  	[tilespmem:s7], [sflag:$0x6] =	stream.linear.gather [spmem:s5], $0x2000, $0x38;
	[tilespmem:$0x1D000] =	vst v63  }
0x288: {  	_ =	swait.ge [sflag:s8], $0x2000  }
0x289: {  	s16 =	sld [smem:$0x7E7]  }
0x28a: {  	[sflag:s8] =	ssyncset.done $0x0  }
0x28b: {  	[sflag:s8] =	ssyncadd.s32 $0xFFFFE000  }
0x28c: {  	[hbm4b:s16+s3] =	stream.linear.scatter [tilespmem:s7], [sflag:$0x6], $0x2000, $0x38;
	[tilespmem:$0x1D000] =	vst v63  }
0x28d: {  	_ =	swait.ge [sflag:s8], $0x2000  }
0x28e: {  	s5 =	sld [smem:$0x7F3]  }
0x28f: {  	[sflag:s8] =	ssyncset.done $0x0  }
0x290: {  	[sflag:s8] =	ssyncadd.s32 $0xFFFFE000  }
0x291: {  	[tilespmem:s7], [sflag:$0x6] =	stream.linear.gather [spmem:s5], $0x2000, $0x38;
	[tilespmem:$0x1D000] =	vst v63  }
0x292: {  	_ =	swait.ge [sflag:s8], $0x2000  }
0x293: {  	s16 =	sld [smem:$0x7E8]  }
0x294: {  	[sflag:s8] =	ssyncset.done $0x0  }
0x295: {  	[sflag:s8] =	ssyncadd.s32 $0xFFFFE000  }
0x296: {  	[hbm4b:s16+s3] =	stream.linear.scatter [tilespmem:s7], [sflag:$0x6], $0x2000, $0x38;
	[tilespmem:$0x1D000] =	vst v63  }
0x297: {  	_ =	swait.ge [sflag:s8], $0x2000  }
0x298: {  	s4 =	sld [smem:$0x7E6]  }
0x299: {  	s16 =	sld [smem:$0x7EA];
	_ =	sdelay $0x1  }
0x29a: {  	s5 =	sadd.s32 $0x1, s4  }
0x29b: {  	p0 =	sne.s32 s5, s16  }
.Ltmp1:
0x29c: {  	_ = 	snop;
	(pc) =	sbr.rel @p0 .LBB2_1-.Ltmp1, $3  }
0x29d: {  	_ =	sdelay $0x1  }
0x29e: {  	[sflag:s8] =	ssyncset.done $0x0  }
0x29f: {  	[sflag:s8] =	ssyncadd.s32 $0xFFFFE000  }
0x2a0: {  	_ =	sfence.sel $0x180000  }
0x2a1: {  	[bflag:$0x0] =	sbarrier.arrive $0xFFFF  }
0x2a2: {  	_ =	strace $0x9000004D  }
0x2a3: {  	s0 =	stileid.u32;
	[bflag:$0x2] =	sbarrier.arrive $0xFFFF  }
0x2a4: {  	p0 =	sne.s32 s0, $0x0;
	s0 =	rddreg [dreg:$0x3]  }
0x2a5: {  	s0 =	sadd.s32 @!p0 $0x100000, s0  }
0x2a6: {  	[sflag:s0] =	ssyncadd.tile.s32 @!p0 $0x1;
	_ =	shalt  }
.Lfunc_end2:
_tile_overlayer_lowered:
.L_overlay_start_2:
0x2a7: {  	(tag) =	ssettag $0x2  }
0x2a8: {  	s0 =	rddreg [dreg:$0x0];
	s2 =	stileid.u32  }
0x2a9: {  	s1 =	rddreg [dreg:$0x1];
	p0 =	sne.s32 s2, $0x0  }
0x2aa: {  	s3 =	rddreg [dreg:$0x2];
	[bflag:$0x3] =	sbarrier.arrive $0xFFFF;
	s2 =	simm.s32 @!p0 $0x1C06  }
0x2ab: {  	[timem:s3], [sflag:s2] =	dma.local @!p0 [hbm:s0], s1  }
0x2ac: {  	s0 =	simm.s32 @!p0 $0x6  }
0x2ad: {  	_ =	swait.ge @!p0 [sflag:s0], s1  }
0x2ae: {  	s1 =	ssub.s32 @!p0 $0x0, s1;
	[sflag:s0] =	ssyncset.done @!p0 $0x0  }
0x2af: {  	[sflag:s0] =	ssyncadd.s32 @!p0 s1  }
0x2b0: {  	[bflag:$0x3] =	sbarrier.arrive $0xFFFF  }
0x2b1: {  	_ =	shalt  }

// kernel: kernel.8.cloned.1.call-start
scs
__scs_entry_jumppad:
0x0: {  	(pc) =	sbr.rel $0x88, $3  }
0x1: {  	(tag) =	ssettag $0x0;
	lr =	simm.s32 $0x1  }
0x2: {  	[smem:$0x3F9B] =	sst lr;
	_ =	strace $0xD0000000  }
0x3: {  	_ = 	snop  }
0x4: {  	_ = 	snop  }
0x5: {  	_ = 	snop  }
0x6: {  	_ = 	snop  }
0x7: {  	_ = 	snop  }
__scs_overlays_trampoline_lowered:
0x8: {  	[smem:$0x3FAA] =	sst s0  }
0x9: {  	[smem:$0x3FAB] =	sst s1  }
0xa: {  	[smem:$0x3FAC] =	sst s2  }
0xb: {  	[smem:$0x3FAD] =	sst s3  }
0xc: {  	[smem:$0x3FAE] =	sst s4  }
0xd: {  	[smem:$0x3FAF] =	sst s5  }
0xe: {  	[smem:$0x3FB0] =	sst s6  }
0xf: {  	[smem:$0x3FB1] =	sst s7  }
0x10: {  	[smem:$0x3FB2] =	sst s8  }
0x11: {  	[smem:$0x3FB3] =	sst s9;
	s0 =	simm.s32 @!p0 $0x0  }
0x12: {  	s1 =	sld [smem:$0x3F99];
	s0 =	simm.s32 @p0 $0x1  }
0x13: {  	[smem:$0x3FB4] =	sst s0;
	s0 =	simm.s32 @!p1 $0x0  }
0x14: {  	s2 =	sld [smem:$0x3F98];
	s0 =	simm.s32 @p1 $0x1  }
0x15: {  	[smem:$0x3FB5] =	sst s0;
	s0 =	simm.s32 @!p2 $0x0  }
0x16: {  	s3 =	sld [smem:$0x3FDB];
	s0 =	simm.s32 @p2 $0x1  }
0x17: {  	s4 =	simm.s32 $0x1BF5;
	[smem:$0x3FB7] =	sst s0  }
0x18: {  	s0 =	sld [smem:$0x3F9A];
	_ =	swait.ge [sflag:s4], $0x0  }
0x19: {  	s7 =	sld [smem:$0x3F9B]  }
0x1a: {  	s8 =	sadd.s32 $0xFFFFE003, lr  }
0x1b: {  	s9 =	sadd.s32 $0xFFFFFEF7, lr;
	s5 =	simm.s32 $0xFFFFFFFF;
	p2 =	slt.u32 s8, $0xFFFFF086  }
0x1c: {  	p1 =	slt.u32 s9, $0xF7A;
	s5 =	simm.s32 @!p2 $0x0  }
0x1d: {  	s5 =	simm.s32 @p1 $0x1;
	p0 =	seq.s32 s7, s2  }
0x1e: {  	s7 =	smul.u32 @!p0 $0xF7A, s2;
	p2 =	seq.s32 @!p0 s5, $0x0  }
0x1f: {  	s9 =	smul.u32 $0xF7A, s1;
	s8 =	simm.s32 @!p0 $0x1BF5;
	p2 =	por !p2, p0  }
0x20: {  	[sflag:s8] =	ssyncset.s32 @!p0 $0xFFFFF086;
	s6 =	sadd.s32 @!p0 s3, s7;
	s7 =	simm.s32 @!p0 $0x108  }
0x21: {  	s3 =	sadd.s32 s3, s9;
	s6 =	sadd.s32 @!p0 $0x88, s6;
	s7 =	simm.s32 @p2 $0x1082  }
0x22: {  	[simem:s7], [sflag:s8] =	dma.local @!p0 [hbm:s6], $0xF7A  }
0x23: {  	s9 =	sor.u32 $0xD0000000, s2;
	s6 =	simm.s32 $0x108;
	_ =	swait.ge @!p0 [sflag:s8], $0x0  }
0x24: {  	s3 =	sadd.s32 $0x88, s3;
	s6 =	simm.s32 @!p1 $0x1082;
	[sflag:s4] =	ssyncset.s32 $0xFFFFF086  }
0x25: {  	[simem:s6], [sflag:s4] =	dma.local [hbm:s3], $0xF7A  }
0x26: {  	[smem:$0x3F9B] =	sst s1;
	(tag) =	ssettag s2;
	_ =	strace s9  }
0x27: {  	s1 =	sld [smem:$0x3FAB]  }
0x28: {  	s2 =	sld [smem:$0x3FAC]  }
0x29: {  	s4 =	sld [smem:$0x3FAE]  }
0x2a: {  	p0 =	seq.s32 s5, $0x0;
	s5 =	sld [smem:$0x3FAF]  }
0x2b: {  	s6 =	sld [smem:$0x3FB0]  }
0x2c: {  	s7 =	sld [smem:$0x3FB1]  }
0x2d: {  	s3 =	simm.s32 $0x108;
	s8 =	sld [smem:$0x3FB2]  }
0x2e: {  	s3 =	simm.s32 @!p0 $0x1082;
	s9 =	sld [smem:$0x3FB3]  }
0x2f: {  	lr =	sadd.s32 s0, s3;
	s0 =	sld [smem:$0x3FAA]  }
0x30: {  	s3 =	sld [smem:$0x3FAD]  }
0x31: {  	[smem:$0x3FB6] =	sst s10  }
0x32: {  	s10 =	sld [smem:$0x3FB4];
	_ =	sdelay $0x3  }
0x33: {  	p0 =	seq.s32 s10, $0x1;
	s10 =	sld [smem:$0x3FB6];
	_ =	sdelay $0x3  }
0x34: {  	[smem:$0x3FB6] =	sst s10  }
0x35: {  	s10 =	sld [smem:$0x3FB5];
	_ =	sdelay $0x3  }
0x36: {  	p1 =	seq.s32 s10, $0x1;
	s10 =	sld [smem:$0x3FB6];
	_ =	sdelay $0x3  }
0x37: {  	[smem:$0x3FB6] =	sst s10  }
0x38: {  	s10 =	sld [smem:$0x3FB7]  }
0x39: {  	_ = 	snop;
	(pc) =	sbr.ind lr, $3  }
0x3a: {  	_ = 	snop  }
0x3b: {  	_ = 	snop  }
0x3c: {  	p2 =	seq.s32 s10, $0x1;
	s10 =	sld [smem:$0x3FB6]  }
0x3d: {  	_ =	shalt  }
0x3e: {  	_ =	shalt  }
0x3f: {  	_ =	shalt  }
0x40: {  	_ =	shalt  }
0x41: {  	_ =	shalt  }
0x42: {  	_ =	shalt  }
0x43: {  	_ =	shalt  }
0x44: {  	_ =	shalt  }
0x45: {  	_ =	shalt  }
0x46: {  	_ =	shalt  }
0x47: {  	_ =	shalt  }
0x48: {  	_ =	shalt  }
0x49: {  	_ =	shalt  }
0x4a: {  	_ =	shalt  }
0x4b: {  	_ =	shalt  }
0x4c: {  	_ =	shalt  }
0x4d: {  	_ =	shalt  }
0x4e: {  	_ =	shalt  }
0x4f: {  	_ =	shalt  }
0x50: {  	_ =	shalt  }
0x51: {  	_ =	shalt  }
0x52: {  	_ =	shalt  }
0x53: {  	_ =	shalt  }
0x54: {  	_ =	shalt  }
0x55: {  	_ =	shalt  }
0x56: {  	_ =	shalt  }
0x57: {  	_ =	shalt  }
0x58: {  	_ =	shalt  }
0x59: {  	_ =	shalt  }
0x5a: {  	_ =	shalt  }
0x5b: {  	_ =	shalt  }
0x5c: {  	_ =	shalt  }
0x5d: {  	_ =	shalt  }
0x5e: {  	_ =	shalt  }
0x5f: {  	_ =	shalt  }
0x60: {  	_ =	shalt  }
0x61: {  	_ =	shalt  }
0x62: {  	_ =	shalt  }
0x63: {  	_ =	shalt  }
0x64: {  	_ =	shalt  }
0x65: {  	_ =	shalt  }
0x66: {  	_ =	shalt  }
0x67: {  	_ =	shalt  }
0x68: {  	_ =	shalt  }
0x69: {  	_ =	shalt  }
0x6a: {  	_ =	shalt  }
0x6b: {  	_ =	shalt  }
0x6c: {  	_ =	shalt  }
0x6d: {  	_ =	shalt  }
0x6e: {  	_ =	shalt  }
0x6f: {  	_ =	shalt  }
0x70: {  	_ =	shalt  }
0x71: {  	_ =	shalt  }
0x72: {  	_ =	shalt  }
0x73: {  	_ =	shalt  }
0x74: {  	_ =	shalt  }
0x75: {  	_ =	shalt  }
0x76: {  	_ =	shalt  }
0x77: {  	_ =	shalt  }
0x78: {  	_ =	shalt  }
0x79: {  	_ =	shalt  }
0x7a: {  	_ =	shalt  }
0x7b: {  	_ =	shalt  }
0x7c: {  	_ =	shalt  }
0x7d: {  	_ =	shalt  }
0x7e: {  	_ =	shalt  }
0x7f: {  	_ =	shalt  }
0x80: {  	_ =	shalt  }
0x81: {  	_ =	shalt  }
0x82: {  	_ =	shalt  }
0x83: {  	_ =	shalt  }
0x84: {  	_ =	shalt  }
0x85: {  	_ =	shalt  }
0x86: {  	_ =	shalt  }
0x87: {  	_ =	shalt  }
.Lfunc_end0:
.L_simem_size_0:
called_computation_lowered:
.L_overlay_start_0:
0x88: {  	s2 =	sld [smem:$0x3FD9]  }
0x89: {  	s3 =	sld [smem:$0x3FFE];
	_ =	sdelay $0x1  }
0x8a: {  	s1 =	srdreg.scid  }
0x8b: {  	s0 =	sand.u32 $0x1, s1  }
0x8c: {  	s17 =	sshll.u32 s0, $0xA;
	s2 =	sadd.s32 s3, s2  }
0x8d: {  	s2 =	sadd.s32 s2, s17  }
0x8e: {  	[smem:$0x3FC2] =	sst s2  }
0x8f: {  	_ = 	snop  }
0x90: {  	(tm) =	ssettm $0x1  }
0x91: {  	s18 =	sld [smem:$0x3FFB];
	_ =	sdelay $0x3  }
0x92: {  	_ =	strace s18  }
0x93: {  	s2 =	sld [smem:$0x3FFC];
	_ =	sdelay $0x3  }
0x94: {  	_ =	strace s2  }
0x95: {  	s2 =	sld [smem:$0x3FFD];
	_ =	sdelay $0x3  }
0x96: {  	_ =	strace s2  }
0x97: {  	_ =	strace $0x8FFFFFFF  }
0x98: {  	s19 =	sld [smem:$0x3FDB];
	_ =	sdelay $0x1  }
0x99: {  	s20 =	simm.s32 $_scs_section_size  }
0x9a: {  	s4 =	simm.s32 $_size__tile_overlayer_lowered;
	s5 =	simm.s32 $_tile_overlayer_lowered  }
0x9b: {  	s6 =	simm.s32 $0x1BFF;
	s21 =	sshll.u32 s5, $0x1;
	s3 =	sadd.s32 s20, s19  }
0x9c: {  	s22 =	simm.s32 $0x0;
	s4 =	sshll.u32 s4, $0x1;
	s5 =	sadd.s32 s21, s3  }
0x9d: {  	[timem:s22], [sflag:s6] =	dma.local [hbm:s5], s4  }
0x9e: {  	_ =	swait.ge [sflag:s6], s4  }
0x9f: {  	s4 =	ssub.s32 $0x0, s4;
	[sflag:s6] =	ssyncset.done $0x0  }
0xa0: {  	[sflag:s6] =	ssyncadd.s32 s4;
	_ =	sdelay $0x1  }
0xa1: {  	s23 =	simm.s32 $0x1B8B  }
0xa2: {  	_ =	swait.ge [sflag:s23], $0x1  }
0xa3: {  	[sflag:s23] =	ssyncset.done $0x0  }
0xa4: {  	[sflag:s23] =	ssyncadd.s32 $0xFFFFFFFF  }
0xa5: {  	s4 =	sld [smem:$0x0]  }
0xa6: {  	s5 =	sand.u32 $0xFFFFFFFE, s1  }
0xa7: {  	p0 =	sne.s32 s1, s5  }
0xa8: {  	s5 =	sshll.u32 @p0 s5, $0xE  }
0xa9: {  	s5 =	sadd.s32 @p0 $0x11B8D, s5;
	s6 =	sshll.u32 @p0 s4, $0x11  }
0xaa: {  	s5 =	sor.u32 @p0 s6, s5  }
0xab: {  	[sflag:s5] =	ssyncadd.remote.s32 @p0 $0x1;
	_ =	sdelay $0x1  }
0xac: {  	s5 =	simm.s32 @p0 $0x1B8D  }
0xad: {  	_ =	swait.eq @p0 [sflag:s5], $0x1  }
0xae: {  	[sflag:s5] =	ssyncadd.s32 @p0 $0xFFFFFFFF  }
0xaf: {  	s6 =	sshll.u32 @!p0 s1, $0xE  }
0xb0: {  	s6 =	sor.u32 @!p0 $0x4000, s6;
	s5 =	simm.s32 @!p0 $0x1B8D  }
0xb1: {  	s4 =	sshll.u32 @!p0 s4, $0x11;
	s6 =	sadd.s32 @!p0 $0x11B8D, s6;
	_ =	swait.eq @!p0 [sflag:s5], $0x1  }
0xb2: {  	s4 =	sor.u32 @!p0 s4, s6;
	[sflag:s5] =	ssyncadd.s32 @!p0 $0xFFFFFFFF  }
0xb3: {  	s25 =	simm.s32 $0x1B8E;
	s24 =	sld [smem:$0x3FFE];
	[sflag:s4] =	ssyncadd.remote.s32 @!p0 $0x1  }
0xb4: {  	s26 =	simm.s32 $execute0_lowered;
	[smem:$0x3FD2] =	sst s25  }
0xb5: {  	s5 =	sshll.u32 s26, $0x1;
	_ =	strace $0x80000049;
	[dreg:$0x1] =	wrdreg $0xFFFFFFFF  }
0xb6: {  	s28 =	simm.s32 $_size_execute0_lowered;
	s3 =	sadd.s32 s3, s5;
	[dreg:$0x0] =	wrdreg $0x0  }
0xb7: {  	s5 =	sshll.u32 s28, $0x1;
	[dreg:$0x2] =	wrdreg s3  }
0xb8: {  	[dreg:$0x3] =	wrdreg s5  }
0xb9: {  	[dreg:$0x4] =	wrdreg $0xC0  }
0xba: {  	_ =	task [dreg:s22], $0x5FFFF  }
0xbb: {  	[dreg:$0x1] =	wrdreg $0xFFFFFFFF  }
0xbc: {  	[dreg:$0x0] =	wrdreg $0x60  }
0xbd: {  	[dreg:$0x2] =	wrdreg s24  }
0xbe: {  	[dreg:$0x3] =	wrdreg $0x28000  }
0xbf: {  	[dreg:$0x4] =	wrdreg $0x9  }
0xc0: {  	_ =	task.clear_ibuf [dreg:s22], $0x5FFFF;
	_ =	strace $0x90000049  }
0xc1: {  	s29 =	simm.s32 $0x9;
	_ =	strace $0x8000004B  }
0xc2: {  	_ =	swait.ge [sflag:s29], $0x1  }
0xc3: {  	[sflag:s29] =	ssyncadd.s32 $0xFFFFFFFF  }
0xc4: {  	_ =	strace $0x9000004B  }
0xc5: {  	_ =	sfence  }
0xc6: {  	s30 =	sld [smem:$0x0];
	_ =	sdelay $0x2  }
0xc7: {  	s31 =	sshll.u32 s1, $0xD;
	s1 =	sshrl.u32 s1, $0x2  }
0xc8: {  	s4 =	sand.u32 $0x4000, s31;
	s1 =	sadd.s32 s1, s30  }
0xc9: {  	s0 =	sor.u32 s4, s0;
	s1 =	sshll.u32 s1, $0x11  }
0xca: {  	s0 =	sor.u32 s1, s0  }
0xcb: {  	s0 =	sadd.s32 $0x8F2B, s0  }
0xcc: {  	[sflag:s0] =	ssyncadd.remote.s32 $0x1  }
0xcd: {  	_ =	sfence.sel $0xFFFF  }
0xce: {  	[dreg:$0x0] =	wrdreg $0xFFFFFFFF;
	(pc) =	sbr.abs _section_cstart, $3  }
0xcf: {  	[dreg:$0x1] =	wrdreg $0xFFFFFFFF  }
0xd0: {  	_ =	task.clear_ibuf [dreg:s22], $0x2FFFF;
	_ =	strace $0x9FFFFFFF  }
0xd1: {  	(tm) =	ssettm $0x7FFFFFFF  }
tec
execute0_lowered:
.L_overlay_start_1:
0x0: {  	(tag) =	ssettag $0x1  }
0x1: {  	s18 =	stileid.u32  }
0x2: {  	s0 =	srdreg.scid;
	s3 =	smul.u32 $0xA000, s18  }
0x3: {  	s5 =	rddreg [dreg:$0x0];
	s0 =	sand.u32 $0x1, s0;
	s7 =	smul.u32 $0x14000, s18  }
0x4: {  	s1 =	rddreg [dreg:$0x1];
	s4 =	smul.u32 $0x5000, s0  }
0x5: {  	s2 =	simm.s32 $0x0;
	s6 =	smul.u32 $0x140000, s0;
	s0 =	ssub.s32 $0x2, s0  }
0x6: {  	[smem:$0x7FF] =	sst s2;
	s31 =	sadd.s32 $0xB6200, s5;
	s8 =	sshrl.u32 s0, $0x1  }
0x7: {  	s10 =	sadd.s32 $0x4000, s7;
	s12 =	sadd.s32 $0x6000, s7;
	s19 =	sadd.s32 $0x8000, s7  }
0x8: {  	s24 =	sadd.s32 $0xE000, s7;
	s3 =	sadd.s32 s4, s3;
	s9 =	sadd.s32 s6, s7  }
0x9: {  	s0 =	ssub.s32 s0, s8;
	s11 =	sadd.s32 s6, s10;
	s16 =	sadd.s32 s6, s12  }
0xa: {  	s20 =	sadd.s32 s6, s19;
	s13 =	sshrl.u32 s9, $0x3;
	s9 =	sor.u32 $0x2000, s7  }
0xb: {  	s25 =	sadd.s32 s6, s24;
	s8 =	sadd.s32 s31, s13;
	s14 =	sadd.s32 s6, s9  }
0xc: {  	s15 =	sshrl.u32 s11, $0x3;
	[dreg:$0x3] =	wrdreg s8;
	s8 =	sshrl.u32 s14, $0x3  }
0xd: {  	s17 =	sshrl.u32 s16, $0x3;
	s13 =	sadd.s32 $0xA000, s7;
	s8 =	sadd.s32 s31, s8  }
0xe: {  	s14 =	sadd.s32 s6, s13;
	[dreg:$0x4] =	wrdreg s8;
	s8 =	sadd.s32 s31, s15  }
0xf: {  	s21 =	sshrl.u32 s14, $0x3;
	s15 =	sadd.s32 $0xC000, s7;
	[dreg:$0x5] =	wrdreg s8  }
0x10: {  	s8 =	sadd.s32 s31, s17;
	s22 =	sadd.s32 s6, s15;
	s17 =	sadd.s32 $0x10000, s7  }
0x11: {  	s7 =	sadd.s32 $0x12000, s7;
	[dreg:$0x6] =	wrdreg s8;
	s8 =	sshrl.u32 s20, $0x3  }
0x12: {  	s23 =	sshrl.u32 s22, $0x3;
	s16 =	sadd.s32 s6, s17;
	s8 =	sadd.s32 s31, s8  }
0x13: {  	s6 =	sadd.s32 s6, s7;
	[dreg:$0x7] =	wrdreg s8;
	s8 =	sadd.s32 s31, s21  }
0x14: {  	s6 =	sshrl.u32 s6, $0x3;
	[dreg:$0x8] =	wrdreg s8;
	s8 =	sadd.s32 s31, s23  }
0x15: {  	s4 =	sadd.s32 s31, s6;
	[dreg:$0x9] =	wrdreg s8;
	s8 =	sshrl.u32 s25, $0x3  }
0x16: {  	s26 =	sshrl.u32 s16, $0x3;
	[dreg:$0xc] =	wrdreg s4;
	s8 =	sadd.s32 s31, s8  }
0x17: {  	s3 =	sshrl.u32 s3, $0x3;
	[dreg:$0xa] =	wrdreg s8;
	s8 =	sadd.s32 s31, s26  }
0x18: {  	s3 =	sadd.s32 s3, s5;
	[dreg:$0xb] =	wrdreg s8;
	s8 =	sadd.s32 $0xB5E00, s5  }
0x19: {  	s5 =	sadd.s32 $0x3DE00, s5;
	_ =	strace $0x8000004A;
	[dreg:$0xd] =	wrdreg s8  }
0x1a: {  	s0 =	smax.u32 s0, $0x1;
	[dreg:$0xe] =	wrdreg s5  }
0x1b: {  	s9 =	sadd.s32 s9, s1;
	[dreg:$0xf] =	wrdreg s0  }
0x1c: {  	s29 =	simm.s32 $0x0;
	s10 =	sadd.s32 s10, s1;
	[dreg:$0x10] =	wrdreg s9  }
0x1d: {  	s30 =	smul.u32 $0x50000, s18;
	s12 =	sadd.s32 s12, s1;
	[dreg:$0x11] =	wrdreg s10  }
0x1e: {  	s18 =	sadd.s32 s19, s1;
	s19 =	sadd.s32 s13, s1;
	[dreg:$0x12] =	wrdreg s12  }
0x1f: {  	s28 =	sadd.s32 $0x1E00, s3;
	s13 =	simm.s32 $0x180;
	[dreg:$0x13] =	wrdreg s18  }
0x20: {  	s14 =	simm.s32 $0x200;
	s20 =	sadd.s32 s15, s1;
	[dreg:$0x14] =	wrdreg s19  }
0x21: {  	s22 =	sadd.s32 s17, s1;
	s21 =	sadd.s32 s24, s1;
	[dreg:$0x15] =	wrdreg s20  }
0x22: {  	s15 =	simm.s32 $0x280;
	s17 =	simm.s32 $0x300;
	[dreg:$0x16] =	wrdreg s21  }
0x23: {  	s23 =	sadd.s32 s7, s1;
	s31 =	sshrl.u32 s30, $0x2;
	[dreg:$0x17] =	wrdreg s22  }
0x24: {  	s7 =	simm.s32 $0x800;
	s16 =	sadd.s32 s31, s1;
	[dreg:$0x18] =	wrdreg s23  }
0x25: {  	s24 =	sadd.s32 $0x2000, s16;
	s25 =	sadd.s32 $0x4000, s16;
	s26 =	sadd.s32 $0x6000, s16  }
0x26: {  	s30 =	sadd.s32 $0x8000, s16;
	s31 =	sadd.s32 $0xA000, s16;
	s3 =	sadd.s32 $0xC000, s16  }
0x27: {  	s4 =	sadd.s32 $0xE000, s16;
	s5 =	sadd.s32 $0x10000, s16;
	s6 =	sadd.s32 $0x12000, s16  }
0x28: {  	s8 =	simm.s32 $0x1;
	s9 =	simm.s32 $0x40;
	[dreg:$0x19] =	wrdreg s24  }
0x29: {  	s10 =	simm.s32 $0x80;
	s12 =	simm.s32 $0x100;
	[dreg:$0x1a] =	wrdreg s25  }
0x2a: {  	s18 =	simm.s32 $0x380;
	s19 =	simm.s32 $0x400;
	[dreg:$0x1b] =	wrdreg s26  }
0x2b: {  	s20 =	simm.s32 $0x480;
	s21 =	simm.s32 $0x500;
	[dreg:$0x1c] =	wrdreg s30  }
0x2c: {  	s22 =	simm.s32 $0x580;
	s23 =	simm.s32 $0x600;
	[dreg:$0x1d] =	wrdreg s31  }
0x2d: {  	s24 =	simm.s32 $0x680;
	s25 =	simm.s32 $0x700;
	s26 =	simm.s32 $0x780  }
.LBB2_1:
0x2e: {  	s0 =	rddreg [dreg:$0xe]  }
0x2f: {  	[tilespmem:s7], [sflag:$0x1] =	stream.linear.gather [hbm4b:s0+s2], $0x2000, $0x38;
	[tilespmem:$0x16800] =	vst v63  }
0x30: {  	_ =	swait.ge [sflag:s8], $0x2000  }
0x31: {  	[sflag:s8] =	ssyncset.done $0x0  }
0x32: {  	[sflag:s8] =	ssyncadd.s32 $0xFFFFE000  }
0x33: {  	[spmem:s16] =	stream.linear.scatter [tilespmem:s7], [sflag:$0x1], $0x2000, $0x38;
	[tilespmem:$0x16800] =	vst v63  }
0x34: {  	_ =	swait.ge [sflag:s8], $0x2000  }
0x35: {  	[sflag:s8] =	ssyncset.done $0x0  }
0x36: {  	s11 =	rddreg [dreg:$0x19];
	[sflag:s8] =	ssyncadd.s32 $0xFFFFE000  }
0x37: {  	[spmem:s11] =	stream.linear.scatter [tilespmem:s7], [sflag:$0x1], $0x2000, $0x38;
	[tilespmem:$0x16800] =	vst v63  }
0x38: {  	_ =	swait.ge [sflag:s8], $0x2000  }
0x39: {  	[sflag:s8] =	ssyncset.done $0x0  }
0x3a: {  	s11 =	rddreg [dreg:$0x1a];
	[sflag:s8] =	ssyncadd.s32 $0xFFFFE000  }
0x3b: {  	[spmem:s11] =	stream.linear.scatter [tilespmem:s7], [sflag:$0x1], $0x2000, $0x38;
	[tilespmem:$0x16800] =	vst v63  }
0x3c: {  	_ =	swait.ge [sflag:s8], $0x2000  }
0x3d: {  	[sflag:s8] =	ssyncset.done $0x0  }
0x3e: {  	s11 =	rddreg [dreg:$0x1b];
	[sflag:s8] =	ssyncadd.s32 $0xFFFFE000  }
0x3f: {  	[spmem:s11] =	stream.linear.scatter [tilespmem:s7], [sflag:$0x1], $0x2000, $0x38;
	[tilespmem:$0x16800] =	vst v63  }
0x40: {  	_ =	swait.ge [sflag:s8], $0x2000  }
0x41: {  	[sflag:s8] =	ssyncset.done $0x0  }
0x42: {  	s11 =	rddreg [dreg:$0x1c];
	[sflag:s8] =	ssyncadd.s32 $0xFFFFE000  }
0x43: {  	[spmem:s11] =	stream.linear.scatter [tilespmem:s7], [sflag:$0x1], $0x2000, $0x38;
	[tilespmem:$0x16800] =	vst v63  }
0x44: {  	_ =	swait.ge [sflag:s8], $0x2000  }
0x45: {  	[sflag:s8] =	ssyncset.done $0x0  }
0x46: {  	s11 =	rddreg [dreg:$0x1d];
	[sflag:s8] =	ssyncadd.s32 $0xFFFFE000  }
0x47: {  	[spmem:s11] =	stream.linear.scatter [tilespmem:s7], [sflag:$0x1], $0x2000, $0x38;
	[tilespmem:$0x16800] =	vst v63  }
0x48: {  	_ =	swait.ge [sflag:s8], $0x2000  }
0x49: {  	[sflag:s8] =	ssyncset.done $0x0  }
0x4a: {  	[sflag:s8] =	ssyncadd.s32 $0xFFFFE000  }
0x4b: {  	[spmem:s3] =	stream.linear.scatter [tilespmem:s7], [sflag:$0x1], $0x2000, $0x38;
	[tilespmem:$0x16800] =	vst v63  }
0x4c: {  	_ =	swait.ge [sflag:s8], $0x2000  }
0x4d: {  	[sflag:s8] =	ssyncset.done $0x0  }
0x4e: {  	[sflag:s8] =	ssyncadd.s32 $0xFFFFE000  }
0x4f: {  	[spmem:s4] =	stream.linear.scatter [tilespmem:s7], [sflag:$0x1], $0x2000, $0x38;
	[tilespmem:$0x16800] =	vst v63  }
0x50: {  	_ =	swait.ge [sflag:s8], $0x2000  }
0x51: {  	[sflag:s8] =	ssyncset.done $0x0  }
0x52: {  	[sflag:s8] =	ssyncadd.s32 $0xFFFFE000  }
0x53: {  	[spmem:s5] =	stream.linear.scatter [tilespmem:s7], [sflag:$0x1], $0x2000, $0x38;
	[tilespmem:$0x16800] =	vst v63  }
0x54: {  	_ =	swait.ge [sflag:s8], $0x2000  }
0x55: {  	[sflag:s8] =	ssyncset.done $0x0  }
0x56: {  	[sflag:s8] =	ssyncadd.s32 $0xFFFFE000  }
0x57: {  	[spmem:s6] =	stream.linear.scatter [tilespmem:s7], [sflag:$0x1], $0x2000, $0x38;
	[tilespmem:$0x16800] =	vst v63  }
0x58: {  	_ =	swait.ge [sflag:s8], $0x2000  }
0x59: {  	[sflag:s8] =	ssyncset.done $0x0  }
0x5a: {  	[sflag:s8] =	ssyncadd.s32 $0xFFFFE000  }
0x5b: {  	[bflag:$0x0] =	sbarrier.arrive $0xFFFF  }
0x5c: {  	s11 =	rddreg [dreg:$0xd]  }
0x5d: {  	[tilespmem:s7], [sflag:$0x1] =	stream.linear.gather [hbm4b:s11+s2], $0x2000, $0x38;
	[tilespmem:$0x16800] =	vst v63  }
0x5e: {  	_ =	swait.ge [sflag:s8], $0x2000  }
0x5f: {  	[sflag:s8] =	ssyncset.done $0x0  }
0x60: {  	s11 =	sadd.s32 $0x0, s28;
	[sflag:s8] =	ssyncadd.s32 $0xFFFFE000  }
0x61: {  	[tilespmem:s2], [sflag:$0x1] =	stream.linear.gather [hbm4b:s11+s2], $0x800, $0x38;
	[tilespmem:$0x16800] =	vst v63  }
0x62: {  	_ =	swait.ge [sflag:s8], $0x800  }
0x63: {  	[sflag:s8] =	ssyncset.done $0x0  }
0x64: {  	[sflag:s8] =	ssyncadd.s32 $0xFFFFF800  }
0x65: {  	[spmem:s1] =	stream.indirect.scatter.add.f32 [tilespmem:s7], [sflag:$0x1], $0x80, s2, s9, $0xb8;
	[tilespmem:$0x16800] =	vst v63  }
0x66: {  	_ =	swait.ge [sflag:s8], $0x2000  }
0x67: {  	[sflag:s8] =	ssyncset.done $0x0  }
0x68: {  	[sflag:s8] =	ssyncadd.s32 $0xFFFFE000  }
0x69: {  	[spmem:s1] =	stream.indirect.scatter.add.f32 [tilespmem:s7], [sflag:$0x1], $0x80, s10, s9, $0xb8;
	[tilespmem:$0x16800] =	vst v63  }
0x6a: {  	_ =	swait.ge [sflag:s8], $0x2000  }
0x6b: {  	[sflag:s8] =	ssyncset.done $0x0  }
0x6c: {  	[sflag:s8] =	ssyncadd.s32 $0xFFFFE000  }
0x6d: {  	[spmem:s1] =	stream.indirect.scatter.add.f32 [tilespmem:s7], [sflag:$0x1], $0x80, s12, s9, $0xb8;
	[tilespmem:$0x16800] =	vst v63  }
0x6e: {  	_ =	swait.ge [sflag:s8], $0x2000  }
0x6f: {  	[sflag:s8] =	ssyncset.done $0x0  }
0x70: {  	[sflag:s8] =	ssyncadd.s32 $0xFFFFE000  }
0x71: {  	[spmem:s1] =	stream.indirect.scatter.add.f32 [tilespmem:s7], [sflag:$0x1], $0x80, s13, s9, $0xb8;
	[tilespmem:$0x16800] =	vst v63  }
0x72: {  	_ =	swait.ge [sflag:s8], $0x2000  }
0x73: {  	[sflag:s8] =	ssyncset.done $0x0  }
0x74: {  	[sflag:s8] =	ssyncadd.s32 $0xFFFFE000  }
0x75: {  	[spmem:s1] =	stream.indirect.scatter.add.f32 [tilespmem:s7], [sflag:$0x1], $0x80, s14, s9, $0xb8;
	[tilespmem:$0x16800] =	vst v63  }
0x76: {  	_ =	swait.ge [sflag:s8], $0x2000  }
0x77: {  	[sflag:s8] =	ssyncset.done $0x0  }
0x78: {  	[sflag:s8] =	ssyncadd.s32 $0xFFFFE000  }
0x79: {  	[spmem:s1] =	stream.indirect.scatter.add.f32 [tilespmem:s7], [sflag:$0x1], $0x80, s15, s9, $0xb8;
	[tilespmem:$0x16800] =	vst v63  }
0x7a: {  	_ =	swait.ge [sflag:s8], $0x2000  }
0x7b: {  	[sflag:s8] =	ssyncset.done $0x0  }
0x7c: {  	[sflag:s8] =	ssyncadd.s32 $0xFFFFE000  }
0x7d: {  	[spmem:s1] =	stream.indirect.scatter.add.f32 [tilespmem:s7], [sflag:$0x1], $0x80, s17, s9, $0xb8;
	[tilespmem:$0x16800] =	vst v63  }
0x7e: {  	_ =	swait.ge [sflag:s8], $0x2000  }
0x7f: {  	[sflag:s8] =	ssyncset.done $0x0  }
0x80: {  	[sflag:s8] =	ssyncadd.s32 $0xFFFFE000  }
0x81: {  	[spmem:s1] =	stream.indirect.scatter.add.f32 [tilespmem:s7], [sflag:$0x1], $0x80, s18, s9, $0xb8;
	[tilespmem:$0x16800] =	vst v63  }
0x82: {  	_ =	swait.ge [sflag:s8], $0x2000  }
0x83: {  	[sflag:s8] =	ssyncset.done $0x0  }
0x84: {  	[sflag:s8] =	ssyncadd.s32 $0xFFFFE000  }
0x85: {  	[spmem:s1] =	stream.indirect.scatter.add.f32 [tilespmem:s7], [sflag:$0x1], $0x80, s19, s9, $0xb8;
	[tilespmem:$0x16800] =	vst v63  }
0x86: {  	_ =	swait.ge [sflag:s8], $0x2000  }
0x87: {  	[sflag:s8] =	ssyncset.done $0x0  }
0x88: {  	[sflag:s8] =	ssyncadd.s32 $0xFFFFE000  }
0x89: {  	[spmem:s1] =	stream.indirect.scatter.add.f32 [tilespmem:s7], [sflag:$0x1], $0x80, s20, s9, $0xb8;
	[tilespmem:$0x16800] =	vst v63  }
0x8a: {  	_ =	swait.ge [sflag:s8], $0x2000  }
0x8b: {  	[sflag:s8] =	ssyncset.done $0x0  }
0x8c: {  	[sflag:s8] =	ssyncadd.s32 $0xFFFFE000  }
0x8d: {  	[spmem:s1] =	stream.indirect.scatter.add.f32 [tilespmem:s7], [sflag:$0x1], $0x80, s21, s9, $0xb8;
	[tilespmem:$0x16800] =	vst v63  }
0x8e: {  	_ =	swait.ge [sflag:s8], $0x2000  }
0x8f: {  	[sflag:s8] =	ssyncset.done $0x0  }
0x90: {  	[sflag:s8] =	ssyncadd.s32 $0xFFFFE000  }
0x91: {  	[spmem:s1] =	stream.indirect.scatter.add.f32 [tilespmem:s7], [sflag:$0x1], $0x80, s22, s9, $0xb8;
	[tilespmem:$0x16800] =	vst v63  }
0x92: {  	_ =	swait.ge [sflag:s8], $0x2000  }
0x93: {  	[sflag:s8] =	ssyncset.done $0x0  }
0x94: {  	[sflag:s8] =	ssyncadd.s32 $0xFFFFE000  }
0x95: {  	[spmem:s1] =	stream.indirect.scatter.add.f32 [tilespmem:s7], [sflag:$0x1], $0x80, s23, s9, $0xb8;
	[tilespmem:$0x16800] =	vst v63  }
0x96: {  	_ =	swait.ge [sflag:s8], $0x2000  }
0x97: {  	[sflag:s8] =	ssyncset.done $0x0  }
0x98: {  	[sflag:s8] =	ssyncadd.s32 $0xFFFFE000  }
0x99: {  	[spmem:s1] =	stream.indirect.scatter.add.f32 [tilespmem:s7], [sflag:$0x1], $0x80, s24, s9, $0xb8;
	[tilespmem:$0x16800] =	vst v63  }
0x9a: {  	_ =	swait.ge [sflag:s8], $0x2000  }
0x9b: {  	[sflag:s8] =	ssyncset.done $0x0  }
0x9c: {  	[sflag:s8] =	ssyncadd.s32 $0xFFFFE000  }
0x9d: {  	[spmem:s1] =	stream.indirect.scatter.add.f32 [tilespmem:s7], [sflag:$0x1], $0x80, s25, s9, $0xb8;
	[tilespmem:$0x16800] =	vst v63  }
0x9e: {  	_ =	swait.ge [sflag:s8], $0x2000  }
0x9f: {  	[sflag:s8] =	ssyncset.done $0x0  }
0xa0: {  	[sflag:s8] =	ssyncadd.s32 $0xFFFFE000  }
0xa1: {  	[spmem:s1] =	stream.indirect.scatter.add.f32 [tilespmem:s7], [sflag:$0x1], $0x80, s26, s9, $0xb8;
	[tilespmem:$0x16800] =	vst v63  }
0xa2: {  	_ =	swait.ge [sflag:s8], $0x2000  }
0xa3: {  	s30 =	simm.s32 $0x100;
	s31 =	simm.s32 $0x200;
	[sflag:s8] =	ssyncset.done $0x0  }
.LBB2_2:
0xa4: {  	s0 =	sadd.s32 s30, s28  }
0xa5: {  	[sflag:s8] =	ssyncadd.s32 $0xFFFFE000;
	s30 =	smov.u32 s31;
	s11 =	sadd.s32 $0x100, s31  }
0xa6: {  	[tilespmem:s2], [sflag:$0x1] =	stream.linear.gather [hbm4b:s0+s2], $0x800, $0x38;
	[tilespmem:$0x16800] =	vst v63  }
0xa7: {  	p0 =	sne.s32 s31, $0x900;
	_ =	swait.ge [sflag:s8], $0x800  }
0xa8: {  	[sflag:s8] =	ssyncset.done $0x0  }
0xa9: {  	[sflag:s8] =	ssyncadd.s32 $0xFFFFF800  }
0xaa: {  	[spmem:s1] =	stream.indirect.scatter.add.f32 [tilespmem:s7], [sflag:$0x1], $0x80, s2, s9, $0xb8;
	[tilespmem:$0x16800] =	vst v63  }
0xab: {  	_ =	swait.ge [sflag:s8], $0x2000  }
0xac: {  	[sflag:s8] =	ssyncset.done $0x0  }
0xad: {  	[sflag:s8] =	ssyncadd.s32 $0xFFFFE000  }
0xae: {  	[spmem:s1] =	stream.indirect.scatter.add.f32 [tilespmem:s7], [sflag:$0x1], $0x80, s10, s9, $0xb8;
	[tilespmem:$0x16800] =	vst v63  }
0xaf: {  	_ =	swait.ge [sflag:s8], $0x2000  }
0xb0: {  	[sflag:s8] =	ssyncset.done $0x0  }
0xb1: {  	[sflag:s8] =	ssyncadd.s32 $0xFFFFE000  }
0xb2: {  	[spmem:s1] =	stream.indirect.scatter.add.f32 [tilespmem:s7], [sflag:$0x1], $0x80, s12, s9, $0xb8;
	[tilespmem:$0x16800] =	vst v63  }
0xb3: {  	_ =	swait.ge [sflag:s8], $0x2000  }
0xb4: {  	[sflag:s8] =	ssyncset.done $0x0  }
0xb5: {  	[sflag:s8] =	ssyncadd.s32 $0xFFFFE000  }
0xb6: {  	[spmem:s1] =	stream.indirect.scatter.add.f32 [tilespmem:s7], [sflag:$0x1], $0x80, s13, s9, $0xb8;
	[tilespmem:$0x16800] =	vst v63  }
0xb7: {  	_ =	swait.ge [sflag:s8], $0x2000  }
0xb8: {  	[sflag:s8] =	ssyncset.done $0x0  }
0xb9: {  	[sflag:s8] =	ssyncadd.s32 $0xFFFFE000  }
0xba: {  	[spmem:s1] =	stream.indirect.scatter.add.f32 [tilespmem:s7], [sflag:$0x1], $0x80, s14, s9, $0xb8;
	[tilespmem:$0x16800] =	vst v63  }
0xbb: {  	_ =	swait.ge [sflag:s8], $0x2000  }
0xbc: {  	[sflag:s8] =	ssyncset.done $0x0  }
0xbd: {  	[sflag:s8] =	ssyncadd.s32 $0xFFFFE000  }
0xbe: {  	[spmem:s1] =	stream.indirect.scatter.add.f32 [tilespmem:s7], [sflag:$0x1], $0x80, s15, s9, $0xb8;
	[tilespmem:$0x16800] =	vst v63  }
0xbf: {  	_ =	swait.ge [sflag:s8], $0x2000  }
0xc0: {  	[sflag:s8] =	ssyncset.done $0x0  }
0xc1: {  	[sflag:s8] =	ssyncadd.s32 $0xFFFFE000  }
0xc2: {  	[spmem:s1] =	stream.indirect.scatter.add.f32 [tilespmem:s7], [sflag:$0x1], $0x80, s17, s9, $0xb8;
	[tilespmem:$0x16800] =	vst v63  }
0xc3: {  	_ =	swait.ge [sflag:s8], $0x2000  }
0xc4: {  	[sflag:s8] =	ssyncset.done $0x0  }
0xc5: {  	[sflag:s8] =	ssyncadd.s32 $0xFFFFE000  }
0xc6: {  	[spmem:s1] =	stream.indirect.scatter.add.f32 [tilespmem:s7], [sflag:$0x1], $0x80, s18, s9, $0xb8;
	[tilespmem:$0x16800] =	vst v63  }
0xc7: {  	_ =	swait.ge [sflag:s8], $0x2000  }
0xc8: {  	[sflag:s8] =	ssyncset.done $0x0  }
0xc9: {  	[sflag:s8] =	ssyncadd.s32 $0xFFFFE000  }
0xca: {  	[spmem:s1] =	stream.indirect.scatter.add.f32 [tilespmem:s7], [sflag:$0x1], $0x80, s19, s9, $0xb8;
	[tilespmem:$0x16800] =	vst v63  }
0xcb: {  	_ =	swait.ge [sflag:s8], $0x2000  }
0xcc: {  	[sflag:s8] =	ssyncset.done $0x0  }
0xcd: {  	[sflag:s8] =	ssyncadd.s32 $0xFFFFE000  }
0xce: {  	[spmem:s1] =	stream.indirect.scatter.add.f32 [tilespmem:s7], [sflag:$0x1], $0x80, s20, s9, $0xb8;
	[tilespmem:$0x16800] =	vst v63  }
0xcf: {  	_ =	swait.ge [sflag:s8], $0x2000  }
0xd0: {  	[sflag:s8] =	ssyncset.done $0x0  }
0xd1: {  	[sflag:s8] =	ssyncadd.s32 $0xFFFFE000  }
0xd2: {  	[spmem:s1] =	stream.indirect.scatter.add.f32 [tilespmem:s7], [sflag:$0x1], $0x80, s21, s9, $0xb8;
	[tilespmem:$0x16800] =	vst v63  }
0xd3: {  	_ =	swait.ge [sflag:s8], $0x2000  }
0xd4: {  	[sflag:s8] =	ssyncset.done $0x0  }
0xd5: {  	[sflag:s8] =	ssyncadd.s32 $0xFFFFE000  }
0xd6: {  	[spmem:s1] =	stream.indirect.scatter.add.f32 [tilespmem:s7], [sflag:$0x1], $0x80, s22, s9, $0xb8;
	[tilespmem:$0x16800] =	vst v63  }
0xd7: {  	_ =	swait.ge [sflag:s8], $0x2000  }
0xd8: {  	[sflag:s8] =	ssyncset.done $0x0  }
0xd9: {  	[sflag:s8] =	ssyncadd.s32 $0xFFFFE000  }
0xda: {  	[spmem:s1] =	stream.indirect.scatter.add.f32 [tilespmem:s7], [sflag:$0x1], $0x80, s23, s9, $0xb8;
	[tilespmem:$0x16800] =	vst v63  }
0xdb: {  	_ =	swait.ge [sflag:s8], $0x2000  }
0xdc: {  	[sflag:s8] =	ssyncset.done $0x0  }
0xdd: {  	[sflag:s8] =	ssyncadd.s32 $0xFFFFE000  }
0xde: {  	[spmem:s1] =	stream.indirect.scatter.add.f32 [tilespmem:s7], [sflag:$0x1], $0x80, s24, s9, $0xb8;
	[tilespmem:$0x16800] =	vst v63  }
0xdf: {  	_ =	swait.ge [sflag:s8], $0x2000  }
0xe0: {  	[sflag:s8] =	ssyncset.done $0x0  }
0xe1: {  	[sflag:s8] =	ssyncadd.s32 $0xFFFFE000  }
0xe2: {  	[spmem:s1] =	stream.indirect.scatter.add.f32 [tilespmem:s7], [sflag:$0x1], $0x80, s25, s9, $0xb8;
	[tilespmem:$0x16800] =	vst v63  }
0xe3: {  	_ =	swait.ge [sflag:s8], $0x2000  }
.Ltmp0:
0xe4: {  	[sflag:s8] =	ssyncset.done $0x0;
	(pc) =	sbr.rel @p0 .LBB2_2-.Ltmp0, $4  }
0xe5: {  	[sflag:s8] =	ssyncadd.s32 $0xFFFFE000  }
0xe6: {  	[spmem:s1] =	stream.indirect.scatter.add.f32 [tilespmem:s7], [sflag:$0x1], $0x80, s26, s9, $0xb8;
	[tilespmem:$0x16800] =	vst v63  }
0xe7: {  	_ =	swait.ge [sflag:s8], $0x2000  }
0xe8: {  	s31 =	smov.u32 s11;
	[sflag:s8] =	ssyncset.done $0x0  }
0xe9: {  	s0 =	sadd.s32 s30, s28;
	[sflag:s8] =	ssyncadd.s32 $0xFFFFE000  }
0xea: {  	[tilespmem:s2], [sflag:$0x1] =	stream.linear.gather [hbm4b:s0+s2], $0x800, $0x38;
	[tilespmem:$0x16800] =	vst v63  }
0xeb: {  	_ =	swait.ge [sflag:s8], $0x800  }
0xec: {  	[sflag:s8] =	ssyncset.done $0x0  }
0xed: {  	[sflag:s8] =	ssyncadd.s32 $0xFFFFF800  }
0xee: {  	[spmem:s1] =	stream.indirect.scatter.add.f32 [tilespmem:s7], [sflag:$0x1], $0x80, s2, s9, $0xb8;
	[tilespmem:$0x16800] =	vst v63  }
0xef: {  	_ =	swait.ge [sflag:s8], $0x2000  }
0xf0: {  	[sflag:s8] =	ssyncset.done $0x0  }
0xf1: {  	[sflag:s8] =	ssyncadd.s32 $0xFFFFE000  }
0xf2: {  	[spmem:s1] =	stream.indirect.scatter.add.f32 [tilespmem:s7], [sflag:$0x1], $0x80, s10, s9, $0xb8;
	[tilespmem:$0x16800] =	vst v63  }
0xf3: {  	_ =	swait.ge [sflag:s8], $0x2000  }
0xf4: {  	[sflag:s8] =	ssyncset.done $0x0  }
0xf5: {  	[sflag:s8] =	ssyncadd.s32 $0xFFFFE000  }
0xf6: {  	[spmem:s1] =	stream.indirect.scatter.add.f32 [tilespmem:s7], [sflag:$0x1], $0x80, s12, s9, $0xb8;
	[tilespmem:$0x16800] =	vst v63  }
0xf7: {  	_ =	swait.ge [sflag:s8], $0x2000  }
0xf8: {  	[sflag:s8] =	ssyncset.done $0x0  }
0xf9: {  	[sflag:s8] =	ssyncadd.s32 $0xFFFFE000  }
0xfa: {  	[spmem:s1] =	stream.indirect.scatter.add.f32 [tilespmem:s7], [sflag:$0x1], $0x80, s13, s9, $0xb8;
	[tilespmem:$0x16800] =	vst v63  }
0xfb: {  	_ =	swait.ge [sflag:s8], $0x2000  }
0xfc: {  	[sflag:s8] =	ssyncset.done $0x0  }
0xfd: {  	[sflag:s8] =	ssyncadd.s32 $0xFFFFE000  }
0xfe: {  	[spmem:s1] =	stream.indirect.scatter.add.f32 [tilespmem:s7], [sflag:$0x1], $0x80, s14, s9, $0xb8;
	[tilespmem:$0x16800] =	vst v63  }
0xff: {  	_ =	swait.ge [sflag:s8], $0x2000  }
0x100: {  	[sflag:s8] =	ssyncset.done $0x0  }
0x101: {  	[sflag:s8] =	ssyncadd.s32 $0xFFFFE000  }
0x102: {  	[spmem:s1] =	stream.indirect.scatter.add.f32 [tilespmem:s7], [sflag:$0x1], $0x80, s15, s9, $0xb8;
	[tilespmem:$0x16800] =	vst v63  }
0x103: {  	_ =	swait.ge [sflag:s8], $0x2000  }
0x104: {  	[sflag:s8] =	ssyncset.done $0x0  }
0x105: {  	[sflag:s8] =	ssyncadd.s32 $0xFFFFE000  }
0x106: {  	[spmem:s1] =	stream.indirect.scatter.add.f32 [tilespmem:s7], [sflag:$0x1], $0x80, s17, s9, $0xb8;
	[tilespmem:$0x16800] =	vst v63  }
0x107: {  	_ =	swait.ge [sflag:s8], $0x2000  }
0x108: {  	[sflag:s8] =	ssyncset.done $0x0  }
0x109: {  	[sflag:s8] =	ssyncadd.s32 $0xFFFFE000  }
0x10a: {  	[spmem:s1] =	stream.indirect.scatter.add.f32 [tilespmem:s7], [sflag:$0x1], $0x80, s18, s9, $0xb8;
	[tilespmem:$0x16800] =	vst v63  }
0x10b: {  	_ =	swait.ge [sflag:s8], $0x2000  }
0x10c: {  	[sflag:s8] =	ssyncset.done $0x0  }
0x10d: {  	[sflag:s8] =	ssyncadd.s32 $0xFFFFE000  }
0x10e: {  	[spmem:s1] =	stream.indirect.scatter.add.f32 [tilespmem:s7], [sflag:$0x1], $0x80, s19, s9, $0xb8;
	[tilespmem:$0x16800] =	vst v63  }
0x10f: {  	_ =	swait.ge [sflag:s8], $0x2000  }
0x110: {  	[sflag:s8] =	ssyncset.done $0x0  }
0x111: {  	[sflag:s8] =	ssyncadd.s32 $0xFFFFE000  }
0x112: {  	[spmem:s1] =	stream.indirect.scatter.add.f32 [tilespmem:s7], [sflag:$0x1], $0x80, s20, s9, $0xb8;
	[tilespmem:$0x16800] =	vst v63  }
0x113: {  	_ =	swait.ge [sflag:s8], $0x2000  }
0x114: {  	[sflag:s8] =	ssyncset.done $0x0  }
0x115: {  	[sflag:s8] =	ssyncadd.s32 $0xFFFFE000  }
0x116: {  	[spmem:s1] =	stream.indirect.scatter.add.f32 [tilespmem:s7], [sflag:$0x1], $0x80, s21, s9, $0xb8;
	[tilespmem:$0x16800] =	vst v63  }
0x117: {  	_ =	swait.ge [sflag:s8], $0x2000  }
0x118: {  	[sflag:s8] =	ssyncset.done $0x0  }
0x119: {  	[sflag:s8] =	ssyncadd.s32 $0xFFFFE000  }
0x11a: {  	[spmem:s1] =	stream.indirect.scatter.add.f32 [tilespmem:s7], [sflag:$0x1], $0x80, s22, s9, $0xb8;
	[tilespmem:$0x16800] =	vst v63  }
0x11b: {  	_ =	swait.ge [sflag:s8], $0x2000  }
0x11c: {  	[sflag:s8] =	ssyncset.done $0x0  }
0x11d: {  	[sflag:s8] =	ssyncadd.s32 $0xFFFFE000  }
0x11e: {  	[spmem:s1] =	stream.indirect.scatter.add.f32 [tilespmem:s7], [sflag:$0x1], $0x80, s23, s9, $0xb8;
	[tilespmem:$0x16800] =	vst v63  }
0x11f: {  	_ =	swait.ge [sflag:s8], $0x2000  }
0x120: {  	[sflag:s8] =	ssyncset.done $0x0  }
0x121: {  	[sflag:s8] =	ssyncadd.s32 $0xFFFFE000  }
0x122: {  	[spmem:s1] =	stream.indirect.scatter.add.f32 [tilespmem:s7], [sflag:$0x1], $0x80, s24, s9, $0xb8;
	[tilespmem:$0x16800] =	vst v63  }
0x123: {  	_ =	swait.ge [sflag:s8], $0x2000  }
0x124: {  	[sflag:s8] =	ssyncset.done $0x0  }
0x125: {  	[sflag:s8] =	ssyncadd.s32 $0xFFFFE000  }
0x126: {  	[spmem:s1] =	stream.indirect.scatter.add.f32 [tilespmem:s7], [sflag:$0x1], $0x80, s25, s9, $0xb8;
	[tilespmem:$0x16800] =	vst v63  }
0x127: {  	_ =	swait.ge [sflag:s8], $0x2000  }
0x128: {  	[sflag:s8] =	ssyncset.done $0x0  }
0x129: {  	[sflag:s8] =	ssyncadd.s32 $0xFFFFE000  }
0x12a: {  	[spmem:s1] =	stream.indirect.scatter.add.f32 [tilespmem:s7], [sflag:$0x1], $0x80, s26, s9, $0xb8;
	[tilespmem:$0x16800] =	vst v63  }
0x12b: {  	_ =	swait.ge [sflag:s8], $0x2000  }
0x12c: {  	[sflag:s8] =	ssyncset.done $0x0  }
0x12d: {  	[sflag:s8] =	ssyncadd.s32 $0xFFFFE000  }
0x12e: {  	[bflag:$0x0] =	sbarrier.arrive $0xFFFF  }
0x12f: {  	[tilespmem:s7], [sflag:$0x1] =	stream.linear.gather [spmem:s16], $0x2000, $0x38;
	[tilespmem:$0x16800] =	vst v63  }
0x130: {  	_ =	swait.ge [sflag:s8], $0x2000  }
0x131: {  	[sflag:s8] =	ssyncset.done $0x0  }
0x132: {  	s30 =	rddreg [dreg:$0x3];
	[sflag:s8] =	ssyncadd.s32 $0xFFFFE000  }
0x133: {  	[hbm4b:s30+s2] =	stream.linear.scatter [tilespmem:s7], [sflag:$0x1], $0x2000, $0x38;
	[tilespmem:$0x16800] =	vst v63  }
0x134: {  	_ =	swait.ge [sflag:s8], $0x2000  }
0x135: {  	[sflag:s8] =	ssyncset.done $0x0  }
0x136: {  	s31 =	rddreg [dreg:$0x10];
	[sflag:s8] =	ssyncadd.s32 $0xFFFFE000  }
0x137: {  	[tilespmem:s7], [sflag:$0x1] =	stream.linear.gather [spmem:s31], $0x2000, $0x38;
	[tilespmem:$0x16800] =	vst v63  }
0x138: {  	_ =	swait.ge [sflag:s8], $0x2000  }
0x139: {  	[sflag:s8] =	ssyncset.done $0x0  }
0x13a: {  	s11 =	rddreg [dreg:$0x4];
	[sflag:s8] =	ssyncadd.s32 $0xFFFFE000  }
0x13b: {  	[hbm4b:s11+s2] =	stream.linear.scatter [tilespmem:s7], [sflag:$0x1], $0x2000, $0x38;
	[tilespmem:$0x16800] =	vst v63  }
0x13c: {  	_ =	swait.ge [sflag:s8], $0x2000  }
0x13d: {  	[sflag:s8] =	ssyncset.done $0x0  }
0x13e: {  	s30 =	rddreg [dreg:$0x11];
	[sflag:s8] =	ssyncadd.s32 $0xFFFFE000  }
0x13f: {  	[tilespmem:s7], [sflag:$0x1] =	stream.linear.gather [spmem:s30], $0x2000, $0x38;
	[tilespmem:$0x16800] =	vst v63  }
0x140: {  	_ =	swait.ge [sflag:s8], $0x2000  }
0x141: {  	[sflag:s8] =	ssyncset.done $0x0  }
0x142: {  	s31 =	rddreg [dreg:$0x5];
	[sflag:s8] =	ssyncadd.s32 $0xFFFFE000  }
0x143: {  	[hbm4b:s31+s2] =	stream.linear.scatter [tilespmem:s7], [sflag:$0x1], $0x2000, $0x38;
	[tilespmem:$0x16800] =	vst v63  }
0x144: {  	_ =	swait.ge [sflag:s8], $0x2000  }
0x145: {  	[sflag:s8] =	ssyncset.done $0x0  }
0x146: {  	s11 =	rddreg [dreg:$0x12];
	[sflag:s8] =	ssyncadd.s32 $0xFFFFE000  }
0x147: {  	[tilespmem:s7], [sflag:$0x1] =	stream.linear.gather [spmem:s11], $0x2000, $0x38;
	[tilespmem:$0x16800] =	vst v63  }
0x148: {  	_ =	swait.ge [sflag:s8], $0x2000  }
0x149: {  	[sflag:s8] =	ssyncset.done $0x0  }
0x14a: {  	s30 =	rddreg [dreg:$0x6];
	[sflag:s8] =	ssyncadd.s32 $0xFFFFE000  }
0x14b: {  	[hbm4b:s30+s2] =	stream.linear.scatter [tilespmem:s7], [sflag:$0x1], $0x2000, $0x38;
	[tilespmem:$0x16800] =	vst v63  }
0x14c: {  	_ =	swait.ge [sflag:s8], $0x2000  }
0x14d: {  	[sflag:s8] =	ssyncset.done $0x0  }
0x14e: {  	s31 =	rddreg [dreg:$0x13];
	[sflag:s8] =	ssyncadd.s32 $0xFFFFE000  }
0x14f: {  	[tilespmem:s7], [sflag:$0x1] =	stream.linear.gather [spmem:s31], $0x2000, $0x38;
	[tilespmem:$0x16800] =	vst v63  }
0x150: {  	_ =	swait.ge [sflag:s8], $0x2000  }
0x151: {  	[sflag:s8] =	ssyncset.done $0x0  }
0x152: {  	s11 =	rddreg [dreg:$0x7];
	[sflag:s8] =	ssyncadd.s32 $0xFFFFE000  }
0x153: {  	[hbm4b:s11+s2] =	stream.linear.scatter [tilespmem:s7], [sflag:$0x1], $0x2000, $0x38;
	[tilespmem:$0x16800] =	vst v63  }
0x154: {  	_ =	swait.ge [sflag:s8], $0x2000  }
0x155: {  	[sflag:s8] =	ssyncset.done $0x0  }
0x156: {  	s30 =	rddreg [dreg:$0x14];
	[sflag:s8] =	ssyncadd.s32 $0xFFFFE000  }
0x157: {  	[tilespmem:s7], [sflag:$0x1] =	stream.linear.gather [spmem:s30], $0x2000, $0x38;
	[tilespmem:$0x16800] =	vst v63  }
0x158: {  	_ =	swait.ge [sflag:s8], $0x2000  }
0x159: {  	[sflag:s8] =	ssyncset.done $0x0  }
0x15a: {  	s31 =	rddreg [dreg:$0x8];
	[sflag:s8] =	ssyncadd.s32 $0xFFFFE000  }
0x15b: {  	[hbm4b:s31+s2] =	stream.linear.scatter [tilespmem:s7], [sflag:$0x1], $0x2000, $0x38;
	[tilespmem:$0x16800] =	vst v63  }
0x15c: {  	_ =	swait.ge [sflag:s8], $0x2000  }
0x15d: {  	[sflag:s8] =	ssyncset.done $0x0  }
0x15e: {  	s11 =	rddreg [dreg:$0x15];
	[sflag:s8] =	ssyncadd.s32 $0xFFFFE000  }
0x15f: {  	[tilespmem:s7], [sflag:$0x1] =	stream.linear.gather [spmem:s11], $0x2000, $0x38;
	[tilespmem:$0x16800] =	vst v63  }
0x160: {  	_ =	swait.ge [sflag:s8], $0x2000  }
0x161: {  	[sflag:s8] =	ssyncset.done $0x0  }
0x162: {  	s30 =	rddreg [dreg:$0x9];
	[sflag:s8] =	ssyncadd.s32 $0xFFFFE000  }
0x163: {  	[hbm4b:s30+s2] =	stream.linear.scatter [tilespmem:s7], [sflag:$0x1], $0x2000, $0x38;
	[tilespmem:$0x16800] =	vst v63  }
0x164: {  	_ =	swait.ge [sflag:s8], $0x2000  }
0x165: {  	[sflag:s8] =	ssyncset.done $0x0  }
0x166: {  	s31 =	rddreg [dreg:$0x16];
	[sflag:s8] =	ssyncadd.s32 $0xFFFFE000  }
0x167: {  	[tilespmem:s7], [sflag:$0x1] =	stream.linear.gather [spmem:s31], $0x2000, $0x38;
	[tilespmem:$0x16800] =	vst v63  }
0x168: {  	_ =	swait.ge [sflag:s8], $0x2000  }
0x169: {  	[sflag:s8] =	ssyncset.done $0x0  }
0x16a: {  	s11 =	rddreg [dreg:$0xa];
	[sflag:s8] =	ssyncadd.s32 $0xFFFFE000  }
0x16b: {  	[hbm4b:s11+s2] =	stream.linear.scatter [tilespmem:s7], [sflag:$0x1], $0x2000, $0x38;
	[tilespmem:$0x16800] =	vst v63  }
0x16c: {  	_ =	swait.ge [sflag:s8], $0x2000  }
0x16d: {  	[sflag:s8] =	ssyncset.done $0x0  }
0x16e: {  	s30 =	rddreg [dreg:$0x17];
	[sflag:s8] =	ssyncadd.s32 $0xFFFFE000  }
0x16f: {  	[tilespmem:s7], [sflag:$0x1] =	stream.linear.gather [spmem:s30], $0x2000, $0x38;
	[tilespmem:$0x16800] =	vst v63  }
0x170: {  	_ =	swait.ge [sflag:s8], $0x2000  }
0x171: {  	[sflag:s8] =	ssyncset.done $0x0  }
0x172: {  	s31 =	rddreg [dreg:$0xb];
	[sflag:s8] =	ssyncadd.s32 $0xFFFFE000  }
0x173: {  	[hbm4b:s31+s2] =	stream.linear.scatter [tilespmem:s7], [sflag:$0x1], $0x2000, $0x38;
	[tilespmem:$0x16800] =	vst v63  }
0x174: {  	_ =	swait.ge [sflag:s8], $0x2000  }
0x175: {  	[sflag:s8] =	ssyncset.done $0x0  }
0x176: {  	s11 =	rddreg [dreg:$0x18];
	[sflag:s8] =	ssyncadd.s32 $0xFFFFE000  }
0x177: {  	[tilespmem:s7], [sflag:$0x1] =	stream.linear.gather [spmem:s11], $0x2000, $0x38;
	[tilespmem:$0x16800] =	vst v63  }
0x178: {  	_ =	swait.ge [sflag:s8], $0x2000  }
0x179: {  	[sflag:s8] =	ssyncset.done $0x0  }
0x17a: {  	s30 =	rddreg [dreg:$0xc];
	[sflag:s8] =	ssyncadd.s32 $0xFFFFE000  }
0x17b: {  	[hbm4b:s30+s2] =	stream.linear.scatter [tilespmem:s7], [sflag:$0x1], $0x2000, $0x38;
	[tilespmem:$0x16800] =	vst v63  }
0x17c: {  	_ =	swait.ge [sflag:s8], $0x2000  }
0x17d: {  	s29 =	sadd.s32 $0x1, s29;
	s31 =	rddreg [dreg:$0xf]  }
0x17e: {  	p0 =	sne.s32 s29, s31  }
.Ltmp1:
0x17f: {  	_ = 	snop;
	(pc) =	sbr.rel @p0 .LBB2_1-.Ltmp1, $3  }
0x180: {  	_ =	sdelay $0x1  }
0x181: {  	[sflag:s8] =	ssyncset.done $0x0  }
0x182: {  	[sflag:s8] =	ssyncadd.s32 $0xFFFFE000  }
0x183: {  	_ =	sfence.sel $0x180000  }
0x184: {  	[bflag:$0x0] =	sbarrier.arrive $0xFFFF  }
0x185: {  	_ =	strace $0x9000004A  }
0x186: {  	s0 =	stileid.u32;
	[bflag:$0x2] =	sbarrier.arrive $0xFFFF  }
0x187: {  	p0 =	sne.s32 s0, $0x0;
	s0 =	rddreg [dreg:$0x2]  }
0x188: {  	s0 =	sadd.s32 @!p0 $0x100000, s0  }
0x189: {  	[sflag:s0] =	ssyncadd.tile.s32 @!p0 $0x1;
	_ =	shalt  }
.Lfunc_end2:
_tile_overlayer_lowered:
.L_overlay_start_2:
0x18a: {  	(tag) =	ssettag $0x2  }
0x18b: {  	s0 =	rddreg [dreg:$0x0];
	s2 =	stileid.u32  }
0x18c: {  	s1 =	rddreg [dreg:$0x1];
	p0 =	sne.s32 s2, $0x0  }
0x18d: {  	s3 =	rddreg [dreg:$0x2];
	[bflag:$0x3] =	sbarrier.arrive $0xFFFF;
	s2 =	simm.s32 @!p0 $0x1C01  }
0x18e: {  	[timem:s3], [sflag:s2] =	dma.local @!p0 [hbm:s0], s1  }
0x18f: {  	s0 =	simm.s32 @!p0 $0x1  }
0x190: {  	_ =	swait.ge @!p0 [sflag:s0], s1  }
0x191: {  	s1 =	ssub.s32 @!p0 $0x0, s1;
	[sflag:s0] =	ssyncset.done @!p0 $0x0  }
0x192: {  	[sflag:s0] =	ssyncadd.s32 @!p0 s1  }
0x193: {  	[bflag:$0x3] =	sbarrier.arrive $0xFFFF  }
0x194: {  	_ =	shalt  }

</sc_bundles>
